<compile_context>
chip_gen: v7x
topology: tpu7x:2x2x1
jax: 0.10.2.dev20260603
libtpu: 0.0.44.dev20260713+nightly
codegen_flags: <defaults>
</compile_context>

<pallas_src>
import functools

import jax
import jax.numpy as jnp
from jax import lax
from jax.experimental import pallas as pl
from jax.experimental.pallas import tpu as pltpu
from jax.experimental.pallas import tpu_sc as plsc

B = 16384
D = 64
LAM = 1e-05
NC = 2
NS = 16
NW = NC * NS
BPW = B // NW
CHUNK = 128
NCHUNK = BPW // CHUNK

_mesh = plsc.VectorSubcoreMesh(core_axis_name="c", subcore_axis_name="s")


@functools.partial(
    pl.kernel,
    mesh=_mesh,
    compiler_params=pltpu.CompilerParams(
        needs_layout_passes=False, use_tc_tiling_on_sc=False),
    out_type=[
        jax.ShapeDtypeStruct((B,), jnp.float32),
        jax.ShapeDtypeStruct((NW, 16), jnp.float32),
    ],
    scratch_types=[
        pltpu.VMEM((BPW,), jnp.int32),
        pltpu.VMEM((BPW,), jnp.int32),
        pltpu.VMEM((BPW,), jnp.int32),
        pltpu.VMEM((BPW,), jnp.int32),
        pltpu.VMEM((CHUNK, D), jnp.float32),
        pltpu.VMEM((CHUNK, D), jnp.float32),
        pltpu.VMEM((CHUNK, D), jnp.float32),
        pltpu.VMEM((CHUNK, D), jnp.float32),
        pltpu.VMEM((CHUNK, D), jnp.float32),
        pltpu.VMEM((CHUNK, D), jnp.float32),
        pltpu.VMEM((CHUNK, D), jnp.float32),
        pltpu.VMEM((CHUNK, D), jnp.float32),
        pltpu.VMEM((CHUNK, D), jnp.float32),
        pltpu.VMEM((CHUNK, D), jnp.float32),
        pltpu.VMEM((BPW,), jnp.float32),
        pltpu.VMEM((16,), jnp.float32),
        pltpu.SemaphoreType.DMA,
        pltpu.SemaphoreType.DMA,
        pltpu.SemaphoreType.DMA,
    ],
)
def _transh_sc(h_hbm, r_hbm, pt_hbm, nt_hbm, ent_hbm, rel_hbm, nrm_hbm,
               d_hbm, l2_hbm,
               hi_v, ri_v, pi_v, ti_v,
               hrow0, rrow0, nrow0, prow0, trow0,
               hrow1, rrow1, nrow1, prow1, trow1,
               dbuf, l2buf, isem, sem0, sem1):
    wid = lax.axis_index("s") * NC + lax.axis_index("c")
    base = wid * BPW

    icps = [
        pltpu.async_copy(h_hbm.at[pl.ds(base, BPW)], hi_v, isem),
        pltpu.async_copy(r_hbm.at[pl.ds(base, BPW)], ri_v, isem),
        pltpu.async_copy(pt_hbm.at[pl.ds(base, BPW)], pi_v, isem),
        pltpu.async_copy(nt_hbm.at[pl.ds(base, BPW)], ti_v, isem),
    ]
    for cp in icps:
        cp.wait()

    bufs = [(hrow0, rrow0, nrow0, prow0, trow0),
            (hrow1, rrow1, nrow1, prow1, trow1)]
    sems = [sem0, sem1]

    def fire(c):
        sl = pl.ds(c * CHUNK, CHUNK)
        hrow, rrow, nrow, prow, trow = bufs[c % 2]
        sem = sems[c % 2]
        return [
            pltpu.async_copy(ent_hbm.at[hi_v.at[sl]], hrow, sem),
            pltpu.async_copy(rel_hbm.at[ri_v.at[sl]], rrow, sem),
            pltpu.async_copy(nrm_hbm.at[ri_v.at[sl]], nrow, sem),
            pltpu.async_copy(ent_hbm.at[pi_v.at[sl]], prow, sem),
            pltpu.async_copy(ent_hbm.at[ti_v.at[sl]], trow, sem),
        ]

    lanes = jnp.arange(16, dtype=jnp.int32)
    l2acc = jnp.zeros((16,), jnp.float32)
    dvec0 = jnp.zeros((16,), jnp.float32)
    pending = {0: fire(0)}
    for c in range(NCHUNK):
        if c + 1 < NCHUNK:
            pending[c + 1] = fire(c + 1)
        for cp in pending.pop(c):
            cp.wait()
        hrow, rrow, nrow, prow, trow = bufs[c % 2]

        def row_body(i, carry, c=c, hrow=hrow, rrow=rrow, nrow=nrow,
                     prow=prow, trow=trow):
            l2a, dvec = carry
            n0 = nrow[i, pl.ds(0, 16)]
            n1 = nrow[i, pl.ds(16, 16)]
            n2 = nrow[i, pl.ds(32, 16)]
            n3 = nrow[i, pl.ds(48, 16)]
            h0 = hrow[i, pl.ds(0, 16)]
            h1 = hrow[i, pl.ds(16, 16)]
            h2 = hrow[i, pl.ds(32, 16)]
            h3 = hrow[i, pl.ds(48, 16)]
            p0 = prow[i, pl.ds(0, 16)]
            p1 = prow[i, pl.ds(16, 16)]
            p2 = prow[i, pl.ds(32, 16)]
            p3 = prow[i, pl.ds(48, 16)]
            t0 = trow[i, pl.ds(0, 16)]
            t1 = trow[i, pl.ds(16, 16)]
            t2 = trow[i, pl.ds(32, 16)]
            t3 = trow[i, pl.ds(48, 16)]
            r0 = rrow[i, pl.ds(0, 16)]
            r1 = rrow[i, pl.ds(16, 16)]
            r2 = rrow[i, pl.ds(32, 16)]
            r3 = rrow[i, pl.ds(48, 16)]

            nsq = jnp.broadcast_to(
                jnp.sum(n0 * n0 + n1 * n1 + n2 * n2 + n3 * n3), (16,))
            inv = 1.0 / jnp.maximum(nsq, 1e-24)
            hn = jnp.broadcast_to(
                jnp.sum(h0 * n0 + h1 * n1 + h2 * n2 + h3 * n3), (16,))
            pn = jnp.broadcast_to(
                jnp.sum(p0 * n0 + p1 * n1 + p2 * n2 + p3 * n3), (16,))
            tn = jnp.broadcast_to(
                jnp.sum(t0 * n0 + t1 * n1 + t2 * n2 + t3 * n3), (16,))
            ah = hn * inv
            ap = pn * inv
            at = tn * inv

            ht0 = h0 - ah * n0
            ht1 = h1 - ah * n1
            ht2 = h2 - ah * n2
            ht3 = h3 - ah * n3
            pt0 = p0 - ap * n0
            pt1 = p1 - ap * n1
            pt2 = p2 - ap * n2
            pt3 = p3 - ap * n3
            tt0 = t0 - at * n0
            tt1 = t1 - at * n1
            tt2 = t2 - at * n2
            tt3 = t3 - at * n3

            b0 = ht0 + r0
            b1 = ht1 + r1
            b2 = ht2 + r2
            b3 = ht3 + r3
            pd0 = b0 - pt0
            pd1 = b1 - pt1
            pd2 = b2 - pt2
            pd3 = b3 - pt3
            nd0 = b0 - tt0
            nd1 = b1 - tt1
            nd2 = b2 - tt2
            nd3 = b3 - tt3
            pos = jnp.sum(pd0 * pd0 + pd1 * pd1 + pd2 * pd2 + pd3 * pd3)
            neg = jnp.sum(nd0 * nd0 + nd1 * nd1 + nd2 * nd2 + nd3 * nd3)
            dvec = jnp.where(lanes == (i & 15), neg - pos, dvec)

            @pl.when((i & 15) == 15)
            def _():
                dbuf[pl.ds(c * CHUNK + i - 15, 16)] = dvec

            l2a = l2a + (ht0 * ht0 + ht1 * ht1 + ht2 * ht2 + ht3 * ht3)
            l2a = l2a + (r0 * r0 + r1 * r1 + r2 * r2 + r3 * r3)
            l2a = l2a + (pt0 * pt0 + pt1 * pt1 + pt2 * pt2 + pt3 * pt3)
            l2a = l2a + (tt0 * tt0 + tt1 * tt1 + tt2 * tt2 + tt3 * tt3)
            return l2a, dvec

        l2acc, dvec0 = lax.fori_loop(0, CHUNK, row_body, (l2acc, dvec0),
                                     unroll=4)

    l2buf[...] = l2acc
    pltpu.sync_copy(dbuf, d_hbm.at[pl.ds(base, BPW)])
    pltpu.sync_copy(l2buf, l2_hbm.at[wid])


def _finish_body(d_ref, l2_ref, o_ref):
    d = d_ref[...]
    sp = jnp.maximum(-d, 0.0) + jnp.log(1.0 + jnp.exp(-jnp.abs(d)))
    triplet = jnp.sum(sp) / B
    l2 = jnp.sum(l2_ref[...]) / (2.0 * B)
    o_ref[...] = jnp.reshape(triplet + LAM * l2, (1, 1))


def kernel(h, r, pos_t, neg_t, entity_w, relation_w, norm_w):
    h = h.astype(jnp.int32)
    r = r.astype(jnp.int32)
    pos_t = pos_t.astype(jnp.int32)
    neg_t = neg_t.astype(jnp.int32)
    d, l2 = _transh_sc(h, r, pos_t, neg_t, entity_w, relation_w, norm_w)
    out = pl.pallas_call(
        _finish_body,
        out_shape=jax.ShapeDtypeStruct((1, 1), jnp.float32),
    )(d.reshape(128, 128), l2)
    return out[0, 0]

# --- scband reference (transcript-rebuilt; emitter-appended) ---
"""Pipeline reference for scband-trans-h-1434519077174 (READ-ONLY COPY).

The authoritative reference and input builder live on the scoring server;
editing this copy changes nothing except your own understanding.
"""

import jax, jax.numpy as jnp
import numpy as np

N_ENT = 1000000
N_REL = 1000
DIM = 64
LAM = 1e-05


def setup_inputs(seed: int = 0) -> dict:
    key = jax.random.key(seed)
    k1, k2, k3, k4, k5, k6, k7 = jax.random.split(key, 7)
    B = 16384
    h = jax.random.randint(k1, (B,), 0, N_ENT, dtype=jnp.int64) if jax.config.jax_enable_x64 else jax.random.randint(k1, (B,), 0, N_ENT, dtype=jnp.int32)
    r = jax.random.randint(k2, (B,), 0, N_REL, dtype=jnp.int32)
    pos_t = jax.random.randint(k3, (B,), 0, N_ENT, dtype=jnp.int32)
    neg_t = jax.random.randint(k4, (B,), 0, N_ENT, dtype=jnp.int32)
    # xavier_uniform bound = sqrt(6/(fan_in+fan_out))
    bound_e = float(np.sqrt(6.0 / (N_ENT + DIM)))
    bound_r = float(np.sqrt(6.0 / (N_REL + DIM)))
    entity_w = jax.random.uniform(k5, (N_ENT, DIM), jnp.float32, -bound_e, bound_e)
    relation_w = jax.random.uniform(k6, (N_REL, DIM), jnp.float32, -bound_r, bound_r)
    norm_w = jax.random.normal(k7, (N_REL, DIM), jnp.float32)  # nn.Embedding default N(0,1)
    return {"h": h, "r": r, "pos_t": pos_t, "neg_t": neg_t,
            "entity_w": entity_w, "relation_w": relation_w, "norm_w": norm_w}


def _l2_loss_mean(x):
    return jnp.mean(jnp.sum(x * x, axis=1) / 2.0)


def _transfer(e, norm):
    nrm = jnp.maximum(jnp.linalg.norm(norm, axis=-1, keepdims=True), 1e-12)
    norm = norm / nrm
    return e - jnp.sum(e * norm, axis=-1, keepdims=True) * norm


def reference(h, r, pos_t, neg_t, entity_w, relation_w, norm_w):
    r_embed = jnp.take(relation_w, r, axis=0)
    head_embed = jnp.take(entity_w, h, axis=0)
    tail_pos_embed = jnp.take(entity_w, pos_t, axis=0)
    tail_neg_embed = jnp.take(entity_w, neg_t, axis=0)
    r_norm = jnp.take(norm_w, r, axis=0)
    head_t = _transfer(head_embed, r_norm)
    tail_pos_t = _transfer(tail_pos_embed, r_norm)
    tail_neg_t = _transfer(tail_neg_embed, r_norm)
    pos_score = jnp.sum((head_t + r_embed - tail_pos_t) ** 2, axis=1)
    neg_score = jnp.sum((head_t + r_embed - tail_neg_t) ** 2, axis=1)
    triplet_loss = jnp.mean(-1.0 * jax.nn.log_sigmoid(neg_score - pos_score))
    l2_loss = (_l2_loss_mean(head_t) + _l2_loss_mean(r_embed)
               + _l2_loss_mean(tail_pos_t) + _l2_loss_mean(tail_neg_t))
    return triplet_loss + LAM * l2_loss

if __name__ == "__main__":
    import jax
    _d = setup_inputs()
    print(jax.jit(kernel)(*tuple(_d.values())))

</pallas_src>

<mosaic_0001>
#map = affine_map<(d0, d1) -> (0)>
#map1 = affine_map<(d0, d1) -> (0, 0)>
module attributes {stable_mosaic.version = 14 : i64} {
  func.func @_transh_sc(%arg0: i32, %arg1: i32, %arg2: memref<16384xi32, #tpu.memory_space<hbm>>, %arg3: memref<16384xi32, #tpu.memory_space<hbm>>, %arg4: memref<16384xi32, #tpu.memory_space<hbm>>, %arg5: memref<16384xi32, #tpu.memory_space<hbm>>, %arg6: memref<1000000x64xf32, #tpu.memory_space<hbm>>, %arg7: memref<1000x64xf32, #tpu.memory_space<hbm>>, %arg8: memref<1000x64xf32, #tpu.memory_space<hbm>>, %arg9: memref<16384xf32, #tpu.memory_space<hbm>>, %arg10: memref<32x16xf32, #tpu.memory_space<hbm>>, %arg11: memref<512xi32, #tpu.memory_space<vmem>>, %arg12: memref<512xi32, #tpu.memory_space<vmem>>, %arg13: memref<512xi32, #tpu.memory_space<vmem>>, %arg14: memref<512xi32, #tpu.memory_space<vmem>>, %arg15: memref<128x64xf32, #tpu.memory_space<vmem>>, %arg16: memref<128x64xf32, #tpu.memory_space<vmem>>, %arg17: memref<128x64xf32, #tpu.memory_space<vmem>>, %arg18: memref<128x64xf32, #tpu.memory_space<vmem>>, %arg19: memref<128x64xf32, #tpu.memory_space<vmem>>, %arg20: memref<128x64xf32, #tpu.memory_space<vmem>>, %arg21: memref<128x64xf32, #tpu.memory_space<vmem>>, %arg22: memref<128x64xf32, #tpu.memory_space<vmem>>, %arg23: memref<128x64xf32, #tpu.memory_space<vmem>>, %arg24: memref<128x64xf32, #tpu.memory_space<vmem>>, %arg25: memref<512xf32, #tpu.memory_space<vmem>>, %arg26: memref<16xf32, #tpu.memory_space<vmem>>, %arg27: memref<!tpu.dma_semaphore, #tpu.memory_space<semaphore_mem>>, %arg28: memref<!tpu.dma_semaphore, #tpu.memory_space<semaphore_mem>>, %arg29: memref<!tpu.dma_semaphore, #tpu.memory_space<semaphore_mem>>) attributes {dimension_semantics = [#tpu.dimension_semantics<core_parallel>, #tpu.dimension_semantics<subcore_parallel>], iteration_bounds = array<i64: 2, 16>, scalar_prefetch = 0 : i64, scratch_operands = 19 : i64, tpu.core_type = #tpu.core_type<sc_vector_subcore>, window_params = [{transform_indices = #map}, {transform_indices = #map}, {transform_indices = #map}, {transform_indices = #map}, {transform_indices = #map1}, {transform_indices = #map1}, {transform_indices = #map1}, {transform_indices = #map}, {transform_indices = #map1}]} {
    %mul3A = arith.constant 2 : i32
    %mul3A_0 = arith.muli %arg1, %mul3A : i32
    %add3A = arith.addi %mul3A_0, %arg0 : i32
    %mul3A_1 = arith.constant 512 : i32
    %mul3A_2 = arith.muli %add3A, %mul3A_1 : i32
    %dma_start3A = tpu.memref_slice %arg2[%mul3A_2] : memref<16384xi32, #tpu.memory_space<hbm>> -> memref<512xi32, #tpu.memory_space<hbm>>
    %dma_start3A_3 = tpu.memref_slice %arg2[%mul3A_2] : memref<16384xi32, #tpu.memory_space<hbm>> -> memref<512xi32, #tpu.memory_space<hbm>>
    tpu.enqueue_dma source(%dma_start3A_3 : memref<512xi32, #tpu.memory_space<hbm>>) target(%arg11 : memref<512xi32, #tpu.memory_space<vmem>>) target_semaphore(%arg27 : memref<!tpu.dma_semaphore, #tpu.memory_space<semaphore_mem>>)
    %dma_start3A_4 = tpu.memref_slice %arg3[%mul3A_2] : memref<16384xi32, #tpu.memory_space<hbm>> -> memref<512xi32, #tpu.memory_space<hbm>>
    %dma_start3A_5 = tpu.memref_slice %arg3[%mul3A_2] : memref<16384xi32, #tpu.memory_space<hbm>> -> memref<512xi32, #tpu.memory_space<hbm>>
    tpu.enqueue_dma source(%dma_start3A_5 : memref<512xi32, #tpu.memory_space<hbm>>) target(%arg12 : memref<512xi32, #tpu.memory_space<vmem>>) target_semaphore(%arg27 : memref<!tpu.dma_semaphore, #tpu.memory_space<semaphore_mem>>)
    %dma_start3A_6 = tpu.memref_slice %arg4[%mul3A_2] : memref<16384xi32, #tpu.memory_space<hbm>> -> memref<512xi32, #tpu.memory_space<hbm>>
    %dma_start3A_7 = tpu.memref_slice %arg4[%mul3A_2] : memref<16384xi32, #tpu.memory_space<hbm>> -> memref<512xi32, #tpu.memory_space<hbm>>
    tpu.enqueue_dma source(%dma_start3A_7 : memref<512xi32, #tpu.memory_space<hbm>>) target(%arg13 : memref<512xi32, #tpu.memory_space<vmem>>) target_semaphore(%arg27 : memref<!tpu.dma_semaphore, #tpu.memory_space<semaphore_mem>>)
    %dma_start3A_8 = tpu.memref_slice %arg5[%mul3A_2] : memref<16384xi32, #tpu.memory_space<hbm>> -> memref<512xi32, #tpu.memory_space<hbm>>
    %dma_start3A_9 = tpu.memref_slice %arg5[%mul3A_2] : memref<16384xi32, #tpu.memory_space<hbm>> -> memref<512xi32, #tpu.memory_space<hbm>>
    tpu.enqueue_dma source(%dma_start3A_9 : memref<512xi32, #tpu.memory_space<hbm>>) target(%arg14 : memref<512xi32, #tpu.memory_space<vmem>>) target_semaphore(%arg27 : memref<!tpu.dma_semaphore, #tpu.memory_space<semaphore_mem>>)
    %dma_wait3A = tpu.memref_slice %arg2[%mul3A_2] : memref<16384xi32, #tpu.memory_space<hbm>> -> memref<512xi32, #tpu.memory_space<hbm>>
    %dma_wait3A_10 = tpu.memref_slice %arg2[%mul3A_2] : memref<16384xi32, #tpu.memory_space<hbm>> -> memref<512xi32, #tpu.memory_space<hbm>>
    tpu.wait_dma2 semaphore(%arg27 : memref<!tpu.dma_semaphore, #tpu.memory_space<semaphore_mem>>) src(%dma_wait3A_10 : memref<512xi32, #tpu.memory_space<hbm>>) dst(%arg11 : memref<512xi32, #tpu.memory_space<vmem>>)
    %dma_wait3A_11 = tpu.memref_slice %arg3[%mul3A_2] : memref<16384xi32, #tpu.memory_space<hbm>> -> memref<512xi32, #tpu.memory_space<hbm>>
    %dma_wait3A_12 = tpu.memref_slice %arg3[%mul3A_2] : memref<16384xi32, #tpu.memory_space<hbm>> -> memref<512xi32, #tpu.memory_space<hbm>>
    tpu.wait_dma2 semaphore(%arg27 : memref<!tpu.dma_semaphore, #tpu.memory_space<semaphore_mem>>) src(%dma_wait3A_12 : memref<512xi32, #tpu.memory_space<hbm>>) dst(%arg12 : memref<512xi32, #tpu.memory_space<vmem>>)
    %dma_wait3A_13 = tpu.memref_slice %arg4[%mul3A_2] : memref<16384xi32, #tpu.memory_space<hbm>> -> memref<512xi32, #tpu.memory_space<hbm>>
    %dma_wait3A_14 = tpu.memref_slice %arg4[%mul3A_2] : memref<16384xi32, #tpu.memory_space<hbm>> -> memref<512xi32, #tpu.memory_space<hbm>>
    tpu.wait_dma2 semaphore(%arg27 : memref<!tpu.dma_semaphore, #tpu.memory_space<semaphore_mem>>) src(%dma_wait3A_14 : memref<512xi32, #tpu.memory_space<hbm>>) dst(%arg13 : memref<512xi32, #tpu.memory_space<vmem>>)
    %dma_wait3A_15 = tpu.memref_slice %arg5[%mul3A_2] : memref<16384xi32, #tpu.memory_space<hbm>> -> memref<512xi32, #tpu.memory_space<hbm>>
    %dma_wait3A_16 = tpu.memref_slice %arg5[%mul3A_2] : memref<16384xi32, #tpu.memory_space<hbm>> -> memref<512xi32, #tpu.memory_space<hbm>>
    tpu.wait_dma2 semaphore(%arg27 : memref<!tpu.dma_semaphore, #tpu.memory_space<semaphore_mem>>) src(%dma_wait3A_16 : memref<512xi32, #tpu.memory_space<hbm>>) dst(%arg14 : memref<512xi32, #tpu.memory_space<vmem>>)
    %iota3A = tpu.iota {dimensions = array<i32: 0>} : vector<16xi32>
    %broadcast_in_dim3A = arith.constant 0.000000e+00 : f32
    %broadcast_in_dim3A_17 = vector.broadcast %broadcast_in_dim3A : f32 to vector<16xf32>
    %broadcast_in_dim3A_18 = arith.constant 0.000000e+00 : f32
    %broadcast_in_dim3A_19 = vector.broadcast %broadcast_in_dim3A_18 : f32 to vector<16xf32>
    %dma_start3A_20 = arith.constant 0 : i32
    %dma_start3A_21 = tpu.memref_slice %arg11[%dma_start3A_20] : memref<512xi32, #tpu.memory_space<vmem>> -> memref<128xi32, #tpu.memory_space<vmem>>
    %dma_start3A_22 = arith.constant 0 : i32
    %dma_start3A_23 = arith.constant 0 : i32
    %dma_start3A_24 = tpu.memref_slice %arg6[%dma_start3A_22, %dma_start3A_23] : memref<1000000x64xf32, #tpu.memory_space<hbm>> -> memref<1000000x64xf32, #tpu.memory_space<hbm>>
    tpu.enqueue_indirect_dma source(%dma_start3A_24 : memref<1000000x64xf32, #tpu.memory_space<hbm>>) target(%arg15 : memref<128x64xf32, #tpu.memory_space<vmem>>) offsets(%dma_start3A_21 : memref<128xi32, #tpu.memory_space<vmem>>) semaphore(%arg28 : memref<!tpu.dma_semaphore, #tpu.memory_space<semaphore_mem>>)
    %dma_start3A_25 = arith.constant 0 : i32
    %dma_start3A_26 = tpu.memref_slice %arg12[%dma_start3A_25] : memref<512xi32, #tpu.memory_space<vmem>> -> memref<128xi32, #tpu.memory_space<vmem>>
    %dma_start3A_27 = arith.constant 0 : i32
    %dma_start3A_28 = arith.constant 0 : i32
    %dma_start3A_29 = tpu.memref_slice %arg7[%dma_start3A_27, %dma_start3A_28] : memref<1000x64xf32, #tpu.memory_space<hbm>> -> memref<1000x64xf32, #tpu.memory_space<hbm>>
    tpu.enqueue_indirect_dma source(%dma_start3A_29 : memref<1000x64xf32, #tpu.memory_space<hbm>>) target(%arg16 : memref<128x64xf32, #tpu.memory_space<vmem>>) offsets(%dma_start3A_26 : memref<128xi32, #tpu.memory_space<vmem>>) semaphore(%arg28 : memref<!tpu.dma_semaphore, #tpu.memory_space<semaphore_mem>>)
    %dma_start3A_30 = arith.constant 0 : i32
    %dma_start3A_31 = tpu.memref_slice %arg12[%dma_start3A_30] : memref<512xi32, #tpu.memory_space<vmem>> -> memref<128xi32, #tpu.memory_space<vmem>>
    %dma_start3A_32 = arith.constant 0 : i32
    %dma_start3A_33 = arith.constant 0 : i32
    %dma_start3A_34 = tpu.memref_slice %arg8[%dma_start3A_32, %dma_start3A_33] : memref<1000x64xf32, #tpu.memory_space<hbm>> -> memref<1000x64xf32, #tpu.memory_space<hbm>>
    tpu.enqueue_indirect_dma source(%dma_start3A_34 : memref<1000x64xf32, #tpu.memory_space<hbm>>) target(%arg17 : memref<128x64xf32, #tpu.memory_space<vmem>>) offsets(%dma_start3A_31 : memref<128xi32, #tpu.memory_space<vmem>>) semaphore(%arg28 : memref<!tpu.dma_semaphore, #tpu.memory_space<semaphore_mem>>)
    %dma_start3A_35 = arith.constant 0 : i32
    %dma_start3A_36 = tpu.memref_slice %arg13[%dma_start3A_35] : memref<512xi32, #tpu.memory_space<vmem>> -> memref<128xi32, #tpu.memory_space<vmem>>
    %dma_start3A_37 = arith.constant 0 : i32
    %dma_start3A_38 = arith.constant 0 : i32
    %dma_start3A_39 = tpu.memref_slice %arg6[%dma_start3A_37, %dma_start3A_38] : memref<1000000x64xf32, #tpu.memory_space<hbm>> -> memref<1000000x64xf32, #tpu.memory_space<hbm>>
    tpu.enqueue_indirect_dma source(%dma_start3A_39 : memref<1000000x64xf32, #tpu.memory_space<hbm>>) target(%arg18 : memref<128x64xf32, #tpu.memory_space<vmem>>) offsets(%dma_start3A_36 : memref<128xi32, #tpu.memory_space<vmem>>) semaphore(%arg28 : memref<!tpu.dma_semaphore, #tpu.memory_space<semaphore_mem>>)
    %dma_start3A_40 = arith.constant 0 : i32
    %dma_start3A_41 = tpu.memref_slice %arg14[%dma_start3A_40] : memref<512xi32, #tpu.memory_space<vmem>> -> memref<128xi32, #tpu.memory_space<vmem>>
    %dma_start3A_42 = arith.constant 0 : i32
    %dma_start3A_43 = arith.constant 0 : i32
    %dma_start3A_44 = tpu.memref_slice %arg6[%dma_start3A_42, %dma_start3A_43] : memref<1000000x64xf32, #tpu.memory_space<hbm>> -> memref<1000000x64xf32, #tpu.memory_space<hbm>>
    tpu.enqueue_indirect_dma source(%dma_start3A_44 : memref<1000000x64xf32, #tpu.memory_space<hbm>>) target(%arg19 : memref<128x64xf32, #tpu.memory_space<vmem>>) offsets(%dma_start3A_41 : memref<128xi32, #tpu.memory_space<vmem>>) semaphore(%arg28 : memref<!tpu.dma_semaphore, #tpu.memory_space<semaphore_mem>>)
    %dma_start3A_45 = arith.constant 128 : i32
    %dma_start3A_46 = tpu.memref_slice %arg11[%dma_start3A_45] : memref<512xi32, #tpu.memory_space<vmem>> -> memref<128xi32, #tpu.memory_space<vmem>>
    %dma_start3A_47 = arith.constant 0 : i32
    %dma_start3A_48 = arith.constant 0 : i32
    %dma_start3A_49 = tpu.memref_slice %arg6[%dma_start3A_47, %dma_start3A_48] : memref<1000000x64xf32, #tpu.memory_space<hbm>> -> memref<1000000x64xf32, #tpu.memory_space<hbm>>
    tpu.enqueue_indirect_dma source(%dma_start3A_49 : memref<1000000x64xf32, #tpu.memory_space<hbm>>) target(%arg20 : memref<128x64xf32, #tpu.memory_space<vmem>>) offsets(%dma_start3A_46 : memref<128xi32, #tpu.memory_space<vmem>>) semaphore(%arg29 : memref<!tpu.dma_semaphore, #tpu.memory_space<semaphore_mem>>)
    %dma_start3A_50 = arith.constant 128 : i32
    %dma_start3A_51 = tpu.memref_slice %arg12[%dma_start3A_50] : memref<512xi32, #tpu.memory_space<vmem>> -> memref<128xi32, #tpu.memory_space<vmem>>
    %dma_start3A_52 = arith.constant 0 : i32
    %dma_start3A_53 = arith.constant 0 : i32
    %dma_start3A_54 = tpu.memref_slice %arg7[%dma_start3A_52, %dma_start3A_53] : memref<1000x64xf32, #tpu.memory_space<hbm>> -> memref<1000x64xf32, #tpu.memory_space<hbm>>
    tpu.enqueue_indirect_dma source(%dma_start3A_54 : memref<1000x64xf32, #tpu.memory_space<hbm>>) target(%arg21 : memref<128x64xf32, #tpu.memory_space<vmem>>) offsets(%dma_start3A_51 : memref<128xi32, #tpu.memory_space<vmem>>) semaphore(%arg29 : memref<!tpu.dma_semaphore, #tpu.memory_space<semaphore_mem>>)
    %dma_start3A_55 = arith.constant 128 : i32
    %dma_start3A_56 = tpu.memref_slice %arg12[%dma_start3A_55] : memref<512xi32, #tpu.memory_space<vmem>> -> memref<128xi32, #tpu.memory_space<vmem>>
    %dma_start3A_57 = arith.constant 0 : i32
    %dma_start3A_58 = arith.constant 0 : i32
    %dma_start3A_59 = tpu.memref_slice %arg8[%dma_start3A_57, %dma_start3A_58] : memref<1000x64xf32, #tpu.memory_space<hbm>> -> memref<1000x64xf32, #tpu.memory_space<hbm>>
    tpu.enqueue_indirect_dma source(%dma_start3A_59 : memref<1000x64xf32, #tpu.memory_space<hbm>>) target(%arg22 : memref<128x64xf32, #tpu.memory_space<vmem>>) offsets(%dma_start3A_56 : memref<128xi32, #tpu.memory_space<vmem>>) semaphore(%arg29 : memref<!tpu.dma_semaphore, #tpu.memory_space<semaphore_mem>>)
    %dma_start3A_60 = arith.constant 128 : i32
    %dma_start3A_61 = tpu.memref_slice %arg13[%dma_start3A_60] : memref<512xi32, #tpu.memory_space<vmem>> -> memref<128xi32, #tpu.memory_space<vmem>>
    %dma_start3A_62 = arith.constant 0 : i32
    %dma_start3A_63 = arith.constant 0 : i32
    %dma_start3A_64 = tpu.memref_slice %arg6[%dma_start3A_62, %dma_start3A_63] : memref<1000000x64xf32, #tpu.memory_space<hbm>> -> memref<1000000x64xf32, #tpu.memory_space<hbm>>
    tpu.enqueue_indirect_dma source(%dma_start3A_64 : memref<1000000x64xf32, #tpu.memory_space<hbm>>) target(%arg23 : memref<128x64xf32, #tpu.memory_space<vmem>>) offsets(%dma_start3A_61 : memref<128xi32, #tpu.memory_space<vmem>>) semaphore(%arg29 : memref<!tpu.dma_semaphore, #tpu.memory_space<semaphore_mem>>)
    %dma_start3A_65 = arith.constant 128 : i32
    %dma_start3A_66 = tpu.memref_slice %arg14[%dma_start3A_65] : memref<512xi32, #tpu.memory_space<vmem>> -> memref<128xi32, #tpu.memory_space<vmem>>
    %dma_start3A_67 = arith.constant 0 : i32
    %dma_start3A_68 = arith.constant 0 : i32
    %dma_start3A_69 = tpu.memref_slice %arg6[%dma_start3A_67, %dma_start3A_68] : memref<1000000x64xf32, #tpu.memory_space<hbm>> -> memref<1000000x64xf32, #tpu.memory_space<hbm>>
    tpu.enqueue_indirect_dma source(%dma_start3A_69 : memref<1000000x64xf32, #tpu.memory_space<hbm>>) target(%arg24 : memref<128x64xf32, #tpu.memory_space<vmem>>) offsets(%dma_start3A_66 : memref<128xi32, #tpu.memory_space<vmem>>) semaphore(%arg29 : memref<!tpu.dma_semaphore, #tpu.memory_space<semaphore_mem>>)
    %dma_wait3A_70 = arith.constant 0 : i32
    %dma_wait3A_71 = tpu.memref_slice %arg11[%dma_wait3A_70] : memref<512xi32, #tpu.memory_space<vmem>> -> memref<128xi32, #tpu.memory_space<vmem>>
    %dma_wait3A_72 = arith.constant 0 : i32
    %dma_wait3A_73 = arith.constant 0 : i32
    %dma_wait3A_74 = tpu.memref_slice %arg6[%dma_wait3A_72, %dma_wait3A_73] : memref<1000000x64xf32, #tpu.memory_space<hbm>> -> memref<1000000x64xf32, #tpu.memory_space<hbm>>
    tpu.wait_indirect_dma semaphore(%arg28 : memref<!tpu.dma_semaphore, #tpu.memory_space<semaphore_mem>>) src(%dma_wait3A_74 : memref<1000000x64xf32, #tpu.memory_space<hbm>>) dst(%arg15 : memref<128x64xf32, #tpu.memory_space<vmem>>)
    %dma_wait3A_75 = arith.constant 0 : i32
    %dma_wait3A_76 = tpu.memref_slice %arg12[%dma_wait3A_75] : memref<512xi32, #tpu.memory_space<vmem>> -> memref<128xi32, #tpu.memory_space<vmem>>
    %dma_wait3A_77 = arith.constant 0 : i32
    %dma_wait3A_78 = arith.constant 0 : i32
    %dma_wait3A_79 = tpu.memref_slice %arg7[%dma_wait3A_77, %dma_wait3A_78] : memref<1000x64xf32, #tpu.memory_space<hbm>> -> memref<1000x64xf32, #tpu.memory_space<hbm>>
    tpu.wait_indirect_dma semaphore(%arg28 : memref<!tpu.dma_semaphore, #tpu.memory_space<semaphore_mem>>) src(%dma_wait3A_79 : memref<1000x64xf32, #tpu.memory_space<hbm>>) dst(%arg16 : memref<128x64xf32, #tpu.memory_space<vmem>>)
    %dma_wait3A_80 = arith.constant 0 : i32
    %dma_wait3A_81 = tpu.memref_slice %arg12[%dma_wait3A_80] : memref<512xi32, #tpu.memory_space<vmem>> -> memref<128xi32, #tpu.memory_space<vmem>>
    %dma_wait3A_82 = arith.constant 0 : i32
    %dma_wait3A_83 = arith.constant 0 : i32
    %dma_wait3A_84 = tpu.memref_slice %arg8[%dma_wait3A_82, %dma_wait3A_83] : memref<1000x64xf32, #tpu.memory_space<hbm>> -> memref<1000x64xf32, #tpu.memory_space<hbm>>
    tpu.wait_indirect_dma semaphore(%arg28 : memref<!tpu.dma_semaphore, #tpu.memory_space<semaphore_mem>>) src(%dma_wait3A_84 : memref<1000x64xf32, #tpu.memory_space<hbm>>) dst(%arg17 : memref<128x64xf32, #tpu.memory_space<vmem>>)
    %dma_wait3A_85 = arith.constant 0 : i32
    %dma_wait3A_86 = tpu.memref_slice %arg13[%dma_wait3A_85] : memref<512xi32, #tpu.memory_space<vmem>> -> memref<128xi32, #tpu.memory_space<vmem>>
    %dma_wait3A_87 = arith.constant 0 : i32
    %dma_wait3A_88 = arith.constant 0 : i32
    %dma_wait3A_89 = tpu.memref_slice %arg6[%dma_wait3A_87, %dma_wait3A_88] : memref<1000000x64xf32, #tpu.memory_space<hbm>> -> memref<1000000x64xf32, #tpu.memory_space<hbm>>
    tpu.wait_indirect_dma semaphore(%arg28 : memref<!tpu.dma_semaphore, #tpu.memory_space<semaphore_mem>>) src(%dma_wait3A_89 : memref<1000000x64xf32, #tpu.memory_space<hbm>>) dst(%arg18 : memref<128x64xf32, #tpu.memory_space<vmem>>)
    %dma_wait3A_90 = arith.constant 0 : i32
    %dma_wait3A_91 = tpu.memref_slice %arg14[%dma_wait3A_90] : memref<512xi32, #tpu.memory_space<vmem>> -> memref<128xi32, #tpu.memory_space<vmem>>
    %dma_wait3A_92 = arith.constant 0 : i32
    %dma_wait3A_93 = arith.constant 0 : i32
    %dma_wait3A_94 = tpu.memref_slice %arg6[%dma_wait3A_92, %dma_wait3A_93] : memref<1000000x64xf32, #tpu.memory_space<hbm>> -> memref<1000000x64xf32, #tpu.memory_space<hbm>>
    tpu.wait_indirect_dma semaphore(%arg28 : memref<!tpu.dma_semaphore, #tpu.memory_space<semaphore_mem>>) src(%dma_wait3A_94 : memref<1000000x64xf32, #tpu.memory_space<hbm>>) dst(%arg19 : memref<128x64xf32, #tpu.memory_space<vmem>>)
    %scan3A = arith.constant 0 : i32
    %scan3A_95 = arith.constant 128 : i32
    %scan3A_96 = arith.addi %scan3A, %scan3A_95 : i32
    %scan3A_97 = arith.constant 4 : i32
    %scan3A_98:2 = scf.for %scan3A_244 = %scan3A to %scan3A_96 step %scan3A_97 iter_args(%scan3A_245 = %broadcast_in_dim3A_17, %scan3A_246 = %broadcast_in_dim3A_19) -> (vector<16xf32>, vector<16xf32>)  : i32 {
      %get3A = arith.index_cast %scan3A_244 : i32 to index
      %get3A_247 = arith.constant 0 : index
      %get3A_248 = tpu.vector_load %arg17[%get3A, %get3A_247] {strides = array<i32>} : memref<128x64xf32, #tpu.memory_space<vmem>>, vector<16xf32>,
      %get3A_249 = arith.index_cast %scan3A_244 : i32 to index
      %get3A_250 = arith.constant 16 : index
      %get3A_251 = tpu.vector_load %arg17[%get3A_249, %get3A_250] {strides = array<i32>} : memref<128x64xf32, #tpu.memory_space<vmem>>, vector<16xf32>,
      %get3A_252 = arith.index_cast %scan3A_244 : i32 to index
      %get3A_253 = arith.constant 32 : index
      %get3A_254 = tpu.vector_load %arg17[%get3A_252, %get3A_253] {strides = array<i32>} : memref<128x64xf32, #tpu.memory_space<vmem>>, vector<16xf32>,
      %get3A_255 = arith.index_cast %scan3A_244 : i32 to index
      %get3A_256 = arith.constant 48 : index
      %get3A_257 = tpu.vector_load %arg17[%get3A_255, %get3A_256] {strides = array<i32>} : memref<128x64xf32, #tpu.memory_space<vmem>>, vector<16xf32>,
      %get3A_258 = arith.index_cast %scan3A_244 : i32 to index
      %get3A_259 = arith.constant 0 : index
      %get3A_260 = tpu.vector_load %arg15[%get3A_258, %get3A_259] {strides = array<i32>} : memref<128x64xf32, #tpu.memory_space<vmem>>, vector<16xf32>,
      %get3A_261 = arith.index_cast %scan3A_244 : i32 to index
      %get3A_262 = arith.constant 16 : index
      %get3A_263 = tpu.vector_load %arg15[%get3A_261, %get3A_262] {strides = array<i32>} : memref<128x64xf32, #tpu.memory_space<vmem>>, vector<16xf32>,
      %get3A_264 = arith.index_cast %scan3A_244 : i32 to index
      %get3A_265 = arith.constant 32 : index
      %get3A_266 = tpu.vector_load %arg15[%get3A_264, %get3A_265] {strides = array<i32>} : memref<128x64xf32, #tpu.memory_space<vmem>>, vector<16xf32>,
      %get3A_267 = arith.index_cast %scan3A_244 : i32 to index
      %get3A_268 = arith.constant 48 : index
      %get3A_269 = tpu.vector_load %arg15[%get3A_267, %get3A_268] {strides = array<i32>} : memref<128x64xf32, #tpu.memory_space<vmem>>, vector<16xf32>,
      %get3A_270 = arith.index_cast %scan3A_244 : i32 to index
      %get3A_271 = arith.constant 0 : index
      %get3A_272 = tpu.vector_load %arg18[%get3A_270, %get3A_271] {strides = array<i32>} : memref<128x64xf32, #tpu.memory_space<vmem>>, vector<16xf32>,
      %get3A_273 = arith.index_cast %scan3A_244 : i32 to index
      %get3A_274 = arith.constant 16 : index
      %get3A_275 = tpu.vector_load %arg18[%get3A_273, %get3A_274] {strides = array<i32>} : memref<128x64xf32, #tpu.memory_space<vmem>>, vector<16xf32>,
      %get3A_276 = arith.index_cast %scan3A_244 : i32 to index
      %get3A_277 = arith.constant 32 : index
      %get3A_278 = tpu.vector_load %arg18[%get3A_276, %get3A_277] {strides = array<i32>} : memref<128x64xf32, #tpu.memory_space<vmem>>, vector<16xf32>,
      %get3A_279 = arith.index_cast %scan3A_244 : i32 to index
      %get3A_280 = arith.constant 48 : index
      %get3A_281 = tpu.vector_load %arg18[%get3A_279, %get3A_280] {strides = array<i32>} : memref<128x64xf32, #tpu.memory_space<vmem>>, vector<16xf32>,
      %get3A_282 = arith.index_cast %scan3A_244 : i32 to index
      %get3A_283 = arith.constant 0 : index
      %get3A_284 = tpu.vector_load %arg19[%get3A_282, %get3A_283] {strides = array<i32>} : memref<128x64xf32, #tpu.memory_space<vmem>>, vector<16xf32>,
      %get3A_285 = arith.index_cast %scan3A_244 : i32 to index
      %get3A_286 = arith.constant 16 : index
      %get3A_287 = tpu.vector_load %arg19[%get3A_285, %get3A_286] {strides = array<i32>} : memref<128x64xf32, #tpu.memory_space<vmem>>, vector<16xf32>,
      %get3A_288 = arith.index_cast %scan3A_244 : i32 to index
      %get3A_289 = arith.constant 32 : index
      %get3A_290 = tpu.vector_load %arg19[%get3A_288, %get3A_289] {strides = array<i32>} : memref<128x64xf32, #tpu.memory_space<vmem>>, vector<16xf32>,
      %get3A_291 = arith.index_cast %scan3A_244 : i32 to index
      %get3A_292 = arith.constant 48 : index
      %get3A_293 = tpu.vector_load %arg19[%get3A_291, %get3A_292] {strides = array<i32>} : memref<128x64xf32, #tpu.memory_space<vmem>>, vector<16xf32>,
      %get3A_294 = arith.index_cast %scan3A_244 : i32 to index
      %get3A_295 = arith.constant 0 : index
      %get3A_296 = tpu.vector_load %arg16[%get3A_294, %get3A_295] {strides = array<i32>} : memref<128x64xf32, #tpu.memory_space<vmem>>, vector<16xf32>,
      %get3A_297 = arith.index_cast %scan3A_244 : i32 to index
      %get3A_298 = arith.constant 16 : index
      %get3A_299 = tpu.vector_load %arg16[%get3A_297, %get3A_298] {strides = array<i32>} : memref<128x64xf32, #tpu.memory_space<vmem>>, vector<16xf32>,
      %get3A_300 = arith.index_cast %scan3A_244 : i32 to index
      %get3A_301 = arith.constant 32 : index
      %get3A_302 = tpu.vector_load %arg16[%get3A_300, %get3A_301] {strides = array<i32>} : memref<128x64xf32, #tpu.memory_space<vmem>>, vector<16xf32>,
      %get3A_303 = arith.index_cast %scan3A_244 : i32 to index
      %get3A_304 = arith.constant 48 : index
      %get3A_305 = tpu.vector_load %arg16[%get3A_303, %get3A_304] {strides = array<i32>} : memref<128x64xf32, #tpu.memory_space<vmem>>, vector<16xf32>,
      %mul3A_306 = arith.mulf %get3A_248, %get3A_248 : vector<16xf32>
      %mul3A_307 = arith.mulf %get3A_251, %get3A_251 : vector<16xf32>
      %add3A_308 = arith.addf %mul3A_306, %mul3A_307 : vector<16xf32>
      %mul3A_309 = arith.mulf %get3A_254, %get3A_254 : vector<16xf32>
      %add3A_310 = arith.addf %add3A_308, %mul3A_309 : vector<16xf32>
      %mul3A_311 = arith.mulf %get3A_257, %get3A_257 : vector<16xf32>
      %add3A_312 = arith.addf %add3A_310, %mul3A_311 : vector<16xf32>
      %reduce_sum3A = arith.constant true
      %reduce_sum3A_313 = vector.broadcast %reduce_sum3A : i1 to vector<16xi1>
      %reduce_sum3A_314 = tpu.scan <sum>, %add3A_312 masked %reduce_sum3A_313 : vector<16xf32>, vector<16xi1> -> vector<16xf32>
      %reduce_sum3A_315 = vector.extract %reduce_sum3A_314[15] : f32 from vector<16xf32>
      %broadcast_in_dim3A_316 = vector.broadcast %reduce_sum3A_315 : f32 to vector<16xf32>
      %max3A = arith.constant 1.000000e-24 : f32
      %max3A_317 = vector.broadcast %max3A : f32 to vector<16xf32>
      %max3A_318 = arith.maximumf %broadcast_in_dim3A_316, %max3A_317 : vector<16xf32>
      %div3A = arith.constant 1.000000e+00 : f32
      %div3A_319 = vector.broadcast %div3A : f32 to vector<16xf32>
      %div3A_320 = arith.divf %div3A_319, %max3A_318 : vector<16xf32>
      %mul3A_321 = arith.mulf %get3A_260, %get3A_248 : vector<16xf32>
      %mul3A_322 = arith.mulf %get3A_263, %get3A_251 : vector<16xf32>
      %add3A_323 = arith.addf %mul3A_321, %mul3A_322 : vector<16xf32>
      %mul3A_324 = arith.mulf %get3A_266, %get3A_254 : vector<16xf32>
      %add3A_325 = arith.addf %add3A_323, %mul3A_324 : vector<16xf32>
      %mul3A_326 = arith.mulf %get3A_269, %get3A_257 : vector<16xf32>
      %add3A_327 = arith.addf %add3A_325, %mul3A_326 : vector<16xf32>
      %reduce_sum3A_328 = arith.constant true
      %reduce_sum3A_329 = vector.broadcast %reduce_sum3A_328 : i1 to vector<16xi1>
      %reduce_sum3A_330 = tpu.scan <sum>, %add3A_327 masked %reduce_sum3A_329 : vector<16xf32>, vector<16xi1> -> vector<16xf32>
      %reduce_sum3A_331 = vector.extract %reduce_sum3A_330[15] : f32 from vector<16xf32>
      %broadcast_in_dim3A_332 = vector.broadcast %reduce_sum3A_331 : f32 to vector<16xf32>
      %mul3A_333 = arith.mulf %get3A_272, %get3A_248 : vector<16xf32>
      %mul3A_334 = arith.mulf %get3A_275, %get3A_251 : vector<16xf32>
      %add3A_335 = arith.addf %mul3A_333, %mul3A_334 : vector<16xf32>
      %mul3A_336 = arith.mulf %get3A_278, %get3A_254 : vector<16xf32>
      %add3A_337 = arith.addf %add3A_335, %mul3A_336 : vector<16xf32>
      %mul3A_338 = arith.mulf %get3A_281, %get3A_257 : vector<16xf32>
      %add3A_339 = arith.addf %add3A_337, %mul3A_338 : vector<16xf32>
      %reduce_sum3A_340 = arith.constant true
      %reduce_sum3A_341 = vector.broadcast %reduce_sum3A_340 : i1 to vector<16xi1>
      %reduce_sum3A_342 = tpu.scan <sum>, %add3A_339 masked %reduce_sum3A_341 : vector<16xf32>, vector<16xi1> -> vector<16xf32>
      %reduce_sum3A_343 = vector.extract %reduce_sum3A_342[15] : f32 from vector<16xf32>
      %broadcast_in_dim3A_344 = vector.broadcast %reduce_sum3A_343 : f32 to vector<16xf32>
      %mul3A_345 = arith.mulf %get3A_284, %get3A_248 : vector<16xf32>
      %mul3A_346 = arith.mulf %get3A_287, %get3A_251 : vector<16xf32>
      %add3A_347 = arith.addf %mul3A_345, %mul3A_346 : vector<16xf32>
      %mul3A_348 = arith.mulf %get3A_290, %get3A_254 : vector<16xf32>
      %add3A_349 = arith.addf %add3A_347, %mul3A_348 : vector<16xf32>
      %mul3A_350 = arith.mulf %get3A_293, %get3A_257 : vector<16xf32>
      %add3A_351 = arith.addf %add3A_349, %mul3A_350 : vector<16xf32>
      %reduce_sum3A_352 = arith.constant true
      %reduce_sum3A_353 = vector.broadcast %reduce_sum3A_352 : i1 to vector<16xi1>
      %reduce_sum3A_354 = tpu.scan <sum>, %add3A_351 masked %reduce_sum3A_353 : vector<16xf32>, vector<16xi1> -> vector<16xf32>
      %reduce_sum3A_355 = vector.extract %reduce_sum3A_354[15] : f32 from vector<16xf32>
      %broadcast_in_dim3A_356 = vector.broadcast %reduce_sum3A_355 : f32 to vector<16xf32>
      %mul3A_357 = arith.mulf %broadcast_in_dim3A_332, %div3A_320 : vector<16xf32>
      %mul3A_358 = arith.mulf %broadcast_in_dim3A_344, %div3A_320 : vector<16xf32>
      %mul3A_359 = arith.mulf %broadcast_in_dim3A_356, %div3A_320 : vector<16xf32>
      %mul3A_360 = arith.mulf %mul3A_357, %get3A_248 : vector<16xf32>
      %sub3A = arith.subf %get3A_260, %mul3A_360 : vector<16xf32>
      %mul3A_361 = arith.mulf %mul3A_357, %get3A_251 : vector<16xf32>
      %sub3A_362 = arith.subf %get3A_263, %mul3A_361 : vector<16xf32>
      %mul3A_363 = arith.mulf %mul3A_357, %get3A_254 : vector<16xf32>
      %sub3A_364 = arith.subf %get3A_266, %mul3A_363 : vector<16xf32>
      %mul3A_365 = arith.mulf %mul3A_357, %get3A_257 : vector<16xf32>
      %sub3A_366 = arith.subf %get3A_269, %mul3A_365 : vector<16xf32>
      %mul3A_367 = arith.mulf %mul3A_358, %get3A_248 : vector<16xf32>
      %sub3A_368 = arith.subf %get3A_272, %mul3A_367 : vector<16xf32>
      %mul3A_369 = arith.mulf %mul3A_358, %get3A_251 : vector<16xf32>
      %sub3A_370 = arith.subf %get3A_275, %mul3A_369 : vector<16xf32>
      %mul3A_371 = arith.mulf %mul3A_358, %get3A_254 : vector<16xf32>
      %sub3A_372 = arith.subf %get3A_278, %mul3A_371 : vector<16xf32>
      %mul3A_373 = arith.mulf %mul3A_358, %get3A_257 : vector<16xf32>
      %sub3A_374 = arith.subf %get3A_281, %mul3A_373 : vector<16xf32>
      %mul3A_375 = arith.mulf %mul3A_359, %get3A_248 : vector<16xf32>
      %sub3A_376 = arith.subf %get3A_284, %mul3A_375 : vector<16xf32>
      %mul3A_377 = arith.mulf %mul3A_359, %get3A_251 : vector<16xf32>
      %sub3A_378 = arith.subf %get3A_287, %mul3A_377 : vector<16xf32>
      %mul3A_379 = arith.mulf %mul3A_359, %get3A_254 : vector<16xf32>
      %sub3A_380 = arith.subf %get3A_290, %mul3A_379 : vector<16xf32>
      %mul3A_381 = arith.mulf %mul3A_359, %get3A_257 : vector<16xf32>
      %sub3A_382 = arith.subf %get3A_293, %mul3A_381 : vector<16xf32>
      %add3A_383 = arith.addf %sub3A, %get3A_296 : vector<16xf32>
      %add3A_384 = arith.addf %sub3A_362, %get3A_299 : vector<16xf32>
      %add3A_385 = arith.addf %sub3A_364, %get3A_302 : vector<16xf32>
      %add3A_386 = arith.addf %sub3A_366, %get3A_305 : vector<16xf32>
      %sub3A_387 = arith.subf %add3A_383, %sub3A_368 : vector<16xf32>
      %sub3A_388 = arith.subf %add3A_384, %sub3A_370 : vector<16xf32>
      %sub3A_389 = arith.subf %add3A_385, %sub3A_372 : vector<16xf32>
      %sub3A_390 = arith.subf %add3A_386, %sub3A_374 : vector<16xf32>
      %sub3A_391 = arith.subf %add3A_383, %sub3A_376 : vector<16xf32>
      %sub3A_392 = arith.subf %add3A_384, %sub3A_378 : vector<16xf32>
      %sub3A_393 = arith.subf %add3A_385, %sub3A_380 : vector<16xf32>
      %sub3A_394 = arith.subf %add3A_386, %sub3A_382 : vector<16xf32>
      %mul3A_395 = arith.mulf %sub3A_387, %sub3A_387 : vector<16xf32>
      %mul3A_396 = arith.mulf %sub3A_388, %sub3A_388 : vector<16xf32>
      %add3A_397 = arith.addf %mul3A_395, %mul3A_396 : vector<16xf32>
      %mul3A_398 = arith.mulf %sub3A_389, %sub3A_389 : vector<16xf32>
      %add3A_399 = arith.addf %add3A_397, %mul3A_398 : vector<16xf32>
      %mul3A_400 = arith.mulf %sub3A_390, %sub3A_390 : vector<16xf32>
      %add3A_401 = arith.addf %add3A_399, %mul3A_400 : vector<16xf32>
      %reduce_sum3A_402 = arith.constant true
      %reduce_sum3A_403 = vector.broadcast %reduce_sum3A_402 : i1 to vector<16xi1>
      %reduce_sum3A_404 = tpu.scan <sum>, %add3A_401 masked %reduce_sum3A_403 : vector<16xf32>, vector<16xi1> -> vector<16xf32>
      %reduce_sum3A_405 = vector.extract %reduce_sum3A_404[15] : f32 from vector<16xf32>
      %mul3A_406 = arith.mulf %sub3A_391, %sub3A_391 : vector<16xf32>
      %mul3A_407 = arith.mulf %sub3A_392, %sub3A_392 : vector<16xf32>
      %add3A_408 = arith.addf %mul3A_406, %mul3A_407 : vector<16xf32>
      %mul3A_409 = arith.mulf %sub3A_393, %sub3A_393 : vector<16xf32>
      %add3A_410 = arith.addf %add3A_408, %mul3A_409 : vector<16xf32>
      %mul3A_411 = arith.mulf %sub3A_394, %sub3A_394 : vector<16xf32>
      %add3A_412 = arith.addf %add3A_410, %mul3A_411 : vector<16xf32>
      %reduce_sum3A_413 = arith.constant true
      %reduce_sum3A_414 = vector.broadcast %reduce_sum3A_413 : i1 to vector<16xi1>
      %reduce_sum3A_415 = tpu.scan <sum>, %add3A_412 masked %reduce_sum3A_414 : vector<16xf32>, vector<16xi1> -> vector<16xf32>
      %reduce_sum3A_416 = vector.extract %reduce_sum3A_415[15] : f32 from vector<16xf32>
      %and3A = arith.constant 15 : i32
      %and3A_417 = arith.andi %scan3A_244, %and3A : i32
      %eq3A = vector.broadcast %and3A_417 : i32 to vector<16xi32>
      %eq3A_418 = arith.cmpi eq, %iota3A, %eq3A : vector<16xi32>
      %sub3A_419 = arith.subf %reduce_sum3A_416, %reduce_sum3A_405 : f32
      %broadcast_in_dim3A_420 = vector.broadcast %sub3A_419 : f32 to vector<16xf32>
      %select_n3A = arith.select %eq3A_418, %broadcast_in_dim3A_420, %scan3A_246 : vector<16xi1>, vector<16xf32>
      %and3A_421 = arith.constant 15 : i32
      %and3A_422 = arith.andi %scan3A_244, %and3A_421 : i32
      %eq3A_423 = arith.constant 15 : i32
      %eq3A_424 = arith.cmpi eq, %and3A_422, %eq3A_423 : i32
      %convert_element_type3A = arith.extui %eq3A_424 : i1 to i32
      %cond3A = arith.constant 0 : i32
      %cond3A_425 = arith.cmpi ne, %convert_element_type3A, %cond3A : i32
      scf.if %cond3A_425 {
        %add3A_1127 = arith.constant 0 : i32
        %add3A_1128 = arith.addi %add3A_1127, %scan3A_244 : i32
        %sub3A_1129 = arith.constant 15 : i32
        %sub3A_1130 = arith.subi %add3A_1128, %sub3A_1129 : i32
        %swap3A_1131 = arith.index_cast %sub3A_1130 : i32 to index
        %swap3A_1132 = tpu.vector_load %arg25[%swap3A_1131] {strides = array<i32>} : memref<512xf32, #tpu.memory_space<vmem>>, vector<16xf32>,
        tpu.vector_store %arg25[%swap3A_1131], %select_n3A {strides = array<i32>} : memref<512xf32, #tpu.memory_space<vmem>>, vector<16xf32>,
      } else {
      }
      %mul3A_426 = arith.mulf %sub3A, %sub3A : vector<16xf32>
      %mul3A_427 = arith.mulf %sub3A_362, %sub3A_362 : vector<16xf32>
      %add3A_428 = arith.addf %mul3A_426, %mul3A_427 : vector<16xf32>
      %mul3A_429 = arith.mulf %sub3A_364, %sub3A_364 : vector<16xf32>
      %add3A_430 = arith.addf %add3A_428, %mul3A_429 : vector<16xf32>
      %mul3A_431 = arith.mulf %sub3A_366, %sub3A_366 : vector<16xf32>
      %add3A_432 = arith.addf %add3A_430, %mul3A_431 : vector<16xf32>
      %add3A_433 = arith.addf %scan3A_245, %add3A_432 : vector<16xf32>
      %mul3A_434 = arith.mulf %get3A_296, %get3A_296 : vector<16xf32>
      %mul3A_435 = arith.mulf %get3A_299, %get3A_299 : vector<16xf32>
      %add3A_436 = arith.addf %mul3A_434, %mul3A_435 : vector<16xf32>
      %mul3A_437 = arith.mulf %get3A_302, %get3A_302 : vector<16xf32>
      %add3A_438 = arith.addf %add3A_436, %mul3A_437 : vector<16xf32>
      %mul3A_439 = arith.mulf %get3A_305, %get3A_305 : vector<16xf32>
      %add3A_440 = arith.addf %add3A_438, %mul3A_439 : vector<16xf32>
      %add3A_441 = arith.addf %add3A_433, %add3A_440 : vector<16xf32>
      %mul3A_442 = arith.mulf %sub3A_368, %sub3A_368 : vector<16xf32>
      %mul3A_443 = arith.mulf %sub3A_370, %sub3A_370 : vector<16xf32>
      %add3A_444 = arith.addf %mul3A_442, %mul3A_443 : vector<16xf32>
      %mul3A_445 = arith.mulf %sub3A_372, %sub3A_372 : vector<16xf32>
      %add3A_446 = arith.addf %add3A_444, %mul3A_445 : vector<16xf32>
      %mul3A_447 = arith.mulf %sub3A_374, %sub3A_374 : vector<16xf32>
      %add3A_448 = arith.addf %add3A_446, %mul3A_447 : vector<16xf32>
      %add3A_449 = arith.addf %add3A_441, %add3A_448 : vector<16xf32>
      %mul3A_450 = arith.mulf %sub3A_376, %sub3A_376 : vector<16xf32>
      %mul3A_451 = arith.mulf %sub3A_378, %sub3A_378 : vector<16xf32>
      %add3A_452 = arith.addf %mul3A_450, %mul3A_451 : vector<16xf32>
      %mul3A_453 = arith.mulf %sub3A_380, %sub3A_380 : vector<16xf32>
      %add3A_454 = arith.addf %add3A_452, %mul3A_453 : vector<16xf32>
      %mul3A_455 = arith.mulf %sub3A_382, %sub3A_382 : vector<16xf32>
      %add3A_456 = arith.addf %add3A_454, %mul3A_455 : vector<16xf32>
      %add3A_457 = arith.addf %add3A_449, %add3A_456 : vector<16xf32>
      %scan3A_458 = arith.constant 1 : i32
      %scan3A_459 = arith.addi %scan3A_244, %scan3A_458 : i32
      %get3A_460 = arith.index_cast %scan3A_459 : i32 to index
      %get3A_461 = arith.constant 0 : index
      %get3A_462 = tpu.vector_load %arg17[%get3A_460, %get3A_461] {strides = array<i32>} : memref<128x64xf32, #tpu.memory_space<vmem>>, vector<16xf32>,
      %get3A_463 = arith.index_cast %scan3A_459 : i32 to index
      %get3A_464 = arith.constant 16 : index
      %get3A_465 = tpu.vector_load %arg17[%get3A_463, %get3A_464] {strides = array<i32>} : memref<128x64xf32, #tpu.memory_space<vmem>>, vector<16xf32>,
      %get3A_466 = arith.index_cast %scan3A_459 : i32 to index
      %get3A_467 = arith.constant 32 : index
      %get3A_468 = tpu.vector_load %arg17[%get3A_466, %get3A_467] {strides = array<i32>} : memref<128x64xf32, #tpu.memory_space<vmem>>, vector<16xf32>,
      %get3A_469 = arith.index_cast %scan3A_459 : i32 to index
      %get3A_470 = arith.constant 48 : index
      %get3A_471 = tpu.vector_load %arg17[%get3A_469, %get3A_470] {strides = array<i32>} : memref<128x64xf32, #tpu.memory_space<vmem>>, vector<16xf32>,
      %get3A_472 = arith.index_cast %scan3A_459 : i32 to index
      %get3A_473 = arith.constant 0 : index
      %get3A_474 = tpu.vector_load %arg15[%get3A_472, %get3A_473] {strides = array<i32>} : memref<128x64xf32, #tpu.memory_space<vmem>>, vector<16xf32>,
      %get3A_475 = arith.index_cast %scan3A_459 : i32 to index
      %get3A_476 = arith.constant 16 : index
      %get3A_477 = tpu.vector_load %arg15[%get3A_475, %get3A_476] {strides = array<i32>} : memref<128x64xf32, #tpu.memory_space<vmem>>, vector<16xf32>,
      %get3A_478 = arith.index_cast %scan3A_459 : i32 to index
      %get3A_479 = arith.constant 32 : index
      %get3A_480 = tpu.vector_load %arg15[%get3A_478, %get3A_479] {strides = array<i32>} : memref<128x64xf32, #tpu.memory_space<vmem>>, vector<16xf32>,
      %get3A_481 = arith.index_cast %scan3A_459 : i32 to index
      %get3A_482 = arith.constant 48 : index
      %get3A_483 = tpu.vector_load %arg15[%get3A_481, %get3A_482] {strides = array<i32>} : memref<128x64xf32, #tpu.memory_space<vmem>>, vector<16xf32>,
      %get3A_484 = arith.index_cast %scan3A_459 : i32 to index
      %get3A_485 = arith.constant 0 : index
      %get3A_486 = tpu.vector_load %arg18[%get3A_484, %get3A_485] {strides = array<i32>} : memref<128x64xf32, #tpu.memory_space<vmem>>, vector<16xf32>,
      %get3A_487 = arith.index_cast %scan3A_459 : i32 to index
      %get3A_488 = arith.constant 16 : index
      %get3A_489 = tpu.vector_load %arg18[%get3A_487, %get3A_488] {strides = array<i32>} : memref<128x64xf32, #tpu.memory_space<vmem>>, vector<16xf32>,
      %get3A_490 = arith.index_cast %scan3A_459 : i32 to index
      %get3A_491 = arith.constant 32 : index
      %get3A_492 = tpu.vector_load %arg18[%get3A_490, %get3A_491] {strides = array<i32>} : memref<128x64xf32, #tpu.memory_space<vmem>>, vector<16xf32>,
      %get3A_493 = arith.index_cast %scan3A_459 : i32 to index
      %get3A_494 = arith.constant 48 : index
      %get3A_495 = tpu.vector_load %arg18[%get3A_493, %get3A_494] {strides = array<i32>} : memref<128x64xf32, #tpu.memory_space<vmem>>, vector<16xf32>,
      %get3A_496 = arith.index_cast %scan3A_459 : i32 to index
      %get3A_497 = arith.constant 0 : index
      %get3A_498 = tpu.vector_load %arg19[%get3A_496, %get3A_497] {strides = array<i32>} : memref<128x64xf32, #tpu.memory_space<vmem>>, vector<16xf32>,
      %get3A_499 = arith.index_cast %scan3A_459 : i32 to index
      %get3A_500 = arith.constant 16 : index
      %get3A_501 = tpu.vector_load %arg19[%get3A_499, %get3A_500] {strides = array<i32>} : memref<128x64xf32, #tpu.memory_space<vmem>>, vector<16xf32>,
      %get3A_502 = arith.index_cast %scan3A_459 : i32 to index
      %get3A_503 = arith.constant 32 : index
      %get3A_504 = tpu.vector_load %arg19[%get3A_502, %get3A_503] {strides = array<i32>} : memref<128x64xf32, #tpu.memory_space<vmem>>, vector<16xf32>,
      %get3A_505 = arith.index_cast %scan3A_459 : i32 to index
      %get3A_506 = arith.constant 48 : index
      %get3A_507 = tpu.vector_load %arg19[%get3A_505, %get3A_506] {strides = array<i32>} : memref<128x64xf32, #tpu.memory_space<vmem>>, vector<16xf32>,
      %get3A_508 = arith.index_cast %scan3A_459 : i32 to index
      %get3A_509 = arith.constant 0 : index
      %get3A_510 = tpu.vector_load %arg16[%get3A_508, %get3A_509] {strides = array<i32>} : memref<128x64xf32, #tpu.memory_space<vmem>>, vector<16xf32>,
      %get3A_511 = arith.index_cast %scan3A_459 : i32 to index
      %get3A_512 = arith.constant 16 : index
      %get3A_513 = tpu.vector_load %arg16[%get3A_511, %get3A_512] {strides = array<i32>} : memref<128x64xf32, #tpu.memory_space<vmem>>, vector<16xf32>,
      %get3A_514 = arith.index_cast %scan3A_459 : i32 to index
      %get3A_515 = arith.constant 32 : index
      %get3A_516 = tpu.vector_load %arg16[%get3A_514, %get3A_515] {strides = array<i32>} : memref<128x64xf32, #tpu.memory_space<vmem>>, vector<16xf32>,
      %get3A_517 = arith.index_cast %scan3A_459 : i32 to index
      %get3A_518 = arith.constant 48 : index
      %get3A_519 = tpu.vector_load %arg16[%get3A_517, %get3A_518] {strides = array<i32>} : memref<128x64xf32, #tpu.memory_space<vmem>>, vector<16xf32>,
      %mul3A_520 = arith.mulf %get3A_462, %get3A_462 : vector<16xf32>
      %mul3A_521 = arith.mulf %get3A_465, %get3A_465 : vector<16xf32>
      %add3A_522 = arith.addf %mul3A_520, %mul3A_521 : vector<16xf32>
      %mul3A_523 = arith.mulf %get3A_468, %get3A_468 : vector<16xf32>
      %add3A_524 = arith.addf %add3A_522, %mul3A_523 : vector<16xf32>
      %mul3A_525 = arith.mulf %get3A_471, %get3A_471 : vector<16xf32>
      %add3A_526 = arith.addf %add3A_524, %mul3A_525 : vector<16xf32>
      %reduce_sum3A_527 = arith.constant true
      %reduce_sum3A_528 = vector.broadcast %reduce_sum3A_527 : i1 to vector<16xi1>
      %reduce_sum3A_529 = tpu.scan <sum>, %add3A_526 masked %reduce_sum3A_528 : vector<16xf32>, vector<16xi1> -> vector<16xf32>
      %reduce_sum3A_530 = vector.extract %reduce_sum3A_529[15] : f32 from vector<16xf32>
      %broadcast_in_dim3A_531 = vector.broadcast %reduce_sum3A_530 : f32 to vector<16xf32>
      %max3A_532 = arith.constant 1.000000e-24 : f32
      %max3A_533 = vector.broadcast %max3A_532 : f32 to vector<16xf32>
      %max3A_534 = arith.maximumf %broadcast_in_dim3A_531, %max3A_533 : vector<16xf32>
      %div3A_535 = arith.constant 1.000000e+00 : f32
      %div3A_536 = vector.broadcast %div3A_535 : f32 to vector<16xf32>
      %div3A_537 = arith.divf %div3A_536, %max3A_534 : vector<16xf32>
      %mul3A_538 = arith.mulf %get3A_474, %get3A_462 : vector<16xf32>
      %mul3A_539 = arith.mulf %get3A_477, %get3A_465 : vector<16xf32>
      %add3A_540 = arith.addf %mul3A_538, %mul3A_539 : vector<16xf32>
      %mul3A_541 = arith.mulf %get3A_480, %get3A_468 : vector<16xf32>
      %add3A_542 = arith.addf %add3A_540, %mul3A_541 : vector<16xf32>
      %mul3A_543 = arith.mulf %get3A_483, %get3A_471 : vector<16xf32>
      %add3A_544 = arith.addf %add3A_542, %mul3A_543 : vector<16xf32>
      %reduce_sum3A_545 = arith.constant true
      %reduce_sum3A_546 = vector.broadcast %reduce_sum3A_545 : i1 to vector<16xi1>
      %reduce_sum3A_547 = tpu.scan <sum>, %add3A_544 masked %reduce_sum3A_546 : vector<16xf32>, vector<16xi1> -> vector<16xf32>
      %reduce_sum3A_548 = vector.extract %reduce_sum3A_547[15] : f32 from vector<16xf32>
      %broadcast_in_dim3A_549 = vector.broadcast %reduce_sum3A_548 : f32 to vector<16xf32>
      %mul3A_550 = arith.mulf %get3A_486, %get3A_462 : vector<16xf32>
      %mul3A_551 = arith.mulf %get3A_489, %get3A_465 : vector<16xf32>
      %add3A_552 = arith.addf %mul3A_550, %mul3A_551 : vector<16xf32>
      %mul3A_553 = arith.mulf %get3A_492, %get3A_468 : vector<16xf32>
      %add3A_554 = arith.addf %add3A_552, %mul3A_553 : vector<16xf32>
      %mul3A_555 = arith.mulf %get3A_495, %get3A_471 : vector<16xf32>
      %add3A_556 = arith.addf %add3A_554, %mul3A_555 : vector<16xf32>
      %reduce_sum3A_557 = arith.constant true
      %reduce_sum3A_558 = vector.broadcast %reduce_sum3A_557 : i1 to vector<16xi1>
      %reduce_sum3A_559 = tpu.scan <sum>, %add3A_556 masked %reduce_sum3A_558 : vector<16xf32>, vector<16xi1> -> vector<16xf32>
      %reduce_sum3A_560 = vector.extract %reduce_sum3A_559[15] : f32 from vector<16xf32>
      %broadcast_in_dim3A_561 = vector.broadcast %reduce_sum3A_560 : f32 to vector<16xf32>
      %mul3A_562 = arith.mulf %get3A_498, %get3A_462 : vector<16xf32>
      %mul3A_563 = arith.mulf %get3A_501, %get3A_465 : vector<16xf32>
      %add3A_564 = arith.addf %mul3A_562, %mul3A_563 : vector<16xf32>
      %mul3A_565 = arith.mulf %get3A_504, %get3A_468 : vector<16xf32>
      %add3A_566 = arith.addf %add3A_564, %mul3A_565 : vector<16xf32>
      %mul3A_567 = arith.mulf %get3A_507, %get3A_471 : vector<16xf32>
      %add3A_568 = arith.addf %add3A_566, %mul3A_567 : vector<16xf32>
      %reduce_sum3A_569 = arith.constant true
      %reduce_sum3A_570 = vector.broadcast %reduce_sum3A_569 : i1 to vector<16xi1>
      %reduce_sum3A_571 = tpu.scan <sum>, %add3A_568 masked %reduce_sum3A_570 : vector<16xf32>, vector<16xi1> -> vector<16xf32>
      %reduce_sum3A_572 = vector.extract %reduce_sum3A_571[15] : f32 from vector<16xf32>
      %broadcast_in_dim3A_573 = vector.broadcast %reduce_sum3A_572 : f32 to vector<16xf32>
      %mul3A_574 = arith.mulf %broadcast_in_dim3A_549, %div3A_537 : vector<16xf32>
      %mul3A_575 = arith.mulf %broadcast_in_dim3A_561, %div3A_537 : vector<16xf32>
      %mul3A_576 = arith.mulf %broadcast_in_dim3A_573, %div3A_537 : vector<16xf32>
      %mul3A_577 = arith.mulf %mul3A_574, %get3A_462 : vector<16xf32>
      %sub3A_578 = arith.subf %get3A_474, %mul3A_577 : vector<16xf32>
      %mul3A_579 = arith.mulf %mul3A_574, %get3A_465 : vector<16xf32>
      %sub3A_580 = arith.subf %get3A_477, %mul3A_579 : vector<16xf32>
      %mul3A_581 = arith.mulf %mul3A_574, %get3A_468 : vector<16xf32>
      %sub3A_582 = arith.subf %get3A_480, %mul3A_581 : vector<16xf32>
      %mul3A_583 = arith.mulf %mul3A_574, %get3A_471 : vector<16xf32>
      %sub3A_584 = arith.subf %get3A_483, %mul3A_583 : vector<16xf32>
      %mul3A_585 = arith.mulf %mul3A_575, %get3A_462 : vector<16xf32>
      %sub3A_586 = arith.subf %get3A_486, %mul3A_585 : vector<16xf32>
      %mul3A_587 = arith.mulf %mul3A_575, %get3A_465 : vector<16xf32>
      %sub3A_588 = arith.subf %get3A_489, %mul3A_587 : vector<16xf32>
      %mul3A_589 = arith.mulf %mul3A_575, %get3A_468 : vector<16xf32>
      %sub3A_590 = arith.subf %get3A_492, %mul3A_589 : vector<16xf32>
      %mul3A_591 = arith.mulf %mul3A_575, %get3A_471 : vector<16xf32>
      %sub3A_592 = arith.subf %get3A_495, %mul3A_591 : vector<16xf32>
      %mul3A_593 = arith.mulf %mul3A_576, %get3A_462 : vector<16xf32>
      %sub3A_594 = arith.subf %get3A_498, %mul3A_593 : vector<16xf32>
      %mul3A_595 = arith.mulf %mul3A_576, %get3A_465 : vector<16xf32>
      %sub3A_596 = arith.subf %get3A_501, %mul3A_595 : vector<16xf32>
      %mul3A_597 = arith.mulf %mul3A_576, %get3A_468 : vector<16xf32>
      %sub3A_598 = arith.subf %get3A_504, %mul3A_597 : vector<16xf32>
      %mul3A_599 = arith.mulf %mul3A_576, %get3A_471 : vector<16xf32>
      %sub3A_600 = arith.subf %get3A_507, %mul3A_599 : vector<16xf32>
      %add3A_601 = arith.addf %sub3A_578, %get3A_510 : vector<16xf32>
      %add3A_602 = arith.addf %sub3A_580, %get3A_513 : vector<16xf32>
      %add3A_603 = arith.addf %sub3A_582, %get3A_516 : vector<16xf32>
      %add3A_604 = arith.addf %sub3A_584, %get3A_519 : vector<16xf32>
      %sub3A_605 = arith.subf %add3A_601, %sub3A_586 : vector<16xf32>
      %sub3A_606 = arith.subf %add3A_602, %sub3A_588 : vector<16xf32>
      %sub3A_607 = arith.subf %add3A_603, %sub3A_590 : vector<16xf32>
      %sub3A_608 = arith.subf %add3A_604, %sub3A_592 : vector<16xf32>
      %sub3A_609 = arith.subf %add3A_601, %sub3A_594 : vector<16xf32>
      %sub3A_610 = arith.subf %add3A_602, %sub3A_596 : vector<16xf32>
      %sub3A_611 = arith.subf %add3A_603, %sub3A_598 : vector<16xf32>
      %sub3A_612 = arith.subf %add3A_604, %sub3A_600 : vector<16xf32>
      %mul3A_613 = arith.mulf %sub3A_605, %sub3A_605 : vector<16xf32>
      %mul3A_614 = arith.mulf %sub3A_606, %sub3A_606 : vector<16xf32>
      %add3A_615 = arith.addf %mul3A_613, %mul3A_614 : vector<16xf32>
      %mul3A_616 = arith.mulf %sub3A_607, %sub3A_607 : vector<16xf32>
      %add3A_617 = arith.addf %add3A_615, %mul3A_616 : vector<16xf32>
      %mul3A_618 = arith.mulf %sub3A_608, %sub3A_608 : vector<16xf32>
      %add3A_619 = arith.addf %add3A_617, %mul3A_618 : vector<16xf32>
      %reduce_sum3A_620 = arith.constant true
      %reduce_sum3A_621 = vector.broadcast %reduce_sum3A_620 : i1 to vector<16xi1>
      %reduce_sum3A_622 = tpu.scan <sum>, %add3A_619 masked %reduce_sum3A_621 : vector<16xf32>, vector<16xi1> -> vector<16xf32>
      %reduce_sum3A_623 = vector.extract %reduce_sum3A_622[15] : f32 from vector<16xf32>
      %mul3A_624 = arith.mulf %sub3A_609, %sub3A_609 : vector<16xf32>
      %mul3A_625 = arith.mulf %sub3A_610, %sub3A_610 : vector<16xf32>
      %add3A_626 = arith.addf %mul3A_624, %mul3A_625 : vector<16xf32>
      %mul3A_627 = arith.mulf %sub3A_611, %sub3A_611 : vector<16xf32>
      %add3A_628 = arith.addf %add3A_626, %mul3A_627 : vector<16xf32>
      %mul3A_629 = arith.mulf %sub3A_612, %sub3A_612 : vector<16xf32>
      %add3A_630 = arith.addf %add3A_628, %mul3A_629 : vector<16xf32>
      %reduce_sum3A_631 = arith.constant true
      %reduce_sum3A_632 = vector.broadcast %reduce_sum3A_631 : i1 to vector<16xi1>
      %reduce_sum3A_633 = tpu.scan <sum>, %add3A_630 masked %reduce_sum3A_632 : vector<16xf32>, vector<16xi1> -> vector<16xf32>
      %reduce_sum3A_634 = vector.extract %reduce_sum3A_633[15] : f32 from vector<16xf32>
      %and3A_635 = arith.constant 15 : i32
      %and3A_636 = arith.andi %scan3A_459, %and3A_635 : i32
      %eq3A_637 = vector.broadcast %and3A_636 : i32 to vector<16xi32>
      %eq3A_638 = arith.cmpi eq, %iota3A, %eq3A_637 : vector<16xi32>
      %sub3A_639 = arith.subf %reduce_sum3A_634, %reduce_sum3A_623 : f32
      %broadcast_in_dim3A_640 = vector.broadcast %sub3A_639 : f32 to vector<16xf32>
      %select_n3A_641 = arith.select %eq3A_638, %broadcast_in_dim3A_640, %select_n3A : vector<16xi1>, vector<16xf32>
      %and3A_642 = arith.constant 15 : i32
      %and3A_643 = arith.andi %scan3A_459, %and3A_642 : i32
      %eq3A_644 = arith.constant 15 : i32
      %eq3A_645 = arith.cmpi eq, %and3A_643, %eq3A_644 : i32
      %convert_element_type3A_646 = arith.extui %eq3A_645 : i1 to i32
      %cond3A_647 = arith.constant 0 : i32
      %cond3A_648 = arith.cmpi ne, %convert_element_type3A_646, %cond3A_647 : i32
      scf.if %cond3A_648 {
        %add3A_1127 = arith.constant 0 : i32
        %add3A_1128 = arith.addi %add3A_1127, %scan3A_459 : i32
        %sub3A_1129 = arith.constant 15 : i32
        %sub3A_1130 = arith.subi %add3A_1128, %sub3A_1129 : i32
        %swap3A_1131 = arith.index_cast %sub3A_1130 : i32 to index
        %swap3A_1132 = tpu.vector_load %arg25[%swap3A_1131] {strides = array<i32>} : memref<512xf32, #tpu.memory_space<vmem>>, vector<16xf32>,
        tpu.vector_store %arg25[%swap3A_1131], %select_n3A_641 {strides = array<i32>} : memref<512xf32, #tpu.memory_space<vmem>>, vector<16xf32>,
      } else {
      }
      %mul3A_649 = arith.mulf %sub3A_578, %sub3A_578 : vector<16xf32>
      %mul3A_650 = arith.mulf %sub3A_580, %sub3A_580 : vector<16xf32>
      %add3A_651 = arith.addf %mul3A_649, %mul3A_650 : vector<16xf32>
      %mul3A_652 = arith.mulf %sub3A_582, %sub3A_582 : vector<16xf32>
      %add3A_653 = arith.addf %add3A_651, %mul3A_652 : vector<16xf32>
      %mul3A_654 = arith.mulf %sub3A_584, %sub3A_584 : vector<16xf32>
      %add3A_655 = arith.addf %add3A_653, %mul3A_654 : vector<16xf32>
      %add3A_656 = arith.addf %add3A_457, %add3A_655 : vector<16xf32>
      %mul3A_657 = arith.mulf %get3A_510, %get3A_510 : vector<16xf32>
      %mul3A_658 = arith.mulf %get3A_513, %get3A_513 : vector<16xf32>
      %add3A_659 = arith.addf %mul3A_657, %mul3A_658 : vector<16xf32>
      %mul3A_660 = arith.mulf %get3A_516, %get3A_516 : vector<16xf32>
      %add3A_661 = arith.addf %add3A_659, %mul3A_660 : vector<16xf32>
      %mul3A_662 = arith.mulf %get3A_519, %get3A_519 : vector<16xf32>
      %add3A_663 = arith.addf %add3A_661, %mul3A_662 : vector<16xf32>
      %add3A_664 = arith.addf %add3A_656, %add3A_663 : vector<16xf32>
      %mul3A_665 = arith.mulf %sub3A_586, %sub3A_586 : vector<16xf32>
      %mul3A_666 = arith.mulf %sub3A_588, %sub3A_588 : vector<16xf32>
      %add3A_667 = arith.addf %mul3A_665, %mul3A_666 : vector<16xf32>
      %mul3A_668 = arith.mulf %sub3A_590, %sub3A_590 : vector<16xf32>
      %add3A_669 = arith.addf %add3A_667, %mul3A_668 : vector<16xf32>
      %mul3A_670 = arith.mulf %sub3A_592, %sub3A_592 : vector<16xf32>
      %add3A_671 = arith.addf %add3A_669, %mul3A_670 : vector<16xf32>
      %add3A_672 = arith.addf %add3A_664, %add3A_671 : vector<16xf32>
      %mul3A_673 = arith.mulf %sub3A_594, %sub3A_594 : vector<16xf32>
      %mul3A_674 = arith.mulf %sub3A_596, %sub3A_596 : vector<16xf32>
      %add3A_675 = arith.addf %mul3A_673, %mul3A_674 : vector<16xf32>
      %mul3A_676 = arith.mulf %sub3A_598, %sub3A_598 : vector<16xf32>
      %add3A_677 = arith.addf %add3A_675, %mul3A_676 : vector<16xf32>
      %mul3A_678 = arith.mulf %sub3A_600, %sub3A_600 : vector<16xf32>
      %add3A_679 = arith.addf %add3A_677, %mul3A_678 : vector<16xf32>
      %add3A_680 = arith.addf %add3A_672, %add3A_679 : vector<16xf32>
      %scan3A_681 = arith.constant 2 : i32
      %scan3A_682 = arith.addi %scan3A_244, %scan3A_681 : i32
      %get3A_683 = arith.index_cast %scan3A_682 : i32 to index
      %get3A_684 = arith.constant 0 : index
      %get3A_685 = tpu.vector_load %arg17[%get3A_683, %get3A_684] {strides = array<i32>} : memref<128x64xf32, #tpu.memory_space<vmem>>, vector<16xf32>,
      %get3A_686 = arith.index_cast %scan3A_682 : i32 to index
      %get3A_687 = arith.constant 16 : index
      %get3A_688 = tpu.vector_load %arg17[%get3A_686, %get3A_687] {strides = array<i32>} : memref<128x64xf32, #tpu.memory_space<vmem>>, vector<16xf32>,
      %get3A_689 = arith.index_cast %scan3A_682 : i32 to index
      %get3A_690 = arith.constant 32 : index
      %get3A_691 = tpu.vector_load %arg17[%get3A_689, %get3A_690] {strides = array<i32>} : memref<128x64xf32, #tpu.memory_space<vmem>>, vector<16xf32>,
      %get3A_692 = arith.index_cast %scan3A_682 : i32 to index
      %get3A_693 = arith.constant 48 : index
      %get3A_694 = tpu.vector_load %arg17[%get3A_692, %get3A_693] {strides = array<i32>} : memref<128x64xf32, #tpu.memory_space<vmem>>, vector<16xf32>,
      %get3A_695 = arith.index_cast %scan3A_682 : i32 to index
      %get3A_696 = arith.constant 0 : index
      %get3A_697 = tpu.vector_load %arg15[%get3A_695, %get3A_696] {strides = array<i32>} : memref<128x64xf32, #tpu.memory_space<vmem>>, vector<16xf32>,
      %get3A_698 = arith.index_cast %scan3A_682 : i32 to index
      %get3A_699 = arith.constant 16 : index
      %get3A_700 = tpu.vector_load %arg15[%get3A_698, %get3A_699] {strides = array<i32>} : memref<128x64xf32, #tpu.memory_space<vmem>>, vector<16xf32>,
      %get3A_701 = arith.index_cast %scan3A_682 : i32 to index
      %get3A_702 = arith.constant 32 : index
      %get3A_703 = tpu.vector_load %arg15[%get3A_701, %get3A_702] {strides = array<i32>} : memref<128x64xf32, #tpu.memory_space<vmem>>, vector<16xf32>,
      %get3A_704 = arith.index_cast %scan3A_682 : i32 to index
      %get3A_705 = arith.constant 48 : index
      %get3A_706 = tpu.vector_load %arg15[%get3A_704, %get3A_705] {strides = array<i32>} : memref<128x64xf32, #tpu.memory_space<vmem>>, vector<16xf32>,
      %get3A_707 = arith.index_cast %scan3A_682 : i32 to index
      %get3A_708 = arith.constant 0 : index
      %get3A_709 = tpu.vector_load %arg18[%get3A_707, %get3A_708] {strides = array<i32>} : memref<128x64xf32, #tpu.memory_space<vmem>>, vector<16xf32>,
      %get3A_710 = arith.index_cast %scan3A_682 : i32 to index
      %get3A_711 = arith.constant 16 : index
      %get3A_712 = tpu.vector_load %arg18[%get3A_710, %get3A_711] {strides = array<i32>} : memref<128x64xf32, #tpu.memory_space<vmem>>, vector<16xf32>,
      %get3A_713 = arith.index_cast %scan3A_682 : i32 to index
      %get3A_714 = arith.constant 32 : index
      %get3A_715 = tpu.vector_load %arg18[%get3A_713, %get3A_714] {strides = array<i32>} : memref<128x64xf32, #tpu.memory_space<vmem>>, vector<16xf32>,
      %get3A_716 = arith.index_cast %scan3A_682 : i32 to index
      %get3A_717 = arith.constant 48 : index
      %get3A_718 = tpu.vector_load %arg18[%get3A_716, %get3A_717] {strides = array<i32>} : memref<128x64xf32, #tpu.memory_space<vmem>>, vector<16xf32>,
      %get3A_719 = arith.index_cast %scan3A_682 : i32 to index
      %get3A_720 = arith.constant 0 : index
      %get3A_721 = tpu.vector_load %arg19[%get3A_719, %get3A_720] {strides = array<i32>} : memref<128x64xf32, #tpu.memory_space<vmem>>, vector<16xf32>,
      %get3A_722 = arith.index_cast %scan3A_682 : i32 to index
      %get3A_723 = arith.constant 16 : index
      %get3A_724 = tpu.vector_load %arg19[%get3A_722, %get3A_723] {strides = array<i32>} : memref<128x64xf32, #tpu.memory_space<vmem>>, vector<16xf32>,
      %get3A_725 = arith.index_cast %scan3A_682 : i32 to index
      %get3A_726 = arith.constant 32 : index
      %get3A_727 = tpu.vector_load %arg19[%get3A_725, %get3A_726] {strides = array<i32>} : memref<128x64xf32, #tpu.memory_space<vmem>>, vector<16xf32>,
      %get3A_728 = arith.index_cast %scan3A_682 : i32 to index
      %get3A_729 = arith.constant 48 : index
      %get3A_730 = tpu.vector_load %arg19[%get3A_728, %get3A_729] {strides = array<i32>} : memref<128x64xf32, #tpu.memory_space<vmem>>, vector<16xf32>,
      %get3A_731 = arith.index_cast %scan3A_682 : i32 to index
      %get3A_732 = arith.constant 0 : index
      %get3A_733 = tpu.vector_load %arg16[%get3A_731, %get3A_732] {strides = array<i32>} : memref<128x64xf32, #tpu.memory_space<vmem>>, vector<16xf32>,
      %get3A_734 = arith.index_cast %scan3A_682 : i32 to index
      %get3A_735 = arith.constant 16 : index
      %get3A_736 = tpu.vector_load %arg16[%get3A_734, %get3A_735] {strides = array<i32>} : memref<128x64xf32, #tpu.memory_space<vmem>>, vector<16xf32>,
      %get3A_737 = arith.index_cast %scan3A_682 : i32 to index
      %get3A_738 = arith.constant 32 : index
      %get3A_739 = tpu.vector_load %arg16[%get3A_737, %get3A_738] {strides = array<i32>} : memref<128x64xf32, #tpu.memory_space<vmem>>, vector<16xf32>,
      %get3A_740 = arith.index_cast %scan3A_682 : i32 to index
      %get3A_741 = arith.constant 48 : index
      %get3A_742 = tpu.vector_load %arg16[%get3A_740, %get3A_741] {strides = array<i32>} : memref<128x64xf32, #tpu.memory_space<vmem>>, vector<16xf32>,
      %mul3A_743 = arith.mulf %get3A_685, %get3A_685 : vector<16xf32>
      %mul3A_744 = arith.mulf %get3A_688, %get3A_688 : vector<16xf32>
      %add3A_745 = arith.addf %mul3A_743, %mul3A_744 : vector<16xf32>
      %mul3A_746 = arith.mulf %get3A_691, %get3A_691 : vector<16xf32>
      %add3A_747 = arith.addf %add3A_745, %mul3A_746 : vector<16xf32>
      %mul3A_748 = arith.mulf %get3A_694, %get3A_694 : vector<16xf32>
      %add3A_749 = arith.addf %add3A_747, %mul3A_748 : vector<16xf32>
      %reduce_sum3A_750 = arith.constant true
      %reduce_sum3A_751 = vector.broadcast %reduce_sum3A_750 : i1 to vector<16xi1>
      %reduce_sum3A_752 = tpu.scan <sum>, %add3A_749 masked %reduce_sum3A_751 : vector<16xf32>, vector<16xi1> -> vector<16xf32>
      %reduce_sum3A_753 = vector.extract %reduce_sum3A_752[15] : f32 from vector<16xf32>
      %broadcast_in_dim3A_754 = vector.broadcast %reduce_sum3A_753 : f32 to vector<16xf32>
      %max3A_755 = arith.constant 1.000000e-24 : f32
      %max3A_756 = vector.broadcast %max3A_755 : f32 to vector<16xf32>
      %max3A_757 = arith.maximumf %broadcast_in_dim3A_754, %max3A_756 : vector<16xf32>
      %div3A_758 = arith.constant 1.000000e+00 : f32
      %div3A_759 = vector.broadcast %div3A_758 : f32 to vector<16xf32>
      %div3A_760 = arith.divf %div3A_759, %max3A_757 : vector<16xf32>
      %mul3A_761 = arith.mulf %get3A_697, %get3A_685 : vector<16xf32>
      %mul3A_762 = arith.mulf %get3A_700, %get3A_688 : vector<16xf32>
      %add3A_763 = arith.addf %mul3A_761, %mul3A_762 : vector<16xf32>
      %mul3A_764 = arith.mulf %get3A_703, %get3A_691 : vector<16xf32>
      %add3A_765 = arith.addf %add3A_763, %mul3A_764 : vector<16xf32>
      %mul3A_766 = arith.mulf %get3A_706, %get3A_694 : vector<16xf32>
      %add3A_767 = arith.addf %add3A_765, %mul3A_766 : vector<16xf32>
      %reduce_sum3A_768 = arith.constant true
      %reduce_sum3A_769 = vector.broadcast %reduce_sum3A_768 : i1 to vector<16xi1>
      %reduce_sum3A_770 = tpu.scan <sum>, %add3A_767 masked %reduce_sum3A_769 : vector<16xf32>, vector<16xi1> -> vector<16xf32>
      %reduce_sum3A_771 = vector.extract %reduce_sum3A_770[15] : f32 from vector<16xf32>
      %broadcast_in_dim3A_772 = vector.broadcast %reduce_sum3A_771 : f32 to vector<16xf32>
      %mul3A_773 = arith.mulf %get3A_709, %get3A_685 : vector<16xf32>
      %mul3A_774 = arith.mulf %get3A_712, %get3A_688 : vector<16xf32>
      %add3A_775 = arith.addf %mul3A_773, %mul3A_774 : vector<16xf32>
      %mul3A_776 = arith.mulf %get3A_715, %get3A_691 : vector<16xf32>
      %add3A_777 = arith.addf %add3A_775, %mul3A_776 : vector<16xf32>
      %mul3A_778 = arith.mulf %get3A_718, %get3A_694 : vector<16xf32>
      %add3A_779 = arith.addf %add3A_777, %mul3A_778 : vector<16xf32>
      %reduce_sum3A_780 = arith.constant true
      %reduce_sum3A_781 = vector.broadcast %reduce_sum3A_780 : i1 to vector<16xi1>
      %reduce_sum3A_782 = tpu.scan <sum>, %add3A_779 masked %reduce_sum3A_781 : vector<16xf32>, vector<16xi1> -> vector<16xf32>
      %reduce_sum3A_783 = vector.extract %reduce_sum3A_782[15] : f32 from vector<16xf32>
      %broadcast_in_dim3A_784 = vector.broadcast %reduce_sum3A_783 : f32 to vector<16xf32>
      %mul3A_785 = arith.mulf %get3A_721, %get3A_685 : vector<16xf32>
      %mul3A_786 = arith.mulf %get3A_724, %get3A_688 : vector<16xf32>
      %add3A_787 = arith.addf %mul3A_785, %mul3A_786 : vector<16xf32>
      %mul3A_788 = arith.mulf %get3A_727, %get3A_691 : vector<16xf32>
      %add3A_789 = arith.addf %add3A_787, %mul3A_788 : vector<16xf32>
      %mul3A_790 = arith.mulf %get3A_730, %get3A_694 : vector<16xf32>
      %add3A_791 = arith.addf %add3A_789, %mul3A_790 : vector<16xf32>
      %reduce_sum3A_792 = arith.constant true
      %reduce_sum3A_793 = vector.broadcast %reduce_sum3A_792 : i1 to vector<16xi1>
      %reduce_sum3A_794 = tpu.scan <sum>, %add3A_791 masked %reduce_sum3A_793 : vector<16xf32>, vector<16xi1> -> vector<16xf32>
      %reduce_sum3A_795 = vector.extract %reduce_sum3A_794[15] : f32 from vector<16xf32>
      %broadcast_in_dim3A_796 = vector.broadcast %reduce_sum3A_795 : f32 to vector<16xf32>
      %mul3A_797 = arith.mulf %broadcast_in_dim3A_772, %div3A_760 : vector<16xf32>
      %mul3A_798 = arith.mulf %broadcast_in_dim3A_784, %div3A_760 : vector<16xf32>
      %mul3A_799 = arith.mulf %broadcast_in_dim3A_796, %div3A_760 : vector<16xf32>
      %mul3A_800 = arith.mulf %mul3A_797, %get3A_685 : vector<16xf32>
      %sub3A_801 = arith.subf %get3A_697, %mul3A_800 : vector<16xf32>
      %mul3A_802 = arith.mulf %mul3A_797, %get3A_688 : vector<16xf32>
      %sub3A_803 = arith.subf %get3A_700, %mul3A_802 : vector<16xf32>
      %mul3A_804 = arith.mulf %mul3A_797, %get3A_691 : vector<16xf32>
      %sub3A_805 = arith.subf %get3A_703, %mul3A_804 : vector<16xf32>
      %mul3A_806 = arith.mulf %mul3A_797, %get3A_694 : vector<16xf32>
      %sub3A_807 = arith.subf %get3A_706, %mul3A_806 : vector<16xf32>
      %mul3A_808 = arith.mulf %mul3A_798, %get3A_685 : vector<16xf32>
      %sub3A_809 = arith.subf %get3A_709, %mul3A_808 : vector<16xf32>
      %mul3A_810 = arith.mulf %mul3A_798, %get3A_688 : vector<16xf32>
      %sub3A_811 = arith.subf %get3A_712, %mul3A_810 : vector<16xf32>
      %mul3A_812 = arith.mulf %mul3A_798, %get3A_691 : vector<16xf32>
      %sub3A_813 = arith.subf %get3A_715, %mul3A_812 : vector<16xf32>
      %mul3A_814 = arith.mulf %mul3A_798, %get3A_694 : vector<16xf32>
      %sub3A_815 = arith.subf %get3A_718, %mul3A_814 : vector<16xf32>
      %mul3A_816 = arith.mulf %mul3A_799, %get3A_685 : vector<16xf32>
      %sub3A_817 = arith.subf %get3A_721, %mul3A_816 : vector<16xf32>
      %mul3A_818 = arith.mulf %mul3A_799, %get3A_688 : vector<16xf32>
      %sub3A_819 = arith.subf %get3A_724, %mul3A_818 : vector<16xf32>
      %mul3A_820 = arith.mulf %mul3A_799, %get3A_691 : vector<16xf32>
      %sub3A_821 = arith.subf %get3A_727, %mul3A_820 : vector<16xf32>
      %mul3A_822 = arith.mulf %mul3A_799, %get3A_694 : vector<16xf32>
      %sub3A_823 = arith.subf %get3A_730, %mul3A_822 : vector<16xf32>
      %add3A_824 = arith.addf %sub3A_801, %get3A_733 : vector<16xf32>
      %add3A_825 = arith.addf %sub3A_803, %get3A_736 : vector<16xf32>
      %add3A_826 = arith.addf %sub3A_805, %get3A_739 : vector<16xf32>
      %add3A_827 = arith.addf %sub3A_807, %get3A_742 : vector<16xf32>
      %sub3A_828 = arith.subf %add3A_824, %sub3A_809 : vector<16xf32>
      %sub3A_829 = arith.subf %add3A_825, %sub3A_811 : vector<16xf32>
      %sub3A_830 = arith.subf %add3A_826, %sub3A_813 : vector<16xf32>
      %sub3A_831 = arith.subf %add3A_827, %sub3A_815 : vector<16xf32>
      %sub3A_832 = arith.subf %add3A_824, %sub3A_817 : vector<16xf32>
      %sub3A_833 = arith.subf %add3A_825, %sub3A_819 : vector<16xf32>
      %sub3A_834 = arith.subf %add3A_826, %sub3A_821 : vector<16xf32>
      %sub3A_835 = arith.subf %add3A_827, %sub3A_823 : vector<16xf32>
      %mul3A_836 = arith.mulf %sub3A_828, %sub3A_828 : vector<16xf32>
      %mul3A_837 = arith.mulf %sub3A_829, %sub3A_829 : vector<16xf32>
      %add3A_838 = arith.addf %mul3A_836, %mul3A_837 : vector<16xf32>
      %mul3A_839 = arith.mulf %sub3A_830, %sub3A_830 : vector<16xf32>
      %add3A_840 = arith.addf %add3A_838, %mul3A_839 : vector<16xf32>
      %mul3A_841 = arith.mulf %sub3A_831, %sub3A_831 : vector<16xf32>
      %add3A_842 = arith.addf %add3A_840, %mul3A_841 : vector<16xf32>
      %reduce_sum3A_843 = arith.constant true
      %reduce_sum3A_844 = vector.broadcast %reduce_sum3A_843 : i1 to vector<16xi1>
      %reduce_sum3A_845 = tpu.scan <sum>, %add3A_842 masked %reduce_sum3A_844 : vector<16xf32>, vector<16xi1> -> vector<16xf32>
      %reduce_sum3A_846 = vector.extract %reduce_sum3A_845[15] : f32 from vector<16xf32>
      %mul3A_847 = arith.mulf %sub3A_832, %sub3A_832 : vector<16xf32>
      %mul3A_848 = arith.mulf %sub3A_833, %sub3A_833 : vector<16xf32>
      %add3A_849 = arith.addf %mul3A_847, %mul3A_848 : vector<16xf32>
      %mul3A_850 = arith.mulf %sub3A_834, %sub3A_834 : vector<16xf32>
      %add3A_851 = arith.addf %add3A_849, %mul3A_850 : vector<16xf32>
      %mul3A_852 = arith.mulf %sub3A_835, %sub3A_835 : vector<16xf32>
      %add3A_853 = arith.addf %add3A_851, %mul3A_852 : vector<16xf32>
      %reduce_sum3A_854 = arith.constant true
      %reduce_sum3A_855 = vector.broadcast %reduce_sum3A_854 : i1 to vector<16xi1>
      %reduce_sum3A_856 = tpu.scan <sum>, %add3A_853 masked %reduce_sum3A_855 : vector<16xf32>, vector<16xi1> -> vector<16xf32>
      %reduce_sum3A_857 = vector.extract %reduce_sum3A_856[15] : f32 from vector<16xf32>
      %and3A_858 = arith.constant 15 : i32
      %and3A_859 = arith.andi %scan3A_682, %and3A_858 : i32
      %eq3A_860 = vector.broadcast %and3A_859 : i32 to vector<16xi32>
      %eq3A_861 = arith.cmpi eq, %iota3A, %eq3A_860 : vector<16xi32>
      %sub3A_862 = arith.subf %reduce_sum3A_857, %reduce_sum3A_846 : f32
      %broadcast_in_dim3A_863 = vector.broadcast %sub3A_862 : f32 to vector<16xf32>
      %select_n3A_864 = arith.select %eq3A_861, %broadcast_in_dim3A_863, %select_n3A_641 : vector<16xi1>, vector<16xf32>
      %and3A_865 = arith.constant 15 : i32
      %and3A_866 = arith.andi %scan3A_682, %and3A_865 : i32
      %eq3A_867 = arith.constant 15 : i32
      %eq3A_868 = arith.cmpi eq, %and3A_866, %eq3A_867 : i32
      %convert_element_type3A_869 = arith.extui %eq3A_868 : i1 to i32
      %cond3A_870 = arith.constant 0 : i32
      %cond3A_871 = arith.cmpi ne, %convert_element_type3A_869, %cond3A_870 : i32
      scf.if %cond3A_871 {
        %add3A_1127 = arith.constant 0 : i32
        %add3A_1128 = arith.addi %add3A_1127, %scan3A_682 : i32
        %sub3A_1129 = arith.constant 15 : i32
        %sub3A_1130 = arith.subi %add3A_1128, %sub3A_1129 : i32
        %swap3A_1131 = arith.index_cast %sub3A_1130 : i32 to index
        %swap3A_1132 = tpu.vector_load %arg25[%swap3A_1131] {strides = array<i32>} : memref<512xf32, #tpu.memory_space<vmem>>, vector<16xf32>,
        tpu.vector_store %arg25[%swap3A_1131], %select_n3A_864 {strides = array<i32>} : memref<512xf32, #tpu.memory_space<vmem>>, vector<16xf32>,
      } else {
      }
      %mul3A_872 = arith.mulf %sub3A_801, %sub3A_801 : vector<16xf32>
      %mul3A_873 = arith.mulf %sub3A_803, %sub3A_803 : vector<16xf32>
      %add3A_874 = arith.addf %mul3A_872, %mul3A_873 : vector<16xf32>
      %mul3A_875 = arith.mulf %sub3A_805, %sub3A_805 : vector<16xf32>
      %add3A_876 = arith.addf %add3A_874, %mul3A_875 : vector<16xf32>
      %mul3A_877 = arith.mulf %sub3A_807, %sub3A_807 : vector<16xf32>
      %add3A_878 = arith.addf %add3A_876, %mul3A_877 : vector<16xf32>
      %add3A_879 = arith.addf %add3A_680, %add3A_878 : vector<16xf32>
      %mul3A_880 = arith.mulf %get3A_733, %get3A_733 : vector<16xf32>
      %mul3A_881 = arith.mulf %get3A_736, %get3A_736 : vector<16xf32>
      %add3A_882 = arith.addf %mul3A_880, %mul3A_881 : vector<16xf32>
      %mul3A_883 = arith.mulf %get3A_739, %get3A_739 : vector<16xf32>
      %add3A_884 = arith.addf %add3A_882, %mul3A_883 : vector<16xf32>
      %mul3A_885 = arith.mulf %get3A_742, %get3A_742 : vector<16xf32>
      %add3A_886 = arith.addf %add3A_884, %mul3A_885 : vector<16xf32>
      %add3A_887 = arith.addf %add3A_879, %add3A_886 : vector<16xf32>
      %mul3A_888 = arith.mulf %sub3A_809, %sub3A_809 : vector<16xf32>
      %mul3A_889 = arith.mulf %sub3A_811, %sub3A_811 : vector<16xf32>
      %add3A_890 = arith.addf %mul3A_888, %mul3A_889 : vector<16xf32>
      %mul3A_891 = arith.mulf %sub3A_813, %sub3A_813 : vector<16xf32>
      %add3A_892 = arith.addf %add3A_890, %mul3A_891 : vector<16xf32>
      %mul3A_893 = arith.mulf %sub3A_815, %sub3A_815 : vector<16xf32>
      %add3A_894 = arith.addf %add3A_892, %mul3A_893 : vector<16xf32>
      %add3A_895 = arith.addf %add3A_887, %add3A_894 : vector<16xf32>
      %mul3A_896 = arith.mulf %sub3A_817, %sub3A_817 : vector<16xf32>
      %mul3A_897 = arith.mulf %sub3A_819, %sub3A_819 : vector<16xf32>
      %add3A_898 = arith.addf %mul3A_896, %mul3A_897 : vector<16xf32>
      %mul3A_899 = arith.mulf %sub3A_821, %sub3A_821 : vector<16xf32>
      %add3A_900 = arith.addf %add3A_898, %mul3A_899 : vector<16xf32>
      %mul3A_901 = arith.mulf %sub3A_823, %sub3A_823 : vector<16xf32>
      %add3A_902 = arith.addf %add3A_900, %mul3A_901 : vector<16xf32>
      %add3A_903 = arith.addf %add3A_895, %add3A_902 : vector<16xf32>
      %scan3A_904 = arith.constant 3 : i32
      %scan3A_905 = arith.addi %scan3A_244, %scan3A_904 : i32
      %get3A_906 = arith.index_cast %scan3A_905 : i32 to index
      %get3A_907 = arith.constant 0 : index
      %get3A_908 = tpu.vector_load %arg17[%get3A_906, %get3A_907] {strides = array<i32>} : memref<128x64xf32, #tpu.memory_space<vmem>>, vector<16xf32>,
      %get3A_909 = arith.index_cast %scan3A_905 : i32 to index
      %get3A_910 = arith.constant 16 : index
      %get3A_911 = tpu.vector_load %arg17[%get3A_909, %get3A_910] {strides = array<i32>} : memref<128x64xf32, #tpu.memory_space<vmem>>, vector<16xf32>,
      %get3A_912 = arith.index_cast %scan3A_905 : i32 to index
      %get3A_913 = arith.constant 32 : index
      %get3A_914 = tpu.vector_load %arg17[%get3A_912, %get3A_913] {strides = array<i32>} : memref<128x64xf32, #tpu.memory_space<vmem>>, vector<16xf32>,
      %get3A_915 = arith.index_cast %scan3A_905 : i32 to index
      %get3A_916 = arith.constant 48 : index
      %get3A_917 = tpu.vector_load %arg17[%get3A_915, %get3A_916] {strides = array<i32>} : memref<128x64xf32, #tpu.memory_space<vmem>>, vector<16xf32>,
      %get3A_918 = arith.index_cast %scan3A_905 : i32 to index
      %get3A_919 = arith.constant 0 : index
      %get3A_920 = tpu.vector_load %arg15[%get3A_918, %get3A_919] {strides = array<i32>} : memref<128x64xf32, #tpu.memory_space<vmem>>, vector<16xf32>,
      %get3A_921 = arith.index_cast %scan3A_905 : i32 to index
      %get3A_922 = arith.constant 16 : index
      %get3A_923 = tpu.vector_load %arg15[%get3A_921, %get3A_922] {strides = array<i32>} : memref<128x64xf32, #tpu.memory_space<vmem>>, vector<16xf32>,
      %get3A_924 = arith.index_cast %scan3A_905 : i32 to index
      %get3A_925 = arith.constant 32 : index
      %get3A_926 = tpu.vector_load %arg15[%get3A_924, %get3A_925] {strides = array<i32>} : memref<128x64xf32, #tpu.memory_space<vmem>>, vector<16xf32>,
      %get3A_927 = arith.index_cast %scan3A_905 : i32 to index
      %get3A_928 = arith.constant 48 : index
      %get3A_929 = tpu.vector_load %arg15[%get3A_927, %get3A_928] {strides = array<i32>} : memref<128x64xf32, #tpu.memory_space<vmem>>, vector<16xf32>,
      %get3A_930 = arith.index_cast %scan3A_905 : i32 to index
      %get3A_931 = arith.constant 0 : index
      %get3A_932 = tpu.vector_load %arg18[%get3A_930, %get3A_931] {strides = array<i32>} : memref<128x64xf32, #tpu.memory_space<vmem>>, vector<16xf32>,
      %get3A_933 = arith.index_cast %scan3A_905 : i32 to index
      %get3A_934 = arith.constant 16 : index
      %get3A_935 = tpu.vector_load %arg18[%get3A_933, %get3A_934] {strides = array<i32>} : memref<128x64xf32, #tpu.memory_space<vmem>>, vector<16xf32>,
      %get3A_936 = arith.index_cast %scan3A_905 : i32 to index
      %get3A_937 = arith.constant 32 : index
      %get3A_938 = tpu.vector_load %arg18[%get3A_936, %get3A_937] {strides = array<i32>} : memref<128x64xf32, #tpu.memory_space<vmem>>, vector<16xf32>,
      %get3A_939 = arith.index_cast %scan3A_905 : i32 to index
      %get3A_940 = arith.constant 48 : index
      %get3A_941 = tpu.vector_load %arg18[%get3A_939, %get3A_940] {strides = array<i32>} : memref<128x64xf32, #tpu.memory_space<vmem>>, vector<16xf32>,
      %get3A_942 = arith.index_cast %scan3A_905 : i32 to index
      %get3A_943 = arith.constant 0 : index
      %get3A_944 = tpu.vector_load %arg19[%get3A_942, %get3A_943] {strides = array<i32>} : memref<128x64xf32, #tpu.memory_space<vmem>>, vector<16xf32>,
      %get3A_945 = arith.index_cast %scan3A_905 : i32 to index
      %get3A_946 = arith.constant 16 : index
      %get3A_947 = tpu.vector_load %arg19[%get3A_945, %get3A_946] {strides = array<i32>} : memref<128x64xf32, #tpu.memory_space<vmem>>, vector<16xf32>,
      %get3A_948 = arith.index_cast %scan3A_905 : i32 to index
      %get3A_949 = arith.constant 32 : index
      %get3A_950 = tpu.vector_load %arg19[%get3A_948, %get3A_949] {strides = array<i32>} : memref<128x64xf32, #tpu.memory_space<vmem>>, vector<16xf32>,
      %get3A_951 = arith.index_cast %scan3A_905 : i32 to index
      %get3A_952 = arith.constant 48 : index
      %get3A_953 = tpu.vector_load %arg19[%get3A_951, %get3A_952] {strides = array<i32>} : memref<128x64xf32, #tpu.memory_space<vmem>>, vector<16xf32>,
      %get3A_954 = arith.index_cast %scan3A_905 : i32 to index
      %get3A_955 = arith.constant 0 : index
      %get3A_956 = tpu.vector_load %arg16[%get3A_954, %get3A_955] {strides = array<i32>} : memref<128x64xf32, #tpu.memory_space<vmem>>, vector<16xf32>,
      %get3A_957 = arith.index_cast %scan3A_905 : i32 to index
      %get3A_958 = arith.constant 16 : index
      %get3A_959 = tpu.vector_load %arg16[%get3A_957, %get3A_958] {strides = array<i32>} : memref<128x64xf32, #tpu.memory_space<vmem>>, vector<16xf32>,
      %get3A_960 = arith.index_cast %scan3A_905 : i32 to index
      %get3A_961 = arith.constant 32 : index
      %get3A_962 = tpu.vector_load %arg16[%get3A_960, %get3A_961] {strides = array<i32>} : memref<128x64xf32, #tpu.memory_space<vmem>>, vector<16xf32>,
      %get3A_963 = arith.index_cast %scan3A_905 : i32 to index
      %get3A_964 = arith.constant 48 : index
      %get3A_965 = tpu.vector_load %arg16[%get3A_963, %get3A_964] {strides = array<i32>} : memref<128x64xf32, #tpu.memory_space<vmem>>, vector<16xf32>,
      %mul3A_966 = arith.mulf %get3A_908, %get3A_908 : vector<16xf32>
      %mul3A_967 = arith.mulf %get3A_911, %get3A_911 : vector<16xf32>
      %add3A_968 = arith.addf %mul3A_966, %mul3A_967 : vector<16xf32>
      %mul3A_969 = arith.mulf %get3A_914, %get3A_914 : vector<16xf32>
      %add3A_970 = arith.addf %add3A_968, %mul3A_969 : vector<16xf32>
      %mul3A_971 = arith.mulf %get3A_917, %get3A_917 : vector<16xf32>
      %add3A_972 = arith.addf %add3A_970, %mul3A_971 : vector<16xf32>
      %reduce_sum3A_973 = arith.constant true
      %reduce_sum3A_974 = vector.broadcast %reduce_sum3A_973 : i1 to vector<16xi1>
      %reduce_sum3A_975 = tpu.scan <sum>, %add3A_972 masked %reduce_sum3A_974 : vector<16xf32>, vector<16xi1> -> vector<16xf32>
      %reduce_sum3A_976 = vector.extract %reduce_sum3A_975[15] : f32 from vector<16xf32>
      %broadcast_in_dim3A_977 = vector.broadcast %reduce_sum3A_976 : f32 to vector<16xf32>
      %max3A_978 = arith.constant 1.000000e-24 : f32
      %max3A_979 = vector.broadcast %max3A_978 : f32 to vector<16xf32>
      %max3A_980 = arith.maximumf %broadcast_in_dim3A_977, %max3A_979 : vector<16xf32>
      %div3A_981 = arith.constant 1.000000e+00 : f32
      %div3A_982 = vector.broadcast %div3A_981 : f32 to vector<16xf32>
      %div3A_983 = arith.divf %div3A_982, %max3A_980 : vector<16xf32>
      %mul3A_984 = arith.mulf %get3A_920, %get3A_908 : vector<16xf32>
      %mul3A_985 = arith.mulf %get3A_923, %get3A_911 : vector<16xf32>
      %add3A_986 = arith.addf %mul3A_984, %mul3A_985 : vector<16xf32>
      %mul3A_987 = arith.mulf %get3A_926, %get3A_914 : vector<16xf32>
      %add3A_988 = arith.addf %add3A_986, %mul3A_987 : vector<16xf32>
      %mul3A_989 = arith.mulf %get3A_929, %get3A_917 : vector<16xf32>
      %add3A_990 = arith.addf %add3A_988, %mul3A_989 : vector<16xf32>
      %reduce_sum3A_991 = arith.constant true
      %reduce_sum3A_992 = vector.broadcast %reduce_sum3A_991 : i1 to vector<16xi1>
      %reduce_sum3A_993 = tpu.scan <sum>, %add3A_990 masked %reduce_sum3A_992 : vector<16xf32>, vector<16xi1> -> vector<16xf32>
      %reduce_sum3A_994 = vector.extract %reduce_sum3A_993[15] : f32 from vector<16xf32>
      %broadcast_in_dim3A_995 = vector.broadcast %reduce_sum3A_994 : f32 to vector<16xf32>
      %mul3A_996 = arith.mulf %get3A_932, %get3A_908 : vector<16xf32>
      %mul3A_997 = arith.mulf %get3A_935, %get3A_911 : vector<16xf32>
      %add3A_998 = arith.addf %mul3A_996, %mul3A_997 : vector<16xf32>
      %mul3A_999 = arith.mulf %get3A_938, %get3A_914 : vector<16xf32>
      %add3A_1000 = arith.addf %add3A_998, %mul3A_999 : vector<16xf32>
      %mul3A_1001 = arith.mulf %get3A_941, %get3A_917 : vector<16xf32>
      %add3A_1002 = arith.addf %add3A_1000, %mul3A_1001 : vector<16xf32>
      %reduce_sum3A_1003 = arith.constant true
      %reduce_sum3A_1004 = vector.broadcast %reduce_sum3A_1003 : i1 to vector<16xi1>
      %reduce_sum3A_1005 = tpu.scan <sum>, %add3A_1002 masked %reduce_sum3A_1004 : vector<16xf32>, vector<16xi1> -> vector<16xf32>
      %reduce_sum3A_1006 = vector.extract %reduce_sum3A_1005[15] : f32 from vector<16xf32>
      %broadcast_in_dim3A_1007 = vector.broadcast %reduce_sum3A_1006 : f32 to vector<16xf32>
      %mul3A_1008 = arith.mulf %get3A_944, %get3A_908 : vector<16xf32>
      %mul3A_1009 = arith.mulf %get3A_947, %get3A_911 : vector<16xf32>
      %add3A_1010 = arith.addf %mul3A_1008, %mul3A_1009 : vector<16xf32>
      %mul3A_1011 = arith.mulf %get3A_950, %get3A_914 : vector<16xf32>
      %add3A_1012 = arith.addf %add3A_1010, %mul3A_1011 : vector<16xf32>
      %mul3A_1013 = arith.mulf %get3A_953, %get3A_917 : vector<16xf32>
      %add3A_1014 = arith.addf %add3A_1012, %mul3A_1013 : vector<16xf32>
      %reduce_sum3A_1015 = arith.constant true
      %reduce_sum3A_1016 = vector.broadcast %reduce_sum3A_1015 : i1 to vector<16xi1>
      %reduce_sum3A_1017 = tpu.scan <sum>, %add3A_1014 masked %reduce_sum3A_1016 : vector<16xf32>, vector<16xi1> -> vector<16xf32>
      %reduce_sum3A_1018 = vector.extract %reduce_sum3A_1017[15] : f32 from vector<16xf32>
      %broadcast_in_dim3A_1019 = vector.broadcast %reduce_sum3A_1018 : f32 to vector<16xf32>
      %mul3A_1020 = arith.mulf %broadcast_in_dim3A_995, %div3A_983 : vector<16xf32>
      %mul3A_1021 = arith.mulf %broadcast_in_dim3A_1007, %div3A_983 : vector<16xf32>
      %mul3A_1022 = arith.mulf %broadcast_in_dim3A_1019, %div3A_983 : vector<16xf32>
      %mul3A_1023 = arith.mulf %mul3A_1020, %get3A_908 : vector<16xf32>
      %sub3A_1024 = arith.subf %get3A_920, %mul3A_1023 : vector<16xf32>
      %mul3A_1025 = arith.mulf %mul3A_1020, %get3A_911 : vector<16xf32>
      %sub3A_1026 = arith.subf %get3A_923, %mul3A_1025 : vector<16xf32>
      %mul3A_1027 = arith.mulf %mul3A_1020, %get3A_914 : vector<16xf32>
      %sub3A_1028 = arith.subf %get3A_926, %mul3A_1027 : vector<16xf32>
      %mul3A_1029 = arith.mulf %mul3A_1020, %get3A_917 : vector<16xf32>
      %sub3A_1030 = arith.subf %get3A_929, %mul3A_1029 : vector<16xf32>
      %mul3A_1031 = arith.mulf %mul3A_1021, %get3A_908 : vector<16xf32>
      %sub3A_1032 = arith.subf %get3A_932, %mul3A_1031 : vector<16xf32>
      %mul3A_1033 = arith.mulf %mul3A_1021, %get3A_911 : vector<16xf32>
      %sub3A_1034 = arith.subf %get3A_935, %mul3A_1033 : vector<16xf32>
      %mul3A_1035 = arith.mulf %mul3A_1021, %get3A_914 : vector<16xf32>
      %sub3A_1036 = arith.subf %get3A_938, %mul3A_1035 : vector<16xf32>
      %mul3A_1037 = arith.mulf %mul3A_1021, %get3A_917 : vector<16xf32>
      %sub3A_1038 = arith.subf %get3A_941, %mul3A_1037 : vector<16xf32>
      %mul3A_1039 = arith.mulf %mul3A_1022, %get3A_908 : vector<16xf32>
      %sub3A_1040 = arith.subf %get3A_944, %mul3A_1039 : vector<16xf32>
      %mul3A_1041 = arith.mulf %mul3A_1022, %get3A_911 : vector<16xf32>
      %sub3A_1042 = arith.subf %get3A_947, %mul3A_1041 : vector<16xf32>
      %mul3A_1043 = arith.mulf %mul3A_1022, %get3A_914 : vector<16xf32>
      %sub3A_1044 = arith.subf %get3A_950, %mul3A_1043 : vector<16xf32>
      %mul3A_1045 = arith.mulf %mul3A_1022, %get3A_917 : vector<16xf32>
      %sub3A_1046 = arith.subf %get3A_953, %mul3A_1045 : vector<16xf32>
      %add3A_1047 = arith.addf %sub3A_1024, %get3A_956 : vector<16xf32>
      %add3A_1048 = arith.addf %sub3A_1026, %get3A_959 : vector<16xf32>
      %add3A_1049 = arith.addf %sub3A_1028, %get3A_962 : vector<16xf32>
      %add3A_1050 = arith.addf %sub3A_1030, %get3A_965 : vector<16xf32>
      %sub3A_1051 = arith.subf %add3A_1047, %sub3A_1032 : vector<16xf32>
      %sub3A_1052 = arith.subf %add3A_1048, %sub3A_1034 : vector<16xf32>
      %sub3A_1053 = arith.subf %add3A_1049, %sub3A_1036 : vector<16xf32>
      %sub3A_1054 = arith.subf %add3A_1050, %sub3A_1038 : vector<16xf32>
      %sub3A_1055 = arith.subf %add3A_1047, %sub3A_1040 : vector<16xf32>
      %sub3A_1056 = arith.subf %add3A_1048, %sub3A_1042 : vector<16xf32>
      %sub3A_1057 = arith.subf %add3A_1049, %sub3A_1044 : vector<16xf32>
      %sub3A_1058 = arith.subf %add3A_1050, %sub3A_1046 : vector<16xf32>
      %mul3A_1059 = arith.mulf %sub3A_1051, %sub3A_1051 : vector<16xf32>
      %mul3A_1060 = arith.mulf %sub3A_1052, %sub3A_1052 : vector<16xf32>
      %add3A_1061 = arith.addf %mul3A_1059, %mul3A_1060 : vector<16xf32>
      %mul3A_1062 = arith.mulf %sub3A_1053, %sub3A_1053 : vector<16xf32>
      %add3A_1063 = arith.addf %add3A_1061, %mul3A_1062 : vector<16xf32>
      %mul3A_1064 = arith.mulf %sub3A_1054, %sub3A_1054 : vector<16xf32>
      %add3A_1065 = arith.addf %add3A_1063, %mul3A_1064 : vector<16xf32>
      %reduce_sum3A_1066 = arith.constant true
      %reduce_sum3A_1067 = vector.broadcast %reduce_sum3A_1066 : i1 to vector<16xi1>
      %reduce_sum3A_1068 = tpu.scan <sum>, %add3A_1065 masked %reduce_sum3A_1067 : vector<16xf32>, vector<16xi1> -> vector<16xf32>
      %reduce_sum3A_1069 = vector.extract %reduce_sum3A_1068[15] : f32 from vector<16xf32>
      %mul3A_1070 = arith.mulf %sub3A_1055, %sub3A_1055 : vector<16xf32>
      %mul3A_1071 = arith.mulf %sub3A_1056, %sub3A_1056 : vector<16xf32>
      %add3A_1072 = arith.addf %mul3A_1070, %mul3A_1071 : vector<16xf32>
      %mul3A_1073 = arith.mulf %sub3A_1057, %sub3A_1057 : vector<16xf32>
      %add3A_1074 = arith.addf %add3A_1072, %mul3A_1073 : vector<16xf32>
      %mul3A_1075 = arith.mulf %sub3A_1058, %sub3A_1058 : vector<16xf32>
      %add3A_1076 = arith.addf %add3A_1074, %mul3A_1075 : vector<16xf32>
      %reduce_sum3A_1077 = arith.constant true
      %reduce_sum3A_1078 = vector.broadcast %reduce_sum3A_1077 : i1 to vector<16xi1>
      %reduce_sum3A_1079 = tpu.scan <sum>, %add3A_1076 masked %reduce_sum3A_1078 : vector<16xf32>, vector<16xi1> -> vector<16xf32>
      %reduce_sum3A_1080 = vector.extract %reduce_sum3A_1079[15] : f32 from vector<16xf32>
      %and3A_1081 = arith.constant 15 : i32
      %and3A_1082 = arith.andi %scan3A_905, %and3A_1081 : i32
      %eq3A_1083 = vector.broadcast %and3A_1082 : i32 to vector<16xi32>
      %eq3A_1084 = arith.cmpi eq, %iota3A, %eq3A_1083 : vector<16xi32>
      %sub3A_1085 = arith.subf %reduce_sum3A_1080, %reduce_sum3A_1069 : f32
      %broadcast_in_dim3A_1086 = vector.broadcast %sub3A_1085 : f32 to vector<16xf32>
      %select_n3A_1087 = arith.select %eq3A_1084, %broadcast_in_dim3A_1086, %select_n3A_864 : vector<16xi1>, vector<16xf32>
      %and3A_1088 = arith.constant 15 : i32
      %and3A_1089 = arith.andi %scan3A_905, %and3A_1088 : i32
      %eq3A_1090 = arith.constant 15 : i32
      %eq3A_1091 = arith.cmpi eq, %and3A_1089, %eq3A_1090 : i32
      %convert_element_type3A_1092 = arith.extui %eq3A_1091 : i1 to i32
      %cond3A_1093 = arith.constant 0 : i32
      %cond3A_1094 = arith.cmpi ne, %convert_element_type3A_1092, %cond3A_1093 : i32
      scf.if %cond3A_1094 {
        %add3A_1127 = arith.constant 0 : i32
        %add3A_1128 = arith.addi %add3A_1127, %scan3A_905 : i32
        %sub3A_1129 = arith.constant 15 : i32
        %sub3A_1130 = arith.subi %add3A_1128, %sub3A_1129 : i32
        %swap3A_1131 = arith.index_cast %sub3A_1130 : i32 to index
        %swap3A_1132 = tpu.vector_load %arg25[%swap3A_1131] {strides = array<i32>} : memref<512xf32, #tpu.memory_space<vmem>>, vector<16xf32>,
        tpu.vector_store %arg25[%swap3A_1131], %select_n3A_1087 {strides = array<i32>} : memref<512xf32, #tpu.memory_space<vmem>>, vector<16xf32>,
      } else {
      }
      %mul3A_1095 = arith.mulf %sub3A_1024, %sub3A_1024 : vector<16xf32>
      %mul3A_1096 = arith.mulf %sub3A_1026, %sub3A_1026 : vector<16xf32>
      %add3A_1097 = arith.addf %mul3A_1095, %mul3A_1096 : vector<16xf32>
      %mul3A_1098 = arith.mulf %sub3A_1028, %sub3A_1028 : vector<16xf32>
      %add3A_1099 = arith.addf %add3A_1097, %mul3A_1098 : vector<16xf32>
      %mul3A_1100 = arith.mulf %sub3A_1030, %sub3A_1030 : vector<16xf32>
      %add3A_1101 = arith.addf %add3A_1099, %mul3A_1100 : vector<16xf32>
      %add3A_1102 = arith.addf %add3A_903, %add3A_1101 : vector<16xf32>
      %mul3A_1103 = arith.mulf %get3A_956, %get3A_956 : vector<16xf32>
      %mul3A_1104 = arith.mulf %get3A_959, %get3A_959 : vector<16xf32>
      %add3A_1105 = arith.addf %mul3A_1103, %mul3A_1104 : vector<16xf32>
      %mul3A_1106 = arith.mulf %get3A_962, %get3A_962 : vector<16xf32>
      %add3A_1107 = arith.addf %add3A_1105, %mul3A_1106 : vector<16xf32>
      %mul3A_1108 = arith.mulf %get3A_965, %get3A_965 : vector<16xf32>
      %add3A_1109 = arith.addf %add3A_1107, %mul3A_1108 : vector<16xf32>
      %add3A_1110 = arith.addf %add3A_1102, %add3A_1109 : vector<16xf32>
      %mul3A_1111 = arith.mulf %sub3A_1032, %sub3A_1032 : vector<16xf32>
      %mul3A_1112 = arith.mulf %sub3A_1034, %sub3A_1034 : vector<16xf32>
      %add3A_1113 = arith.addf %mul3A_1111, %mul3A_1112 : vector<16xf32>
      %mul3A_1114 = arith.mulf %sub3A_1036, %sub3A_1036 : vector<16xf32>
      %add3A_1115 = arith.addf %add3A_1113, %mul3A_1114 : vector<16xf32>
      %mul3A_1116 = arith.mulf %sub3A_1038, %sub3A_1038 : vector<16xf32>
      %add3A_1117 = arith.addf %add3A_1115, %mul3A_1116 : vector<16xf32>
      %add3A_1118 = arith.addf %add3A_1110, %add3A_1117 : vector<16xf32>
      %mul3A_1119 = arith.mulf %sub3A_1040, %sub3A_1040 : vector<16xf32>
      %mul3A_1120 = arith.mulf %sub3A_1042, %sub3A_1042 : vector<16xf32>
      %add3A_1121 = arith.addf %mul3A_1119, %mul3A_1120 : vector<16xf32>
      %mul3A_1122 = arith.mulf %sub3A_1044, %sub3A_1044 : vector<16xf32>
      %add3A_1123 = arith.addf %add3A_1121, %mul3A_1122 : vector<16xf32>
      %mul3A_1124 = arith.mulf %sub3A_1046, %sub3A_1046 : vector<16xf32>
      %add3A_1125 = arith.addf %add3A_1123, %mul3A_1124 : vector<16xf32>
      %add3A_1126 = arith.addf %add3A_1118, %add3A_1125 : vector<16xf32>
      scf.yield %add3A_1126, %select_n3A_1087 : vector<16xf32>, vector<16xf32>
    }
    %scan3A_99 = arith.constant 128 : i32
    %dma_start3A_100 = arith.constant 256 : i32
    %dma_start3A_101 = tpu.memref_slice %arg11[%dma_start3A_100] : memref<512xi32, #tpu.memory_space<vmem>> -> memref<128xi32, #tpu.memory_space<vmem>>
    %dma_start3A_102 = arith.constant 0 : i32
    %dma_start3A_103 = arith.constant 0 : i32
    %dma_start3A_104 = tpu.memref_slice %arg6[%dma_start3A_102, %dma_start3A_103] : memref<1000000x64xf32, #tpu.memory_space<hbm>> -> memref<1000000x64xf32, #tpu.memory_space<hbm>>
    tpu.enqueue_indirect_dma source(%dma_start3A_104 : memref<1000000x64xf32, #tpu.memory_space<hbm>>) target(%arg15 : memref<128x64xf32, #tpu.memory_space<vmem>>) offsets(%dma_start3A_101 : memref<128xi32, #tpu.memory_space<vmem>>) semaphore(%arg28 : memref<!tpu.dma_semaphore, #tpu.memory_space<semaphore_mem>>)
    %dma_start3A_105 = arith.constant 256 : i32
    %dma_start3A_106 = tpu.memref_slice %arg12[%dma_start3A_105] : memref<512xi32, #tpu.memory_space<vmem>> -> memref<128xi32, #tpu.memory_space<vmem>>
    %dma_start3A_107 = arith.constant 0 : i32
    %dma_start3A_108 = arith.constant 0 : i32
    %dma_start3A_109 = tpu.memref_slice %arg7[%dma_start3A_107, %dma_start3A_108] : memref<1000x64xf32, #tpu.memory_space<hbm>> -> memref<1000x64xf32, #tpu.memory_space<hbm>>
    tpu.enqueue_indirect_dma source(%dma_start3A_109 : memref<1000x64xf32, #tpu.memory_space<hbm>>) target(%arg16 : memref<128x64xf32, #tpu.memory_space<vmem>>) offsets(%dma_start3A_106 : memref<128xi32, #tpu.memory_space<vmem>>) semaphore(%arg28 : memref<!tpu.dma_semaphore, #tpu.memory_space<semaphore_mem>>)
    %dma_start3A_110 = arith.constant 256 : i32
    %dma_start3A_111 = tpu.memref_slice %arg12[%dma_start3A_110] : memref<512xi32, #tpu.memory_space<vmem>> -> memref<128xi32, #tpu.memory_space<vmem>>
    %dma_start3A_112 = arith.constant 0 : i32
    %dma_start3A_113 = arith.constant 0 : i32
    %dma_start3A_114 = tpu.memref_slice %arg8[%dma_start3A_112, %dma_start3A_113] : memref<1000x64xf32, #tpu.memory_space<hbm>> -> memref<1000x64xf32, #tpu.memory_space<hbm>>
    tpu.enqueue_indirect_dma source(%dma_start3A_114 : memref<1000x64xf32, #tpu.memory_space<hbm>>) target(%arg17 : memref<128x64xf32, #tpu.memory_space<vmem>>) offsets(%dma_start3A_111 : memref<128xi32, #tpu.memory_space<vmem>>) semaphore(%arg28 : memref<!tpu.dma_semaphore, #tpu.memory_space<semaphore_mem>>)
    %dma_start3A_115 = arith.constant 256 : i32
    %dma_start3A_116 = tpu.memref_slice %arg13[%dma_start3A_115] : memref<512xi32, #tpu.memory_space<vmem>> -> memref<128xi32, #tpu.memory_space<vmem>>
    %dma_start3A_117 = arith.constant 0 : i32
    %dma_start3A_118 = arith.constant 0 : i32
    %dma_start3A_119 = tpu.memref_slice %arg6[%dma_start3A_117, %dma_start3A_118] : memref<1000000x64xf32, #tpu.memory_space<hbm>> -> memref<1000000x64xf32, #tpu.memory_space<hbm>>
    tpu.enqueue_indirect_dma source(%dma_start3A_119 : memref<1000000x64xf32, #tpu.memory_space<hbm>>) target(%arg18 : memref<128x64xf32, #tpu.memory_space<vmem>>) offsets(%dma_start3A_116 : memref<128xi32, #tpu.memory_space<vmem>>) semaphore(%arg28 : memref<!tpu.dma_semaphore, #tpu.memory_space<semaphore_mem>>)
    %dma_start3A_120 = arith.constant 256 : i32
    %dma_start3A_121 = tpu.memref_slice %arg14[%dma_start3A_120] : memref<512xi32, #tpu.memory_space<vmem>> -> memref<128xi32, #tpu.memory_space<vmem>>
    %dma_start3A_122 = arith.constant 0 : i32
    %dma_start3A_123 = arith.constant 0 : i32
    %dma_start3A_124 = tpu.memref_slice %arg6[%dma_start3A_122, %dma_start3A_123] : memref<1000000x64xf32, #tpu.memory_space<hbm>> -> memref<1000000x64xf32, #tpu.memory_space<hbm>>
    tpu.enqueue_indirect_dma source(%dma_start3A_124 : memref<1000000x64xf32, #tpu.memory_space<hbm>>) target(%arg19 : memref<128x64xf32, #tpu.memory_space<vmem>>) offsets(%dma_start3A_121 : memref<128xi32, #tpu.memory_space<vmem>>) semaphore(%arg28 : memref<!tpu.dma_semaphore, #tpu.memory_space<semaphore_mem>>)
    %dma_wait3A_125 = arith.constant 128 : i32
    %dma_wait3A_126 = tpu.memref_slice %arg11[%dma_wait3A_125] : memref<512xi32, #tpu.memory_space<vmem>> -> memref<128xi32, #tpu.memory_space<vmem>>
    %dma_wait3A_127 = arith.constant 0 : i32
    %dma_wait3A_128 = arith.constant 0 : i32
    %dma_wait3A_129 = tpu.memref_slice %arg6[%dma_wait3A_127, %dma_wait3A_128] : memref<1000000x64xf32, #tpu.memory_space<hbm>> -> memref<1000000x64xf32, #tpu.memory_space<hbm>>
    tpu.wait_indirect_dma semaphore(%arg29 : memref<!tpu.dma_semaphore, #tpu.memory_space<semaphore_mem>>) src(%dma_wait3A_129 : memref<1000000x64xf32, #tpu.memory_space<hbm>>) dst(%arg20 : memref<128x64xf32, #tpu.memory_space<vmem>>)
    %dma_wait3A_130 = arith.constant 128 : i32
    %dma_wait3A_131 = tpu.memref_slice %arg12[%dma_wait3A_130] : memref<512xi32, #tpu.memory_space<vmem>> -> memref<128xi32, #tpu.memory_space<vmem>>
    %dma_wait3A_132 = arith.constant 0 : i32
    %dma_wait3A_133 = arith.constant 0 : i32
    %dma_wait3A_134 = tpu.memref_slice %arg7[%dma_wait3A_132, %dma_wait3A_133] : memref<1000x64xf32, #tpu.memory_space<hbm>> -> memref<1000x64xf32, #tpu.memory_space<hbm>>
    tpu.wait_indirect_dma semaphore(%arg29 : memref<!tpu.dma_semaphore, #tpu.memory_space<semaphore_mem>>) src(%dma_wait3A_134 : memref<1000x64xf32, #tpu.memory_space<hbm>>) dst(%arg21 : memref<128x64xf32, #tpu.memory_space<vmem>>)
    %dma_wait3A_135 = arith.constant 128 : i32
    %dma_wait3A_136 = tpu.memref_slice %arg12[%dma_wait3A_135] : memref<512xi32, #tpu.memory_space<vmem>> -> memref<128xi32, #tpu.memory_space<vmem>>
    %dma_wait3A_137 = arith.constant 0 : i32
    %dma_wait3A_138 = arith.constant 0 : i32
    %dma_wait3A_139 = tpu.memref_slice %arg8[%dma_wait3A_137, %dma_wait3A_138] : memref<1000x64xf32, #tpu.memory_space<hbm>> -> memref<1000x64xf32, #tpu.memory_space<hbm>>
    tpu.wait_indirect_dma semaphore(%arg29 : memref<!tpu.dma_semaphore, #tpu.memory_space<semaphore_mem>>) src(%dma_wait3A_139 : memref<1000x64xf32, #tpu.memory_space<hbm>>) dst(%arg22 : memref<128x64xf32, #tpu.memory_space<vmem>>)
    %dma_wait3A_140 = arith.constant 128 : i32
    %dma_wait3A_141 = tpu.memref_slice %arg13[%dma_wait3A_140] : memref<512xi32, #tpu.memory_space<vmem>> -> memref<128xi32, #tpu.memory_space<vmem>>
    %dma_wait3A_142 = arith.constant 0 : i32
    %dma_wait3A_143 = arith.constant 0 : i32
    %dma_wait3A_144 = tpu.memref_slice %arg6[%dma_wait3A_142, %dma_wait3A_143] : memref<1000000x64xf32, #tpu.memory_space<hbm>> -> memref<1000000x64xf32, #tpu.memory_space<hbm>>
    tpu.wait_indirect_dma semaphore(%arg29 : memref<!tpu.dma_semaphore, #tpu.memory_space<semaphore_mem>>) src(%dma_wait3A_144 : memref<1000000x64xf32, #tpu.memory_space<hbm>>) dst(%arg23 : memref<128x64xf32, #tpu.memory_space<vmem>>)
    %dma_wait3A_145 = arith.constant 128 : i32
    %dma_wait3A_146 = tpu.memref_slice %arg14[%dma_wait3A_145] : memref<512xi32, #tpu.memory_space<vmem>> -> memref<128xi32, #tpu.memory_space<vmem>>
    %dma_wait3A_147 = arith.constant 0 : i32
    %dma_wait3A_148 = arith.constant 0 : i32
    %dma_wait3A_149 = tpu.memref_slice %arg6[%dma_wait3A_147, %dma_wait3A_148] : memref<1000000x64xf32, #tpu.memory_space<hbm>> -> memref<1000000x64xf32, #tpu.memory_space<hbm>>
    tpu.wait_indirect_dma semaphore(%arg29 : memref<!tpu.dma_semaphore, #tpu.memory_space<semaphore_mem>>) src(%dma_wait3A_149 : memref<1000000x64xf32, #tpu.memory_space<hbm>>) dst(%arg24 : memref<128x64xf32, #tpu.memory_space<vmem>>)
    %scan3A_150 = arith.constant 0 : i32
    %scan3A_151 = arith.constant 128 : i32
    %scan3A_152 = arith.addi %scan3A_150, %scan3A_151 : i32
    %scan3A_153 = arith.constant 4 : i32
    %scan3A_154:2 = scf.for %scan3A_244 = %scan3A_150 to %scan3A_152 step %scan3A_153 iter_args(%scan3A_245 = %scan3A_98#0, %scan3A_246 = %scan3A_98#1) -> (vector<16xf32>, vector<16xf32>)  : i32 {
      %get3A = arith.index_cast %scan3A_244 : i32 to index
      %get3A_247 = arith.constant 0 : index
      %get3A_248 = tpu.vector_load %arg22[%get3A, %get3A_247] {strides = array<i32>} : memref<128x64xf32, #tpu.memory_space<vmem>>, vector<16xf32>,
      %get3A_249 = arith.index_cast %scan3A_244 : i32 to index
      %get3A_250 = arith.constant 16 : index
      %get3A_251 = tpu.vector_load %arg22[%get3A_249, %get3A_250] {strides = array<i32>} : memref<128x64xf32, #tpu.memory_space<vmem>>, vector<16xf32>,
      %get3A_252 = arith.index_cast %scan3A_244 : i32 to index
      %get3A_253 = arith.constant 32 : index
      %get3A_254 = tpu.vector_load %arg22[%get3A_252, %get3A_253] {strides = array<i32>} : memref<128x64xf32, #tpu.memory_space<vmem>>, vector<16xf32>,
      %get3A_255 = arith.index_cast %scan3A_244 : i32 to index
      %get3A_256 = arith.constant 48 : index
      %get3A_257 = tpu.vector_load %arg22[%get3A_255, %get3A_256] {strides = array<i32>} : memref<128x64xf32, #tpu.memory_space<vmem>>, vector<16xf32>,
      %get3A_258 = arith.index_cast %scan3A_244 : i32 to index
      %get3A_259 = arith.constant 0 : index
      %get3A_260 = tpu.vector_load %arg20[%get3A_258, %get3A_259] {strides = array<i32>} : memref<128x64xf32, #tpu.memory_space<vmem>>, vector<16xf32>,
      %get3A_261 = arith.index_cast %scan3A_244 : i32 to index
      %get3A_262 = arith.constant 16 : index
      %get3A_263 = tpu.vector_load %arg20[%get3A_261, %get3A_262] {strides = array<i32>} : memref<128x64xf32, #tpu.memory_space<vmem>>, vector<16xf32>,
      %get3A_264 = arith.index_cast %scan3A_244 : i32 to index
      %get3A_265 = arith.constant 32 : index
      %get3A_266 = tpu.vector_load %arg20[%get3A_264, %get3A_265] {strides = array<i32>} : memref<128x64xf32, #tpu.memory_space<vmem>>, vector<16xf32>,
      %get3A_267 = arith.index_cast %scan3A_244 : i32 to index
      %get3A_268 = arith.constant 48 : index
      %get3A_269 = tpu.vector_load %arg20[%get3A_267, %get3A_268] {strides = array<i32>} : memref<128x64xf32, #tpu.memory_space<vmem>>, vector<16xf32>,
      %get3A_270 = arith.index_cast %scan3A_244 : i32 to index
      %get3A_271 = arith.constant 0 : index
      %get3A_272 = tpu.vector_load %arg23[%get3A_270, %get3A_271] {strides = array<i32>} : memref<128x64xf32, #tpu.memory_space<vmem>>, vector<16xf32>,
      %get3A_273 = arith.index_cast %scan3A_244 : i32 to index
      %get3A_274 = arith.constant 16 : index
      %get3A_275 = tpu.vector_load %arg23[%get3A_273, %get3A_274] {strides = array<i32>} : memref<128x64xf32, #tpu.memory_space<vmem>>, vector<16xf32>,
      %get3A_276 = arith.index_cast %scan3A_244 : i32 to index
      %get3A_277 = arith.constant 32 : index
      %get3A_278 = tpu.vector_load %arg23[%get3A_276, %get3A_277] {strides = array<i32>} : memref<128x64xf32, #tpu.memory_space<vmem>>, vector<16xf32>,
      %get3A_279 = arith.index_cast %scan3A_244 : i32 to index
      %get3A_280 = arith.constant 48 : index
      %get3A_281 = tpu.vector_load %arg23[%get3A_279, %get3A_280] {strides = array<i32>} : memref<128x64xf32, #tpu.memory_space<vmem>>, vector<16xf32>,
      %get3A_282 = arith.index_cast %scan3A_244 : i32 to index
      %get3A_283 = arith.constant 0 : index
      %get3A_284 = tpu.vector_load %arg24[%get3A_282, %get3A_283] {strides = array<i32>} : memref<128x64xf32, #tpu.memory_space<vmem>>, vector<16xf32>,
      %get3A_285 = arith.index_cast %scan3A_244 : i32 to index
      %get3A_286 = arith.constant 16 : index
      %get3A_287 = tpu.vector_load %arg24[%get3A_285, %get3A_286] {strides = array<i32>} : memref<128x64xf32, #tpu.memory_space<vmem>>, vector<16xf32>,
      %get3A_288 = arith.index_cast %scan3A_244 : i32 to index
      %get3A_289 = arith.constant 32 : index
      %get3A_290 = tpu.vector_load %arg24[%get3A_288, %get3A_289] {strides = array<i32>} : memref<128x64xf32, #tpu.memory_space<vmem>>, vector<16xf32>,
      %get3A_291 = arith.index_cast %scan3A_244 : i32 to index
      %get3A_292 = arith.constant 48 : index
      %get3A_293 = tpu.vector_load %arg24[%get3A_291, %get3A_292] {strides = array<i32>} : memref<128x64xf32, #tpu.memory_space<vmem>>, vector<16xf32>,
      %get3A_294 = arith.index_cast %scan3A_244 : i32 to index
      %get3A_295 = arith.constant 0 : index
      %get3A_296 = tpu.vector_load %arg21[%get3A_294, %get3A_295] {strides = array<i32>} : memref<128x64xf32, #tpu.memory_space<vmem>>, vector<16xf32>,
      %get3A_297 = arith.index_cast %scan3A_244 : i32 to index
      %get3A_298 = arith.constant 16 : index
      %get3A_299 = tpu.vector_load %arg21[%get3A_297, %get3A_298] {strides = array<i32>} : memref<128x64xf32, #tpu.memory_space<vmem>>, vector<16xf32>,
      %get3A_300 = arith.index_cast %scan3A_244 : i32 to index
      %get3A_301 = arith.constant 32 : index
      %get3A_302 = tpu.vector_load %arg21[%get3A_300, %get3A_301] {strides = array<i32>} : memref<128x64xf32, #tpu.memory_space<vmem>>, vector<16xf32>,
      %get3A_303 = arith.index_cast %scan3A_244 : i32 to index
      %get3A_304 = arith.constant 48 : index
      %get3A_305 = tpu.vector_load %arg21[%get3A_303, %get3A_304] {strides = array<i32>} : memref<128x64xf32, #tpu.memory_space<vmem>>, vector<16xf32>,
      %mul3A_306 = arith.mulf %get3A_248, %get3A_248 : vector<16xf32>
      %mul3A_307 = arith.mulf %get3A_251, %get3A_251 : vector<16xf32>
      %add3A_308 = arith.addf %mul3A_306, %mul3A_307 : vector<16xf32>
      %mul3A_309 = arith.mulf %get3A_254, %get3A_254 : vector<16xf32>
      %add3A_310 = arith.addf %add3A_308, %mul3A_309 : vector<16xf32>
      %mul3A_311 = arith.mulf %get3A_257, %get3A_257 : vector<16xf32>
      %add3A_312 = arith.addf %add3A_310, %mul3A_311 : vector<16xf32>
      %reduce_sum3A = arith.constant true
      %reduce_sum3A_313 = vector.broadcast %reduce_sum3A : i1 to vector<16xi1>
      %reduce_sum3A_314 = tpu.scan <sum>, %add3A_312 masked %reduce_sum3A_313 : vector<16xf32>, vector<16xi1> -> vector<16xf32>
      %reduce_sum3A_315 = vector.extract %reduce_sum3A_314[15] : f32 from vector<16xf32>
      %broadcast_in_dim3A_316 = vector.broadcast %reduce_sum3A_315 : f32 to vector<16xf32>
      %max3A = arith.constant 1.000000e-24 : f32
      %max3A_317 = vector.broadcast %max3A : f32 to vector<16xf32>
      %max3A_318 = arith.maximumf %broadcast_in_dim3A_316, %max3A_317 : vector<16xf32>
      %div3A = arith.constant 1.000000e+00 : f32
      %div3A_319 = vector.broadcast %div3A : f32 to vector<16xf32>
      %div3A_320 = arith.divf %div3A_319, %max3A_318 : vector<16xf32>
      %mul3A_321 = arith.mulf %get3A_260, %get3A_248 : vector<16xf32>
      %mul3A_322 = arith.mulf %get3A_263, %get3A_251 : vector<16xf32>
      %add3A_323 = arith.addf %mul3A_321, %mul3A_322 : vector<16xf32>
      %mul3A_324 = arith.mulf %get3A_266, %get3A_254 : vector<16xf32>
      %add3A_325 = arith.addf %add3A_323, %mul3A_324 : vector<16xf32>
      %mul3A_326 = arith.mulf %get3A_269, %get3A_257 : vector<16xf32>
      %add3A_327 = arith.addf %add3A_325, %mul3A_326 : vector<16xf32>
      %reduce_sum3A_328 = arith.constant true
      %reduce_sum3A_329 = vector.broadcast %reduce_sum3A_328 : i1 to vector<16xi1>
      %reduce_sum3A_330 = tpu.scan <sum>, %add3A_327 masked %reduce_sum3A_329 : vector<16xf32>, vector<16xi1> -> vector<16xf32>
      %reduce_sum3A_331 = vector.extract %reduce_sum3A_330[15] : f32 from vector<16xf32>
      %broadcast_in_dim3A_332 = vector.broadcast %reduce_sum3A_331 : f32 to vector<16xf32>
      %mul3A_333 = arith.mulf %get3A_272, %get3A_248 : vector<16xf32>
      %mul3A_334 = arith.mulf %get3A_275, %get3A_251 : vector<16xf32>
      %add3A_335 = arith.addf %mul3A_333, %mul3A_334 : vector<16xf32>
      %mul3A_336 = arith.mulf %get3A_278, %get3A_254 : vector<16xf32>
      %add3A_337 = arith.addf %add3A_335, %mul3A_336 : vector<16xf32>
      %mul3A_338 = arith.mulf %get3A_281, %get3A_257 : vector<16xf32>
      %add3A_339 = arith.addf %add3A_337, %mul3A_338 : vector<16xf32>
      %reduce_sum3A_340 = arith.constant true
      %reduce_sum3A_341 = vector.broadcast %reduce_sum3A_340 : i1 to vector<16xi1>
      %reduce_sum3A_342 = tpu.scan <sum>, %add3A_339 masked %reduce_sum3A_341 : vector<16xf32>, vector<16xi1> -> vector<16xf32>
      %reduce_sum3A_343 = vector.extract %reduce_sum3A_342[15] : f32 from vector<16xf32>
      %broadcast_in_dim3A_344 = vector.broadcast %reduce_sum3A_343 : f32 to vector<16xf32>
      %mul3A_345 = arith.mulf %get3A_284, %get3A_248 : vector<16xf32>
      %mul3A_346 = arith.mulf %get3A_287, %get3A_251 : vector<16xf32>
      %add3A_347 = arith.addf %mul3A_345, %mul3A_346 : vector<16xf32>
      %mul3A_348 = arith.mulf %get3A_290, %get3A_254 : vector<16xf32>
      %add3A_349 = arith.addf %add3A_347, %mul3A_348 : vector<16xf32>
      %mul3A_350 = arith.mulf %get3A_293, %get3A_257 : vector<16xf32>
      %add3A_351 = arith.addf %add3A_349, %mul3A_350 : vector<16xf32>
      %reduce_sum3A_352 = arith.constant true
      %reduce_sum3A_353 = vector.broadcast %reduce_sum3A_352 : i1 to vector<16xi1>
      %reduce_sum3A_354 = tpu.scan <sum>, %add3A_351 masked %reduce_sum3A_353 : vector<16xf32>, vector<16xi1> -> vector<16xf32>
      %reduce_sum3A_355 = vector.extract %reduce_sum3A_354[15] : f32 from vector<16xf32>
      %broadcast_in_dim3A_356 = vector.broadcast %reduce_sum3A_355 : f32 to vector<16xf32>
      %mul3A_357 = arith.mulf %broadcast_in_dim3A_332, %div3A_320 : vector<16xf32>
      %mul3A_358 = arith.mulf %broadcast_in_dim3A_344, %div3A_320 : vector<16xf32>
      %mul3A_359 = arith.mulf %broadcast_in_dim3A_356, %div3A_320 : vector<16xf32>
      %mul3A_360 = arith.mulf %mul3A_357, %get3A_248 : vector<16xf32>
      %sub3A = arith.subf %get3A_260, %mul3A_360 : vector<16xf32>
      %mul3A_361 = arith.mulf %mul3A_357, %get3A_251 : vector<16xf32>
      %sub3A_362 = arith.subf %get3A_263, %mul3A_361 : vector<16xf32>
      %mul3A_363 = arith.mulf %mul3A_357, %get3A_254 : vector<16xf32>
      %sub3A_364 = arith.subf %get3A_266, %mul3A_363 : vector<16xf32>
      %mul3A_365 = arith.mulf %mul3A_357, %get3A_257 : vector<16xf32>
      %sub3A_366 = arith.subf %get3A_269, %mul3A_365 : vector<16xf32>
      %mul3A_367 = arith.mulf %mul3A_358, %get3A_248 : vector<16xf32>
      %sub3A_368 = arith.subf %get3A_272, %mul3A_367 : vector<16xf32>
      %mul3A_369 = arith.mulf %mul3A_358, %get3A_251 : vector<16xf32>
      %sub3A_370 = arith.subf %get3A_275, %mul3A_369 : vector<16xf32>
      %mul3A_371 = arith.mulf %mul3A_358, %get3A_254 : vector<16xf32>
      %sub3A_372 = arith.subf %get3A_278, %mul3A_371 : vector<16xf32>
      %mul3A_373 = arith.mulf %mul3A_358, %get3A_257 : vector<16xf32>
      %sub3A_374 = arith.subf %get3A_281, %mul3A_373 : vector<16xf32>
      %mul3A_375 = arith.mulf %mul3A_359, %get3A_248 : vector<16xf32>
      %sub3A_376 = arith.subf %get3A_284, %mul3A_375 : vector<16xf32>
      %mul3A_377 = arith.mulf %mul3A_359, %get3A_251 : vector<16xf32>
      %sub3A_378 = arith.subf %get3A_287, %mul3A_377 : vector<16xf32>
      %mul3A_379 = arith.mulf %mul3A_359, %get3A_254 : vector<16xf32>
      %sub3A_380 = arith.subf %get3A_290, %mul3A_379 : vector<16xf32>
      %mul3A_381 = arith.mulf %mul3A_359, %get3A_257 : vector<16xf32>
      %sub3A_382 = arith.subf %get3A_293, %mul3A_381 : vector<16xf32>
      %add3A_383 = arith.addf %sub3A, %get3A_296 : vector<16xf32>
      %add3A_384 = arith.addf %sub3A_362, %get3A_299 : vector<16xf32>
      %add3A_385 = arith.addf %sub3A_364, %get3A_302 : vector<16xf32>
      %add3A_386 = arith.addf %sub3A_366, %get3A_305 : vector<16xf32>
      %sub3A_387 = arith.subf %add3A_383, %sub3A_368 : vector<16xf32>
      %sub3A_388 = arith.subf %add3A_384, %sub3A_370 : vector<16xf32>
      %sub3A_389 = arith.subf %add3A_385, %sub3A_372 : vector<16xf32>
      %sub3A_390 = arith.subf %add3A_386, %sub3A_374 : vector<16xf32>
      %sub3A_391 = arith.subf %add3A_383, %sub3A_376 : vector<16xf32>
      %sub3A_392 = arith.subf %add3A_384, %sub3A_378 : vector<16xf32>
      %sub3A_393 = arith.subf %add3A_385, %sub3A_380 : vector<16xf32>
      %sub3A_394 = arith.subf %add3A_386, %sub3A_382 : vector<16xf32>
      %mul3A_395 = arith.mulf %sub3A_387, %sub3A_387 : vector<16xf32>
      %mul3A_396 = arith.mulf %sub3A_388, %sub3A_388 : vector<16xf32>
      %add3A_397 = arith.addf %mul3A_395, %mul3A_396 : vector<16xf32>
      %mul3A_398 = arith.mulf %sub3A_389, %sub3A_389 : vector<16xf32>
      %add3A_399 = arith.addf %add3A_397, %mul3A_398 : vector<16xf32>
      %mul3A_400 = arith.mulf %sub3A_390, %sub3A_390 : vector<16xf32>
      %add3A_401 = arith.addf %add3A_399, %mul3A_400 : vector<16xf32>
      %reduce_sum3A_402 = arith.constant true
      %reduce_sum3A_403 = vector.broadcast %reduce_sum3A_402 : i1 to vector<16xi1>
      %reduce_sum3A_404 = tpu.scan <sum>, %add3A_401 masked %reduce_sum3A_403 : vector<16xf32>, vector<16xi1> -> vector<16xf32>
      %reduce_sum3A_405 = vector.extract %reduce_sum3A_404[15] : f32 from vector<16xf32>
      %mul3A_406 = arith.mulf %sub3A_391, %sub3A_391 : vector<16xf32>
      %mul3A_407 = arith.mulf %sub3A_392, %sub3A_392 : vector<16xf32>
      %add3A_408 = arith.addf %mul3A_406, %mul3A_407 : vector<16xf32>
      %mul3A_409 = arith.mulf %sub3A_393, %sub3A_393 : vector<16xf32>
      %add3A_410 = arith.addf %add3A_408, %mul3A_409 : vector<16xf32>
      %mul3A_411 = arith.mulf %sub3A_394, %sub3A_394 : vector<16xf32>
      %add3A_412 = arith.addf %add3A_410, %mul3A_411 : vector<16xf32>
      %reduce_sum3A_413 = arith.constant true
      %reduce_sum3A_414 = vector.broadcast %reduce_sum3A_413 : i1 to vector<16xi1>
      %reduce_sum3A_415 = tpu.scan <sum>, %add3A_412 masked %reduce_sum3A_414 : vector<16xf32>, vector<16xi1> -> vector<16xf32>
      %reduce_sum3A_416 = vector.extract %reduce_sum3A_415[15] : f32 from vector<16xf32>
      %and3A = arith.constant 15 : i32
      %and3A_417 = arith.andi %scan3A_244, %and3A : i32
      %eq3A = vector.broadcast %and3A_417 : i32 to vector<16xi32>
      %eq3A_418 = arith.cmpi eq, %iota3A, %eq3A : vector<16xi32>
      %sub3A_419 = arith.subf %reduce_sum3A_416, %reduce_sum3A_405 : f32
      %broadcast_in_dim3A_420 = vector.broadcast %sub3A_419 : f32 to vector<16xf32>
      %select_n3A = arith.select %eq3A_418, %broadcast_in_dim3A_420, %scan3A_246 : vector<16xi1>, vector<16xf32>
      %and3A_421 = arith.constant 15 : i32
      %and3A_422 = arith.andi %scan3A_244, %and3A_421 : i32
      %eq3A_423 = arith.constant 15 : i32
      %eq3A_424 = arith.cmpi eq, %and3A_422, %eq3A_423 : i32
      %convert_element_type3A = arith.extui %eq3A_424 : i1 to i32
      %cond3A = arith.constant 0 : i32
      %cond3A_425 = arith.cmpi ne, %convert_element_type3A, %cond3A : i32
      scf.if %cond3A_425 {
        %add3A_1127 = arith.constant 128 : i32
        %add3A_1128 = arith.addi %add3A_1127, %scan3A_244 : i32
        %sub3A_1129 = arith.constant 15 : i32
        %sub3A_1130 = arith.subi %add3A_1128, %sub3A_1129 : i32
        %swap3A_1131 = arith.index_cast %sub3A_1130 : i32 to index
        %swap3A_1132 = tpu.vector_load %arg25[%swap3A_1131] {strides = array<i32>} : memref<512xf32, #tpu.memory_space<vmem>>, vector<16xf32>,
        tpu.vector_store %arg25[%swap3A_1131], %select_n3A {strides = array<i32>} : memref<512xf32, #tpu.memory_space<vmem>>, vector<16xf32>,
      } else {
      }
      %mul3A_426 = arith.mulf %sub3A, %sub3A : vector<16xf32>
      %mul3A_427 = arith.mulf %sub3A_362, %sub3A_362 : vector<16xf32>
      %add3A_428 = arith.addf %mul3A_426, %mul3A_427 : vector<16xf32>
      %mul3A_429 = arith.mulf %sub3A_364, %sub3A_364 : vector<16xf32>
      %add3A_430 = arith.addf %add3A_428, %mul3A_429 : vector<16xf32>
      %mul3A_431 = arith.mulf %sub3A_366, %sub3A_366 : vector<16xf32>
      %add3A_432 = arith.addf %add3A_430, %mul3A_431 : vector<16xf32>
      %add3A_433 = arith.addf %scan3A_245, %add3A_432 : vector<16xf32>
      %mul3A_434 = arith.mulf %get3A_296, %get3A_296 : vector<16xf32>
      %mul3A_435 = arith.mulf %get3A_299, %get3A_299 : vector<16xf32>
      %add3A_436 = arith.addf %mul3A_434, %mul3A_435 : vector<16xf32>
      %mul3A_437 = arith.mulf %get3A_302, %get3A_302 : vector<16xf32>
      %add3A_438 = arith.addf %add3A_436, %mul3A_437 : vector<16xf32>
      %mul3A_439 = arith.mulf %get3A_305, %get3A_305 : vector<16xf32>
      %add3A_440 = arith.addf %add3A_438, %mul3A_439 : vector<16xf32>
      %add3A_441 = arith.addf %add3A_433, %add3A_440 : vector<16xf32>
      %mul3A_442 = arith.mulf %sub3A_368, %sub3A_368 : vector<16xf32>
      %mul3A_443 = arith.mulf %sub3A_370, %sub3A_370 : vector<16xf32>
      %add3A_444 = arith.addf %mul3A_442, %mul3A_443 : vector<16xf32>
      %mul3A_445 = arith.mulf %sub3A_372, %sub3A_372 : vector<16xf32>
      %add3A_446 = arith.addf %add3A_444, %mul3A_445 : vector<16xf32>
      %mul3A_447 = arith.mulf %sub3A_374, %sub3A_374 : vector<16xf32>
      %add3A_448 = arith.addf %add3A_446, %mul3A_447 : vector<16xf32>
      %add3A_449 = arith.addf %add3A_441, %add3A_448 : vector<16xf32>
      %mul3A_450 = arith.mulf %sub3A_376, %sub3A_376 : vector<16xf32>
      %mul3A_451 = arith.mulf %sub3A_378, %sub3A_378 : vector<16xf32>
      %add3A_452 = arith.addf %mul3A_450, %mul3A_451 : vector<16xf32>
      %mul3A_453 = arith.mulf %sub3A_380, %sub3A_380 : vector<16xf32>
      %add3A_454 = arith.addf %add3A_452, %mul3A_453 : vector<16xf32>
      %mul3A_455 = arith.mulf %sub3A_382, %sub3A_382 : vector<16xf32>
      %add3A_456 = arith.addf %add3A_454, %mul3A_455 : vector<16xf32>
      %add3A_457 = arith.addf %add3A_449, %add3A_456 : vector<16xf32>
      %scan3A_458 = arith.constant 1 : i32
      %scan3A_459 = arith.addi %scan3A_244, %scan3A_458 : i32
      %get3A_460 = arith.index_cast %scan3A_459 : i32 to index
      %get3A_461 = arith.constant 0 : index
      %get3A_462 = tpu.vector_load %arg22[%get3A_460, %get3A_461] {strides = array<i32>} : memref<128x64xf32, #tpu.memory_space<vmem>>, vector<16xf32>,
      %get3A_463 = arith.index_cast %scan3A_459 : i32 to index
      %get3A_464 = arith.constant 16 : index
      %get3A_465 = tpu.vector_load %arg22[%get3A_463, %get3A_464] {strides = array<i32>} : memref<128x64xf32, #tpu.memory_space<vmem>>, vector<16xf32>,
      %get3A_466 = arith.index_cast %scan3A_459 : i32 to index
      %get3A_467 = arith.constant 32 : index
      %get3A_468 = tpu.vector_load %arg22[%get3A_466, %get3A_467] {strides = array<i32>} : memref<128x64xf32, #tpu.memory_space<vmem>>, vector<16xf32>,
      %get3A_469 = arith.index_cast %scan3A_459 : i32 to index
      %get3A_470 = arith.constant 48 : index
      %get3A_471 = tpu.vector_load %arg22[%get3A_469, %get3A_470] {strides = array<i32>} : memref<128x64xf32, #tpu.memory_space<vmem>>, vector<16xf32>,
      %get3A_472 = arith.index_cast %scan3A_459 : i32 to index
      %get3A_473 = arith.constant 0 : index
      %get3A_474 = tpu.vector_load %arg20[%get3A_472, %get3A_473] {strides = array<i32>} : memref<128x64xf32, #tpu.memory_space<vmem>>, vector<16xf32>,
      %get3A_475 = arith.index_cast %scan3A_459 : i32 to index
      %get3A_476 = arith.constant 16 : index
      %get3A_477 = tpu.vector_load %arg20[%get3A_475, %get3A_476] {strides = array<i32>} : memref<128x64xf32, #tpu.memory_space<vmem>>, vector<16xf32>,
      %get3A_478 = arith.index_cast %scan3A_459 : i32 to index
      %get3A_479 = arith.constant 32 : index
      %get3A_480 = tpu.vector_load %arg20[%get3A_478, %get3A_479] {strides = array<i32>} : memref<128x64xf32, #tpu.memory_space<vmem>>, vector<16xf32>,
      %get3A_481 = arith.index_cast %scan3A_459 : i32 to index
      %get3A_482 = arith.constant 48 : index
      %get3A_483 = tpu.vector_load %arg20[%get3A_481, %get3A_482] {strides = array<i32>} : memref<128x64xf32, #tpu.memory_space<vmem>>, vector<16xf32>,
      %get3A_484 = arith.index_cast %scan3A_459 : i32 to index
      %get3A_485 = arith.constant 0 : index
      %get3A_486 = tpu.vector_load %arg23[%get3A_484, %get3A_485] {strides = array<i32>} : memref<128x64xf32, #tpu.memory_space<vmem>>, vector<16xf32>,
      %get3A_487 = arith.index_cast %scan3A_459 : i32 to index
      %get3A_488 = arith.constant 16 : index
      %get3A_489 = tpu.vector_load %arg23[%get3A_487, %get3A_488] {strides = array<i32>} : memref<128x64xf32, #tpu.memory_space<vmem>>, vector<16xf32>,
      %get3A_490 = arith.index_cast %scan3A_459 : i32 to index
      %get3A_491 = arith.constant 32 : index
      %get3A_492 = tpu.vector_load %arg23[%get3A_490, %get3A_491] {strides = array<i32>} : memref<128x64xf32, #tpu.memory_space<vmem>>, vector<16xf32>,
      %get3A_493 = arith.index_cast %scan3A_459 : i32 to index
      %get3A_494 = arith.constant 48 : index
      %get3A_495 = tpu.vector_load %arg23[%get3A_493, %get3A_494] {strides = array<i32>} : memref<128x64xf32, #tpu.memory_space<vmem>>, vector<16xf32>,
      %get3A_496 = arith.index_cast %scan3A_459 : i32 to index
      %get3A_497 = arith.constant 0 : index
      %get3A_498 = tpu.vector_load %arg24[%get3A_496, %get3A_497] {strides = array<i32>} : memref<128x64xf32, #tpu.memory_space<vmem>>, vector<16xf32>,
      %get3A_499 = arith.index_cast %scan3A_459 : i32 to index
      %get3A_500 = arith.constant 16 : index
      %get3A_501 = tpu.vector_load %arg24[%get3A_499, %get3A_500] {strides = array<i32>} : memref<128x64xf32, #tpu.memory_space<vmem>>, vector<16xf32>,
      %get3A_502 = arith.index_cast %scan3A_459 : i32 to index
      %get3A_503 = arith.constant 32 : index
      %get3A_504 = tpu.vector_load %arg24[%get3A_502, %get3A_503] {strides = array<i32>} : memref<128x64xf32, #tpu.memory_space<vmem>>, vector<16xf32>,
      %get3A_505 = arith.index_cast %scan3A_459 : i32 to index
      %get3A_506 = arith.constant 48 : index
      %get3A_507 = tpu.vector_load %arg24[%get3A_505, %get3A_506] {strides = array<i32>} : memref<128x64xf32, #tpu.memory_space<vmem>>, vector<16xf32>,
      %get3A_508 = arith.index_cast %scan3A_459 : i32 to index
      %get3A_509 = arith.constant 0 : index
      %get3A_510 = tpu.vector_load %arg21[%get3A_508, %get3A_509] {strides = array<i32>} : memref<128x64xf32, #tpu.memory_space<vmem>>, vector<16xf32>,
      %get3A_511 = arith.index_cast %scan3A_459 : i32 to index
      %get3A_512 = arith.constant 16 : index
      %get3A_513 = tpu.vector_load %arg21[%get3A_511, %get3A_512] {strides = array<i32>} : memref<128x64xf32, #tpu.memory_space<vmem>>, vector<16xf32>,
      %get3A_514 = arith.index_cast %scan3A_459 : i32 to index
      %get3A_515 = arith.constant 32 : index
      %get3A_516 = tpu.vector_load %arg21[%get3A_514, %get3A_515] {strides = array<i32>} : memref<128x64xf32, #tpu.memory_space<vmem>>, vector<16xf32>,
      %get3A_517 = arith.index_cast %scan3A_459 : i32 to index
      %get3A_518 = arith.constant 48 : index
      %get3A_519 = tpu.vector_load %arg21[%get3A_517, %get3A_518] {strides = array<i32>} : memref<128x64xf32, #tpu.memory_space<vmem>>, vector<16xf32>,
      %mul3A_520 = arith.mulf %get3A_462, %get3A_462 : vector<16xf32>
      %mul3A_521 = arith.mulf %get3A_465, %get3A_465 : vector<16xf32>
      %add3A_522 = arith.addf %mul3A_520, %mul3A_521 : vector<16xf32>
      %mul3A_523 = arith.mulf %get3A_468, %get3A_468 : vector<16xf32>
      %add3A_524 = arith.addf %add3A_522, %mul3A_523 : vector<16xf32>
      %mul3A_525 = arith.mulf %get3A_471, %get3A_471 : vector<16xf32>
      %add3A_526 = arith.addf %add3A_524, %mul3A_525 : vector<16xf32>
      %reduce_sum3A_527 = arith.constant true
      %reduce_sum3A_528 = vector.broadcast %reduce_sum3A_527 : i1 to vector<16xi1>
      %reduce_sum3A_529 = tpu.scan <sum>, %add3A_526 masked %reduce_sum3A_528 : vector<16xf32>, vector<16xi1> -> vector<16xf32>
      %reduce_sum3A_530 = vector.extract %reduce_sum3A_529[15] : f32 from vector<16xf32>
      %broadcast_in_dim3A_531 = vector.broadcast %reduce_sum3A_530 : f32 to vector<16xf32>
      %max3A_532 = arith.constant 1.000000e-24 : f32
      %max3A_533 = vector.broadcast %max3A_532 : f32 to vector<16xf32>
      %max3A_534 = arith.maximumf %broadcast_in_dim3A_531, %max3A_533 : vector<16xf32>
      %div3A_535 = arith.constant 1.000000e+00 : f32
      %div3A_536 = vector.broadcast %div3A_535 : f32 to vector<16xf32>
      %div3A_537 = arith.divf %div3A_536, %max3A_534 : vector<16xf32>
      %mul3A_538 = arith.mulf %get3A_474, %get3A_462 : vector<16xf32>
      %mul3A_539 = arith.mulf %get3A_477, %get3A_465 : vector<16xf32>
      %add3A_540 = arith.addf %mul3A_538, %mul3A_539 : vector<16xf32>
      %mul3A_541 = arith.mulf %get3A_480, %get3A_468 : vector<16xf32>
      %add3A_542 = arith.addf %add3A_540, %mul3A_541 : vector<16xf32>
      %mul3A_543 = arith.mulf %get3A_483, %get3A_471 : vector<16xf32>
      %add3A_544 = arith.addf %add3A_542, %mul3A_543 : vector<16xf32>
      %reduce_sum3A_545 = arith.constant true
      %reduce_sum3A_546 = vector.broadcast %reduce_sum3A_545 : i1 to vector<16xi1>
      %reduce_sum3A_547 = tpu.scan <sum>, %add3A_544 masked %reduce_sum3A_546 : vector<16xf32>, vector<16xi1> -> vector<16xf32>
      %reduce_sum3A_548 = vector.extract %reduce_sum3A_547[15] : f32 from vector<16xf32>
      %broadcast_in_dim3A_549 = vector.broadcast %reduce_sum3A_548 : f32 to vector<16xf32>
      %mul3A_550 = arith.mulf %get3A_486, %get3A_462 : vector<16xf32>
      %mul3A_551 = arith.mulf %get3A_489, %get3A_465 : vector<16xf32>
      %add3A_552 = arith.addf %mul3A_550, %mul3A_551 : vector<16xf32>
      %mul3A_553 = arith.mulf %get3A_492, %get3A_468 : vector<16xf32>
      %add3A_554 = arith.addf %add3A_552, %mul3A_553 : vector<16xf32>
      %mul3A_555 = arith.mulf %get3A_495, %get3A_471 : vector<16xf32>
      %add3A_556 = arith.addf %add3A_554, %mul3A_555 : vector<16xf32>
      %reduce_sum3A_557 = arith.constant true
      %reduce_sum3A_558 = vector.broadcast %reduce_sum3A_557 : i1 to vector<16xi1>
      %reduce_sum3A_559 = tpu.scan <sum>, %add3A_556 masked %reduce_sum3A_558 : vector<16xf32>, vector<16xi1> -> vector<16xf32>
      %reduce_sum3A_560 = vector.extract %reduce_sum3A_559[15] : f32 from vector<16xf32>
      %broadcast_in_dim3A_561 = vector.broadcast %reduce_sum3A_560 : f32 to vector<16xf32>
      %mul3A_562 = arith.mulf %get3A_498, %get3A_462 : vector<16xf32>
      %mul3A_563 = arith.mulf %get3A_501, %get3A_465 : vector<16xf32>
      %add3A_564 = arith.addf %mul3A_562, %mul3A_563 : vector<16xf32>
      %mul3A_565 = arith.mulf %get3A_504, %get3A_468 : vector<16xf32>
      %add3A_566 = arith.addf %add3A_564, %mul3A_565 : vector<16xf32>
      %mul3A_567 = arith.mulf %get3A_507, %get3A_471 : vector<16xf32>
      %add3A_568 = arith.addf %add3A_566, %mul3A_567 : vector<16xf32>
      %reduce_sum3A_569 = arith.constant true
      %reduce_sum3A_570 = vector.broadcast %reduce_sum3A_569 : i1 to vector<16xi1>
      %reduce_sum3A_571 = tpu.scan <sum>, %add3A_568 masked %reduce_sum3A_570 : vector<16xf32>, vector<16xi1> -> vector<16xf32>
      %reduce_sum3A_572 = vector.extract %reduce_sum3A_571[15] : f32 from vector<16xf32>
      %broadcast_in_dim3A_573 = vector.broadcast %reduce_sum3A_572 : f32 to vector<16xf32>
      %mul3A_574 = arith.mulf %broadcast_in_dim3A_549, %div3A_537 : vector<16xf32>
      %mul3A_575 = arith.mulf %broadcast_in_dim3A_561, %div3A_537 : vector<16xf32>
      %mul3A_576 = arith.mulf %broadcast_in_dim3A_573, %div3A_537 : vector<16xf32>
      %mul3A_577 = arith.mulf %mul3A_574, %get3A_462 : vector<16xf32>
      %sub3A_578 = arith.subf %get3A_474, %mul3A_577 : vector<16xf32>
      %mul3A_579 = arith.mulf %mul3A_574, %get3A_465 : vector<16xf32>
      %sub3A_580 = arith.subf %get3A_477, %mul3A_579 : vector<16xf32>
      %mul3A_581 = arith.mulf %mul3A_574, %get3A_468 : vector<16xf32>
      %sub3A_582 = arith.subf %get3A_480, %mul3A_581 : vector<16xf32>
      %mul3A_583 = arith.mulf %mul3A_574, %get3A_471 : vector<16xf32>
      %sub3A_584 = arith.subf %get3A_483, %mul3A_583 : vector<16xf32>
      %mul3A_585 = arith.mulf %mul3A_575, %get3A_462 : vector<16xf32>
      %sub3A_586 = arith.subf %get3A_486, %mul3A_585 : vector<16xf32>
      %mul3A_587 = arith.mulf %mul3A_575, %get3A_465 : vector<16xf32>
      %sub3A_588 = arith.subf %get3A_489, %mul3A_587 : vector<16xf32>
      %mul3A_589 = arith.mulf %mul3A_575, %get3A_468 : vector<16xf32>
      %sub3A_590 = arith.subf %get3A_492, %mul3A_589 : vector<16xf32>
      %mul3A_591 = arith.mulf %mul3A_575, %get3A_471 : vector<16xf32>
      %sub3A_592 = arith.subf %get3A_495, %mul3A_591 : vector<16xf32>
      %mul3A_593 = arith.mulf %mul3A_576, %get3A_462 : vector<16xf32>
      %sub3A_594 = arith.subf %get3A_498, %mul3A_593 : vector<16xf32>
      %mul3A_595 = arith.mulf %mul3A_576, %get3A_465 : vector<16xf32>
      %sub3A_596 = arith.subf %get3A_501, %mul3A_595 : vector<16xf32>
      %mul3A_597 = arith.mulf %mul3A_576, %get3A_468 : vector<16xf32>
      %sub3A_598 = arith.subf %get3A_504, %mul3A_597 : vector<16xf32>
      %mul3A_599 = arith.mulf %mul3A_576, %get3A_471 : vector<16xf32>
      %sub3A_600 = arith.subf %get3A_507, %mul3A_599 : vector<16xf32>
      %add3A_601 = arith.addf %sub3A_578, %get3A_510 : vector<16xf32>
      %add3A_602 = arith.addf %sub3A_580, %get3A_513 : vector<16xf32>
      %add3A_603 = arith.addf %sub3A_582, %get3A_516 : vector<16xf32>
      %add3A_604 = arith.addf %sub3A_584, %get3A_519 : vector<16xf32>
      %sub3A_605 = arith.subf %add3A_601, %sub3A_586 : vector<16xf32>
      %sub3A_606 = arith.subf %add3A_602, %sub3A_588 : vector<16xf32>
      %sub3A_607 = arith.subf %add3A_603, %sub3A_590 : vector<16xf32>
      %sub3A_608 = arith.subf %add3A_604, %sub3A_592 : vector<16xf32>
      %sub3A_609 = arith.subf %add3A_601, %sub3A_594 : vector<16xf32>
      %sub3A_610 = arith.subf %add3A_602, %sub3A_596 : vector<16xf32>
      %sub3A_611 = arith.subf %add3A_603, %sub3A_598 : vector<16xf32>
      %sub3A_612 = arith.subf %add3A_604, %sub3A_600 : vector<16xf32>
      %mul3A_613 = arith.mulf %sub3A_605, %sub3A_605 : vector<16xf32>
      %mul3A_614 = arith.mulf %sub3A_606, %sub3A_606 : vector<16xf32>
      %add3A_615 = arith.addf %mul3A_613, %mul3A_614 : vector<16xf32>
      %mul3A_616 = arith.mulf %sub3A_607, %sub3A_607 : vector<16xf32>
      %add3A_617 = arith.addf %add3A_615, %mul3A_616 : vector<16xf32>
      %mul3A_618 = arith.mulf %sub3A_608, %sub3A_608 : vector<16xf32>
      %add3A_619 = arith.addf %add3A_617, %mul3A_618 : vector<16xf32>
      %reduce_sum3A_620 = arith.constant true
      %reduce_sum3A_621 = vector.broadcast %reduce_sum3A_620 : i1 to vector<16xi1>
      %reduce_sum3A_622 = tpu.scan <sum>, %add3A_619 masked %reduce_sum3A_621 : vector<16xf32>, vector<16xi1> -> vector<16xf32>
      %reduce_sum3A_623 = vector.extract %reduce_sum3A_622[15] : f32 from vector<16xf32>
      %mul3A_624 = arith.mulf %sub3A_609, %sub3A_609 : vector<16xf32>
      %mul3A_625 = arith.mulf %sub3A_610, %sub3A_610 : vector<16xf32>
      %add3A_626 = arith.addf %mul3A_624, %mul3A_625 : vector<16xf32>
      %mul3A_627 = arith.mulf %sub3A_611, %sub3A_611 : vector<16xf32>
      %add3A_628 = arith.addf %add3A_626, %mul3A_627 : vector<16xf32>
      %mul3A_629 = arith.mulf %sub3A_612, %sub3A_612 : vector<16xf32>
      %add3A_630 = arith.addf %add3A_628, %mul3A_629 : vector<16xf32>
      %reduce_sum3A_631 = arith.constant true
      %reduce_sum3A_632 = vector.broadcast %reduce_sum3A_631 : i1 to vector<16xi1>
      %reduce_sum3A_633 = tpu.scan <sum>, %add3A_630 masked %reduce_sum3A_632 : vector<16xf32>, vector<16xi1> -> vector<16xf32>
      %reduce_sum3A_634 = vector.extract %reduce_sum3A_633[15] : f32 from vector<16xf32>
      %and3A_635 = arith.constant 15 : i32
      %and3A_636 = arith.andi %scan3A_459, %and3A_635 : i32
      %eq3A_637 = vector.broadcast %and3A_636 : i32 to vector<16xi32>
      %eq3A_638 = arith.cmpi eq, %iota3A, %eq3A_637 : vector<16xi32>
      %sub3A_639 = arith.subf %reduce_sum3A_634, %reduce_sum3A_623 : f32
      %broadcast_in_dim3A_640 = vector.broadcast %sub3A_639 : f32 to vector<16xf32>
      %select_n3A_641 = arith.select %eq3A_638, %broadcast_in_dim3A_640, %select_n3A : vector<16xi1>, vector<16xf32>
      %and3A_642 = arith.constant 15 : i32
      %and3A_643 = arith.andi %scan3A_459, %and3A_642 : i32
      %eq3A_644 = arith.constant 15 : i32
      %eq3A_645 = arith.cmpi eq, %and3A_643, %eq3A_644 : i32
      %convert_element_type3A_646 = arith.extui %eq3A_645 : i1 to i32
      %cond3A_647 = arith.constant 0 : i32
      %cond3A_648 = arith.cmpi ne, %convert_element_type3A_646, %cond3A_647 : i32
      scf.if %cond3A_648 {
        %add3A_1127 = arith.constant 128 : i32
        %add3A_1128 = arith.addi %add3A_1127, %scan3A_459 : i32
        %sub3A_1129 = arith.constant 15 : i32
        %sub3A_1130 = arith.subi %add3A_1128, %sub3A_1129 : i32
        %swap3A_1131 = arith.index_cast %sub3A_1130 : i32 to index
        %swap3A_1132 = tpu.vector_load %arg25[%swap3A_1131] {strides = array<i32>} : memref<512xf32, #tpu.memory_space<vmem>>, vector<16xf32>,
        tpu.vector_store %arg25[%swap3A_1131], %select_n3A_641 {strides = array<i32>} : memref<512xf32, #tpu.memory_space<vmem>>, vector<16xf32>,
      } else {
      }
      %mul3A_649 = arith.mulf %sub3A_578, %sub3A_578 : vector<16xf32>
      %mul3A_650 = arith.mulf %sub3A_580, %sub3A_580 : vector<16xf32>
      %add3A_651 = arith.addf %mul3A_649, %mul3A_650 : vector<16xf32>
      %mul3A_652 = arith.mulf %sub3A_582, %sub3A_582 : vector<16xf32>
      %add3A_653 = arith.addf %add3A_651, %mul3A_652 : vector<16xf32>
      %mul3A_654 = arith.mulf %sub3A_584, %sub3A_584 : vector<16xf32>
      %add3A_655 = arith.addf %add3A_653, %mul3A_654 : vector<16xf32>
      %add3A_656 = arith.addf %add3A_457, %add3A_655 : vector<16xf32>
      %mul3A_657 = arith.mulf %get3A_510, %get3A_510 : vector<16xf32>
      %mul3A_658 = arith.mulf %get3A_513, %get3A_513 : vector<16xf32>
      %add3A_659 = arith.addf %mul3A_657, %mul3A_658 : vector<16xf32>
      %mul3A_660 = arith.mulf %get3A_516, %get3A_516 : vector<16xf32>
      %add3A_661 = arith.addf %add3A_659, %mul3A_660 : vector<16xf32>
      %mul3A_662 = arith.mulf %get3A_519, %get3A_519 : vector<16xf32>
      %add3A_663 = arith.addf %add3A_661, %mul3A_662 : vector<16xf32>
      %add3A_664 = arith.addf %add3A_656, %add3A_663 : vector<16xf32>
      %mul3A_665 = arith.mulf %sub3A_586, %sub3A_586 : vector<16xf32>
      %mul3A_666 = arith.mulf %sub3A_588, %sub3A_588 : vector<16xf32>
      %add3A_667 = arith.addf %mul3A_665, %mul3A_666 : vector<16xf32>
      %mul3A_668 = arith.mulf %sub3A_590, %sub3A_590 : vector<16xf32>
      %add3A_669 = arith.addf %add3A_667, %mul3A_668 : vector<16xf32>
      %mul3A_670 = arith.mulf %sub3A_592, %sub3A_592 : vector<16xf32>
      %add3A_671 = arith.addf %add3A_669, %mul3A_670 : vector<16xf32>
      %add3A_672 = arith.addf %add3A_664, %add3A_671 : vector<16xf32>
      %mul3A_673 = arith.mulf %sub3A_594, %sub3A_594 : vector<16xf32>
      %mul3A_674 = arith.mulf %sub3A_596, %sub3A_596 : vector<16xf32>
      %add3A_675 = arith.addf %mul3A_673, %mul3A_674 : vector<16xf32>
      %mul3A_676 = arith.mulf %sub3A_598, %sub3A_598 : vector<16xf32>
      %add3A_677 = arith.addf %add3A_675, %mul3A_676 : vector<16xf32>
      %mul3A_678 = arith.mulf %sub3A_600, %sub3A_600 : vector<16xf32>
      %add3A_679 = arith.addf %add3A_677, %mul3A_678 : vector<16xf32>
      %add3A_680 = arith.addf %add3A_672, %add3A_679 : vector<16xf32>
      %scan3A_681 = arith.constant 2 : i32
      %scan3A_682 = arith.addi %scan3A_244, %scan3A_681 : i32
      %get3A_683 = arith.index_cast %scan3A_682 : i32 to index
      %get3A_684 = arith.constant 0 : index
      %get3A_685 = tpu.vector_load %arg22[%get3A_683, %get3A_684] {strides = array<i32>} : memref<128x64xf32, #tpu.memory_space<vmem>>, vector<16xf32>,
      %get3A_686 = arith.index_cast %scan3A_682 : i32 to index
      %get3A_687 = arith.constant 16 : index
      %get3A_688 = tpu.vector_load %arg22[%get3A_686, %get3A_687] {strides = array<i32>} : memref<128x64xf32, #tpu.memory_space<vmem>>, vector<16xf32>,
      %get3A_689 = arith.index_cast %scan3A_682 : i32 to index
      %get3A_690 = arith.constant 32 : index
      %get3A_691 = tpu.vector_load %arg22[%get3A_689, %get3A_690] {strides = array<i32>} : memref<128x64xf32, #tpu.memory_space<vmem>>, vector<16xf32>,
      %get3A_692 = arith.index_cast %scan3A_682 : i32 to index
      %get3A_693 = arith.constant 48 : index
      %get3A_694 = tpu.vector_load %arg22[%get3A_692, %get3A_693] {strides = array<i32>} : memref<128x64xf32, #tpu.memory_space<vmem>>, vector<16xf32>,
      %get3A_695 = arith.index_cast %scan3A_682 : i32 to index
      %get3A_696 = arith.constant 0 : index
      %get3A_697 = tpu.vector_load %arg20[%get3A_695, %get3A_696] {strides = array<i32>} : memref<128x64xf32, #tpu.memory_space<vmem>>, vector<16xf32>,
      %get3A_698 = arith.index_cast %scan3A_682 : i32 to index
      %get3A_699 = arith.constant 16 : index
      %get3A_700 = tpu.vector_load %arg20[%get3A_698, %get3A_699] {strides = array<i32>} : memref<128x64xf32, #tpu.memory_space<vmem>>, vector<16xf32>,
      %get3A_701 = arith.index_cast %scan3A_682 : i32 to index
      %get3A_702 = arith.constant 32 : index
      %get3A_703 = tpu.vector_load %arg20[%get3A_701, %get3A_702] {strides = array<i32>} : memref<128x64xf32, #tpu.memory_space<vmem>>, vector<16xf32>,
      %get3A_704 = arith.index_cast %scan3A_682 : i32 to index
      %get3A_705 = arith.constant 48 : index
      %get3A_706 = tpu.vector_load %arg20[%get3A_704, %get3A_705] {strides = array<i32>} : memref<128x64xf32, #tpu.memory_space<vmem>>, vector<16xf32>,
      %get3A_707 = arith.index_cast %scan3A_682 : i32 to index
      %get3A_708 = arith.constant 0 : index
      %get3A_709 = tpu.vector_load %arg23[%get3A_707, %get3A_708] {strides = array<i32>} : memref<128x64xf32, #tpu.memory_space<vmem>>, vector<16xf32>,
      %get3A_710 = arith.index_cast %scan3A_682 : i32 to index
      %get3A_711 = arith.constant 16 : index
      %get3A_712 = tpu.vector_load %arg23[%get3A_710, %get3A_711] {strides = array<i32>} : memref<128x64xf32, #tpu.memory_space<vmem>>, vector<16xf32>,
      %get3A_713 = arith.index_cast %scan3A_682 : i32 to index
      %get3A_714 = arith.constant 32 : index
      %get3A_715 = tpu.vector_load %arg23[%get3A_713, %get3A_714] {strides = array<i32>} : memref<128x64xf32, #tpu.memory_space<vmem>>, vector<16xf32>,
      %get3A_716 = arith.index_cast %scan3A_682 : i32 to index
      %get3A_717 = arith.constant 48 : index
      %get3A_718 = tpu.vector_load %arg23[%get3A_716, %get3A_717] {strides = array<i32>} : memref<128x64xf32, #tpu.memory_space<vmem>>, vector<16xf32>,
      %get3A_719 = arith.index_cast %scan3A_682 : i32 to index
      %get3A_720 = arith.constant 0 : index
      %get3A_721 = tpu.vector_load %arg24[%get3A_719, %get3A_720] {strides = array<i32>} : memref<128x64xf32, #tpu.memory_space<vmem>>, vector<16xf32>,
      %get3A_722 = arith.index_cast %scan3A_682 : i32 to index
      %get3A_723 = arith.constant 16 : index
      %get3A_724 = tpu.vector_load %arg24[%get3A_722, %get3A_723] {strides = array<i32>} : memref<128x64xf32, #tpu.memory_space<vmem>>, vector<16xf32>,
      %get3A_725 = arith.index_cast %scan3A_682 : i32 to index
      %get3A_726 = arith.constant 32 : index
      %get3A_727 = tpu.vector_load %arg24[%get3A_725, %get3A_726] {strides = array<i32>} : memref<128x64xf32, #tpu.memory_space<vmem>>, vector<16xf32>,
      %get3A_728 = arith.index_cast %scan3A_682 : i32 to index
      %get3A_729 = arith.constant 48 : index
      %get3A_730 = tpu.vector_load %arg24[%get3A_728, %get3A_729] {strides = array<i32>} : memref<128x64xf32, #tpu.memory_space<vmem>>, vector<16xf32>,
      %get3A_731 = arith.index_cast %scan3A_682 : i32 to index
      %get3A_732 = arith.constant 0 : index
      %get3A_733 = tpu.vector_load %arg21[%get3A_731, %get3A_732] {strides = array<i32>} : memref<128x64xf32, #tpu.memory_space<vmem>>, vector<16xf32>,
      %get3A_734 = arith.index_cast %scan3A_682 : i32 to index
      %get3A_735 = arith.constant 16 : index
      %get3A_736 = tpu.vector_load %arg21[%get3A_734, %get3A_735] {strides = array<i32>} : memref<128x64xf32, #tpu.memory_space<vmem>>, vector<16xf32>,
      %get3A_737 = arith.index_cast %scan3A_682 : i32 to index
      %get3A_738 = arith.constant 32 : index
      %get3A_739 = tpu.vector_load %arg21[%get3A_737, %get3A_738] {strides = array<i32>} : memref<128x64xf32, #tpu.memory_space<vmem>>, vector<16xf32>,
      %get3A_740 = arith.index_cast %scan3A_682 : i32 to index
      %get3A_741 = arith.constant 48 : index
      %get3A_742 = tpu.vector_load %arg21[%get3A_740, %get3A_741] {strides = array<i32>} : memref<128x64xf32, #tpu.memory_space<vmem>>, vector<16xf32>,
      %mul3A_743 = arith.mulf %get3A_685, %get3A_685 : vector<16xf32>
      %mul3A_744 = arith.mulf %get3A_688, %get3A_688 : vector<16xf32>
      %add3A_745 = arith.addf %mul3A_743, %mul3A_744 : vector<16xf32>
      %mul3A_746 = arith.mulf %get3A_691, %get3A_691 : vector<16xf32>
      %add3A_747 = arith.addf %add3A_745, %mul3A_746 : vector<16xf32>
      %mul3A_748 = arith.mulf %get3A_694, %get3A_694 : vector<16xf32>
      %add3A_749 = arith.addf %add3A_747, %mul3A_748 : vector<16xf32>
      %reduce_sum3A_750 = arith.constant true
      %reduce_sum3A_751 = vector.broadcast %reduce_sum3A_750 : i1 to vector<16xi1>
      %reduce_sum3A_752 = tpu.scan <sum>, %add3A_749 masked %reduce_sum3A_751 : vector<16xf32>, vector<16xi1> -> vector<16xf32>
      %reduce_sum3A_753 = vector.extract %reduce_sum3A_752[15] : f32 from vector<16xf32>
      %broadcast_in_dim3A_754 = vector.broadcast %reduce_sum3A_753 : f32 to vector<16xf32>
      %max3A_755 = arith.constant 1.000000e-24 : f32
      %max3A_756 = vector.broadcast %max3A_755 : f32 to vector<16xf32>
      %max3A_757 = arith.maximumf %broadcast_in_dim3A_754, %max3A_756 : vector<16xf32>
      %div3A_758 = arith.constant 1.000000e+00 : f32
      %div3A_759 = vector.broadcast %div3A_758 : f32 to vector<16xf32>
      %div3A_760 = arith.divf %div3A_759, %max3A_757 : vector<16xf32>
      %mul3A_761 = arith.mulf %get3A_697, %get3A_685 : vector<16xf32>
      %mul3A_762 = arith.mulf %get3A_700, %get3A_688 : vector<16xf32>
      %add3A_763 = arith.addf %mul3A_761, %mul3A_762 : vector<16xf32>
      %mul3A_764 = arith.mulf %get3A_703, %get3A_691 : vector<16xf32>
      %add3A_765 = arith.addf %add3A_763, %mul3A_764 : vector<16xf32>
      %mul3A_766 = arith.mulf %get3A_706, %get3A_694 : vector<16xf32>
      %add3A_767 = arith.addf %add3A_765, %mul3A_766 : vector<16xf32>
      %reduce_sum3A_768 = arith.constant true
      %reduce_sum3A_769 = vector.broadcast %reduce_sum3A_768 : i1 to vector<16xi1>
      %reduce_sum3A_770 = tpu.scan <sum>, %add3A_767 masked %reduce_sum3A_769 : vector<16xf32>, vector<16xi1> -> vector<16xf32>
      %reduce_sum3A_771 = vector.extract %reduce_sum3A_770[15] : f32 from vector<16xf32>
      %broadcast_in_dim3A_772 = vector.broadcast %reduce_sum3A_771 : f32 to vector<16xf32>
      %mul3A_773 = arith.mulf %get3A_709, %get3A_685 : vector<16xf32>
      %mul3A_774 = arith.mulf %get3A_712, %get3A_688 : vector<16xf32>
      %add3A_775 = arith.addf %mul3A_773, %mul3A_774 : vector<16xf32>
      %mul3A_776 = arith.mulf %get3A_715, %get3A_691 : vector<16xf32>
      %add3A_777 = arith.addf %add3A_775, %mul3A_776 : vector<16xf32>
      %mul3A_778 = arith.mulf %get3A_718, %get3A_694 : vector<16xf32>
      %add3A_779 = arith.addf %add3A_777, %mul3A_778 : vector<16xf32>
      %reduce_sum3A_780 = arith.constant true
      %reduce_sum3A_781 = vector.broadcast %reduce_sum3A_780 : i1 to vector<16xi1>
      %reduce_sum3A_782 = tpu.scan <sum>, %add3A_779 masked %reduce_sum3A_781 : vector<16xf32>, vector<16xi1> -> vector<16xf32>
      %reduce_sum3A_783 = vector.extract %reduce_sum3A_782[15] : f32 from vector<16xf32>
      %broadcast_in_dim3A_784 = vector.broadcast %reduce_sum3A_783 : f32 to vector<16xf32>
      %mul3A_785 = arith.mulf %get3A_721, %get3A_685 : vector<16xf32>
      %mul3A_786 = arith.mulf %get3A_724, %get3A_688 : vector<16xf32>
      %add3A_787 = arith.addf %mul3A_785, %mul3A_786 : vector<16xf32>
      %mul3A_788 = arith.mulf %get3A_727, %get3A_691 : vector<16xf32>
      %add3A_789 = arith.addf %add3A_787, %mul3A_788 : vector<16xf32>
      %mul3A_790 = arith.mulf %get3A_730, %get3A_694 : vector<16xf32>
      %add3A_791 = arith.addf %add3A_789, %mul3A_790 : vector<16xf32>
      %reduce_sum3A_792 = arith.constant true
      %reduce_sum3A_793 = vector.broadcast %reduce_sum3A_792 : i1 to vector<16xi1>
      %reduce_sum3A_794 = tpu.scan <sum>, %add3A_791 masked %reduce_sum3A_793 : vector<16xf32>, vector<16xi1> -> vector<16xf32>
      %reduce_sum3A_795 = vector.extract %reduce_sum3A_794[15] : f32 from vector<16xf32>
      %broadcast_in_dim3A_796 = vector.broadcast %reduce_sum3A_795 : f32 to vector<16xf32>
      %mul3A_797 = arith.mulf %broadcast_in_dim3A_772, %div3A_760 : vector<16xf32>
      %mul3A_798 = arith.mulf %broadcast_in_dim3A_784, %div3A_760 : vector<16xf32>
      %mul3A_799 = arith.mulf %broadcast_in_dim3A_796, %div3A_760 : vector<16xf32>
      %mul3A_800 = arith.mulf %mul3A_797, %get3A_685 : vector<16xf32>
      %sub3A_801 = arith.subf %get3A_697, %mul3A_800 : vector<16xf32>
      %mul3A_802 = arith.mulf %mul3A_797, %get3A_688 : vector<16xf32>
      %sub3A_803 = arith.subf %get3A_700, %mul3A_802 : vector<16xf32>
      %mul3A_804 = arith.mulf %mul3A_797, %get3A_691 : vector<16xf32>
      %sub3A_805 = arith.subf %get3A_703, %mul3A_804 : vector<16xf32>
      %mul3A_806 = arith.mulf %mul3A_797, %get3A_694 : vector<16xf32>
      %sub3A_807 = arith.subf %get3A_706, %mul3A_806 : vector<16xf32>
      %mul3A_808 = arith.mulf %mul3A_798, %get3A_685 : vector<16xf32>
      %sub3A_809 = arith.subf %get3A_709, %mul3A_808 : vector<16xf32>
      %mul3A_810 = arith.mulf %mul3A_798, %get3A_688 : vector<16xf32>
      %sub3A_811 = arith.subf %get3A_712, %mul3A_810 : vector<16xf32>
      %mul3A_812 = arith.mulf %mul3A_798, %get3A_691 : vector<16xf32>
      %sub3A_813 = arith.subf %get3A_715, %mul3A_812 : vector<16xf32>
      %mul3A_814 = arith.mulf %mul3A_798, %get3A_694 : vector<16xf32>
      %sub3A_815 = arith.subf %get3A_718, %mul3A_814 : vector<16xf32>
      %mul3A_816 = arith.mulf %mul3A_799, %get3A_685 : vector<16xf32>
      %sub3A_817 = arith.subf %get3A_721, %mul3A_816 : vector<16xf32>
      %mul3A_818 = arith.mulf %mul3A_799, %get3A_688 : vector<16xf32>
      %sub3A_819 = arith.subf %get3A_724, %mul3A_818 : vector<16xf32>
      %mul3A_820 = arith.mulf %mul3A_799, %get3A_691 : vector<16xf32>
      %sub3A_821 = arith.subf %get3A_727, %mul3A_820 : vector<16xf32>
      %mul3A_822 = arith.mulf %mul3A_799, %get3A_694 : vector<16xf32>
      %sub3A_823 = arith.subf %get3A_730, %mul3A_822 : vector<16xf32>
      %add3A_824 = arith.addf %sub3A_801, %get3A_733 : vector<16xf32>
      %add3A_825 = arith.addf %sub3A_803, %get3A_736 : vector<16xf32>
      %add3A_826 = arith.addf %sub3A_805, %get3A_739 : vector<16xf32>
      %add3A_827 = arith.addf %sub3A_807, %get3A_742 : vector<16xf32>
      %sub3A_828 = arith.subf %add3A_824, %sub3A_809 : vector<16xf32>
      %sub3A_829 = arith.subf %add3A_825, %sub3A_811 : vector<16xf32>
      %sub3A_830 = arith.subf %add3A_826, %sub3A_813 : vector<16xf32>
      %sub3A_831 = arith.subf %add3A_827, %sub3A_815 : vector<16xf32>
      %sub3A_832 = arith.subf %add3A_824, %sub3A_817 : vector<16xf32>
      %sub3A_833 = arith.subf %add3A_825, %sub3A_819 : vector<16xf32>
      %sub3A_834 = arith.subf %add3A_826, %sub3A_821 : vector<16xf32>
      %sub3A_835 = arith.subf %add3A_827, %sub3A_823 : vector<16xf32>
      %mul3A_836 = arith.mulf %sub3A_828, %sub3A_828 : vector<16xf32>
      %mul3A_837 = arith.mulf %sub3A_829, %sub3A_829 : vector<16xf32>
      %add3A_838 = arith.addf %mul3A_836, %mul3A_837 : vector<16xf32>
      %mul3A_839 = arith.mulf %sub3A_830, %sub3A_830 : vector<16xf32>
      %add3A_840 = arith.addf %add3A_838, %mul3A_839 : vector<16xf32>
      %mul3A_841 = arith.mulf %sub3A_831, %sub3A_831 : vector<16xf32>
      %add3A_842 = arith.addf %add3A_840, %mul3A_841 : vector<16xf32>
      %reduce_sum3A_843 = arith.constant true
      %reduce_sum3A_844 = vector.broadcast %reduce_sum3A_843 : i1 to vector<16xi1>
      %reduce_sum3A_845 = tpu.scan <sum>, %add3A_842 masked %reduce_sum3A_844 : vector<16xf32>, vector<16xi1> -> vector<16xf32>
      %reduce_sum3A_846 = vector.extract %reduce_sum3A_845[15] : f32 from vector<16xf32>
      %mul3A_847 = arith.mulf %sub3A_832, %sub3A_832 : vector<16xf32>
      %mul3A_848 = arith.mulf %sub3A_833, %sub3A_833 : vector<16xf32>
      %add3A_849 = arith.addf %mul3A_847, %mul3A_848 : vector<16xf32>
      %mul3A_850 = arith.mulf %sub3A_834, %sub3A_834 : vector<16xf32>
      %add3A_851 = arith.addf %add3A_849, %mul3A_850 : vector<16xf32>
      %mul3A_852 = arith.mulf %sub3A_835, %sub3A_835 : vector<16xf32>
      %add3A_853 = arith.addf %add3A_851, %mul3A_852 : vector<16xf32>
      %reduce_sum3A_854 = arith.constant true
      %reduce_sum3A_855 = vector.broadcast %reduce_sum3A_854 : i1 to vector<16xi1>
      %reduce_sum3A_856 = tpu.scan <sum>, %add3A_853 masked %reduce_sum3A_855 : vector<16xf32>, vector<16xi1> -> vector<16xf32>
      %reduce_sum3A_857 = vector.extract %reduce_sum3A_856[15] : f32 from vector<16xf32>
      %and3A_858 = arith.constant 15 : i32
      %and3A_859 = arith.andi %scan3A_682, %and3A_858 : i32
      %eq3A_860 = vector.broadcast %and3A_859 : i32 to vector<16xi32>
      %eq3A_861 = arith.cmpi eq, %iota3A, %eq3A_860 : vector<16xi32>
      %sub3A_862 = arith.subf %reduce_sum3A_857, %reduce_sum3A_846 : f32
      %broadcast_in_dim3A_863 = vector.broadcast %sub3A_862 : f32 to vector<16xf32>
      %select_n3A_864 = arith.select %eq3A_861, %broadcast_in_dim3A_863, %select_n3A_641 : vector<16xi1>, vector<16xf32>
      %and3A_865 = arith.constant 15 : i32
      %and3A_866 = arith.andi %scan3A_682, %and3A_865 : i32
      %eq3A_867 = arith.constant 15 : i32
      %eq3A_868 = arith.cmpi eq, %and3A_866, %eq3A_867 : i32
      %convert_element_type3A_869 = arith.extui %eq3A_868 : i1 to i32
      %cond3A_870 = arith.constant 0 : i32
      %cond3A_871 = arith.cmpi ne, %convert_element_type3A_869, %cond3A_870 : i32
      scf.if %cond3A_871 {
        %add3A_1127 = arith.constant 128 : i32
        %add3A_1128 = arith.addi %add3A_1127, %scan3A_682 : i32
        %sub3A_1129 = arith.constant 15 : i32
        %sub3A_1130 = arith.subi %add3A_1128, %sub3A_1129 : i32
        %swap3A_1131 = arith.index_cast %sub3A_1130 : i32 to index
        %swap3A_1132 = tpu.vector_load %arg25[%swap3A_1131] {strides = array<i32>} : memref<512xf32, #tpu.memory_space<vmem>>, vector<16xf32>,
        tpu.vector_store %arg25[%swap3A_1131], %select_n3A_864 {strides = array<i32>} : memref<512xf32, #tpu.memory_space<vmem>>, vector<16xf32>,
      } else {
      }
      %mul3A_872 = arith.mulf %sub3A_801, %sub3A_801 : vector<16xf32>
      %mul3A_873 = arith.mulf %sub3A_803, %sub3A_803 : vector<16xf32>
      %add3A_874 = arith.addf %mul3A_872, %mul3A_873 : vector<16xf32>
      %mul3A_875 = arith.mulf %sub3A_805, %sub3A_805 : vector<16xf32>
      %add3A_876 = arith.addf %add3A_874, %mul3A_875 : vector<16xf32>
      %mul3A_877 = arith.mulf %sub3A_807, %sub3A_807 : vector<16xf32>
      %add3A_878 = arith.addf %add3A_876, %mul3A_877 : vector<16xf32>
      %add3A_879 = arith.addf %add3A_680, %add3A_878 : vector<16xf32>
      %mul3A_880 = arith.mulf %get3A_733, %get3A_733 : vector<16xf32>
      %mul3A_881 = arith.mulf %get3A_736, %get3A_736 : vector<16xf32>
      %add3A_882 = arith.addf %mul3A_880, %mul3A_881 : vector<16xf32>
      %mul3A_883 = arith.mulf %get3A_739, %get3A_739 : vector<16xf32>
      %add3A_884 = arith.addf %add3A_882, %mul3A_883 : vector<16xf32>
      %mul3A_885 = arith.mulf %get3A_742, %get3A_742 : vector<16xf32>
      %add3A_886 = arith.addf %add3A_884, %mul3A_885 : vector<16xf32>
      %add3A_887 = arith.addf %add3A_879, %add3A_886 : vector<16xf32>
      %mul3A_888 = arith.mulf %sub3A_809, %sub3A_809 : vector<16xf32>
      %mul3A_889 = arith.mulf %sub3A_811, %sub3A_811 : vector<16xf32>
      %add3A_890 = arith.addf %mul3A_888, %mul3A_889 : vector<16xf32>
      %mul3A_891 = arith.mulf %sub3A_813, %sub3A_813 : vector<16xf32>
      %add3A_892 = arith.addf %add3A_890, %mul3A_891 : vector<16xf32>
      %mul3A_893 = arith.mulf %sub3A_815, %sub3A_815 : vector<16xf32>
      %add3A_894 = arith.addf %add3A_892, %mul3A_893 : vector<16xf32>
      %add3A_895 = arith.addf %add3A_887, %add3A_894 : vector<16xf32>
      %mul3A_896 = arith.mulf %sub3A_817, %sub3A_817 : vector<16xf32>
      %mul3A_897 = arith.mulf %sub3A_819, %sub3A_819 : vector<16xf32>
      %add3A_898 = arith.addf %mul3A_896, %mul3A_897 : vector<16xf32>
      %mul3A_899 = arith.mulf %sub3A_821, %sub3A_821 : vector<16xf32>
      %add3A_900 = arith.addf %add3A_898, %mul3A_899 : vector<16xf32>
      %mul3A_901 = arith.mulf %sub3A_823, %sub3A_823 : vector<16xf32>
      %add3A_902 = arith.addf %add3A_900, %mul3A_901 : vector<16xf32>
      %add3A_903 = arith.addf %add3A_895, %add3A_902 : vector<16xf32>
      %scan3A_904 = arith.constant 3 : i32
      %scan3A_905 = arith.addi %scan3A_244, %scan3A_904 : i32
      %get3A_906 = arith.index_cast %scan3A_905 : i32 to index
      %get3A_907 = arith.constant 0 : index
      %get3A_908 = tpu.vector_load %arg22[%get3A_906, %get3A_907] {strides = array<i32>} : memref<128x64xf32, #tpu.memory_space<vmem>>, vector<16xf32>,
      %get3A_909 = arith.index_cast %scan3A_905 : i32 to index
      %get3A_910 = arith.constant 16 : index
      %get3A_911 = tpu.vector_load %arg22[%get3A_909, %get3A_910] {strides = array<i32>} : memref<128x64xf32, #tpu.memory_space<vmem>>, vector<16xf32>,
      %get3A_912 = arith.index_cast %scan3A_905 : i32 to index
      %get3A_913 = arith.constant 32 : index
      %get3A_914 = tpu.vector_load %arg22[%get3A_912, %get3A_913] {strides = array<i32>} : memref<128x64xf32, #tpu.memory_space<vmem>>, vector<16xf32>,
      %get3A_915 = arith.index_cast %scan3A_905 : i32 to index
      %get3A_916 = arith.constant 48 : index
      %get3A_917 = tpu.vector_load %arg22[%get3A_915, %get3A_916] {strides = array<i32>} : memref<128x64xf32, #tpu.memory_space<vmem>>, vector<16xf32>,
      %get3A_918 = arith.index_cast %scan3A_905 : i32 to index
      %get3A_919 = arith.constant 0 : index
      %get3A_920 = tpu.vector_load %arg20[%get3A_918, %get3A_919] {strides = array<i32>} : memref<128x64xf32, #tpu.memory_space<vmem>>, vector<16xf32>,
      %get3A_921 = arith.index_cast %scan3A_905 : i32 to index
      %get3A_922 = arith.constant 16 : index
      %get3A_923 = tpu.vector_load %arg20[%get3A_921, %get3A_922] {strides = array<i32>} : memref<128x64xf32, #tpu.memory_space<vmem>>, vector<16xf32>,
      %get3A_924 = arith.index_cast %scan3A_905 : i32 to index
      %get3A_925 = arith.constant 32 : index
      %get3A_926 = tpu.vector_load %arg20[%get3A_924, %get3A_925] {strides = array<i32>} : memref<128x64xf32, #tpu.memory_space<vmem>>, vector<16xf32>,
      %get3A_927 = arith.index_cast %scan3A_905 : i32 to index
      %get3A_928 = arith.constant 48 : index
      %get3A_929 = tpu.vector_load %arg20[%get3A_927, %get3A_928] {strides = array<i32>} : memref<128x64xf32, #tpu.memory_space<vmem>>, vector<16xf32>,
      %get3A_930 = arith.index_cast %scan3A_905 : i32 to index
      %get3A_931 = arith.constant 0 : index
      %get3A_932 = tpu.vector_load %arg23[%get3A_930, %get3A_931] {strides = array<i32>} : memref<128x64xf32, #tpu.memory_space<vmem>>, vector<16xf32>,
      %get3A_933 = arith.index_cast %scan3A_905 : i32 to index
      %get3A_934 = arith.constant 16 : index
      %get3A_935 = tpu.vector_load %arg23[%get3A_933, %get3A_934] {strides = array<i32>} : memref<128x64xf32, #tpu.memory_space<vmem>>, vector<16xf32>,
      %get3A_936 = arith.index_cast %scan3A_905 : i32 to index
      %get3A_937 = arith.constant 32 : index
      %get3A_938 = tpu.vector_load %arg23[%get3A_936, %get3A_937] {strides = array<i32>} : memref<128x64xf32, #tpu.memory_space<vmem>>, vector<16xf32>,
      %get3A_939 = arith.index_cast %scan3A_905 : i32 to index
      %get3A_940 = arith.constant 48 : index
      %get3A_941 = tpu.vector_load %arg23[%get3A_939, %get3A_940] {strides = array<i32>} : memref<128x64xf32, #tpu.memory_space<vmem>>, vector<16xf32>,
      %get3A_942 = arith.index_cast %scan3A_905 : i32 to index
      %get3A_943 = arith.constant 0 : index
      %get3A_944 = tpu.vector_load %arg24[%get3A_942, %get3A_943] {strides = array<i32>} : memref<128x64xf32, #tpu.memory_space<vmem>>, vector<16xf32>,
      %get3A_945 = arith.index_cast %scan3A_905 : i32 to index
      %get3A_946 = arith.constant 16 : index
      %get3A_947 = tpu.vector_load %arg24[%get3A_945, %get3A_946] {strides = array<i32>} : memref<128x64xf32, #tpu.memory_space<vmem>>, vector<16xf32>,
      %get3A_948 = arith.index_cast %scan3A_905 : i32 to index
      %get3A_949 = arith.constant 32 : index
      %get3A_950 = tpu.vector_load %arg24[%get3A_948, %get3A_949] {strides = array<i32>} : memref<128x64xf32, #tpu.memory_space<vmem>>, vector<16xf32>,
      %get3A_951 = arith.index_cast %scan3A_905 : i32 to index
      %get3A_952 = arith.constant 48 : index
      %get3A_953 = tpu.vector_load %arg24[%get3A_951, %get3A_952] {strides = array<i32>} : memref<128x64xf32, #tpu.memory_space<vmem>>, vector<16xf32>,
      %get3A_954 = arith.index_cast %scan3A_905 : i32 to index
      %get3A_955 = arith.constant 0 : index
      %get3A_956 = tpu.vector_load %arg21[%get3A_954, %get3A_955] {strides = array<i32>} : memref<128x64xf32, #tpu.memory_space<vmem>>, vector<16xf32>,
      %get3A_957 = arith.index_cast %scan3A_905 : i32 to index
      %get3A_958 = arith.constant 16 : index
      %get3A_959 = tpu.vector_load %arg21[%get3A_957, %get3A_958] {strides = array<i32>} : memref<128x64xf32, #tpu.memory_space<vmem>>, vector<16xf32>,
      %get3A_960 = arith.index_cast %scan3A_905 : i32 to index
      %get3A_961 = arith.constant 32 : index
      %get3A_962 = tpu.vector_load %arg21[%get3A_960, %get3A_961] {strides = array<i32>} : memref<128x64xf32, #tpu.memory_space<vmem>>, vector<16xf32>,
      %get3A_963 = arith.index_cast %scan3A_905 : i32 to index
      %get3A_964 = arith.constant 48 : index
      %get3A_965 = tpu.vector_load %arg21[%get3A_963, %get3A_964] {strides = array<i32>} : memref<128x64xf32, #tpu.memory_space<vmem>>, vector<16xf32>,
      %mul3A_966 = arith.mulf %get3A_908, %get3A_908 : vector<16xf32>
      %mul3A_967 = arith.mulf %get3A_911, %get3A_911 : vector<16xf32>
      %add3A_968 = arith.addf %mul3A_966, %mul3A_967 : vector<16xf32>
      %mul3A_969 = arith.mulf %get3A_914, %get3A_914 : vector<16xf32>
      %add3A_970 = arith.addf %add3A_968, %mul3A_969 : vector<16xf32>
      %mul3A_971 = arith.mulf %get3A_917, %get3A_917 : vector<16xf32>
      %add3A_972 = arith.addf %add3A_970, %mul3A_971 : vector<16xf32>
      %reduce_sum3A_973 = arith.constant true
      %reduce_sum3A_974 = vector.broadcast %reduce_sum3A_973 : i1 to vector<16xi1>
      %reduce_sum3A_975 = tpu.scan <sum>, %add3A_972 masked %reduce_sum3A_974 : vector<16xf32>, vector<16xi1> -> vector<16xf32>
      %reduce_sum3A_976 = vector.extract %reduce_sum3A_975[15] : f32 from vector<16xf32>
      %broadcast_in_dim3A_977 = vector.broadcast %reduce_sum3A_976 : f32 to vector<16xf32>
      %max3A_978 = arith.constant 1.000000e-24 : f32
      %max3A_979 = vector.broadcast %max3A_978 : f32 to vector<16xf32>
      %max3A_980 = arith.maximumf %broadcast_in_dim3A_977, %max3A_979 : vector<16xf32>
      %div3A_981 = arith.constant 1.000000e+00 : f32
      %div3A_982 = vector.broadcast %div3A_981 : f32 to vector<16xf32>
      %div3A_983 = arith.divf %div3A_982, %max3A_980 : vector<16xf32>
      %mul3A_984 = arith.mulf %get3A_920, %get3A_908 : vector<16xf32>
      %mul3A_985 = arith.mulf %get3A_923, %get3A_911 : vector<16xf32>
      %add3A_986 = arith.addf %mul3A_984, %mul3A_985 : vector<16xf32>
      %mul3A_987 = arith.mulf %get3A_926, %get3A_914 : vector<16xf32>
      %add3A_988 = arith.addf %add3A_986, %mul3A_987 : vector<16xf32>
      %mul3A_989 = arith.mulf %get3A_929, %get3A_917 : vector<16xf32>
      %add3A_990 = arith.addf %add3A_988, %mul3A_989 : vector<16xf32>
      %reduce_sum3A_991 = arith.constant true
      %reduce_sum3A_992 = vector.broadcast %reduce_sum3A_991 : i1 to vector<16xi1>
      %reduce_sum3A_993 = tpu.scan <sum>, %add3A_990 masked %reduce_sum3A_992 : vector<16xf32>, vector<16xi1> -> vector<16xf32>
      %reduce_sum3A_994 = vector.extract %reduce_sum3A_993[15] : f32 from vector<16xf32>
      %broadcast_in_dim3A_995 = vector.broadcast %reduce_sum3A_994 : f32 to vector<16xf32>
      %mul3A_996 = arith.mulf %get3A_932, %get3A_908 : vector<16xf32>
      %mul3A_997 = arith.mulf %get3A_935, %get3A_911 : vector<16xf32>
      %add3A_998 = arith.addf %mul3A_996, %mul3A_997 : vector<16xf32>
      %mul3A_999 = arith.mulf %get3A_938, %get3A_914 : vector<16xf32>
      %add3A_1000 = arith.addf %add3A_998, %mul3A_999 : vector<16xf32>
      %mul3A_1001 = arith.mulf %get3A_941, %get3A_917 : vector<16xf32>
      %add3A_1002 = arith.addf %add3A_1000, %mul3A_1001 : vector<16xf32>
      %reduce_sum3A_1003 = arith.constant true
      %reduce_sum3A_1004 = vector.broadcast %reduce_sum3A_1003 : i1 to vector<16xi1>
      %reduce_sum3A_1005 = tpu.scan <sum>, %add3A_1002 masked %reduce_sum3A_1004 : vector<16xf32>, vector<16xi1> -> vector<16xf32>
      %reduce_sum3A_1006 = vector.extract %reduce_sum3A_1005[15] : f32 from vector<16xf32>
      %broadcast_in_dim3A_1007 = vector.broadcast %reduce_sum3A_1006 : f32 to vector<16xf32>
      %mul3A_1008 = arith.mulf %get3A_944, %get3A_908 : vector<16xf32>
      %mul3A_1009 = arith.mulf %get3A_947, %get3A_911 : vector<16xf32>
      %add3A_1010 = arith.addf %mul3A_1008, %mul3A_1009 : vector<16xf32>
      %mul3A_1011 = arith.mulf %get3A_950, %get3A_914 : vector<16xf32>
      %add3A_1012 = arith.addf %add3A_1010, %mul3A_1011 : vector<16xf32>
      %mul3A_1013 = arith.mulf %get3A_953, %get3A_917 : vector<16xf32>
      %add3A_1014 = arith.addf %add3A_1012, %mul3A_1013 : vector<16xf32>
      %reduce_sum3A_1015 = arith.constant true
      %reduce_sum3A_1016 = vector.broadcast %reduce_sum3A_1015 : i1 to vector<16xi1>
      %reduce_sum3A_1017 = tpu.scan <sum>, %add3A_1014 masked %reduce_sum3A_1016 : vector<16xf32>, vector<16xi1> -> vector<16xf32>
      %reduce_sum3A_1018 = vector.extract %reduce_sum3A_1017[15] : f32 from vector<16xf32>
      %broadcast_in_dim3A_1019 = vector.broadcast %reduce_sum3A_1018 : f32 to vector<16xf32>
      %mul3A_1020 = arith.mulf %broadcast_in_dim3A_995, %div3A_983 : vector<16xf32>
      %mul3A_1021 = arith.mulf %broadcast_in_dim3A_1007, %div3A_983 : vector<16xf32>
      %mul3A_1022 = arith.mulf %broadcast_in_dim3A_1019, %div3A_983 : vector<16xf32>
      %mul3A_1023 = arith.mulf %mul3A_1020, %get3A_908 : vector<16xf32>
      %sub3A_1024 = arith.subf %get3A_920, %mul3A_1023 : vector<16xf32>
      %mul3A_1025 = arith.mulf %mul3A_1020, %get3A_911 : vector<16xf32>
      %sub3A_1026 = arith.subf %get3A_923, %mul3A_1025 : vector<16xf32>
      %mul3A_1027 = arith.mulf %mul3A_1020, %get3A_914 : vector<16xf32>
      %sub3A_1028 = arith.subf %get3A_926, %mul3A_1027 : vector<16xf32>
      %mul3A_1029 = arith.mulf %mul3A_1020, %get3A_917 : vector<16xf32>
      %sub3A_1030 = arith.subf %get3A_929, %mul3A_1029 : vector<16xf32>
      %mul3A_1031 = arith.mulf %mul3A_1021, %get3A_908 : vector<16xf32>
      %sub3A_1032 = arith.subf %get3A_932, %mul3A_1031 : vector<16xf32>
      %mul3A_1033 = arith.mulf %mul3A_1021, %get3A_911 : vector<16xf32>
      %sub3A_1034 = arith.subf %get3A_935, %mul3A_1033 : vector<16xf32>
      %mul3A_1035 = arith.mulf %mul3A_1021, %get3A_914 : vector<16xf32>
      %sub3A_1036 = arith.subf %get3A_938, %mul3A_1035 : vector<16xf32>
      %mul3A_1037 = arith.mulf %mul3A_1021, %get3A_917 : vector<16xf32>
      %sub3A_1038 = arith.subf %get3A_941, %mul3A_1037 : vector<16xf32>
      %mul3A_1039 = arith.mulf %mul3A_1022, %get3A_908 : vector<16xf32>
      %sub3A_1040 = arith.subf %get3A_944, %mul3A_1039 : vector<16xf32>
      %mul3A_1041 = arith.mulf %mul3A_1022, %get3A_911 : vector<16xf32>
      %sub3A_1042 = arith.subf %get3A_947, %mul3A_1041 : vector<16xf32>
      %mul3A_1043 = arith.mulf %mul3A_1022, %get3A_914 : vector<16xf32>
      %sub3A_1044 = arith.subf %get3A_950, %mul3A_1043 : vector<16xf32>
      %mul3A_1045 = arith.mulf %mul3A_1022, %get3A_917 : vector<16xf32>
      %sub3A_1046 = arith.subf %get3A_953, %mul3A_1045 : vector<16xf32>
      %add3A_1047 = arith.addf %sub3A_1024, %get3A_956 : vector<16xf32>
      %add3A_1048 = arith.addf %sub3A_1026, %get3A_959 : vector<16xf32>
      %add3A_1049 = arith.addf %sub3A_1028, %get3A_962 : vector<16xf32>
      %add3A_1050 = arith.addf %sub3A_1030, %get3A_965 : vector<16xf32>
      %sub3A_1051 = arith.subf %add3A_1047, %sub3A_1032 : vector<16xf32>
      %sub3A_1052 = arith.subf %add3A_1048, %sub3A_1034 : vector<16xf32>
      %sub3A_1053 = arith.subf %add3A_1049, %sub3A_1036 : vector<16xf32>
      %sub3A_1054 = arith.subf %add3A_1050, %sub3A_1038 : vector<16xf32>
      %sub3A_1055 = arith.subf %add3A_1047, %sub3A_1040 : vector<16xf32>
      %sub3A_1056 = arith.subf %add3A_1048, %sub3A_1042 : vector<16xf32>
      %sub3A_1057 = arith.subf %add3A_1049, %sub3A_1044 : vector<16xf32>
      %sub3A_1058 = arith.subf %add3A_1050, %sub3A_1046 : vector<16xf32>
      %mul3A_1059 = arith.mulf %sub3A_1051, %sub3A_1051 : vector<16xf32>
      %mul3A_1060 = arith.mulf %sub3A_1052, %sub3A_1052 : vector<16xf32>
      %add3A_1061 = arith.addf %mul3A_1059, %mul3A_1060 : vector<16xf32>
      %mul3A_1062 = arith.mulf %sub3A_1053, %sub3A_1053 : vector<16xf32>
      %add3A_1063 = arith.addf %add3A_1061, %mul3A_1062 : vector<16xf32>
      %mul3A_1064 = arith.mulf %sub3A_1054, %sub3A_1054 : vector<16xf32>
      %add3A_1065 = arith.addf %add3A_1063, %mul3A_1064 : vector<16xf32>
      %reduce_sum3A_1066 = arith.constant true
      %reduce_sum3A_1067 = vector.broadcast %reduce_sum3A_1066 : i1 to vector<16xi1>
      %reduce_sum3A_1068 = tpu.scan <sum>, %add3A_1065 masked %reduce_sum3A_1067 : vector<16xf32>, vector<16xi1> -> vector<16xf32>
      %reduce_sum3A_1069 = vector.extract %reduce_sum3A_1068[15] : f32 from vector<16xf32>
      %mul3A_1070 = arith.mulf %sub3A_1055, %sub3A_1055 : vector<16xf32>
      %mul3A_1071 = arith.mulf %sub3A_1056, %sub3A_1056 : vector<16xf32>
      %add3A_1072 = arith.addf %mul3A_1070, %mul3A_1071 : vector<16xf32>
      %mul3A_1073 = arith.mulf %sub3A_1057, %sub3A_1057 : vector<16xf32>
      %add3A_1074 = arith.addf %add3A_1072, %mul3A_1073 : vector<16xf32>
      %mul3A_1075 = arith.mulf %sub3A_1058, %sub3A_1058 : vector<16xf32>
      %add3A_1076 = arith.addf %add3A_1074, %mul3A_1075 : vector<16xf32>
      %reduce_sum3A_1077 = arith.constant true
      %reduce_sum3A_1078 = vector.broadcast %reduce_sum3A_1077 : i1 to vector<16xi1>
      %reduce_sum3A_1079 = tpu.scan <sum>, %add3A_1076 masked %reduce_sum3A_1078 : vector<16xf32>, vector<16xi1> -> vector<16xf32>
      %reduce_sum3A_1080 = vector.extract %reduce_sum3A_1079[15] : f32 from vector<16xf32>
      %and3A_1081 = arith.constant 15 : i32
      %and3A_1082 = arith.andi %scan3A_905, %and3A_1081 : i32
      %eq3A_1083 = vector.broadcast %and3A_1082 : i32 to vector<16xi32>
      %eq3A_1084 = arith.cmpi eq, %iota3A, %eq3A_1083 : vector<16xi32>
      %sub3A_1085 = arith.subf %reduce_sum3A_1080, %reduce_sum3A_1069 : f32
      %broadcast_in_dim3A_1086 = vector.broadcast %sub3A_1085 : f32 to vector<16xf32>
      %select_n3A_1087 = arith.select %eq3A_1084, %broadcast_in_dim3A_1086, %select_n3A_864 : vector<16xi1>, vector<16xf32>
      %and3A_1088 = arith.constant 15 : i32
      %and3A_1089 = arith.andi %scan3A_905, %and3A_1088 : i32
      %eq3A_1090 = arith.constant 15 : i32
      %eq3A_1091 = arith.cmpi eq, %and3A_1089, %eq3A_1090 : i32
      %convert_element_type3A_1092 = arith.extui %eq3A_1091 : i1 to i32
      %cond3A_1093 = arith.constant 0 : i32
      %cond3A_1094 = arith.cmpi ne, %convert_element_type3A_1092, %cond3A_1093 : i32
      scf.if %cond3A_1094 {
        %add3A_1127 = arith.constant 128 : i32
        %add3A_1128 = arith.addi %add3A_1127, %scan3A_905 : i32
        %sub3A_1129 = arith.constant 15 : i32
        %sub3A_1130 = arith.subi %add3A_1128, %sub3A_1129 : i32
        %swap3A_1131 = arith.index_cast %sub3A_1130 : i32 to index
        %swap3A_1132 = tpu.vector_load %arg25[%swap3A_1131] {strides = array<i32>} : memref<512xf32, #tpu.memory_space<vmem>>, vector<16xf32>,
        tpu.vector_store %arg25[%swap3A_1131], %select_n3A_1087 {strides = array<i32>} : memref<512xf32, #tpu.memory_space<vmem>>, vector<16xf32>,
      } else {
      }
      %mul3A_1095 = arith.mulf %sub3A_1024, %sub3A_1024 : vector<16xf32>
      %mul3A_1096 = arith.mulf %sub3A_1026, %sub3A_1026 : vector<16xf32>
      %add3A_1097 = arith.addf %mul3A_1095, %mul3A_1096 : vector<16xf32>
      %mul3A_1098 = arith.mulf %sub3A_1028, %sub3A_1028 : vector<16xf32>
      %add3A_1099 = arith.addf %add3A_1097, %mul3A_1098 : vector<16xf32>
      %mul3A_1100 = arith.mulf %sub3A_1030, %sub3A_1030 : vector<16xf32>
      %add3A_1101 = arith.addf %add3A_1099, %mul3A_1100 : vector<16xf32>
      %add3A_1102 = arith.addf %add3A_903, %add3A_1101 : vector<16xf32>
      %mul3A_1103 = arith.mulf %get3A_956, %get3A_956 : vector<16xf32>
      %mul3A_1104 = arith.mulf %get3A_959, %get3A_959 : vector<16xf32>
      %add3A_1105 = arith.addf %mul3A_1103, %mul3A_1104 : vector<16xf32>
      %mul3A_1106 = arith.mulf %get3A_962, %get3A_962 : vector<16xf32>
      %add3A_1107 = arith.addf %add3A_1105, %mul3A_1106 : vector<16xf32>
      %mul3A_1108 = arith.mulf %get3A_965, %get3A_965 : vector<16xf32>
      %add3A_1109 = arith.addf %add3A_1107, %mul3A_1108 : vector<16xf32>
      %add3A_1110 = arith.addf %add3A_1102, %add3A_1109 : vector<16xf32>
      %mul3A_1111 = arith.mulf %sub3A_1032, %sub3A_1032 : vector<16xf32>
      %mul3A_1112 = arith.mulf %sub3A_1034, %sub3A_1034 : vector<16xf32>
      %add3A_1113 = arith.addf %mul3A_1111, %mul3A_1112 : vector<16xf32>
      %mul3A_1114 = arith.mulf %sub3A_1036, %sub3A_1036 : vector<16xf32>
      %add3A_1115 = arith.addf %add3A_1113, %mul3A_1114 : vector<16xf32>
      %mul3A_1116 = arith.mulf %sub3A_1038, %sub3A_1038 : vector<16xf32>
      %add3A_1117 = arith.addf %add3A_1115, %mul3A_1116 : vector<16xf32>
      %add3A_1118 = arith.addf %add3A_1110, %add3A_1117 : vector<16xf32>
      %mul3A_1119 = arith.mulf %sub3A_1040, %sub3A_1040 : vector<16xf32>
      %mul3A_1120 = arith.mulf %sub3A_1042, %sub3A_1042 : vector<16xf32>
      %add3A_1121 = arith.addf %mul3A_1119, %mul3A_1120 : vector<16xf32>
      %mul3A_1122 = arith.mulf %sub3A_1044, %sub3A_1044 : vector<16xf32>
      %add3A_1123 = arith.addf %add3A_1121, %mul3A_1122 : vector<16xf32>
      %mul3A_1124 = arith.mulf %sub3A_1046, %sub3A_1046 : vector<16xf32>
      %add3A_1125 = arith.addf %add3A_1123, %mul3A_1124 : vector<16xf32>
      %add3A_1126 = arith.addf %add3A_1118, %add3A_1125 : vector<16xf32>
      scf.yield %add3A_1126, %select_n3A_1087 : vector<16xf32>, vector<16xf32>
    }
    %scan3A_155 = arith.constant 128 : i32
    %dma_start3A_156 = arith.constant 384 : i32
    %dma_start3A_157 = tpu.memref_slice %arg11[%dma_start3A_156] : memref<512xi32, #tpu.memory_space<vmem>> -> memref<128xi32, #tpu.memory_space<vmem>>
    %dma_start3A_158 = arith.constant 0 : i32
    %dma_start3A_159 = arith.constant 0 : i32
    %dma_start3A_160 = tpu.memref_slice %arg6[%dma_start3A_158, %dma_start3A_159] : memref<1000000x64xf32, #tpu.memory_space<hbm>> -> memref<1000000x64xf32, #tpu.memory_space<hbm>>
    tpu.enqueue_indirect_dma source(%dma_start3A_160 : memref<1000000x64xf32, #tpu.memory_space<hbm>>) target(%arg20 : memref<128x64xf32, #tpu.memory_space<vmem>>) offsets(%dma_start3A_157 : memref<128xi32, #tpu.memory_space<vmem>>) semaphore(%arg29 : memref<!tpu.dma_semaphore, #tpu.memory_space<semaphore_mem>>)
    %dma_start3A_161 = arith.constant 384 : i32
    %dma_start3A_162 = tpu.memref_slice %arg12[%dma_start3A_161] : memref<512xi32, #tpu.memory_space<vmem>> -> memref<128xi32, #tpu.memory_space<vmem>>
    %dma_start3A_163 = arith.constant 0 : i32
    %dma_start3A_164 = arith.constant 0 : i32
    %dma_start3A_165 = tpu.memref_slice %arg7[%dma_start3A_163, %dma_start3A_164] : memref<1000x64xf32, #tpu.memory_space<hbm>> -> memref<1000x64xf32, #tpu.memory_space<hbm>>
    tpu.enqueue_indirect_dma source(%dma_start3A_165 : memref<1000x64xf32, #tpu.memory_space<hbm>>) target(%arg21 : memref<128x64xf32, #tpu.memory_space<vmem>>) offsets(%dma_start3A_162 : memref<128xi32, #tpu.memory_space<vmem>>) semaphore(%arg29 : memref<!tpu.dma_semaphore, #tpu.memory_space<semaphore_mem>>)
    %dma_start3A_166 = arith.constant 384 : i32
    %dma_start3A_167 = tpu.memref_slice %arg12[%dma_start3A_166] : memref<512xi32, #tpu.memory_space<vmem>> -> memref<128xi32, #tpu.memory_space<vmem>>
    %dma_start3A_168 = arith.constant 0 : i32
    %dma_start3A_169 = arith.constant 0 : i32
    %dma_start3A_170 = tpu.memref_slice %arg8[%dma_start3A_168, %dma_start3A_169] : memref<1000x64xf32, #tpu.memory_space<hbm>> -> memref<1000x64xf32, #tpu.memory_space<hbm>>
    tpu.enqueue_indirect_dma source(%dma_start3A_170 : memref<1000x64xf32, #tpu.memory_space<hbm>>) target(%arg22 : memref<128x64xf32, #tpu.memory_space<vmem>>) offsets(%dma_start3A_167 : memref<128xi32, #tpu.memory_space<vmem>>) semaphore(%arg29 : memref<!tpu.dma_semaphore, #tpu.memory_space<semaphore_mem>>)
    %dma_start3A_171 = arith.constant 384 : i32
    %dma_start3A_172 = tpu.memref_slice %arg13[%dma_start3A_171] : memref<512xi32, #tpu.memory_space<vmem>> -> memref<128xi32, #tpu.memory_space<vmem>>
    %dma_start3A_173 = arith.constant 0 : i32
    %dma_start3A_174 = arith.constant 0 : i32
    %dma_start3A_175 = tpu.memref_slice %arg6[%dma_start3A_173, %dma_start3A_174] : memref<1000000x64xf32, #tpu.memory_space<hbm>> -> memref<1000000x64xf32, #tpu.memory_space<hbm>>
    tpu.enqueue_indirect_dma source(%dma_start3A_175 : memref<1000000x64xf32, #tpu.memory_space<hbm>>) target(%arg23 : memref<128x64xf32, #tpu.memory_space<vmem>>) offsets(%dma_start3A_172 : memref<128xi32, #tpu.memory_space<vmem>>) semaphore(%arg29 : memref<!tpu.dma_semaphore, #tpu.memory_space<semaphore_mem>>)
    %dma_start3A_176 = arith.constant 384 : i32
    %dma_start3A_177 = tpu.memref_slice %arg14[%dma_start3A_176] : memref<512xi32, #tpu.memory_space<vmem>> -> memref<128xi32, #tpu.memory_space<vmem>>
    %dma_start3A_178 = arith.constant 0 : i32
    %dma_start3A_179 = arith.constant 0 : i32
    %dma_start3A_180 = tpu.memref_slice %arg6[%dma_start3A_178, %dma_start3A_179] : memref<1000000x64xf32, #tpu.memory_space<hbm>> -> memref<1000000x64xf32, #tpu.memory_space<hbm>>
    tpu.enqueue_indirect_dma source(%dma_start3A_180 : memref<1000000x64xf32, #tpu.memory_space<hbm>>) target(%arg24 : memref<128x64xf32, #tpu.memory_space<vmem>>) offsets(%dma_start3A_177 : memref<128xi32, #tpu.memory_space<vmem>>) semaphore(%arg29 : memref<!tpu.dma_semaphore, #tpu.memory_space<semaphore_mem>>)
    %dma_wait3A_181 = arith.constant 256 : i32
    %dma_wait3A_182 = tpu.memref_slice %arg11[%dma_wait3A_181] : memref<512xi32, #tpu.memory_space<vmem>> -> memref<128xi32, #tpu.memory_space<vmem>>
    %dma_wait3A_183 = arith.constant 0 : i32
    %dma_wait3A_184 = arith.constant 0 : i32
    %dma_wait3A_185 = tpu.memref_slice %arg6[%dma_wait3A_183, %dma_wait3A_184] : memref<1000000x64xf32, #tpu.memory_space<hbm>> -> memref<1000000x64xf32, #tpu.memory_space<hbm>>
    tpu.wait_indirect_dma semaphore(%arg28 : memref<!tpu.dma_semaphore, #tpu.memory_space<semaphore_mem>>) src(%dma_wait3A_185 : memref<1000000x64xf32, #tpu.memory_space<hbm>>) dst(%arg15 : memref<128x64xf32, #tpu.memory_space<vmem>>)
    %dma_wait3A_186 = arith.constant 256 : i32
    %dma_wait3A_187 = tpu.memref_slice %arg12[%dma_wait3A_186] : memref<512xi32, #tpu.memory_space<vmem>> -> memref<128xi32, #tpu.memory_space<vmem>>
    %dma_wait3A_188 = arith.constant 0 : i32
    %dma_wait3A_189 = arith.constant 0 : i32
    %dma_wait3A_190 = tpu.memref_slice %arg7[%dma_wait3A_188, %dma_wait3A_189] : memref<1000x64xf32, #tpu.memory_space<hbm>> -> memref<1000x64xf32, #tpu.memory_space<hbm>>
    tpu.wait_indirect_dma semaphore(%arg28 : memref<!tpu.dma_semaphore, #tpu.memory_space<semaphore_mem>>) src(%dma_wait3A_190 : memref<1000x64xf32, #tpu.memory_space<hbm>>) dst(%arg16 : memref<128x64xf32, #tpu.memory_space<vmem>>)
    %dma_wait3A_191 = arith.constant 256 : i32
    %dma_wait3A_192 = tpu.memref_slice %arg12[%dma_wait3A_191] : memref<512xi32, #tpu.memory_space<vmem>> -> memref<128xi32, #tpu.memory_space<vmem>>
    %dma_wait3A_193 = arith.constant 0 : i32
    %dma_wait3A_194 = arith.constant 0 : i32
    %dma_wait3A_195 = tpu.memref_slice %arg8[%dma_wait3A_193, %dma_wait3A_194] : memref<1000x64xf32, #tpu.memory_space<hbm>> -> memref<1000x64xf32, #tpu.memory_space<hbm>>
    tpu.wait_indirect_dma semaphore(%arg28 : memref<!tpu.dma_semaphore, #tpu.memory_space<semaphore_mem>>) src(%dma_wait3A_195 : memref<1000x64xf32, #tpu.memory_space<hbm>>) dst(%arg17 : memref<128x64xf32, #tpu.memory_space<vmem>>)
    %dma_wait3A_196 = arith.constant 256 : i32
    %dma_wait3A_197 = tpu.memref_slice %arg13[%dma_wait3A_196] : memref<512xi32, #tpu.memory_space<vmem>> -> memref<128xi32, #tpu.memory_space<vmem>>
    %dma_wait3A_198 = arith.constant 0 : i32
    %dma_wait3A_199 = arith.constant 0 : i32
    %dma_wait3A_200 = tpu.memref_slice %arg6[%dma_wait3A_198, %dma_wait3A_199] : memref<1000000x64xf32, #tpu.memory_space<hbm>> -> memref<1000000x64xf32, #tpu.memory_space<hbm>>
    tpu.wait_indirect_dma semaphore(%arg28 : memref<!tpu.dma_semaphore, #tpu.memory_space<semaphore_mem>>) src(%dma_wait3A_200 : memref<1000000x64xf32, #tpu.memory_space<hbm>>) dst(%arg18 : memref<128x64xf32, #tpu.memory_space<vmem>>)
    %dma_wait3A_201 = arith.constant 256 : i32
    %dma_wait3A_202 = tpu.memref_slice %arg14[%dma_wait3A_201] : memref<512xi32, #tpu.memory_space<vmem>> -> memref<128xi32, #tpu.memory_space<vmem>>
    %dma_wait3A_203 = arith.constant 0 : i32
    %dma_wait3A_204 = arith.constant 0 : i32
    %dma_wait3A_205 = tpu.memref_slice %arg6[%dma_wait3A_203, %dma_wait3A_204] : memref<1000000x64xf32, #tpu.memory_space<hbm>> -> memref<1000000x64xf32, #tpu.memory_space<hbm>>
    tpu.wait_indirect_dma semaphore(%arg28 : memref<!tpu.dma_semaphore, #tpu.memory_space<semaphore_mem>>) src(%dma_wait3A_205 : memref<1000000x64xf32, #tpu.memory_space<hbm>>) dst(%arg19 : memref<128x64xf32, #tpu.memory_space<vmem>>)
    %scan3A_206 = arith.constant 0 : i32
    %scan3A_207 = arith.constant 128 : i32
    %scan3A_208 = arith.addi %scan3A_206, %scan3A_207 : i32
    %scan3A_209 = arith.constant 4 : i32
    %scan3A_210:2 = scf.for %scan3A_244 = %scan3A_206 to %scan3A_208 step %scan3A_209 iter_args(%scan3A_245 = %scan3A_154#0, %scan3A_246 = %scan3A_154#1) -> (vector<16xf32>, vector<16xf32>)  : i32 {
      %get3A = arith.index_cast %scan3A_244 : i32 to index
      %get3A_247 = arith.constant 0 : index
      %get3A_248 = tpu.vector_load %arg17[%get3A, %get3A_247] {strides = array<i32>} : memref<128x64xf32, #tpu.memory_space<vmem>>, vector<16xf32>,
      %get3A_249 = arith.index_cast %scan3A_244 : i32 to index
      %get3A_250 = arith.constant 16 : index
      %get3A_251 = tpu.vector_load %arg17[%get3A_249, %get3A_250] {strides = array<i32>} : memref<128x64xf32, #tpu.memory_space<vmem>>, vector<16xf32>,
      %get3A_252 = arith.index_cast %scan3A_244 : i32 to index
      %get3A_253 = arith.constant 32 : index
      %get3A_254 = tpu.vector_load %arg17[%get3A_252, %get3A_253] {strides = array<i32>} : memref<128x64xf32, #tpu.memory_space<vmem>>, vector<16xf32>,
      %get3A_255 = arith.index_cast %scan3A_244 : i32 to index
      %get3A_256 = arith.constant 48 : index
      %get3A_257 = tpu.vector_load %arg17[%get3A_255, %get3A_256] {strides = array<i32>} : memref<128x64xf32, #tpu.memory_space<vmem>>, vector<16xf32>,
      %get3A_258 = arith.index_cast %scan3A_244 : i32 to index
      %get3A_259 = arith.constant 0 : index
      %get3A_260 = tpu.vector_load %arg15[%get3A_258, %get3A_259] {strides = array<i32>} : memref<128x64xf32, #tpu.memory_space<vmem>>, vector<16xf32>,
      %get3A_261 = arith.index_cast %scan3A_244 : i32 to index
      %get3A_262 = arith.constant 16 : index
      %get3A_263 = tpu.vector_load %arg15[%get3A_261, %get3A_262] {strides = array<i32>} : memref<128x64xf32, #tpu.memory_space<vmem>>, vector<16xf32>,
      %get3A_264 = arith.index_cast %scan3A_244 : i32 to index
      %get3A_265 = arith.constant 32 : index
      %get3A_266 = tpu.vector_load %arg15[%get3A_264, %get3A_265] {strides = array<i32>} : memref<128x64xf32, #tpu.memory_space<vmem>>, vector<16xf32>,
      %get3A_267 = arith.index_cast %scan3A_244 : i32 to index
      %get3A_268 = arith.constant 48 : index
      %get3A_269 = tpu.vector_load %arg15[%get3A_267, %get3A_268] {strides = array<i32>} : memref<128x64xf32, #tpu.memory_space<vmem>>, vector<16xf32>,
      %get3A_270 = arith.index_cast %scan3A_244 : i32 to index
      %get3A_271 = arith.constant 0 : index
      %get3A_272 = tpu.vector_load %arg18[%get3A_270, %get3A_271] {strides = array<i32>} : memref<128x64xf32, #tpu.memory_space<vmem>>, vector<16xf32>,
      %get3A_273 = arith.index_cast %scan3A_244 : i32 to index
      %get3A_274 = arith.constant 16 : index
      %get3A_275 = tpu.vector_load %arg18[%get3A_273, %get3A_274] {strides = array<i32>} : memref<128x64xf32, #tpu.memory_space<vmem>>, vector<16xf32>,
      %get3A_276 = arith.index_cast %scan3A_244 : i32 to index
      %get3A_277 = arith.constant 32 : index
      %get3A_278 = tpu.vector_load %arg18[%get3A_276, %get3A_277] {strides = array<i32>} : memref<128x64xf32, #tpu.memory_space<vmem>>, vector<16xf32>,
      %get3A_279 = arith.index_cast %scan3A_244 : i32 to index
      %get3A_280 = arith.constant 48 : index
      %get3A_281 = tpu.vector_load %arg18[%get3A_279, %get3A_280] {strides = array<i32>} : memref<128x64xf32, #tpu.memory_space<vmem>>, vector<16xf32>,
      %get3A_282 = arith.index_cast %scan3A_244 : i32 to index
      %get3A_283 = arith.constant 0 : index
      %get3A_284 = tpu.vector_load %arg19[%get3A_282, %get3A_283] {strides = array<i32>} : memref<128x64xf32, #tpu.memory_space<vmem>>, vector<16xf32>,
      %get3A_285 = arith.index_cast %scan3A_244 : i32 to index
      %get3A_286 = arith.constant 16 : index
      %get3A_287 = tpu.vector_load %arg19[%get3A_285, %get3A_286] {strides = array<i32>} : memref<128x64xf32, #tpu.memory_space<vmem>>, vector<16xf32>,
      %get3A_288 = arith.index_cast %scan3A_244 : i32 to index
      %get3A_289 = arith.constant 32 : index
      %get3A_290 = tpu.vector_load %arg19[%get3A_288, %get3A_289] {strides = array<i32>} : memref<128x64xf32, #tpu.memory_space<vmem>>, vector<16xf32>,
      %get3A_291 = arith.index_cast %scan3A_244 : i32 to index
      %get3A_292 = arith.constant 48 : index
      %get3A_293 = tpu.vector_load %arg19[%get3A_291, %get3A_292] {strides = array<i32>} : memref<128x64xf32, #tpu.memory_space<vmem>>, vector<16xf32>,
      %get3A_294 = arith.index_cast %scan3A_244 : i32 to index
      %get3A_295 = arith.constant 0 : index
      %get3A_296 = tpu.vector_load %arg16[%get3A_294, %get3A_295] {strides = array<i32>} : memref<128x64xf32, #tpu.memory_space<vmem>>, vector<16xf32>,
      %get3A_297 = arith.index_cast %scan3A_244 : i32 to index
      %get3A_298 = arith.constant 16 : index
      %get3A_299 = tpu.vector_load %arg16[%get3A_297, %get3A_298] {strides = array<i32>} : memref<128x64xf32, #tpu.memory_space<vmem>>, vector<16xf32>,
      %get3A_300 = arith.index_cast %scan3A_244 : i32 to index
      %get3A_301 = arith.constant 32 : index
      %get3A_302 = tpu.vector_load %arg16[%get3A_300, %get3A_301] {strides = array<i32>} : memref<128x64xf32, #tpu.memory_space<vmem>>, vector<16xf32>,
      %get3A_303 = arith.index_cast %scan3A_244 : i32 to index
      %get3A_304 = arith.constant 48 : index
      %get3A_305 = tpu.vector_load %arg16[%get3A_303, %get3A_304] {strides = array<i32>} : memref<128x64xf32, #tpu.memory_space<vmem>>, vector<16xf32>,
      %mul3A_306 = arith.mulf %get3A_248, %get3A_248 : vector<16xf32>
      %mul3A_307 = arith.mulf %get3A_251, %get3A_251 : vector<16xf32>
      %add3A_308 = arith.addf %mul3A_306, %mul3A_307 : vector<16xf32>
      %mul3A_309 = arith.mulf %get3A_254, %get3A_254 : vector<16xf32>
      %add3A_310 = arith.addf %add3A_308, %mul3A_309 : vector<16xf32>
      %mul3A_311 = arith.mulf %get3A_257, %get3A_257 : vector<16xf32>
      %add3A_312 = arith.addf %add3A_310, %mul3A_311 : vector<16xf32>
      %reduce_sum3A = arith.constant true
      %reduce_sum3A_313 = vector.broadcast %reduce_sum3A : i1 to vector<16xi1>
      %reduce_sum3A_314 = tpu.scan <sum>, %add3A_312 masked %reduce_sum3A_313 : vector<16xf32>, vector<16xi1> -> vector<16xf32>
      %reduce_sum3A_315 = vector.extract %reduce_sum3A_314[15] : f32 from vector<16xf32>
      %broadcast_in_dim3A_316 = vector.broadcast %reduce_sum3A_315 : f32 to vector<16xf32>
      %max3A = arith.constant 1.000000e-24 : f32
      %max3A_317 = vector.broadcast %max3A : f32 to vector<16xf32>
      %max3A_318 = arith.maximumf %broadcast_in_dim3A_316, %max3A_317 : vector<16xf32>
      %div3A = arith.constant 1.000000e+00 : f32
      %div3A_319 = vector.broadcast %div3A : f32 to vector<16xf32>
      %div3A_320 = arith.divf %div3A_319, %max3A_318 : vector<16xf32>
      %mul3A_321 = arith.mulf %get3A_260, %get3A_248 : vector<16xf32>
      %mul3A_322 = arith.mulf %get3A_263, %get3A_251 : vector<16xf32>
      %add3A_323 = arith.addf %mul3A_321, %mul3A_322 : vector<16xf32>
      %mul3A_324 = arith.mulf %get3A_266, %get3A_254 : vector<16xf32>
      %add3A_325 = arith.addf %add3A_323, %mul3A_324 : vector<16xf32>
      %mul3A_326 = arith.mulf %get3A_269, %get3A_257 : vector<16xf32>
      %add3A_327 = arith.addf %add3A_325, %mul3A_326 : vector<16xf32>
      %reduce_sum3A_328 = arith.constant true
      %reduce_sum3A_329 = vector.broadcast %reduce_sum3A_328 : i1 to vector<16xi1>
      %reduce_sum3A_330 = tpu.scan <sum>, %add3A_327 masked %reduce_sum3A_329 : vector<16xf32>, vector<16xi1> -> vector<16xf32>
      %reduce_sum3A_331 = vector.extract %reduce_sum3A_330[15] : f32 from vector<16xf32>
      %broadcast_in_dim3A_332 = vector.broadcast %reduce_sum3A_331 : f32 to vector<16xf32>
      %mul3A_333 = arith.mulf %get3A_272, %get3A_248 : vector<16xf32>
      %mul3A_334 = arith.mulf %get3A_275, %get3A_251 : vector<16xf32>
      %add3A_335 = arith.addf %mul3A_333, %mul3A_334 : vector<16xf32>
      %mul3A_336 = arith.mulf %get3A_278, %get3A_254 : vector<16xf32>
      %add3A_337 = arith.addf %add3A_335, %mul3A_336 : vector<16xf32>
      %mul3A_338 = arith.mulf %get3A_281, %get3A_257 : vector<16xf32>
      %add3A_339 = arith.addf %add3A_337, %mul3A_338 : vector<16xf32>
      %reduce_sum3A_340 = arith.constant true
      %reduce_sum3A_341 = vector.broadcast %reduce_sum3A_340 : i1 to vector<16xi1>
      %reduce_sum3A_342 = tpu.scan <sum>, %add3A_339 masked %reduce_sum3A_341 : vector<16xf32>, vector<16xi1> -> vector<16xf32>
      %reduce_sum3A_343 = vector.extract %reduce_sum3A_342[15] : f32 from vector<16xf32>
      %broadcast_in_dim3A_344 = vector.broadcast %reduce_sum3A_343 : f32 to vector<16xf32>
      %mul3A_345 = arith.mulf %get3A_284, %get3A_248 : vector<16xf32>
      %mul3A_346 = arith.mulf %get3A_287, %get3A_251 : vector<16xf32>
      %add3A_347 = arith.addf %mul3A_345, %mul3A_346 : vector<16xf32>
      %mul3A_348 = arith.mulf %get3A_290, %get3A_254 : vector<16xf32>
      %add3A_349 = arith.addf %add3A_347, %mul3A_348 : vector<16xf32>
      %mul3A_350 = arith.mulf %get3A_293, %get3A_257 : vector<16xf32>
      %add3A_351 = arith.addf %add3A_349, %mul3A_350 : vector<16xf32>
      %reduce_sum3A_352 = arith.constant true
      %reduce_sum3A_353 = vector.broadcast %reduce_sum3A_352 : i1 to vector<16xi1>
      %reduce_sum3A_354 = tpu.scan <sum>, %add3A_351 masked %reduce_sum3A_353 : vector<16xf32>, vector<16xi1> -> vector<16xf32>
      %reduce_sum3A_355 = vector.extract %reduce_sum3A_354[15] : f32 from vector<16xf32>
      %broadcast_in_dim3A_356 = vector.broadcast %reduce_sum3A_355 : f32 to vector<16xf32>
      %mul3A_357 = arith.mulf %broadcast_in_dim3A_332, %div3A_320 : vector<16xf32>
      %mul3A_358 = arith.mulf %broadcast_in_dim3A_344, %div3A_320 : vector<16xf32>
      %mul3A_359 = arith.mulf %broadcast_in_dim3A_356, %div3A_320 : vector<16xf32>
      %mul3A_360 = arith.mulf %mul3A_357, %get3A_248 : vector<16xf32>
      %sub3A = arith.subf %get3A_260, %mul3A_360 : vector<16xf32>
      %mul3A_361 = arith.mulf %mul3A_357, %get3A_251 : vector<16xf32>
      %sub3A_362 = arith.subf %get3A_263, %mul3A_361 : vector<16xf32>
      %mul3A_363 = arith.mulf %mul3A_357, %get3A_254 : vector<16xf32>
      %sub3A_364 = arith.subf %get3A_266, %mul3A_363 : vector<16xf32>
      %mul3A_365 = arith.mulf %mul3A_357, %get3A_257 : vector<16xf32>
      %sub3A_366 = arith.subf %get3A_269, %mul3A_365 : vector<16xf32>
      %mul3A_367 = arith.mulf %mul3A_358, %get3A_248 : vector<16xf32>
      %sub3A_368 = arith.subf %get3A_272, %mul3A_367 : vector<16xf32>
      %mul3A_369 = arith.mulf %mul3A_358, %get3A_251 : vector<16xf32>
      %sub3A_370 = arith.subf %get3A_275, %mul3A_369 : vector<16xf32>
      %mul3A_371 = arith.mulf %mul3A_358, %get3A_254 : vector<16xf32>
      %sub3A_372 = arith.subf %get3A_278, %mul3A_371 : vector<16xf32>
      %mul3A_373 = arith.mulf %mul3A_358, %get3A_257 : vector<16xf32>
      %sub3A_374 = arith.subf %get3A_281, %mul3A_373 : vector<16xf32>
      %mul3A_375 = arith.mulf %mul3A_359, %get3A_248 : vector<16xf32>
      %sub3A_376 = arith.subf %get3A_284, %mul3A_375 : vector<16xf32>
      %mul3A_377 = arith.mulf %mul3A_359, %get3A_251 : vector<16xf32>
      %sub3A_378 = arith.subf %get3A_287, %mul3A_377 : vector<16xf32>
      %mul3A_379 = arith.mulf %mul3A_359, %get3A_254 : vector<16xf32>
      %sub3A_380 = arith.subf %get3A_290, %mul3A_379 : vector<16xf32>
      %mul3A_381 = arith.mulf %mul3A_359, %get3A_257 : vector<16xf32>
      %sub3A_382 = arith.subf %get3A_293, %mul3A_381 : vector<16xf32>
      %add3A_383 = arith.addf %sub3A, %get3A_296 : vector<16xf32>
      %add3A_384 = arith.addf %sub3A_362, %get3A_299 : vector<16xf32>
      %add3A_385 = arith.addf %sub3A_364, %get3A_302 : vector<16xf32>
      %add3A_386 = arith.addf %sub3A_366, %get3A_305 : vector<16xf32>
      %sub3A_387 = arith.subf %add3A_383, %sub3A_368 : vector<16xf32>
      %sub3A_388 = arith.subf %add3A_384, %sub3A_370 : vector<16xf32>
      %sub3A_389 = arith.subf %add3A_385, %sub3A_372 : vector<16xf32>
      %sub3A_390 = arith.subf %add3A_386, %sub3A_374 : vector<16xf32>
      %sub3A_391 = arith.subf %add3A_383, %sub3A_376 : vector<16xf32>
      %sub3A_392 = arith.subf %add3A_384, %sub3A_378 : vector<16xf32>
      %sub3A_393 = arith.subf %add3A_385, %sub3A_380 : vector<16xf32>
      %sub3A_394 = arith.subf %add3A_386, %sub3A_382 : vector<16xf32>
      %mul3A_395 = arith.mulf %sub3A_387, %sub3A_387 : vector<16xf32>
      %mul3A_396 = arith.mulf %sub3A_388, %sub3A_388 : vector<16xf32>
      %add3A_397 = arith.addf %mul3A_395, %mul3A_396 : vector<16xf32>
      %mul3A_398 = arith.mulf %sub3A_389, %sub3A_389 : vector<16xf32>
      %add3A_399 = arith.addf %add3A_397, %mul3A_398 : vector<16xf32>
      %mul3A_400 = arith.mulf %sub3A_390, %sub3A_390 : vector<16xf32>
      %add3A_401 = arith.addf %add3A_399, %mul3A_400 : vector<16xf32>
      %reduce_sum3A_402 = arith.constant true
      %reduce_sum3A_403 = vector.broadcast %reduce_sum3A_402 : i1 to vector<16xi1>
      %reduce_sum3A_404 = tpu.scan <sum>, %add3A_401 masked %reduce_sum3A_403 : vector<16xf32>, vector<16xi1> -> vector<16xf32>
      %reduce_sum3A_405 = vector.extract %reduce_sum3A_404[15] : f32 from vector<16xf32>
      %mul3A_406 = arith.mulf %sub3A_391, %sub3A_391 : vector<16xf32>
      %mul3A_407 = arith.mulf %sub3A_392, %sub3A_392 : vector<16xf32>
      %add3A_408 = arith.addf %mul3A_406, %mul3A_407 : vector<16xf32>
      %mul3A_409 = arith.mulf %sub3A_393, %sub3A_393 : vector<16xf32>
      %add3A_410 = arith.addf %add3A_408, %mul3A_409 : vector<16xf32>
      %mul3A_411 = arith.mulf %sub3A_394, %sub3A_394 : vector<16xf32>
      %add3A_412 = arith.addf %add3A_410, %mul3A_411 : vector<16xf32>
      %reduce_sum3A_413 = arith.constant true
      %reduce_sum3A_414 = vector.broadcast %reduce_sum3A_413 : i1 to vector<16xi1>
      %reduce_sum3A_415 = tpu.scan <sum>, %add3A_412 masked %reduce_sum3A_414 : vector<16xf32>, vector<16xi1> -> vector<16xf32>
      %reduce_sum3A_416 = vector.extract %reduce_sum3A_415[15] : f32 from vector<16xf32>
      %and3A = arith.constant 15 : i32
      %and3A_417 = arith.andi %scan3A_244, %and3A : i32
      %eq3A = vector.broadcast %and3A_417 : i32 to vector<16xi32>
      %eq3A_418 = arith.cmpi eq, %iota3A, %eq3A : vector<16xi32>
      %sub3A_419 = arith.subf %reduce_sum3A_416, %reduce_sum3A_405 : f32
      %broadcast_in_dim3A_420 = vector.broadcast %sub3A_419 : f32 to vector<16xf32>
      %select_n3A = arith.select %eq3A_418, %broadcast_in_dim3A_420, %scan3A_246 : vector<16xi1>, vector<16xf32>
      %and3A_421 = arith.constant 15 : i32
      %and3A_422 = arith.andi %scan3A_244, %and3A_421 : i32
      %eq3A_423 = arith.constant 15 : i32
      %eq3A_424 = arith.cmpi eq, %and3A_422, %eq3A_423 : i32
      %convert_element_type3A = arith.extui %eq3A_424 : i1 to i32
      %cond3A = arith.constant 0 : i32
      %cond3A_425 = arith.cmpi ne, %convert_element_type3A, %cond3A : i32
      scf.if %cond3A_425 {
        %add3A_1127 = arith.constant 256 : i32
        %add3A_1128 = arith.addi %add3A_1127, %scan3A_244 : i32
        %sub3A_1129 = arith.constant 15 : i32
        %sub3A_1130 = arith.subi %add3A_1128, %sub3A_1129 : i32
        %swap3A_1131 = arith.index_cast %sub3A_1130 : i32 to index
        %swap3A_1132 = tpu.vector_load %arg25[%swap3A_1131] {strides = array<i32>} : memref<512xf32, #tpu.memory_space<vmem>>, vector<16xf32>,
        tpu.vector_store %arg25[%swap3A_1131], %select_n3A {strides = array<i32>} : memref<512xf32, #tpu.memory_space<vmem>>, vector<16xf32>,
      } else {
      }
      %mul3A_426 = arith.mulf %sub3A, %sub3A : vector<16xf32>
      %mul3A_427 = arith.mulf %sub3A_362, %sub3A_362 : vector<16xf32>
      %add3A_428 = arith.addf %mul3A_426, %mul3A_427 : vector<16xf32>
      %mul3A_429 = arith.mulf %sub3A_364, %sub3A_364 : vector<16xf32>
      %add3A_430 = arith.addf %add3A_428, %mul3A_429 : vector<16xf32>
      %mul3A_431 = arith.mulf %sub3A_366, %sub3A_366 : vector<16xf32>
      %add3A_432 = arith.addf %add3A_430, %mul3A_431 : vector<16xf32>
      %add3A_433 = arith.addf %scan3A_245, %add3A_432 : vector<16xf32>
      %mul3A_434 = arith.mulf %get3A_296, %get3A_296 : vector<16xf32>
      %mul3A_435 = arith.mulf %get3A_299, %get3A_299 : vector<16xf32>
      %add3A_436 = arith.addf %mul3A_434, %mul3A_435 : vector<16xf32>
      %mul3A_437 = arith.mulf %get3A_302, %get3A_302 : vector<16xf32>
      %add3A_438 = arith.addf %add3A_436, %mul3A_437 : vector<16xf32>
      %mul3A_439 = arith.mulf %get3A_305, %get3A_305 : vector<16xf32>
      %add3A_440 = arith.addf %add3A_438, %mul3A_439 : vector<16xf32>
      %add3A_441 = arith.addf %add3A_433, %add3A_440 : vector<16xf32>
      %mul3A_442 = arith.mulf %sub3A_368, %sub3A_368 : vector<16xf32>
      %mul3A_443 = arith.mulf %sub3A_370, %sub3A_370 : vector<16xf32>
      %add3A_444 = arith.addf %mul3A_442, %mul3A_443 : vector<16xf32>
      %mul3A_445 = arith.mulf %sub3A_372, %sub3A_372 : vector<16xf32>
      %add3A_446 = arith.addf %add3A_444, %mul3A_445 : vector<16xf32>
      %mul3A_447 = arith.mulf %sub3A_374, %sub3A_374 : vector<16xf32>
      %add3A_448 = arith.addf %add3A_446, %mul3A_447 : vector<16xf32>
      %add3A_449 = arith.addf %add3A_441, %add3A_448 : vector<16xf32>
      %mul3A_450 = arith.mulf %sub3A_376, %sub3A_376 : vector<16xf32>
      %mul3A_451 = arith.mulf %sub3A_378, %sub3A_378 : vector<16xf32>
      %add3A_452 = arith.addf %mul3A_450, %mul3A_451 : vector<16xf32>
      %mul3A_453 = arith.mulf %sub3A_380, %sub3A_380 : vector<16xf32>
      %add3A_454 = arith.addf %add3A_452, %mul3A_453 : vector<16xf32>
      %mul3A_455 = arith.mulf %sub3A_382, %sub3A_382 : vector<16xf32>
      %add3A_456 = arith.addf %add3A_454, %mul3A_455 : vector<16xf32>
      %add3A_457 = arith.addf %add3A_449, %add3A_456 : vector<16xf32>
      %scan3A_458 = arith.constant 1 : i32
      %scan3A_459 = arith.addi %scan3A_244, %scan3A_458 : i32
      %get3A_460 = arith.index_cast %scan3A_459 : i32 to index
      %get3A_461 = arith.constant 0 : index
      %get3A_462 = tpu.vector_load %arg17[%get3A_460, %get3A_461] {strides = array<i32>} : memref<128x64xf32, #tpu.memory_space<vmem>>, vector<16xf32>,
      %get3A_463 = arith.index_cast %scan3A_459 : i32 to index
      %get3A_464 = arith.constant 16 : index
      %get3A_465 = tpu.vector_load %arg17[%get3A_463, %get3A_464] {strides = array<i32>} : memref<128x64xf32, #tpu.memory_space<vmem>>, vector<16xf32>,
      %get3A_466 = arith.index_cast %scan3A_459 : i32 to index
      %get3A_467 = arith.constant 32 : index
      %get3A_468 = tpu.vector_load %arg17[%get3A_466, %get3A_467] {strides = array<i32>} : memref<128x64xf32, #tpu.memory_space<vmem>>, vector<16xf32>,
      %get3A_469 = arith.index_cast %scan3A_459 : i32 to index
      %get3A_470 = arith.constant 48 : index
      %get3A_471 = tpu.vector_load %arg17[%get3A_469, %get3A_470] {strides = array<i32>} : memref<128x64xf32, #tpu.memory_space<vmem>>, vector<16xf32>,
      %get3A_472 = arith.index_cast %scan3A_459 : i32 to index
      %get3A_473 = arith.constant 0 : index
      %get3A_474 = tpu.vector_load %arg15[%get3A_472, %get3A_473] {strides = array<i32>} : memref<128x64xf32, #tpu.memory_space<vmem>>, vector<16xf32>,
      %get3A_475 = arith.index_cast %scan3A_459 : i32 to index
      %get3A_476 = arith.constant 16 : index
      %get3A_477 = tpu.vector_load %arg15[%get3A_475, %get3A_476] {strides = array<i32>} : memref<128x64xf32, #tpu.memory_space<vmem>>, vector<16xf32>,
      %get3A_478 = arith.index_cast %scan3A_459 : i32 to index
      %get3A_479 = arith.constant 32 : index
      %get3A_480 = tpu.vector_load %arg15[%get3A_478, %get3A_479] {strides = array<i32>} : memref<128x64xf32, #tpu.memory_space<vmem>>, vector<16xf32>,
      %get3A_481 = arith.index_cast %scan3A_459 : i32 to index
      %get3A_482 = arith.constant 48 : index
      %get3A_483 = tpu.vector_load %arg15[%get3A_481, %get3A_482] {strides = array<i32>} : memref<128x64xf32, #tpu.memory_space<vmem>>, vector<16xf32>,
      %get3A_484 = arith.index_cast %scan3A_459 : i32 to index
      %get3A_485 = arith.constant 0 : index
      %get3A_486 = tpu.vector_load %arg18[%get3A_484, %get3A_485] {strides = array<i32>} : memref<128x64xf32, #tpu.memory_space<vmem>>, vector<16xf32>,
      %get3A_487 = arith.index_cast %scan3A_459 : i32 to index
      %get3A_488 = arith.constant 16 : index
      %get3A_489 = tpu.vector_load %arg18[%get3A_487, %get3A_488] {strides = array<i32>} : memref<128x64xf32, #tpu.memory_space<vmem>>, vector<16xf32>,
      %get3A_490 = arith.index_cast %scan3A_459 : i32 to index
      %get3A_491 = arith.constant 32 : index
      %get3A_492 = tpu.vector_load %arg18[%get3A_490, %get3A_491] {strides = array<i32>} : memref<128x64xf32, #tpu.memory_space<vmem>>, vector<16xf32>,
      %get3A_493 = arith.index_cast %scan3A_459 : i32 to index
      %get3A_494 = arith.constant 48 : index
      %get3A_495 = tpu.vector_load %arg18[%get3A_493, %get3A_494] {strides = array<i32>} : memref<128x64xf32, #tpu.memory_space<vmem>>, vector<16xf32>,
      %get3A_496 = arith.index_cast %scan3A_459 : i32 to index
      %get3A_497 = arith.constant 0 : index
      %get3A_498 = tpu.vector_load %arg19[%get3A_496, %get3A_497] {strides = array<i32>} : memref<128x64xf32, #tpu.memory_space<vmem>>, vector<16xf32>,
      %get3A_499 = arith.index_cast %scan3A_459 : i32 to index
      %get3A_500 = arith.constant 16 : index
      %get3A_501 = tpu.vector_load %arg19[%get3A_499, %get3A_500] {strides = array<i32>} : memref<128x64xf32, #tpu.memory_space<vmem>>, vector<16xf32>,
      %get3A_502 = arith.index_cast %scan3A_459 : i32 to index
      %get3A_503 = arith.constant 32 : index
      %get3A_504 = tpu.vector_load %arg19[%get3A_502, %get3A_503] {strides = array<i32>} : memref<128x64xf32, #tpu.memory_space<vmem>>, vector<16xf32>,
      %get3A_505 = arith.index_cast %scan3A_459 : i32 to index
      %get3A_506 = arith.constant 48 : index
      %get3A_507 = tpu.vector_load %arg19[%get3A_505, %get3A_506] {strides = array<i32>} : memref<128x64xf32, #tpu.memory_space<vmem>>, vector<16xf32>,
      %get3A_508 = arith.index_cast %scan3A_459 : i32 to index
      %get3A_509 = arith.constant 0 : index
      %get3A_510 = tpu.vector_load %arg16[%get3A_508, %get3A_509] {strides = array<i32>} : memref<128x64xf32, #tpu.memory_space<vmem>>, vector<16xf32>,
      %get3A_511 = arith.index_cast %scan3A_459 : i32 to index
      %get3A_512 = arith.constant 16 : index
      %get3A_513 = tpu.vector_load %arg16[%get3A_511, %get3A_512] {strides = array<i32>} : memref<128x64xf32, #tpu.memory_space<vmem>>, vector<16xf32>,
      %get3A_514 = arith.index_cast %scan3A_459 : i32 to index
      %get3A_515 = arith.constant 32 : index
      %get3A_516 = tpu.vector_load %arg16[%get3A_514, %get3A_515] {strides = array<i32>} : memref<128x64xf32, #tpu.memory_space<vmem>>, vector<16xf32>,
      %get3A_517 = arith.index_cast %scan3A_459 : i32 to index
      %get3A_518 = arith.constant 48 : index
      %get3A_519 = tpu.vector_load %arg16[%get3A_517, %get3A_518] {strides = array<i32>} : memref<128x64xf32, #tpu.memory_space<vmem>>, vector<16xf32>,
      %mul3A_520 = arith.mulf %get3A_462, %get3A_462 : vector<16xf32>
      %mul3A_521 = arith.mulf %get3A_465, %get3A_465 : vector<16xf32>
      %add3A_522 = arith.addf %mul3A_520, %mul3A_521 : vector<16xf32>
      %mul3A_523 = arith.mulf %get3A_468, %get3A_468 : vector<16xf32>
      %add3A_524 = arith.addf %add3A_522, %mul3A_523 : vector<16xf32>
      %mul3A_525 = arith.mulf %get3A_471, %get3A_471 : vector<16xf32>
      %add3A_526 = arith.addf %add3A_524, %mul3A_525 : vector<16xf32>
      %reduce_sum3A_527 = arith.constant true
      %reduce_sum3A_528 = vector.broadcast %reduce_sum3A_527 : i1 to vector<16xi1>
      %reduce_sum3A_529 = tpu.scan <sum>, %add3A_526 masked %reduce_sum3A_528 : vector<16xf32>, vector<16xi1> -> vector<16xf32>
      %reduce_sum3A_530 = vector.extract %reduce_sum3A_529[15] : f32 from vector<16xf32>
      %broadcast_in_dim3A_531 = vector.broadcast %reduce_sum3A_530 : f32 to vector<16xf32>
      %max3A_532 = arith.constant 1.000000e-24 : f32
      %max3A_533 = vector.broadcast %max3A_532 : f32 to vector<16xf32>
      %max3A_534 = arith.maximumf %broadcast_in_dim3A_531, %max3A_533 : vector<16xf32>
      %div3A_535 = arith.constant 1.000000e+00 : f32
      %div3A_536 = vector.broadcast %div3A_535 : f32 to vector<16xf32>
      %div3A_537 = arith.divf %div3A_536, %max3A_534 : vector<16xf32>
      %mul3A_538 = arith.mulf %get3A_474, %get3A_462 : vector<16xf32>
      %mul3A_539 = arith.mulf %get3A_477, %get3A_465 : vector<16xf32>
      %add3A_540 = arith.addf %mul3A_538, %mul3A_539 : vector<16xf32>
      %mul3A_541 = arith.mulf %get3A_480, %get3A_468 : vector<16xf32>
      %add3A_542 = arith.addf %add3A_540, %mul3A_541 : vector<16xf32>
      %mul3A_543 = arith.mulf %get3A_483, %get3A_471 : vector<16xf32>
      %add3A_544 = arith.addf %add3A_542, %mul3A_543 : vector<16xf32>
      %reduce_sum3A_545 = arith.constant true
      %reduce_sum3A_546 = vector.broadcast %reduce_sum3A_545 : i1 to vector<16xi1>
      %reduce_sum3A_547 = tpu.scan <sum>, %add3A_544 masked %reduce_sum3A_546 : vector<16xf32>, vector<16xi1> -> vector<16xf32>
      %reduce_sum3A_548 = vector.extract %reduce_sum3A_547[15] : f32 from vector<16xf32>
      %broadcast_in_dim3A_549 = vector.broadcast %reduce_sum3A_548 : f32 to vector<16xf32>
      %mul3A_550 = arith.mulf %get3A_486, %get3A_462 : vector<16xf32>
      %mul3A_551 = arith.mulf %get3A_489, %get3A_465 : vector<16xf32>
      %add3A_552 = arith.addf %mul3A_550, %mul3A_551 : vector<16xf32>
      %mul3A_553 = arith.mulf %get3A_492, %get3A_468 : vector<16xf32>
      %add3A_554 = arith.addf %add3A_552, %mul3A_553 : vector<16xf32>
      %mul3A_555 = arith.mulf %get3A_495, %get3A_471 : vector<16xf32>
      %add3A_556 = arith.addf %add3A_554, %mul3A_555 : vector<16xf32>
      %reduce_sum3A_557 = arith.constant true
      %reduce_sum3A_558 = vector.broadcast %reduce_sum3A_557 : i1 to vector<16xi1>
      %reduce_sum3A_559 = tpu.scan <sum>, %add3A_556 masked %reduce_sum3A_558 : vector<16xf32>, vector<16xi1> -> vector<16xf32>
      %reduce_sum3A_560 = vector.extract %reduce_sum3A_559[15] : f32 from vector<16xf32>
      %broadcast_in_dim3A_561 = vector.broadcast %reduce_sum3A_560 : f32 to vector<16xf32>
      %mul3A_562 = arith.mulf %get3A_498, %get3A_462 : vector<16xf32>
      %mul3A_563 = arith.mulf %get3A_501, %get3A_465 : vector<16xf32>
      %add3A_564 = arith.addf %mul3A_562, %mul3A_563 : vector<16xf32>
      %mul3A_565 = arith.mulf %get3A_504, %get3A_468 : vector<16xf32>
      %add3A_566 = arith.addf %add3A_564, %mul3A_565 : vector<16xf32>
      %mul3A_567 = arith.mulf %get3A_507, %get3A_471 : vector<16xf32>
      %add3A_568 = arith.addf %add3A_566, %mul3A_567 : vector<16xf32>
      %reduce_sum3A_569 = arith.constant true
      %reduce_sum3A_570 = vector.broadcast %reduce_sum3A_569 : i1 to vector<16xi1>
      %reduce_sum3A_571 = tpu.scan <sum>, %add3A_568 masked %reduce_sum3A_570 : vector<16xf32>, vector<16xi1> -> vector<16xf32>
      %reduce_sum3A_572 = vector.extract %reduce_sum3A_571[15] : f32 from vector<16xf32>
      %broadcast_in_dim3A_573 = vector.broadcast %reduce_sum3A_572 : f32 to vector<16xf32>
      %mul3A_574 = arith.mulf %broadcast_in_dim3A_549, %div3A_537 : vector<16xf32>
      %mul3A_575 = arith.mulf %broadcast_in_dim3A_561, %div3A_537 : vector<16xf32>
      %mul3A_576 = arith.mulf %broadcast_in_dim3A_573, %div3A_537 : vector<16xf32>
      %mul3A_577 = arith.mulf %mul3A_574, %get3A_462 : vector<16xf32>
      %sub3A_578 = arith.subf %get3A_474, %mul3A_577 : vector<16xf32>
      %mul3A_579 = arith.mulf %mul3A_574, %get3A_465 : vector<16xf32>
      %sub3A_580 = arith.subf %get3A_477, %mul3A_579 : vector<16xf32>
      %mul3A_581 = arith.mulf %mul3A_574, %get3A_468 : vector<16xf32>
      %sub3A_582 = arith.subf %get3A_480, %mul3A_581 : vector<16xf32>
      %mul3A_583 = arith.mulf %mul3A_574, %get3A_471 : vector<16xf32>
      %sub3A_584 = arith.subf %get3A_483, %mul3A_583 : vector<16xf32>
      %mul3A_585 = arith.mulf %mul3A_575, %get3A_462 : vector<16xf32>
      %sub3A_586 = arith.subf %get3A_486, %mul3A_585 : vector<16xf32>
      %mul3A_587 = arith.mulf %mul3A_575, %get3A_465 : vector<16xf32>
      %sub3A_588 = arith.subf %get3A_489, %mul3A_587 : vector<16xf32>
      %mul3A_589 = arith.mulf %mul3A_575, %get3A_468 : vector<16xf32>
      %sub3A_590 = arith.subf %get3A_492, %mul3A_589 : vector<16xf32>
      %mul3A_591 = arith.mulf %mul3A_575, %get3A_471 : vector<16xf32>
      %sub3A_592 = arith.subf %get3A_495, %mul3A_591 : vector<16xf32>
      %mul3A_593 = arith.mulf %mul3A_576, %get3A_462 : vector<16xf32>
      %sub3A_594 = arith.subf %get3A_498, %mul3A_593 : vector<16xf32>
      %mul3A_595 = arith.mulf %mul3A_576, %get3A_465 : vector<16xf32>
      %sub3A_596 = arith.subf %get3A_501, %mul3A_595 : vector<16xf32>
      %mul3A_597 = arith.mulf %mul3A_576, %get3A_468 : vector<16xf32>
      %sub3A_598 = arith.subf %get3A_504, %mul3A_597 : vector<16xf32>
      %mul3A_599 = arith.mulf %mul3A_576, %get3A_471 : vector<16xf32>
      %sub3A_600 = arith.subf %get3A_507, %mul3A_599 : vector<16xf32>
      %add3A_601 = arith.addf %sub3A_578, %get3A_510 : vector<16xf32>
      %add3A_602 = arith.addf %sub3A_580, %get3A_513 : vector<16xf32>
      %add3A_603 = arith.addf %sub3A_582, %get3A_516 : vector<16xf32>
      %add3A_604 = arith.addf %sub3A_584, %get3A_519 : vector<16xf32>
      %sub3A_605 = arith.subf %add3A_601, %sub3A_586 : vector<16xf32>
      %sub3A_606 = arith.subf %add3A_602, %sub3A_588 : vector<16xf32>
      %sub3A_607 = arith.subf %add3A_603, %sub3A_590 : vector<16xf32>
      %sub3A_608 = arith.subf %add3A_604, %sub3A_592 : vector<16xf32>
      %sub3A_609 = arith.subf %add3A_601, %sub3A_594 : vector<16xf32>
      %sub3A_610 = arith.subf %add3A_602, %sub3A_596 : vector<16xf32>
      %sub3A_611 = arith.subf %add3A_603, %sub3A_598 : vector<16xf32>
      %sub3A_612 = arith.subf %add3A_604, %sub3A_600 : vector<16xf32>
      %mul3A_613 = arith.mulf %sub3A_605, %sub3A_605 : vector<16xf32>
      %mul3A_614 = arith.mulf %sub3A_606, %sub3A_606 : vector<16xf32>
      %add3A_615 = arith.addf %mul3A_613, %mul3A_614 : vector<16xf32>
      %mul3A_616 = arith.mulf %sub3A_607, %sub3A_607 : vector<16xf32>
      %add3A_617 = arith.addf %add3A_615, %mul3A_616 : vector<16xf32>
      %mul3A_618 = arith.mulf %sub3A_608, %sub3A_608 : vector<16xf32>
      %add3A_619 = arith.addf %add3A_617, %mul3A_618 : vector<16xf32>
      %reduce_sum3A_620 = arith.constant true
      %reduce_sum3A_621 = vector.broadcast %reduce_sum3A_620 : i1 to vector<16xi1>
      %reduce_sum3A_622 = tpu.scan <sum>, %add3A_619 masked %reduce_sum3A_621 : vector<16xf32>, vector<16xi1> -> vector<16xf32>
      %reduce_sum3A_623 = vector.extract %reduce_sum3A_622[15] : f32 from vector<16xf32>
      %mul3A_624 = arith.mulf %sub3A_609, %sub3A_609 : vector<16xf32>
      %mul3A_625 = arith.mulf %sub3A_610, %sub3A_610 : vector<16xf32>
      %add3A_626 = arith.addf %mul3A_624, %mul3A_625 : vector<16xf32>
      %mul3A_627 = arith.mulf %sub3A_611, %sub3A_611 : vector<16xf32>
      %add3A_628 = arith.addf %add3A_626, %mul3A_627 : vector<16xf32>
      %mul3A_629 = arith.mulf %sub3A_612, %sub3A_612 : vector<16xf32>
      %add3A_630 = arith.addf %add3A_628, %mul3A_629 : vector<16xf32>
      %reduce_sum3A_631 = arith.constant true
      %reduce_sum3A_632 = vector.broadcast %reduce_sum3A_631 : i1 to vector<16xi1>
      %reduce_sum3A_633 = tpu.scan <sum>, %add3A_630 masked %reduce_sum3A_632 : vector<16xf32>, vector<16xi1> -> vector<16xf32>
      %reduce_sum3A_634 = vector.extract %reduce_sum3A_633[15] : f32 from vector<16xf32>
      %and3A_635 = arith.constant 15 : i32
      %and3A_636 = arith.andi %scan3A_459, %and3A_635 : i32
      %eq3A_637 = vector.broadcast %and3A_636 : i32 to vector<16xi32>
      %eq3A_638 = arith.cmpi eq, %iota3A, %eq3A_637 : vector<16xi32>
      %sub3A_639 = arith.subf %reduce_sum3A_634, %reduce_sum3A_623 : f32
      %broadcast_in_dim3A_640 = vector.broadcast %sub3A_639 : f32 to vector<16xf32>
      %select_n3A_641 = arith.select %eq3A_638, %broadcast_in_dim3A_640, %select_n3A : vector<16xi1>, vector<16xf32>
      %and3A_642 = arith.constant 15 : i32
      %and3A_643 = arith.andi %scan3A_459, %and3A_642 : i32
      %eq3A_644 = arith.constant 15 : i32
      %eq3A_645 = arith.cmpi eq, %and3A_643, %eq3A_644 : i32
      %convert_element_type3A_646 = arith.extui %eq3A_645 : i1 to i32
      %cond3A_647 = arith.constant 0 : i32
      %cond3A_648 = arith.cmpi ne, %convert_element_type3A_646, %cond3A_647 : i32
      scf.if %cond3A_648 {
        %add3A_1127 = arith.constant 256 : i32
        %add3A_1128 = arith.addi %add3A_1127, %scan3A_459 : i32
        %sub3A_1129 = arith.constant 15 : i32
        %sub3A_1130 = arith.subi %add3A_1128, %sub3A_1129 : i32
        %swap3A_1131 = arith.index_cast %sub3A_1130 : i32 to index
        %swap3A_1132 = tpu.vector_load %arg25[%swap3A_1131] {strides = array<i32>} : memref<512xf32, #tpu.memory_space<vmem>>, vector<16xf32>,
        tpu.vector_store %arg25[%swap3A_1131], %select_n3A_641 {strides = array<i32>} : memref<512xf32, #tpu.memory_space<vmem>>, vector<16xf32>,
      } else {
      }
      %mul3A_649 = arith.mulf %sub3A_578, %sub3A_578 : vector<16xf32>
      %mul3A_650 = arith.mulf %sub3A_580, %sub3A_580 : vector<16xf32>
      %add3A_651 = arith.addf %mul3A_649, %mul3A_650 : vector<16xf32>
      %mul3A_652 = arith.mulf %sub3A_582, %sub3A_582 : vector<16xf32>
      %add3A_653 = arith.addf %add3A_651, %mul3A_652 : vector<16xf32>
      %mul3A_654 = arith.mulf %sub3A_584, %sub3A_584 : vector<16xf32>
      %add3A_655 = arith.addf %add3A_653, %mul3A_654 : vector<16xf32>
      %add3A_656 = arith.addf %add3A_457, %add3A_655 : vector<16xf32>
      %mul3A_657 = arith.mulf %get3A_510, %get3A_510 : vector<16xf32>
      %mul3A_658 = arith.mulf %get3A_513, %get3A_513 : vector<16xf32>
      %add3A_659 = arith.addf %mul3A_657, %mul3A_658 : vector<16xf32>
      %mul3A_660 = arith.mulf %get3A_516, %get3A_516 : vector<16xf32>
      %add3A_661 = arith.addf %add3A_659, %mul3A_660 : vector<16xf32>
      %mul3A_662 = arith.mulf %get3A_519, %get3A_519 : vector<16xf32>
      %add3A_663 = arith.addf %add3A_661, %mul3A_662 : vector<16xf32>
      %add3A_664 = arith.addf %add3A_656, %add3A_663 : vector<16xf32>
      %mul3A_665 = arith.mulf %sub3A_586, %sub3A_586 : vector<16xf32>
      %mul3A_666 = arith.mulf %sub3A_588, %sub3A_588 : vector<16xf32>
      %add3A_667 = arith.addf %mul3A_665, %mul3A_666 : vector<16xf32>
      %mul3A_668 = arith.mulf %sub3A_590, %sub3A_590 : vector<16xf32>
      %add3A_669 = arith.addf %add3A_667, %mul3A_668 : vector<16xf32>
      %mul3A_670 = arith.mulf %sub3A_592, %sub3A_592 : vector<16xf32>
      %add3A_671 = arith.addf %add3A_669, %mul3A_670 : vector<16xf32>
      %add3A_672 = arith.addf %add3A_664, %add3A_671 : vector<16xf32>
      %mul3A_673 = arith.mulf %sub3A_594, %sub3A_594 : vector<16xf32>
      %mul3A_674 = arith.mulf %sub3A_596, %sub3A_596 : vector<16xf32>
      %add3A_675 = arith.addf %mul3A_673, %mul3A_674 : vector<16xf32>
      %mul3A_676 = arith.mulf %sub3A_598, %sub3A_598 : vector<16xf32>
      %add3A_677 = arith.addf %add3A_675, %mul3A_676 : vector<16xf32>
      %mul3A_678 = arith.mulf %sub3A_600, %sub3A_600 : vector<16xf32>
      %add3A_679 = arith.addf %add3A_677, %mul3A_678 : vector<16xf32>
      %add3A_680 = arith.addf %add3A_672, %add3A_679 : vector<16xf32>
      %scan3A_681 = arith.constant 2 : i32
      %scan3A_682 = arith.addi %scan3A_244, %scan3A_681 : i32
      %get3A_683 = arith.index_cast %scan3A_682 : i32 to index
      %get3A_684 = arith.constant 0 : index
      %get3A_685 = tpu.vector_load %arg17[%get3A_683, %get3A_684] {strides = array<i32>} : memref<128x64xf32, #tpu.memory_space<vmem>>, vector<16xf32>,
      %get3A_686 = arith.index_cast %scan3A_682 : i32 to index
      %get3A_687 = arith.constant 16 : index
      %get3A_688 = tpu.vector_load %arg17[%get3A_686, %get3A_687] {strides = array<i32>} : memref<128x64xf32, #tpu.memory_space<vmem>>, vector<16xf32>,
      %get3A_689 = arith.index_cast %scan3A_682 : i32 to index
      %get3A_690 = arith.constant 32 : index
      %get3A_691 = tpu.vector_load %arg17[%get3A_689, %get3A_690] {strides = array<i32>} : memref<128x64xf32, #tpu.memory_space<vmem>>, vector<16xf32>,
      %get3A_692 = arith.index_cast %scan3A_682 : i32 to index
      %get3A_693 = arith.constant 48 : index
      %get3A_694 = tpu.vector_load %arg17[%get3A_692, %get3A_693] {strides = array<i32>} : memref<128x64xf32, #tpu.memory_space<vmem>>, vector<16xf32>,
      %get3A_695 = arith.index_cast %scan3A_682 : i32 to index
      %get3A_696 = arith.constant 0 : index
      %get3A_697 = tpu.vector_load %arg15[%get3A_695, %get3A_696] {strides = array<i32>} : memref<128x64xf32, #tpu.memory_space<vmem>>, vector<16xf32>,
      %get3A_698 = arith.index_cast %scan3A_682 : i32 to index
      %get3A_699 = arith.constant 16 : index
      %get3A_700 = tpu.vector_load %arg15[%get3A_698, %get3A_699] {strides = array<i32>} : memref<128x64xf32, #tpu.memory_space<vmem>>, vector<16xf32>,
      %get3A_701 = arith.index_cast %scan3A_682 : i32 to index
      %get3A_702 = arith.constant 32 : index
      %get3A_703 = tpu.vector_load %arg15[%get3A_701, %get3A_702] {strides = array<i32>} : memref<128x64xf32, #tpu.memory_space<vmem>>, vector<16xf32>,
      %get3A_704 = arith.index_cast %scan3A_682 : i32 to index
      %get3A_705 = arith.constant 48 : index
      %get3A_706 = tpu.vector_load %arg15[%get3A_704, %get3A_705] {strides = array<i32>} : memref<128x64xf32, #tpu.memory_space<vmem>>, vector<16xf32>,
      %get3A_707 = arith.index_cast %scan3A_682 : i32 to index
      %get3A_708 = arith.constant 0 : index
      %get3A_709 = tpu.vector_load %arg18[%get3A_707, %get3A_708] {strides = array<i32>} : memref<128x64xf32, #tpu.memory_space<vmem>>, vector<16xf32>,
      %get3A_710 = arith.index_cast %scan3A_682 : i32 to index
      %get3A_711 = arith.constant 16 : index
      %get3A_712 = tpu.vector_load %arg18[%get3A_710, %get3A_711] {strides = array<i32>} : memref<128x64xf32, #tpu.memory_space<vmem>>, vector<16xf32>,
      %get3A_713 = arith.index_cast %scan3A_682 : i32 to index
      %get3A_714 = arith.constant 32 : index
      %get3A_715 = tpu.vector_load %arg18[%get3A_713, %get3A_714] {strides = array<i32>} : memref<128x64xf32, #tpu.memory_space<vmem>>, vector<16xf32>,
      %get3A_716 = arith.index_cast %scan3A_682 : i32 to index
      %get3A_717 = arith.constant 48 : index
      %get3A_718 = tpu.vector_load %arg18[%get3A_716, %get3A_717] {strides = array<i32>} : memref<128x64xf32, #tpu.memory_space<vmem>>, vector<16xf32>,
      %get3A_719 = arith.index_cast %scan3A_682 : i32 to index
      %get3A_720 = arith.constant 0 : index
      %get3A_721 = tpu.vector_load %arg19[%get3A_719, %get3A_720] {strides = array<i32>} : memref<128x64xf32, #tpu.memory_space<vmem>>, vector<16xf32>,
      %get3A_722 = arith.index_cast %scan3A_682 : i32 to index
      %get3A_723 = arith.constant 16 : index
      %get3A_724 = tpu.vector_load %arg19[%get3A_722, %get3A_723] {strides = array<i32>} : memref<128x64xf32, #tpu.memory_space<vmem>>, vector<16xf32>,
      %get3A_725 = arith.index_cast %scan3A_682 : i32 to index
      %get3A_726 = arith.constant 32 : index
      %get3A_727 = tpu.vector_load %arg19[%get3A_725, %get3A_726] {strides = array<i32>} : memref<128x64xf32, #tpu.memory_space<vmem>>, vector<16xf32>,
      %get3A_728 = arith.index_cast %scan3A_682 : i32 to index
      %get3A_729 = arith.constant 48 : index
      %get3A_730 = tpu.vector_load %arg19[%get3A_728, %get3A_729] {strides = array<i32>} : memref<128x64xf32, #tpu.memory_space<vmem>>, vector<16xf32>,
      %get3A_731 = arith.index_cast %scan3A_682 : i32 to index
      %get3A_732 = arith.constant 0 : index
      %get3A_733 = tpu.vector_load %arg16[%get3A_731, %get3A_732] {strides = array<i32>} : memref<128x64xf32, #tpu.memory_space<vmem>>, vector<16xf32>,
      %get3A_734 = arith.index_cast %scan3A_682 : i32 to index
      %get3A_735 = arith.constant 16 : index
      %get3A_736 = tpu.vector_load %arg16[%get3A_734, %get3A_735] {strides = array<i32>} : memref<128x64xf32, #tpu.memory_space<vmem>>, vector<16xf32>,
      %get3A_737 = arith.index_cast %scan3A_682 : i32 to index
      %get3A_738 = arith.constant 32 : index
      %get3A_739 = tpu.vector_load %arg16[%get3A_737, %get3A_738] {strides = array<i32>} : memref<128x64xf32, #tpu.memory_space<vmem>>, vector<16xf32>,
      %get3A_740 = arith.index_cast %scan3A_682 : i32 to index
      %get3A_741 = arith.constant 48 : index
      %get3A_742 = tpu.vector_load %arg16[%get3A_740, %get3A_741] {strides = array<i32>} : memref<128x64xf32, #tpu.memory_space<vmem>>, vector<16xf32>,
      %mul3A_743 = arith.mulf %get3A_685, %get3A_685 : vector<16xf32>
      %mul3A_744 = arith.mulf %get3A_688, %get3A_688 : vector<16xf32>
      %add3A_745 = arith.addf %mul3A_743, %mul3A_744 : vector<16xf32>
      %mul3A_746 = arith.mulf %get3A_691, %get3A_691 : vector<16xf32>
      %add3A_747 = arith.addf %add3A_745, %mul3A_746 : vector<16xf32>
      %mul3A_748 = arith.mulf %get3A_694, %get3A_694 : vector<16xf32>
      %add3A_749 = arith.addf %add3A_747, %mul3A_748 : vector<16xf32>
      %reduce_sum3A_750 = arith.constant true
      %reduce_sum3A_751 = vector.broadcast %reduce_sum3A_750 : i1 to vector<16xi1>
      %reduce_sum3A_752 = tpu.scan <sum>, %add3A_749 masked %reduce_sum3A_751 : vector<16xf32>, vector<16xi1> -> vector<16xf32>
      %reduce_sum3A_753 = vector.extract %reduce_sum3A_752[15] : f32 from vector<16xf32>
      %broadcast_in_dim3A_754 = vector.broadcast %reduce_sum3A_753 : f32 to vector<16xf32>
      %max3A_755 = arith.constant 1.000000e-24 : f32
      %max3A_756 = vector.broadcast %max3A_755 : f32 to vector<16xf32>
      %max3A_757 = arith.maximumf %broadcast_in_dim3A_754, %max3A_756 : vector<16xf32>
      %div3A_758 = arith.constant 1.000000e+00 : f32
      %div3A_759 = vector.broadcast %div3A_758 : f32 to vector<16xf32>
      %div3A_760 = arith.divf %div3A_759, %max3A_757 : vector<16xf32>
      %mul3A_761 = arith.mulf %get3A_697, %get3A_685 : vector<16xf32>
      %mul3A_762 = arith.mulf %get3A_700, %get3A_688 : vector<16xf32>
      %add3A_763 = arith.addf %mul3A_761, %mul3A_762 : vector<16xf32>
      %mul3A_764 = arith.mulf %get3A_703, %get3A_691 : vector<16xf32>
      %add3A_765 = arith.addf %add3A_763, %mul3A_764 : vector<16xf32>
      %mul3A_766 = arith.mulf %get3A_706, %get3A_694 : vector<16xf32>
      %add3A_767 = arith.addf %add3A_765, %mul3A_766 : vector<16xf32>
      %reduce_sum3A_768 = arith.constant true
      %reduce_sum3A_769 = vector.broadcast %reduce_sum3A_768 : i1 to vector<16xi1>
      %reduce_sum3A_770 = tpu.scan <sum>, %add3A_767 masked %reduce_sum3A_769 : vector<16xf32>, vector<16xi1> -> vector<16xf32>
      %reduce_sum3A_771 = vector.extract %reduce_sum3A_770[15] : f32 from vector<16xf32>
      %broadcast_in_dim3A_772 = vector.broadcast %reduce_sum3A_771 : f32 to vector<16xf32>
      %mul3A_773 = arith.mulf %get3A_709, %get3A_685 : vector<16xf32>
      %mul3A_774 = arith.mulf %get3A_712, %get3A_688 : vector<16xf32>
      %add3A_775 = arith.addf %mul3A_773, %mul3A_774 : vector<16xf32>
      %mul3A_776 = arith.mulf %get3A_715, %get3A_691 : vector<16xf32>
      %add3A_777 = arith.addf %add3A_775, %mul3A_776 : vector<16xf32>
      %mul3A_778 = arith.mulf %get3A_718, %get3A_694 : vector<16xf32>
      %add3A_779 = arith.addf %add3A_777, %mul3A_778 : vector<16xf32>
      %reduce_sum3A_780 = arith.constant true
      %reduce_sum3A_781 = vector.broadcast %reduce_sum3A_780 : i1 to vector<16xi1>
      %reduce_sum3A_782 = tpu.scan <sum>, %add3A_779 masked %reduce_sum3A_781 : vector<16xf32>, vector<16xi1> -> vector<16xf32>
      %reduce_sum3A_783 = vector.extract %reduce_sum3A_782[15] : f32 from vector<16xf32>
      %broadcast_in_dim3A_784 = vector.broadcast %reduce_sum3A_783 : f32 to vector<16xf32>
      %mul3A_785 = arith.mulf %get3A_721, %get3A_685 : vector<16xf32>
      %mul3A_786 = arith.mulf %get3A_724, %get3A_688 : vector<16xf32>
      %add3A_787 = arith.addf %mul3A_785, %mul3A_786 : vector<16xf32>
      %mul3A_788 = arith.mulf %get3A_727, %get3A_691 : vector<16xf32>
      %add3A_789 = arith.addf %add3A_787, %mul3A_788 : vector<16xf32>
      %mul3A_790 = arith.mulf %get3A_730, %get3A_694 : vector<16xf32>
      %add3A_791 = arith.addf %add3A_789, %mul3A_790 : vector<16xf32>
      %reduce_sum3A_792 = arith.constant true
      %reduce_sum3A_793 = vector.broadcast %reduce_sum3A_792 : i1 to vector<16xi1>
      %reduce_sum3A_794 = tpu.scan <sum>, %add3A_791 masked %reduce_sum3A_793 : vector<16xf32>, vector<16xi1> -> vector<16xf32>
      %reduce_sum3A_795 = vector.extract %reduce_sum3A_794[15] : f32 from vector<16xf32>
      %broadcast_in_dim3A_796 = vector.broadcast %reduce_sum3A_795 : f32 to vector<16xf32>
      %mul3A_797 = arith.mulf %broadcast_in_dim3A_772, %div3A_760 : vector<16xf32>
      %mul3A_798 = arith.mulf %broadcast_in_dim3A_784, %div3A_760 : vector<16xf32>
      %mul3A_799 = arith.mulf %broadcast_in_dim3A_796, %div3A_760 : vector<16xf32>
      %mul3A_800 = arith.mulf %mul3A_797, %get3A_685 : vector<16xf32>
      %sub3A_801 = arith.subf %get3A_697, %mul3A_800 : vector<16xf32>
      %mul3A_802 = arith.mulf %mul3A_797, %get3A_688 : vector<16xf32>
      %sub3A_803 = arith.subf %get3A_700, %mul3A_802 : vector<16xf32>
      %mul3A_804 = arith.mulf %mul3A_797, %get3A_691 : vector<16xf32>
      %sub3A_805 = arith.subf %get3A_703, %mul3A_804 : vector<16xf32>
      %mul3A_806 = arith.mulf %mul3A_797, %get3A_694 : vector<16xf32>
      %sub3A_807 = arith.subf %get3A_706, %mul3A_806 : vector<16xf32>
      %mul3A_808 = arith.mulf %mul3A_798, %get3A_685 : vector<16xf32>
      %sub3A_809 = arith.subf %get3A_709, %mul3A_808 : vector<16xf32>
      %mul3A_810 = arith.mulf %mul3A_798, %get3A_688 : vector<16xf32>
      %sub3A_811 = arith.subf %get3A_712, %mul3A_810 : vector<16xf32>
      %mul3A_812 = arith.mulf %mul3A_798, %get3A_691 : vector<16xf32>
      %sub3A_813 = arith.subf %get3A_715, %mul3A_812 : vector<16xf32>
      %mul3A_814 = arith.mulf %mul3A_798, %get3A_694 : vector<16xf32>
      %sub3A_815 = arith.subf %get3A_718, %mul3A_814 : vector<16xf32>
      %mul3A_816 = arith.mulf %mul3A_799, %get3A_685 : vector<16xf32>
      %sub3A_817 = arith.subf %get3A_721, %mul3A_816 : vector<16xf32>
      %mul3A_818 = arith.mulf %mul3A_799, %get3A_688 : vector<16xf32>
      %sub3A_819 = arith.subf %get3A_724, %mul3A_818 : vector<16xf32>
      %mul3A_820 = arith.mulf %mul3A_799, %get3A_691 : vector<16xf32>
      %sub3A_821 = arith.subf %get3A_727, %mul3A_820 : vector<16xf32>
      %mul3A_822 = arith.mulf %mul3A_799, %get3A_694 : vector<16xf32>
      %sub3A_823 = arith.subf %get3A_730, %mul3A_822 : vector<16xf32>
      %add3A_824 = arith.addf %sub3A_801, %get3A_733 : vector<16xf32>
      %add3A_825 = arith.addf %sub3A_803, %get3A_736 : vector<16xf32>
      %add3A_826 = arith.addf %sub3A_805, %get3A_739 : vector<16xf32>
      %add3A_827 = arith.addf %sub3A_807, %get3A_742 : vector<16xf32>
      %sub3A_828 = arith.subf %add3A_824, %sub3A_809 : vector<16xf32>
      %sub3A_829 = arith.subf %add3A_825, %sub3A_811 : vector<16xf32>
      %sub3A_830 = arith.subf %add3A_826, %sub3A_813 : vector<16xf32>
      %sub3A_831 = arith.subf %add3A_827, %sub3A_815 : vector<16xf32>
      %sub3A_832 = arith.subf %add3A_824, %sub3A_817 : vector<16xf32>
      %sub3A_833 = arith.subf %add3A_825, %sub3A_819 : vector<16xf32>
      %sub3A_834 = arith.subf %add3A_826, %sub3A_821 : vector<16xf32>
      %sub3A_835 = arith.subf %add3A_827, %sub3A_823 : vector<16xf32>
      %mul3A_836 = arith.mulf %sub3A_828, %sub3A_828 : vector<16xf32>
      %mul3A_837 = arith.mulf %sub3A_829, %sub3A_829 : vector<16xf32>
      %add3A_838 = arith.addf %mul3A_836, %mul3A_837 : vector<16xf32>
      %mul3A_839 = arith.mulf %sub3A_830, %sub3A_830 : vector<16xf32>
      %add3A_840 = arith.addf %add3A_838, %mul3A_839 : vector<16xf32>
      %mul3A_841 = arith.mulf %sub3A_831, %sub3A_831 : vector<16xf32>
      %add3A_842 = arith.addf %add3A_840, %mul3A_841 : vector<16xf32>
      %reduce_sum3A_843 = arith.constant true
      %reduce_sum3A_844 = vector.broadcast %reduce_sum3A_843 : i1 to vector<16xi1>
      %reduce_sum3A_845 = tpu.scan <sum>, %add3A_842 masked %reduce_sum3A_844 : vector<16xf32>, vector<16xi1> -> vector<16xf32>
      %reduce_sum3A_846 = vector.extract %reduce_sum3A_845[15] : f32 from vector<16xf32>
      %mul3A_847 = arith.mulf %sub3A_832, %sub3A_832 : vector<16xf32>
      %mul3A_848 = arith.mulf %sub3A_833, %sub3A_833 : vector<16xf32>
      %add3A_849 = arith.addf %mul3A_847, %mul3A_848 : vector<16xf32>
      %mul3A_850 = arith.mulf %sub3A_834, %sub3A_834 : vector<16xf32>
      %add3A_851 = arith.addf %add3A_849, %mul3A_850 : vector<16xf32>
      %mul3A_852 = arith.mulf %sub3A_835, %sub3A_835 : vector<16xf32>
      %add3A_853 = arith.addf %add3A_851, %mul3A_852 : vector<16xf32>
      %reduce_sum3A_854 = arith.constant true
      %reduce_sum3A_855 = vector.broadcast %reduce_sum3A_854 : i1 to vector<16xi1>
      %reduce_sum3A_856 = tpu.scan <sum>, %add3A_853 masked %reduce_sum3A_855 : vector<16xf32>, vector<16xi1> -> vector<16xf32>
      %reduce_sum3A_857 = vector.extract %reduce_sum3A_856[15] : f32 from vector<16xf32>
      %and3A_858 = arith.constant 15 : i32
      %and3A_859 = arith.andi %scan3A_682, %and3A_858 : i32
      %eq3A_860 = vector.broadcast %and3A_859 : i32 to vector<16xi32>
      %eq3A_861 = arith.cmpi eq, %iota3A, %eq3A_860 : vector<16xi32>
      %sub3A_862 = arith.subf %reduce_sum3A_857, %reduce_sum3A_846 : f32
      %broadcast_in_dim3A_863 = vector.broadcast %sub3A_862 : f32 to vector<16xf32>
      %select_n3A_864 = arith.select %eq3A_861, %broadcast_in_dim3A_863, %select_n3A_641 : vector<16xi1>, vector<16xf32>
      %and3A_865 = arith.constant 15 : i32
      %and3A_866 = arith.andi %scan3A_682, %and3A_865 : i32
      %eq3A_867 = arith.constant 15 : i32
      %eq3A_868 = arith.cmpi eq, %and3A_866, %eq3A_867 : i32
      %convert_element_type3A_869 = arith.extui %eq3A_868 : i1 to i32
      %cond3A_870 = arith.constant 0 : i32
      %cond3A_871 = arith.cmpi ne, %convert_element_type3A_869, %cond3A_870 : i32
      scf.if %cond3A_871 {
        %add3A_1127 = arith.constant 256 : i32
        %add3A_1128 = arith.addi %add3A_1127, %scan3A_682 : i32
        %sub3A_1129 = arith.constant 15 : i32
        %sub3A_1130 = arith.subi %add3A_1128, %sub3A_1129 : i32
        %swap3A_1131 = arith.index_cast %sub3A_1130 : i32 to index
        %swap3A_1132 = tpu.vector_load %arg25[%swap3A_1131] {strides = array<i32>} : memref<512xf32, #tpu.memory_space<vmem>>, vector<16xf32>,
        tpu.vector_store %arg25[%swap3A_1131], %select_n3A_864 {strides = array<i32>} : memref<512xf32, #tpu.memory_space<vmem>>, vector<16xf32>,
      } else {
      }
      %mul3A_872 = arith.mulf %sub3A_801, %sub3A_801 : vector<16xf32>
      %mul3A_873 = arith.mulf %sub3A_803, %sub3A_803 : vector<16xf32>
      %add3A_874 = arith.addf %mul3A_872, %mul3A_873 : vector<16xf32>
      %mul3A_875 = arith.mulf %sub3A_805, %sub3A_805 : vector<16xf32>
      %add3A_876 = arith.addf %add3A_874, %mul3A_875 : vector<16xf32>
      %mul3A_877 = arith.mulf %sub3A_807, %sub3A_807 : vector<16xf32>
      %add3A_878 = arith.addf %add3A_876, %mul3A_877 : vector<16xf32>
      %add3A_879 = arith.addf %add3A_680, %add3A_878 : vector<16xf32>
      %mul3A_880 = arith.mulf %get3A_733, %get3A_733 : vector<16xf32>
      %mul3A_881 = arith.mulf %get3A_736, %get3A_736 : vector<16xf32>
      %add3A_882 = arith.addf %mul3A_880, %mul3A_881 : vector<16xf32>
      %mul3A_883 = arith.mulf %get3A_739, %get3A_739 : vector<16xf32>
      %add3A_884 = arith.addf %add3A_882, %mul3A_883 : vector<16xf32>
      %mul3A_885 = arith.mulf %get3A_742, %get3A_742 : vector<16xf32>
      %add3A_886 = arith.addf %add3A_884, %mul3A_885 : vector<16xf32>
      %add3A_887 = arith.addf %add3A_879, %add3A_886 : vector<16xf32>
      %mul3A_888 = arith.mulf %sub3A_809, %sub3A_809 : vector<16xf32>
      %mul3A_889 = arith.mulf %sub3A_811, %sub3A_811 : vector<16xf32>
      %add3A_890 = arith.addf %mul3A_888, %mul3A_889 : vector<16xf32>
      %mul3A_891 = arith.mulf %sub3A_813, %sub3A_813 : vector<16xf32>
      %add3A_892 = arith.addf %add3A_890, %mul3A_891 : vector<16xf32>
      %mul3A_893 = arith.mulf %sub3A_815, %sub3A_815 : vector<16xf32>
      %add3A_894 = arith.addf %add3A_892, %mul3A_893 : vector<16xf32>
      %add3A_895 = arith.addf %add3A_887, %add3A_894 : vector<16xf32>
      %mul3A_896 = arith.mulf %sub3A_817, %sub3A_817 : vector<16xf32>
      %mul3A_897 = arith.mulf %sub3A_819, %sub3A_819 : vector<16xf32>
      %add3A_898 = arith.addf %mul3A_896, %mul3A_897 : vector<16xf32>
      %mul3A_899 = arith.mulf %sub3A_821, %sub3A_821 : vector<16xf32>
      %add3A_900 = arith.addf %add3A_898, %mul3A_899 : vector<16xf32>
      %mul3A_901 = arith.mulf %sub3A_823, %sub3A_823 : vector<16xf32>
      %add3A_902 = arith.addf %add3A_900, %mul3A_901 : vector<16xf32>
      %add3A_903 = arith.addf %add3A_895, %add3A_902 : vector<16xf32>
      %scan3A_904 = arith.constant 3 : i32
      %scan3A_905 = arith.addi %scan3A_244, %scan3A_904 : i32
      %get3A_906 = arith.index_cast %scan3A_905 : i32 to index
      %get3A_907 = arith.constant 0 : index
      %get3A_908 = tpu.vector_load %arg17[%get3A_906, %get3A_907] {strides = array<i32>} : memref<128x64xf32, #tpu.memory_space<vmem>>, vector<16xf32>,
      %get3A_909 = arith.index_cast %scan3A_905 : i32 to index
      %get3A_910 = arith.constant 16 : index
      %get3A_911 = tpu.vector_load %arg17[%get3A_909, %get3A_910] {strides = array<i32>} : memref<128x64xf32, #tpu.memory_space<vmem>>, vector<16xf32>,
      %get3A_912 = arith.index_cast %scan3A_905 : i32 to index
      %get3A_913 = arith.constant 32 : index
      %get3A_914 = tpu.vector_load %arg17[%get3A_912, %get3A_913] {strides = array<i32>} : memref<128x64xf32, #tpu.memory_space<vmem>>, vector<16xf32>,
      %get3A_915 = arith.index_cast %scan3A_905 : i32 to index
      %get3A_916 = arith.constant 48 : index
      %get3A_917 = tpu.vector_load %arg17[%get3A_915, %get3A_916] {strides = array<i32>} : memref<128x64xf32, #tpu.memory_space<vmem>>, vector<16xf32>,
      %get3A_918 = arith.index_cast %scan3A_905 : i32 to index
      %get3A_919 = arith.constant 0 : index
      %get3A_920 = tpu.vector_load %arg15[%get3A_918, %get3A_919] {strides = array<i32>} : memref<128x64xf32, #tpu.memory_space<vmem>>, vector<16xf32>,
      %get3A_921 = arith.index_cast %scan3A_905 : i32 to index
      %get3A_922 = arith.constant 16 : index
      %get3A_923 = tpu.vector_load %arg15[%get3A_921, %get3A_922] {strides = array<i32>} : memref<128x64xf32, #tpu.memory_space<vmem>>, vector<16xf32>,
      %get3A_924 = arith.index_cast %scan3A_905 : i32 to index
      %get3A_925 = arith.constant 32 : index
      %get3A_926 = tpu.vector_load %arg15[%get3A_924, %get3A_925] {strides = array<i32>} : memref<128x64xf32, #tpu.memory_space<vmem>>, vector<16xf32>,
      %get3A_927 = arith.index_cast %scan3A_905 : i32 to index
      %get3A_928 = arith.constant 48 : index
      %get3A_929 = tpu.vector_load %arg15[%get3A_927, %get3A_928] {strides = array<i32>} : memref<128x64xf32, #tpu.memory_space<vmem>>, vector<16xf32>,
      %get3A_930 = arith.index_cast %scan3A_905 : i32 to index
      %get3A_931 = arith.constant 0 : index
      %get3A_932 = tpu.vector_load %arg18[%get3A_930, %get3A_931] {strides = array<i32>} : memref<128x64xf32, #tpu.memory_space<vmem>>, vector<16xf32>,
      %get3A_933 = arith.index_cast %scan3A_905 : i32 to index
      %get3A_934 = arith.constant 16 : index
      %get3A_935 = tpu.vector_load %arg18[%get3A_933, %get3A_934] {strides = array<i32>} : memref<128x64xf32, #tpu.memory_space<vmem>>, vector<16xf32>,
      %get3A_936 = arith.index_cast %scan3A_905 : i32 to index
      %get3A_937 = arith.constant 32 : index
      %get3A_938 = tpu.vector_load %arg18[%get3A_936, %get3A_937] {strides = array<i32>} : memref<128x64xf32, #tpu.memory_space<vmem>>, vector<16xf32>,
      %get3A_939 = arith.index_cast %scan3A_905 : i32 to index
      %get3A_940 = arith.constant 48 : index
      %get3A_941 = tpu.vector_load %arg18[%get3A_939, %get3A_940] {strides = array<i32>} : memref<128x64xf32, #tpu.memory_space<vmem>>, vector<16xf32>,
      %get3A_942 = arith.index_cast %scan3A_905 : i32 to index
      %get3A_943 = arith.constant 0 : index
      %get3A_944 = tpu.vector_load %arg19[%get3A_942, %get3A_943] {strides = array<i32>} : memref<128x64xf32, #tpu.memory_space<vmem>>, vector<16xf32>,
      %get3A_945 = arith.index_cast %scan3A_905 : i32 to index
      %get3A_946 = arith.constant 16 : index
      %get3A_947 = tpu.vector_load %arg19[%get3A_945, %get3A_946] {strides = array<i32>} : memref<128x64xf32, #tpu.memory_space<vmem>>, vector<16xf32>,
      %get3A_948 = arith.index_cast %scan3A_905 : i32 to index
      %get3A_949 = arith.constant 32 : index
      %get3A_950 = tpu.vector_load %arg19[%get3A_948, %get3A_949] {strides = array<i32>} : memref<128x64xf32, #tpu.memory_space<vmem>>, vector<16xf32>,
      %get3A_951 = arith.index_cast %scan3A_905 : i32 to index
      %get3A_952 = arith.constant 48 : index
      %get3A_953 = tpu.vector_load %arg19[%get3A_951, %get3A_952] {strides = array<i32>} : memref<128x64xf32, #tpu.memory_space<vmem>>, vector<16xf32>,
      %get3A_954 = arith.index_cast %scan3A_905 : i32 to index
      %get3A_955 = arith.constant 0 : index
      %get3A_956 = tpu.vector_load %arg16[%get3A_954, %get3A_955] {strides = array<i32>} : memref<128x64xf32, #tpu.memory_space<vmem>>, vector<16xf32>,
      %get3A_957 = arith.index_cast %scan3A_905 : i32 to index
      %get3A_958 = arith.constant 16 : index
      %get3A_959 = tpu.vector_load %arg16[%get3A_957, %get3A_958] {strides = array<i32>} : memref<128x64xf32, #tpu.memory_space<vmem>>, vector<16xf32>,
      %get3A_960 = arith.index_cast %scan3A_905 : i32 to index
      %get3A_961 = arith.constant 32 : index
      %get3A_962 = tpu.vector_load %arg16[%get3A_960, %get3A_961] {strides = array<i32>} : memref<128x64xf32, #tpu.memory_space<vmem>>, vector<16xf32>,
      %get3A_963 = arith.index_cast %scan3A_905 : i32 to index
      %get3A_964 = arith.constant 48 : index
      %get3A_965 = tpu.vector_load %arg16[%get3A_963, %get3A_964] {strides = array<i32>} : memref<128x64xf32, #tpu.memory_space<vmem>>, vector<16xf32>,
      %mul3A_966 = arith.mulf %get3A_908, %get3A_908 : vector<16xf32>
      %mul3A_967 = arith.mulf %get3A_911, %get3A_911 : vector<16xf32>
      %add3A_968 = arith.addf %mul3A_966, %mul3A_967 : vector<16xf32>
      %mul3A_969 = arith.mulf %get3A_914, %get3A_914 : vector<16xf32>
      %add3A_970 = arith.addf %add3A_968, %mul3A_969 : vector<16xf32>
      %mul3A_971 = arith.mulf %get3A_917, %get3A_917 : vector<16xf32>
      %add3A_972 = arith.addf %add3A_970, %mul3A_971 : vector<16xf32>
      %reduce_sum3A_973 = arith.constant true
      %reduce_sum3A_974 = vector.broadcast %reduce_sum3A_973 : i1 to vector<16xi1>
      %reduce_sum3A_975 = tpu.scan <sum>, %add3A_972 masked %reduce_sum3A_974 : vector<16xf32>, vector<16xi1> -> vector<16xf32>
      %reduce_sum3A_976 = vector.extract %reduce_sum3A_975[15] : f32 from vector<16xf32>
      %broadcast_in_dim3A_977 = vector.broadcast %reduce_sum3A_976 : f32 to vector<16xf32>
      %max3A_978 = arith.constant 1.000000e-24 : f32
      %max3A_979 = vector.broadcast %max3A_978 : f32 to vector<16xf32>
      %max3A_980 = arith.maximumf %broadcast_in_dim3A_977, %max3A_979 : vector<16xf32>
      %div3A_981 = arith.constant 1.000000e+00 : f32
      %div3A_982 = vector.broadcast %div3A_981 : f32 to vector<16xf32>
      %div3A_983 = arith.divf %div3A_982, %max3A_980 : vector<16xf32>
      %mul3A_984 = arith.mulf %get3A_920, %get3A_908 : vector<16xf32>
      %mul3A_985 = arith.mulf %get3A_923, %get3A_911 : vector<16xf32>
      %add3A_986 = arith.addf %mul3A_984, %mul3A_985 : vector<16xf32>
      %mul3A_987 = arith.mulf %get3A_926, %get3A_914 : vector<16xf32>
      %add3A_988 = arith.addf %add3A_986, %mul3A_987 : vector<16xf32>
      %mul3A_989 = arith.mulf %get3A_929, %get3A_917 : vector<16xf32>
      %add3A_990 = arith.addf %add3A_988, %mul3A_989 : vector<16xf32>
      %reduce_sum3A_991 = arith.constant true
      %reduce_sum3A_992 = vector.broadcast %reduce_sum3A_991 : i1 to vector<16xi1>
      %reduce_sum3A_993 = tpu.scan <sum>, %add3A_990 masked %reduce_sum3A_992 : vector<16xf32>, vector<16xi1> -> vector<16xf32>
      %reduce_sum3A_994 = vector.extract %reduce_sum3A_993[15] : f32 from vector<16xf32>
      %broadcast_in_dim3A_995 = vector.broadcast %reduce_sum3A_994 : f32 to vector<16xf32>
      %mul3A_996 = arith.mulf %get3A_932, %get3A_908 : vector<16xf32>
      %mul3A_997 = arith.mulf %get3A_935, %get3A_911 : vector<16xf32>
      %add3A_998 = arith.addf %mul3A_996, %mul3A_997 : vector<16xf32>
      %mul3A_999 = arith.mulf %get3A_938, %get3A_914 : vector<16xf32>
      %add3A_1000 = arith.addf %add3A_998, %mul3A_999 : vector<16xf32>
      %mul3A_1001 = arith.mulf %get3A_941, %get3A_917 : vector<16xf32>
      %add3A_1002 = arith.addf %add3A_1000, %mul3A_1001 : vector<16xf32>
      %reduce_sum3A_1003 = arith.constant true
      %reduce_sum3A_1004 = vector.broadcast %reduce_sum3A_1003 : i1 to vector<16xi1>
      %reduce_sum3A_1005 = tpu.scan <sum>, %add3A_1002 masked %reduce_sum3A_1004 : vector<16xf32>, vector<16xi1> -> vector<16xf32>
      %reduce_sum3A_1006 = vector.extract %reduce_sum3A_1005[15] : f32 from vector<16xf32>
      %broadcast_in_dim3A_1007 = vector.broadcast %reduce_sum3A_1006 : f32 to vector<16xf32>
      %mul3A_1008 = arith.mulf %get3A_944, %get3A_908 : vector<16xf32>
      %mul3A_1009 = arith.mulf %get3A_947, %get3A_911 : vector<16xf32>
      %add3A_1010 = arith.addf %mul3A_1008, %mul3A_1009 : vector<16xf32>
      %mul3A_1011 = arith.mulf %get3A_950, %get3A_914 : vector<16xf32>
      %add3A_1012 = arith.addf %add3A_1010, %mul3A_1011 : vector<16xf32>
      %mul3A_1013 = arith.mulf %get3A_953, %get3A_917 : vector<16xf32>
      %add3A_1014 = arith.addf %add3A_1012, %mul3A_1013 : vector<16xf32>
      %reduce_sum3A_1015 = arith.constant true
      %reduce_sum3A_1016 = vector.broadcast %reduce_sum3A_1015 : i1 to vector<16xi1>
      %reduce_sum3A_1017 = tpu.scan <sum>, %add3A_1014 masked %reduce_sum3A_1016 : vector<16xf32>, vector<16xi1> -> vector<16xf32>
      %reduce_sum3A_1018 = vector.extract %reduce_sum3A_1017[15] : f32 from vector<16xf32>
      %broadcast_in_dim3A_1019 = vector.broadcast %reduce_sum3A_1018 : f32 to vector<16xf32>
      %mul3A_1020 = arith.mulf %broadcast_in_dim3A_995, %div3A_983 : vector<16xf32>
      %mul3A_1021 = arith.mulf %broadcast_in_dim3A_1007, %div3A_983 : vector<16xf32>
      %mul3A_1022 = arith.mulf %broadcast_in_dim3A_1019, %div3A_983 : vector<16xf32>
      %mul3A_1023 = arith.mulf %mul3A_1020, %get3A_908 : vector<16xf32>
      %sub3A_1024 = arith.subf %get3A_920, %mul3A_1023 : vector<16xf32>
      %mul3A_1025 = arith.mulf %mul3A_1020, %get3A_911 : vector<16xf32>
      %sub3A_1026 = arith.subf %get3A_923, %mul3A_1025 : vector<16xf32>
      %mul3A_1027 = arith.mulf %mul3A_1020, %get3A_914 : vector<16xf32>
      %sub3A_1028 = arith.subf %get3A_926, %mul3A_1027 : vector<16xf32>
      %mul3A_1029 = arith.mulf %mul3A_1020, %get3A_917 : vector<16xf32>
      %sub3A_1030 = arith.subf %get3A_929, %mul3A_1029 : vector<16xf32>
      %mul3A_1031 = arith.mulf %mul3A_1021, %get3A_908 : vector<16xf32>
      %sub3A_1032 = arith.subf %get3A_932, %mul3A_1031 : vector<16xf32>
      %mul3A_1033 = arith.mulf %mul3A_1021, %get3A_911 : vector<16xf32>
      %sub3A_1034 = arith.subf %get3A_935, %mul3A_1033 : vector<16xf32>
      %mul3A_1035 = arith.mulf %mul3A_1021, %get3A_914 : vector<16xf32>
      %sub3A_1036 = arith.subf %get3A_938, %mul3A_1035 : vector<16xf32>
      %mul3A_1037 = arith.mulf %mul3A_1021, %get3A_917 : vector<16xf32>
      %sub3A_1038 = arith.subf %get3A_941, %mul3A_1037 : vector<16xf32>
      %mul3A_1039 = arith.mulf %mul3A_1022, %get3A_908 : vector<16xf32>
      %sub3A_1040 = arith.subf %get3A_944, %mul3A_1039 : vector<16xf32>
      %mul3A_1041 = arith.mulf %mul3A_1022, %get3A_911 : vector<16xf32>
      %sub3A_1042 = arith.subf %get3A_947, %mul3A_1041 : vector<16xf32>
      %mul3A_1043 = arith.mulf %mul3A_1022, %get3A_914 : vector<16xf32>
      %sub3A_1044 = arith.subf %get3A_950, %mul3A_1043 : vector<16xf32>
      %mul3A_1045 = arith.mulf %mul3A_1022, %get3A_917 : vector<16xf32>
      %sub3A_1046 = arith.subf %get3A_953, %mul3A_1045 : vector<16xf32>
      %add3A_1047 = arith.addf %sub3A_1024, %get3A_956 : vector<16xf32>
      %add3A_1048 = arith.addf %sub3A_1026, %get3A_959 : vector<16xf32>
      %add3A_1049 = arith.addf %sub3A_1028, %get3A_962 : vector<16xf32>
      %add3A_1050 = arith.addf %sub3A_1030, %get3A_965 : vector<16xf32>
      %sub3A_1051 = arith.subf %add3A_1047, %sub3A_1032 : vector<16xf32>
      %sub3A_1052 = arith.subf %add3A_1048, %sub3A_1034 : vector<16xf32>
      %sub3A_1053 = arith.subf %add3A_1049, %sub3A_1036 : vector<16xf32>
      %sub3A_1054 = arith.subf %add3A_1050, %sub3A_1038 : vector<16xf32>
      %sub3A_1055 = arith.subf %add3A_1047, %sub3A_1040 : vector<16xf32>
      %sub3A_1056 = arith.subf %add3A_1048, %sub3A_1042 : vector<16xf32>
      %sub3A_1057 = arith.subf %add3A_1049, %sub3A_1044 : vector<16xf32>
      %sub3A_1058 = arith.subf %add3A_1050, %sub3A_1046 : vector<16xf32>
      %mul3A_1059 = arith.mulf %sub3A_1051, %sub3A_1051 : vector<16xf32>
      %mul3A_1060 = arith.mulf %sub3A_1052, %sub3A_1052 : vector<16xf32>
      %add3A_1061 = arith.addf %mul3A_1059, %mul3A_1060 : vector<16xf32>
      %mul3A_1062 = arith.mulf %sub3A_1053, %sub3A_1053 : vector<16xf32>
      %add3A_1063 = arith.addf %add3A_1061, %mul3A_1062 : vector<16xf32>
      %mul3A_1064 = arith.mulf %sub3A_1054, %sub3A_1054 : vector<16xf32>
      %add3A_1065 = arith.addf %add3A_1063, %mul3A_1064 : vector<16xf32>
      %reduce_sum3A_1066 = arith.constant true
      %reduce_sum3A_1067 = vector.broadcast %reduce_sum3A_1066 : i1 to vector<16xi1>
      %reduce_sum3A_1068 = tpu.scan <sum>, %add3A_1065 masked %reduce_sum3A_1067 : vector<16xf32>, vector<16xi1> -> vector<16xf32>
      %reduce_sum3A_1069 = vector.extract %reduce_sum3A_1068[15] : f32 from vector<16xf32>
      %mul3A_1070 = arith.mulf %sub3A_1055, %sub3A_1055 : vector<16xf32>
      %mul3A_1071 = arith.mulf %sub3A_1056, %sub3A_1056 : vector<16xf32>
      %add3A_1072 = arith.addf %mul3A_1070, %mul3A_1071 : vector<16xf32>
      %mul3A_1073 = arith.mulf %sub3A_1057, %sub3A_1057 : vector<16xf32>
      %add3A_1074 = arith.addf %add3A_1072, %mul3A_1073 : vector<16xf32>
      %mul3A_1075 = arith.mulf %sub3A_1058, %sub3A_1058 : vector<16xf32>
      %add3A_1076 = arith.addf %add3A_1074, %mul3A_1075 : vector<16xf32>
      %reduce_sum3A_1077 = arith.constant true
      %reduce_sum3A_1078 = vector.broadcast %reduce_sum3A_1077 : i1 to vector<16xi1>
      %reduce_sum3A_1079 = tpu.scan <sum>, %add3A_1076 masked %reduce_sum3A_1078 : vector<16xf32>, vector<16xi1> -> vector<16xf32>
      %reduce_sum3A_1080 = vector.extract %reduce_sum3A_1079[15] : f32 from vector<16xf32>
      %and3A_1081 = arith.constant 15 : i32
      %and3A_1082 = arith.andi %scan3A_905, %and3A_1081 : i32
      %eq3A_1083 = vector.broadcast %and3A_1082 : i32 to vector<16xi32>
      %eq3A_1084 = arith.cmpi eq, %iota3A, %eq3A_1083 : vector<16xi32>
      %sub3A_1085 = arith.subf %reduce_sum3A_1080, %reduce_sum3A_1069 : f32
      %broadcast_in_dim3A_1086 = vector.broadcast %sub3A_1085 : f32 to vector<16xf32>
      %select_n3A_1087 = arith.select %eq3A_1084, %broadcast_in_dim3A_1086, %select_n3A_864 : vector<16xi1>, vector<16xf32>
      %and3A_1088 = arith.constant 15 : i32
      %and3A_1089 = arith.andi %scan3A_905, %and3A_1088 : i32
      %eq3A_1090 = arith.constant 15 : i32
      %eq3A_1091 = arith.cmpi eq, %and3A_1089, %eq3A_1090 : i32
      %convert_element_type3A_1092 = arith.extui %eq3A_1091 : i1 to i32
      %cond3A_1093 = arith.constant 0 : i32
      %cond3A_1094 = arith.cmpi ne, %convert_element_type3A_1092, %cond3A_1093 : i32
      scf.if %cond3A_1094 {
        %add3A_1127 = arith.constant 256 : i32
        %add3A_1128 = arith.addi %add3A_1127, %scan3A_905 : i32
        %sub3A_1129 = arith.constant 15 : i32
        %sub3A_1130 = arith.subi %add3A_1128, %sub3A_1129 : i32
        %swap3A_1131 = arith.index_cast %sub3A_1130 : i32 to index
        %swap3A_1132 = tpu.vector_load %arg25[%swap3A_1131] {strides = array<i32>} : memref<512xf32, #tpu.memory_space<vmem>>, vector<16xf32>,
        tpu.vector_store %arg25[%swap3A_1131], %select_n3A_1087 {strides = array<i32>} : memref<512xf32, #tpu.memory_space<vmem>>, vector<16xf32>,
      } else {
      }
      %mul3A_1095 = arith.mulf %sub3A_1024, %sub3A_1024 : vector<16xf32>
      %mul3A_1096 = arith.mulf %sub3A_1026, %sub3A_1026 : vector<16xf32>
      %add3A_1097 = arith.addf %mul3A_1095, %mul3A_1096 : vector<16xf32>
      %mul3A_1098 = arith.mulf %sub3A_1028, %sub3A_1028 : vector<16xf32>
      %add3A_1099 = arith.addf %add3A_1097, %mul3A_1098 : vector<16xf32>
      %mul3A_1100 = arith.mulf %sub3A_1030, %sub3A_1030 : vector<16xf32>
      %add3A_1101 = arith.addf %add3A_1099, %mul3A_1100 : vector<16xf32>
      %add3A_1102 = arith.addf %add3A_903, %add3A_1101 : vector<16xf32>
      %mul3A_1103 = arith.mulf %get3A_956, %get3A_956 : vector<16xf32>
      %mul3A_1104 = arith.mulf %get3A_959, %get3A_959 : vector<16xf32>
      %add3A_1105 = arith.addf %mul3A_1103, %mul3A_1104 : vector<16xf32>
      %mul3A_1106 = arith.mulf %get3A_962, %get3A_962 : vector<16xf32>
      %add3A_1107 = arith.addf %add3A_1105, %mul3A_1106 : vector<16xf32>
      %mul3A_1108 = arith.mulf %get3A_965, %get3A_965 : vector<16xf32>
      %add3A_1109 = arith.addf %add3A_1107, %mul3A_1108 : vector<16xf32>
      %add3A_1110 = arith.addf %add3A_1102, %add3A_1109 : vector<16xf32>
      %mul3A_1111 = arith.mulf %sub3A_1032, %sub3A_1032 : vector<16xf32>
      %mul3A_1112 = arith.mulf %sub3A_1034, %sub3A_1034 : vector<16xf32>
      %add3A_1113 = arith.addf %mul3A_1111, %mul3A_1112 : vector<16xf32>
      %mul3A_1114 = arith.mulf %sub3A_1036, %sub3A_1036 : vector<16xf32>
      %add3A_1115 = arith.addf %add3A_1113, %mul3A_1114 : vector<16xf32>
      %mul3A_1116 = arith.mulf %sub3A_1038, %sub3A_1038 : vector<16xf32>
      %add3A_1117 = arith.addf %add3A_1115, %mul3A_1116 : vector<16xf32>
      %add3A_1118 = arith.addf %add3A_1110, %add3A_1117 : vector<16xf32>
      %mul3A_1119 = arith.mulf %sub3A_1040, %sub3A_1040 : vector<16xf32>
      %mul3A_1120 = arith.mulf %sub3A_1042, %sub3A_1042 : vector<16xf32>
      %add3A_1121 = arith.addf %mul3A_1119, %mul3A_1120 : vector<16xf32>
      %mul3A_1122 = arith.mulf %sub3A_1044, %sub3A_1044 : vector<16xf32>
      %add3A_1123 = arith.addf %add3A_1121, %mul3A_1122 : vector<16xf32>
      %mul3A_1124 = arith.mulf %sub3A_1046, %sub3A_1046 : vector<16xf32>
      %add3A_1125 = arith.addf %add3A_1123, %mul3A_1124 : vector<16xf32>
      %add3A_1126 = arith.addf %add3A_1118, %add3A_1125 : vector<16xf32>
      scf.yield %add3A_1126, %select_n3A_1087 : vector<16xf32>, vector<16xf32>
    }
    %scan3A_211 = arith.constant 128 : i32
    %dma_wait3A_212 = arith.constant 384 : i32
    %dma_wait3A_213 = tpu.memref_slice %arg11[%dma_wait3A_212] : memref<512xi32, #tpu.memory_space<vmem>> -> memref<128xi32, #tpu.memory_space<vmem>>
    %dma_wait3A_214 = arith.constant 0 : i32
    %dma_wait3A_215 = arith.constant 0 : i32
    %dma_wait3A_216 = tpu.memref_slice %arg6[%dma_wait3A_214, %dma_wait3A_215] : memref<1000000x64xf32, #tpu.memory_space<hbm>> -> memref<1000000x64xf32, #tpu.memory_space<hbm>>
    tpu.wait_indirect_dma semaphore(%arg29 : memref<!tpu.dma_semaphore, #tpu.memory_space<semaphore_mem>>) src(%dma_wait3A_216 : memref<1000000x64xf32, #tpu.memory_space<hbm>>) dst(%arg20 : memref<128x64xf32, #tpu.memory_space<vmem>>)
    %dma_wait3A_217 = arith.constant 384 : i32
    %dma_wait3A_218 = tpu.memref_slice %arg12[%dma_wait3A_217] : memref<512xi32, #tpu.memory_space<vmem>> -> memref<128xi32, #tpu.memory_space<vmem>>
    %dma_wait3A_219 = arith.constant 0 : i32
    %dma_wait3A_220 = arith.constant 0 : i32
    %dma_wait3A_221 = tpu.memref_slice %arg7[%dma_wait3A_219, %dma_wait3A_220] : memref<1000x64xf32, #tpu.memory_space<hbm>> -> memref<1000x64xf32, #tpu.memory_space<hbm>>
    tpu.wait_indirect_dma semaphore(%arg29 : memref<!tpu.dma_semaphore, #tpu.memory_space<semaphore_mem>>) src(%dma_wait3A_221 : memref<1000x64xf32, #tpu.memory_space<hbm>>) dst(%arg21 : memref<128x64xf32, #tpu.memory_space<vmem>>)
    %dma_wait3A_222 = arith.constant 384 : i32
    %dma_wait3A_223 = tpu.memref_slice %arg12[%dma_wait3A_222] : memref<512xi32, #tpu.memory_space<vmem>> -> memref<128xi32, #tpu.memory_space<vmem>>
    %dma_wait3A_224 = arith.constant 0 : i32
    %dma_wait3A_225 = arith.constant 0 : i32
    %dma_wait3A_226 = tpu.memref_slice %arg8[%dma_wait3A_224, %dma_wait3A_225] : memref<1000x64xf32, #tpu.memory_space<hbm>> -> memref<1000x64xf32, #tpu.memory_space<hbm>>
    tpu.wait_indirect_dma semaphore(%arg29 : memref<!tpu.dma_semaphore, #tpu.memory_space<semaphore_mem>>) src(%dma_wait3A_226 : memref<1000x64xf32, #tpu.memory_space<hbm>>) dst(%arg22 : memref<128x64xf32, #tpu.memory_space<vmem>>)
    %dma_wait3A_227 = arith.constant 384 : i32
    %dma_wait3A_228 = tpu.memref_slice %arg13[%dma_wait3A_227] : memref<512xi32, #tpu.memory_space<vmem>> -> memref<128xi32, #tpu.memory_space<vmem>>
    %dma_wait3A_229 = arith.constant 0 : i32
    %dma_wait3A_230 = arith.constant 0 : i32
    %dma_wait3A_231 = tpu.memref_slice %arg6[%dma_wait3A_229, %dma_wait3A_230] : memref<1000000x64xf32, #tpu.memory_space<hbm>> -> memref<1000000x64xf32, #tpu.memory_space<hbm>>
    tpu.wait_indirect_dma semaphore(%arg29 : memref<!tpu.dma_semaphore, #tpu.memory_space<semaphore_mem>>) src(%dma_wait3A_231 : memref<1000000x64xf32, #tpu.memory_space<hbm>>) dst(%arg23 : memref<128x64xf32, #tpu.memory_space<vmem>>)
    %dma_wait3A_232 = arith.constant 384 : i32
    %dma_wait3A_233 = tpu.memref_slice %arg14[%dma_wait3A_232] : memref<512xi32, #tpu.memory_space<vmem>> -> memref<128xi32, #tpu.memory_space<vmem>>
    %dma_wait3A_234 = arith.constant 0 : i32
    %dma_wait3A_235 = arith.constant 0 : i32
    %dma_wait3A_236 = tpu.memref_slice %arg6[%dma_wait3A_234, %dma_wait3A_235] : memref<1000000x64xf32, #tpu.memory_space<hbm>> -> memref<1000000x64xf32, #tpu.memory_space<hbm>>
    tpu.wait_indirect_dma semaphore(%arg29 : memref<!tpu.dma_semaphore, #tpu.memory_space<semaphore_mem>>) src(%dma_wait3A_236 : memref<1000000x64xf32, #tpu.memory_space<hbm>>) dst(%arg24 : memref<128x64xf32, #tpu.memory_space<vmem>>)
    %scan3A_237 = arith.constant 0 : i32
    %scan3A_238 = arith.constant 128 : i32
    %scan3A_239 = arith.addi %scan3A_237, %scan3A_238 : i32
    %scan3A_240 = arith.constant 4 : i32
    %scan3A_241:2 = scf.for %scan3A_244 = %scan3A_237 to %scan3A_239 step %scan3A_240 iter_args(%scan3A_245 = %scan3A_210#0, %scan3A_246 = %scan3A_210#1) -> (vector<16xf32>, vector<16xf32>)  : i32 {
      %get3A = arith.index_cast %scan3A_244 : i32 to index
      %get3A_247 = arith.constant 0 : index
      %get3A_248 = tpu.vector_load %arg22[%get3A, %get3A_247] {strides = array<i32>} : memref<128x64xf32, #tpu.memory_space<vmem>>, vector<16xf32>,
      %get3A_249 = arith.index_cast %scan3A_244 : i32 to index
      %get3A_250 = arith.constant 16 : index
      %get3A_251 = tpu.vector_load %arg22[%get3A_249, %get3A_250] {strides = array<i32>} : memref<128x64xf32, #tpu.memory_space<vmem>>, vector<16xf32>,
      %get3A_252 = arith.index_cast %scan3A_244 : i32 to index
      %get3A_253 = arith.constant 32 : index
      %get3A_254 = tpu.vector_load %arg22[%get3A_252, %get3A_253] {strides = array<i32>} : memref<128x64xf32, #tpu.memory_space<vmem>>, vector<16xf32>,
      %get3A_255 = arith.index_cast %scan3A_244 : i32 to index
      %get3A_256 = arith.constant 48 : index
      %get3A_257 = tpu.vector_load %arg22[%get3A_255, %get3A_256] {strides = array<i32>} : memref<128x64xf32, #tpu.memory_space<vmem>>, vector<16xf32>,
      %get3A_258 = arith.index_cast %scan3A_244 : i32 to index
      %get3A_259 = arith.constant 0 : index
      %get3A_260 = tpu.vector_load %arg20[%get3A_258, %get3A_259] {strides = array<i32>} : memref<128x64xf32, #tpu.memory_space<vmem>>, vector<16xf32>,
      %get3A_261 = arith.index_cast %scan3A_244 : i32 to index
      %get3A_262 = arith.constant 16 : index
      %get3A_263 = tpu.vector_load %arg20[%get3A_261, %get3A_262] {strides = array<i32>} : memref<128x64xf32, #tpu.memory_space<vmem>>, vector<16xf32>,
      %get3A_264 = arith.index_cast %scan3A_244 : i32 to index
      %get3A_265 = arith.constant 32 : index
      %get3A_266 = tpu.vector_load %arg20[%get3A_264, %get3A_265] {strides = array<i32>} : memref<128x64xf32, #tpu.memory_space<vmem>>, vector<16xf32>,
      %get3A_267 = arith.index_cast %scan3A_244 : i32 to index
      %get3A_268 = arith.constant 48 : index
      %get3A_269 = tpu.vector_load %arg20[%get3A_267, %get3A_268] {strides = array<i32>} : memref<128x64xf32, #tpu.memory_space<vmem>>, vector<16xf32>,
      %get3A_270 = arith.index_cast %scan3A_244 : i32 to index
      %get3A_271 = arith.constant 0 : index
      %get3A_272 = tpu.vector_load %arg23[%get3A_270, %get3A_271] {strides = array<i32>} : memref<128x64xf32, #tpu.memory_space<vmem>>, vector<16xf32>,
      %get3A_273 = arith.index_cast %scan3A_244 : i32 to index
      %get3A_274 = arith.constant 16 : index
      %get3A_275 = tpu.vector_load %arg23[%get3A_273, %get3A_274] {strides = array<i32>} : memref<128x64xf32, #tpu.memory_space<vmem>>, vector<16xf32>,
      %get3A_276 = arith.index_cast %scan3A_244 : i32 to index
      %get3A_277 = arith.constant 32 : index
      %get3A_278 = tpu.vector_load %arg23[%get3A_276, %get3A_277] {strides = array<i32>} : memref<128x64xf32, #tpu.memory_space<vmem>>, vector<16xf32>,
      %get3A_279 = arith.index_cast %scan3A_244 : i32 to index
      %get3A_280 = arith.constant 48 : index
      %get3A_281 = tpu.vector_load %arg23[%get3A_279, %get3A_280] {strides = array<i32>} : memref<128x64xf32, #tpu.memory_space<vmem>>, vector<16xf32>,
      %get3A_282 = arith.index_cast %scan3A_244 : i32 to index
      %get3A_283 = arith.constant 0 : index
      %get3A_284 = tpu.vector_load %arg24[%get3A_282, %get3A_283] {strides = array<i32>} : memref<128x64xf32, #tpu.memory_space<vmem>>, vector<16xf32>,
      %get3A_285 = arith.index_cast %scan3A_244 : i32 to index
      %get3A_286 = arith.constant 16 : index
      %get3A_287 = tpu.vector_load %arg24[%get3A_285, %get3A_286] {strides = array<i32>} : memref<128x64xf32, #tpu.memory_space<vmem>>, vector<16xf32>,
      %get3A_288 = arith.index_cast %scan3A_244 : i32 to index
      %get3A_289 = arith.constant 32 : index
      %get3A_290 = tpu.vector_load %arg24[%get3A_288, %get3A_289] {strides = array<i32>} : memref<128x64xf32, #tpu.memory_space<vmem>>, vector<16xf32>,
      %get3A_291 = arith.index_cast %scan3A_244 : i32 to index
      %get3A_292 = arith.constant 48 : index
      %get3A_293 = tpu.vector_load %arg24[%get3A_291, %get3A_292] {strides = array<i32>} : memref<128x64xf32, #tpu.memory_space<vmem>>, vector<16xf32>,
      %get3A_294 = arith.index_cast %scan3A_244 : i32 to index
      %get3A_295 = arith.constant 0 : index
      %get3A_296 = tpu.vector_load %arg21[%get3A_294, %get3A_295] {strides = array<i32>} : memref<128x64xf32, #tpu.memory_space<vmem>>, vector<16xf32>,
      %get3A_297 = arith.index_cast %scan3A_244 : i32 to index
      %get3A_298 = arith.constant 16 : index
      %get3A_299 = tpu.vector_load %arg21[%get3A_297, %get3A_298] {strides = array<i32>} : memref<128x64xf32, #tpu.memory_space<vmem>>, vector<16xf32>,
      %get3A_300 = arith.index_cast %scan3A_244 : i32 to index
      %get3A_301 = arith.constant 32 : index
      %get3A_302 = tpu.vector_load %arg21[%get3A_300, %get3A_301] {strides = array<i32>} : memref<128x64xf32, #tpu.memory_space<vmem>>, vector<16xf32>,
      %get3A_303 = arith.index_cast %scan3A_244 : i32 to index
      %get3A_304 = arith.constant 48 : index
      %get3A_305 = tpu.vector_load %arg21[%get3A_303, %get3A_304] {strides = array<i32>} : memref<128x64xf32, #tpu.memory_space<vmem>>, vector<16xf32>,
      %mul3A_306 = arith.mulf %get3A_248, %get3A_248 : vector<16xf32>
      %mul3A_307 = arith.mulf %get3A_251, %get3A_251 : vector<16xf32>
      %add3A_308 = arith.addf %mul3A_306, %mul3A_307 : vector<16xf32>
      %mul3A_309 = arith.mulf %get3A_254, %get3A_254 : vector<16xf32>
      %add3A_310 = arith.addf %add3A_308, %mul3A_309 : vector<16xf32>
      %mul3A_311 = arith.mulf %get3A_257, %get3A_257 : vector<16xf32>
      %add3A_312 = arith.addf %add3A_310, %mul3A_311 : vector<16xf32>
      %reduce_sum3A = arith.constant true
      %reduce_sum3A_313 = vector.broadcast %reduce_sum3A : i1 to vector<16xi1>
      %reduce_sum3A_314 = tpu.scan <sum>, %add3A_312 masked %reduce_sum3A_313 : vector<16xf32>, vector<16xi1> -> vector<16xf32>
      %reduce_sum3A_315 = vector.extract %reduce_sum3A_314[15] : f32 from vector<16xf32>
      %broadcast_in_dim3A_316 = vector.broadcast %reduce_sum3A_315 : f32 to vector<16xf32>
      %max3A = arith.constant 1.000000e-24 : f32
      %max3A_317 = vector.broadcast %max3A : f32 to vector<16xf32>
      %max3A_318 = arith.maximumf %broadcast_in_dim3A_316, %max3A_317 : vector<16xf32>
      %div3A = arith.constant 1.000000e+00 : f32
      %div3A_319 = vector.broadcast %div3A : f32 to vector<16xf32>
      %div3A_320 = arith.divf %div3A_319, %max3A_318 : vector<16xf32>
      %mul3A_321 = arith.mulf %get3A_260, %get3A_248 : vector<16xf32>
      %mul3A_322 = arith.mulf %get3A_263, %get3A_251 : vector<16xf32>
      %add3A_323 = arith.addf %mul3A_321, %mul3A_322 : vector<16xf32>
      %mul3A_324 = arith.mulf %get3A_266, %get3A_254 : vector<16xf32>
      %add3A_325 = arith.addf %add3A_323, %mul3A_324 : vector<16xf32>
      %mul3A_326 = arith.mulf %get3A_269, %get3A_257 : vector<16xf32>
      %add3A_327 = arith.addf %add3A_325, %mul3A_326 : vector<16xf32>
      %reduce_sum3A_328 = arith.constant true
      %reduce_sum3A_329 = vector.broadcast %reduce_sum3A_328 : i1 to vector<16xi1>
      %reduce_sum3A_330 = tpu.scan <sum>, %add3A_327 masked %reduce_sum3A_329 : vector<16xf32>, vector<16xi1> -> vector<16xf32>
      %reduce_sum3A_331 = vector.extract %reduce_sum3A_330[15] : f32 from vector<16xf32>
      %broadcast_in_dim3A_332 = vector.broadcast %reduce_sum3A_331 : f32 to vector<16xf32>
      %mul3A_333 = arith.mulf %get3A_272, %get3A_248 : vector<16xf32>
      %mul3A_334 = arith.mulf %get3A_275, %get3A_251 : vector<16xf32>
      %add3A_335 = arith.addf %mul3A_333, %mul3A_334 : vector<16xf32>
      %mul3A_336 = arith.mulf %get3A_278, %get3A_254 : vector<16xf32>
      %add3A_337 = arith.addf %add3A_335, %mul3A_336 : vector<16xf32>
      %mul3A_338 = arith.mulf %get3A_281, %get3A_257 : vector<16xf32>
      %add3A_339 = arith.addf %add3A_337, %mul3A_338 : vector<16xf32>
      %reduce_sum3A_340 = arith.constant true
      %reduce_sum3A_341 = vector.broadcast %reduce_sum3A_340 : i1 to vector<16xi1>
      %reduce_sum3A_342 = tpu.scan <sum>, %add3A_339 masked %reduce_sum3A_341 : vector<16xf32>, vector<16xi1> -> vector<16xf32>
      %reduce_sum3A_343 = vector.extract %reduce_sum3A_342[15] : f32 from vector<16xf32>
      %broadcast_in_dim3A_344 = vector.broadcast %reduce_sum3A_343 : f32 to vector<16xf32>
      %mul3A_345 = arith.mulf %get3A_284, %get3A_248 : vector<16xf32>
      %mul3A_346 = arith.mulf %get3A_287, %get3A_251 : vector<16xf32>
      %add3A_347 = arith.addf %mul3A_345, %mul3A_346 : vector<16xf32>
      %mul3A_348 = arith.mulf %get3A_290, %get3A_254 : vector<16xf32>
      %add3A_349 = arith.addf %add3A_347, %mul3A_348 : vector<16xf32>
      %mul3A_350 = arith.mulf %get3A_293, %get3A_257 : vector<16xf32>
      %add3A_351 = arith.addf %add3A_349, %mul3A_350 : vector<16xf32>
      %reduce_sum3A_352 = arith.constant true
      %reduce_sum3A_353 = vector.broadcast %reduce_sum3A_352 : i1 to vector<16xi1>
      %reduce_sum3A_354 = tpu.scan <sum>, %add3A_351 masked %reduce_sum3A_353 : vector<16xf32>, vector<16xi1> -> vector<16xf32>
      %reduce_sum3A_355 = vector.extract %reduce_sum3A_354[15] : f32 from vector<16xf32>
      %broadcast_in_dim3A_356 = vector.broadcast %reduce_sum3A_355 : f32 to vector<16xf32>
      %mul3A_357 = arith.mulf %broadcast_in_dim3A_332, %div3A_320 : vector<16xf32>
      %mul3A_358 = arith.mulf %broadcast_in_dim3A_344, %div3A_320 : vector<16xf32>
      %mul3A_359 = arith.mulf %broadcast_in_dim3A_356, %div3A_320 : vector<16xf32>
      %mul3A_360 = arith.mulf %mul3A_357, %get3A_248 : vector<16xf32>
      %sub3A = arith.subf %get3A_260, %mul3A_360 : vector<16xf32>
      %mul3A_361 = arith.mulf %mul3A_357, %get3A_251 : vector<16xf32>
      %sub3A_362 = arith.subf %get3A_263, %mul3A_361 : vector<16xf32>
      %mul3A_363 = arith.mulf %mul3A_357, %get3A_254 : vector<16xf32>
      %sub3A_364 = arith.subf %get3A_266, %mul3A_363 : vector<16xf32>
      %mul3A_365 = arith.mulf %mul3A_357, %get3A_257 : vector<16xf32>
      %sub3A_366 = arith.subf %get3A_269, %mul3A_365 : vector<16xf32>
      %mul3A_367 = arith.mulf %mul3A_358, %get3A_248 : vector<16xf32>
      %sub3A_368 = arith.subf %get3A_272, %mul3A_367 : vector<16xf32>
      %mul3A_369 = arith.mulf %mul3A_358, %get3A_251 : vector<16xf32>
      %sub3A_370 = arith.subf %get3A_275, %mul3A_369 : vector<16xf32>
      %mul3A_371 = arith.mulf %mul3A_358, %get3A_254 : vector<16xf32>
      %sub3A_372 = arith.subf %get3A_278, %mul3A_371 : vector<16xf32>
      %mul3A_373 = arith.mulf %mul3A_358, %get3A_257 : vector<16xf32>
      %sub3A_374 = arith.subf %get3A_281, %mul3A_373 : vector<16xf32>
      %mul3A_375 = arith.mulf %mul3A_359, %get3A_248 : vector<16xf32>
      %sub3A_376 = arith.subf %get3A_284, %mul3A_375 : vector<16xf32>
      %mul3A_377 = arith.mulf %mul3A_359, %get3A_251 : vector<16xf32>
      %sub3A_378 = arith.subf %get3A_287, %mul3A_377 : vector<16xf32>
      %mul3A_379 = arith.mulf %mul3A_359, %get3A_254 : vector<16xf32>
      %sub3A_380 = arith.subf %get3A_290, %mul3A_379 : vector<16xf32>
      %mul3A_381 = arith.mulf %mul3A_359, %get3A_257 : vector<16xf32>
      %sub3A_382 = arith.subf %get3A_293, %mul3A_381 : vector<16xf32>
      %add3A_383 = arith.addf %sub3A, %get3A_296 : vector<16xf32>
      %add3A_384 = arith.addf %sub3A_362, %get3A_299 : vector<16xf32>
      %add3A_385 = arith.addf %sub3A_364, %get3A_302 : vector<16xf32>
      %add3A_386 = arith.addf %sub3A_366, %get3A_305 : vector<16xf32>
      %sub3A_387 = arith.subf %add3A_383, %sub3A_368 : vector<16xf32>
      %sub3A_388 = arith.subf %add3A_384, %sub3A_370 : vector<16xf32>
      %sub3A_389 = arith.subf %add3A_385, %sub3A_372 : vector<16xf32>
      %sub3A_390 = arith.subf %add3A_386, %sub3A_374 : vector<16xf32>
      %sub3A_391 = arith.subf %add3A_383, %sub3A_376 : vector<16xf32>
      %sub3A_392 = arith.subf %add3A_384, %sub3A_378 : vector<16xf32>
      %sub3A_393 = arith.subf %add3A_385, %sub3A_380 : vector<16xf32>
      %sub3A_394 = arith.subf %add3A_386, %sub3A_382 : vector<16xf32>
      %mul3A_395 = arith.mulf %sub3A_387, %sub3A_387 : vector<16xf32>
      %mul3A_396 = arith.mulf %sub3A_388, %sub3A_388 : vector<16xf32>
      %add3A_397 = arith.addf %mul3A_395, %mul3A_396 : vector<16xf32>
      %mul3A_398 = arith.mulf %sub3A_389, %sub3A_389 : vector<16xf32>
      %add3A_399 = arith.addf %add3A_397, %mul3A_398 : vector<16xf32>
      %mul3A_400 = arith.mulf %sub3A_390, %sub3A_390 : vector<16xf32>
      %add3A_401 = arith.addf %add3A_399, %mul3A_400 : vector<16xf32>
      %reduce_sum3A_402 = arith.constant true
      %reduce_sum3A_403 = vector.broadcast %reduce_sum3A_402 : i1 to vector<16xi1>
      %reduce_sum3A_404 = tpu.scan <sum>, %add3A_401 masked %reduce_sum3A_403 : vector<16xf32>, vector<16xi1> -> vector<16xf32>
      %reduce_sum3A_405 = vector.extract %reduce_sum3A_404[15] : f32 from vector<16xf32>
      %mul3A_406 = arith.mulf %sub3A_391, %sub3A_391 : vector<16xf32>
      %mul3A_407 = arith.mulf %sub3A_392, %sub3A_392 : vector<16xf32>
      %add3A_408 = arith.addf %mul3A_406, %mul3A_407 : vector<16xf32>
      %mul3A_409 = arith.mulf %sub3A_393, %sub3A_393 : vector<16xf32>
      %add3A_410 = arith.addf %add3A_408, %mul3A_409 : vector<16xf32>
      %mul3A_411 = arith.mulf %sub3A_394, %sub3A_394 : vector<16xf32>
      %add3A_412 = arith.addf %add3A_410, %mul3A_411 : vector<16xf32>
      %reduce_sum3A_413 = arith.constant true
      %reduce_sum3A_414 = vector.broadcast %reduce_sum3A_413 : i1 to vector<16xi1>
      %reduce_sum3A_415 = tpu.scan <sum>, %add3A_412 masked %reduce_sum3A_414 : vector<16xf32>, vector<16xi1> -> vector<16xf32>
      %reduce_sum3A_416 = vector.extract %reduce_sum3A_415[15] : f32 from vector<16xf32>
      %and3A = arith.constant 15 : i32
      %and3A_417 = arith.andi %scan3A_244, %and3A : i32
      %eq3A = vector.broadcast %and3A_417 : i32 to vector<16xi32>
      %eq3A_418 = arith.cmpi eq, %iota3A, %eq3A : vector<16xi32>
      %sub3A_419 = arith.subf %reduce_sum3A_416, %reduce_sum3A_405 : f32
      %broadcast_in_dim3A_420 = vector.broadcast %sub3A_419 : f32 to vector<16xf32>
      %select_n3A = arith.select %eq3A_418, %broadcast_in_dim3A_420, %scan3A_246 : vector<16xi1>, vector<16xf32>
      %and3A_421 = arith.constant 15 : i32
      %and3A_422 = arith.andi %scan3A_244, %and3A_421 : i32
      %eq3A_423 = arith.constant 15 : i32
      %eq3A_424 = arith.cmpi eq, %and3A_422, %eq3A_423 : i32
      %convert_element_type3A = arith.extui %eq3A_424 : i1 to i32
      %cond3A = arith.constant 0 : i32
      %cond3A_425 = arith.cmpi ne, %convert_element_type3A, %cond3A : i32
      scf.if %cond3A_425 {
        %add3A_1127 = arith.constant 384 : i32
        %add3A_1128 = arith.addi %add3A_1127, %scan3A_244 : i32
        %sub3A_1129 = arith.constant 15 : i32
        %sub3A_1130 = arith.subi %add3A_1128, %sub3A_1129 : i32
        %swap3A_1131 = arith.index_cast %sub3A_1130 : i32 to index
        %swap3A_1132 = tpu.vector_load %arg25[%swap3A_1131] {strides = array<i32>} : memref<512xf32, #tpu.memory_space<vmem>>, vector<16xf32>,
        tpu.vector_store %arg25[%swap3A_1131], %select_n3A {strides = array<i32>} : memref<512xf32, #tpu.memory_space<vmem>>, vector<16xf32>,
      } else {
      }
      %mul3A_426 = arith.mulf %sub3A, %sub3A : vector<16xf32>
      %mul3A_427 = arith.mulf %sub3A_362, %sub3A_362 : vector<16xf32>
      %add3A_428 = arith.addf %mul3A_426, %mul3A_427 : vector<16xf32>
      %mul3A_429 = arith.mulf %sub3A_364, %sub3A_364 : vector<16xf32>
      %add3A_430 = arith.addf %add3A_428, %mul3A_429 : vector<16xf32>
      %mul3A_431 = arith.mulf %sub3A_366, %sub3A_366 : vector<16xf32>
      %add3A_432 = arith.addf %add3A_430, %mul3A_431 : vector<16xf32>
      %add3A_433 = arith.addf %scan3A_245, %add3A_432 : vector<16xf32>
      %mul3A_434 = arith.mulf %get3A_296, %get3A_296 : vector<16xf32>
      %mul3A_435 = arith.mulf %get3A_299, %get3A_299 : vector<16xf32>
      %add3A_436 = arith.addf %mul3A_434, %mul3A_435 : vector<16xf32>
      %mul3A_437 = arith.mulf %get3A_302, %get3A_302 : vector<16xf32>
      %add3A_438 = arith.addf %add3A_436, %mul3A_437 : vector<16xf32>
      %mul3A_439 = arith.mulf %get3A_305, %get3A_305 : vector<16xf32>
      %add3A_440 = arith.addf %add3A_438, %mul3A_439 : vector<16xf32>
      %add3A_441 = arith.addf %add3A_433, %add3A_440 : vector<16xf32>
      %mul3A_442 = arith.mulf %sub3A_368, %sub3A_368 : vector<16xf32>
      %mul3A_443 = arith.mulf %sub3A_370, %sub3A_370 : vector<16xf32>
      %add3A_444 = arith.addf %mul3A_442, %mul3A_443 : vector<16xf32>
      %mul3A_445 = arith.mulf %sub3A_372, %sub3A_372 : vector<16xf32>
      %add3A_446 = arith.addf %add3A_444, %mul3A_445 : vector<16xf32>
      %mul3A_447 = arith.mulf %sub3A_374, %sub3A_374 : vector<16xf32>
      %add3A_448 = arith.addf %add3A_446, %mul3A_447 : vector<16xf32>
      %add3A_449 = arith.addf %add3A_441, %add3A_448 : vector<16xf32>
      %mul3A_450 = arith.mulf %sub3A_376, %sub3A_376 : vector<16xf32>
      %mul3A_451 = arith.mulf %sub3A_378, %sub3A_378 : vector<16xf32>
      %add3A_452 = arith.addf %mul3A_450, %mul3A_451 : vector<16xf32>
      %mul3A_453 = arith.mulf %sub3A_380, %sub3A_380 : vector<16xf32>
      %add3A_454 = arith.addf %add3A_452, %mul3A_453 : vector<16xf32>
      %mul3A_455 = arith.mulf %sub3A_382, %sub3A_382 : vector<16xf32>
      %add3A_456 = arith.addf %add3A_454, %mul3A_455 : vector<16xf32>
      %add3A_457 = arith.addf %add3A_449, %add3A_456 : vector<16xf32>
      %scan3A_458 = arith.constant 1 : i32
      %scan3A_459 = arith.addi %scan3A_244, %scan3A_458 : i32
      %get3A_460 = arith.index_cast %scan3A_459 : i32 to index
      %get3A_461 = arith.constant 0 : index
      %get3A_462 = tpu.vector_load %arg22[%get3A_460, %get3A_461] {strides = array<i32>} : memref<128x64xf32, #tpu.memory_space<vmem>>, vector<16xf32>,
      %get3A_463 = arith.index_cast %scan3A_459 : i32 to index
      %get3A_464 = arith.constant 16 : index
      %get3A_465 = tpu.vector_load %arg22[%get3A_463, %get3A_464] {strides = array<i32>} : memref<128x64xf32, #tpu.memory_space<vmem>>, vector<16xf32>,
      %get3A_466 = arith.index_cast %scan3A_459 : i32 to index
      %get3A_467 = arith.constant 32 : index
      %get3A_468 = tpu.vector_load %arg22[%get3A_466, %get3A_467] {strides = array<i32>} : memref<128x64xf32, #tpu.memory_space<vmem>>, vector<16xf32>,
      %get3A_469 = arith.index_cast %scan3A_459 : i32 to index
      %get3A_470 = arith.constant 48 : index
      %get3A_471 = tpu.vector_load %arg22[%get3A_469, %get3A_470] {strides = array<i32>} : memref<128x64xf32, #tpu.memory_space<vmem>>, vector<16xf32>,
      %get3A_472 = arith.index_cast %scan3A_459 : i32 to index
      %get3A_473 = arith.constant 0 : index
      %get3A_474 = tpu.vector_load %arg20[%get3A_472, %get3A_473] {strides = array<i32>} : memref<128x64xf32, #tpu.memory_space<vmem>>, vector<16xf32>,
      %get3A_475 = arith.index_cast %scan3A_459 : i32 to index
      %get3A_476 = arith.constant 16 : index
      %get3A_477 = tpu.vector_load %arg20[%get3A_475, %get3A_476] {strides = array<i32>} : memref<128x64xf32, #tpu.memory_space<vmem>>, vector<16xf32>,
      %get3A_478 = arith.index_cast %scan3A_459 : i32 to index
      %get3A_479 = arith.constant 32 : index
      %get3A_480 = tpu.vector_load %arg20[%get3A_478, %get3A_479] {strides = array<i32>} : memref<128x64xf32, #tpu.memory_space<vmem>>, vector<16xf32>,
      %get3A_481 = arith.index_cast %scan3A_459 : i32 to index
      %get3A_482 = arith.constant 48 : index
      %get3A_483 = tpu.vector_load %arg20[%get3A_481, %get3A_482] {strides = array<i32>} : memref<128x64xf32, #tpu.memory_space<vmem>>, vector<16xf32>,
      %get3A_484 = arith.index_cast %scan3A_459 : i32 to index
      %get3A_485 = arith.constant 0 : index
      %get3A_486 = tpu.vector_load %arg23[%get3A_484, %get3A_485] {strides = array<i32>} : memref<128x64xf32, #tpu.memory_space<vmem>>, vector<16xf32>,
      %get3A_487 = arith.index_cast %scan3A_459 : i32 to index
      %get3A_488 = arith.constant 16 : index
      %get3A_489 = tpu.vector_load %arg23[%get3A_487, %get3A_488] {strides = array<i32>} : memref<128x64xf32, #tpu.memory_space<vmem>>, vector<16xf32>,
      %get3A_490 = arith.index_cast %scan3A_459 : i32 to index
      %get3A_491 = arith.constant 32 : index
      %get3A_492 = tpu.vector_load %arg23[%get3A_490, %get3A_491] {strides = array<i32>} : memref<128x64xf32, #tpu.memory_space<vmem>>, vector<16xf32>,
      %get3A_493 = arith.index_cast %scan3A_459 : i32 to index
      %get3A_494 = arith.constant 48 : index
      %get3A_495 = tpu.vector_load %arg23[%get3A_493, %get3A_494] {strides = array<i32>} : memref<128x64xf32, #tpu.memory_space<vmem>>, vector<16xf32>,
      %get3A_496 = arith.index_cast %scan3A_459 : i32 to index
      %get3A_497 = arith.constant 0 : index
      %get3A_498 = tpu.vector_load %arg24[%get3A_496, %get3A_497] {strides = array<i32>} : memref<128x64xf32, #tpu.memory_space<vmem>>, vector<16xf32>,
      %get3A_499 = arith.index_cast %scan3A_459 : i32 to index
      %get3A_500 = arith.constant 16 : index
      %get3A_501 = tpu.vector_load %arg24[%get3A_499, %get3A_500] {strides = array<i32>} : memref<128x64xf32, #tpu.memory_space<vmem>>, vector<16xf32>,
      %get3A_502 = arith.index_cast %scan3A_459 : i32 to index
      %get3A_503 = arith.constant 32 : index
      %get3A_504 = tpu.vector_load %arg24[%get3A_502, %get3A_503] {strides = array<i32>} : memref<128x64xf32, #tpu.memory_space<vmem>>, vector<16xf32>,
      %get3A_505 = arith.index_cast %scan3A_459 : i32 to index
      %get3A_506 = arith.constant 48 : index
      %get3A_507 = tpu.vector_load %arg24[%get3A_505, %get3A_506] {strides = array<i32>} : memref<128x64xf32, #tpu.memory_space<vmem>>, vector<16xf32>,
      %get3A_508 = arith.index_cast %scan3A_459 : i32 to index
      %get3A_509 = arith.constant 0 : index
      %get3A_510 = tpu.vector_load %arg21[%get3A_508, %get3A_509] {strides = array<i32>} : memref<128x64xf32, #tpu.memory_space<vmem>>, vector<16xf32>,
      %get3A_511 = arith.index_cast %scan3A_459 : i32 to index
      %get3A_512 = arith.constant 16 : index
      %get3A_513 = tpu.vector_load %arg21[%get3A_511, %get3A_512] {strides = array<i32>} : memref<128x64xf32, #tpu.memory_space<vmem>>, vector<16xf32>,
      %get3A_514 = arith.index_cast %scan3A_459 : i32 to index
      %get3A_515 = arith.constant 32 : index
      %get3A_516 = tpu.vector_load %arg21[%get3A_514, %get3A_515] {strides = array<i32>} : memref<128x64xf32, #tpu.memory_space<vmem>>, vector<16xf32>,
      %get3A_517 = arith.index_cast %scan3A_459 : i32 to index
      %get3A_518 = arith.constant 48 : index
      %get3A_519 = tpu.vector_load %arg21[%get3A_517, %get3A_518] {strides = array<i32>} : memref<128x64xf32, #tpu.memory_space<vmem>>, vector<16xf32>,
      %mul3A_520 = arith.mulf %get3A_462, %get3A_462 : vector<16xf32>
      %mul3A_521 = arith.mulf %get3A_465, %get3A_465 : vector<16xf32>
      %add3A_522 = arith.addf %mul3A_520, %mul3A_521 : vector<16xf32>
      %mul3A_523 = arith.mulf %get3A_468, %get3A_468 : vector<16xf32>
      %add3A_524 = arith.addf %add3A_522, %mul3A_523 : vector<16xf32>
      %mul3A_525 = arith.mulf %get3A_471, %get3A_471 : vector<16xf32>
      %add3A_526 = arith.addf %add3A_524, %mul3A_525 : vector<16xf32>
      %reduce_sum3A_527 = arith.constant true
      %reduce_sum3A_528 = vector.broadcast %reduce_sum3A_527 : i1 to vector<16xi1>
      %reduce_sum3A_529 = tpu.scan <sum>, %add3A_526 masked %reduce_sum3A_528 : vector<16xf32>, vector<16xi1> -> vector<16xf32>
      %reduce_sum3A_530 = vector.extract %reduce_sum3A_529[15] : f32 from vector<16xf32>
      %broadcast_in_dim3A_531 = vector.broadcast %reduce_sum3A_530 : f32 to vector<16xf32>
      %max3A_532 = arith.constant 1.000000e-24 : f32
      %max3A_533 = vector.broadcast %max3A_532 : f32 to vector<16xf32>
      %max3A_534 = arith.maximumf %broadcast_in_dim3A_531, %max3A_533 : vector<16xf32>
      %div3A_535 = arith.constant 1.000000e+00 : f32
      %div3A_536 = vector.broadcast %div3A_535 : f32 to vector<16xf32>
      %div3A_537 = arith.divf %div3A_536, %max3A_534 : vector<16xf32>
      %mul3A_538 = arith.mulf %get3A_474, %get3A_462 : vector<16xf32>
      %mul3A_539 = arith.mulf %get3A_477, %get3A_465 : vector<16xf32>
      %add3A_540 = arith.addf %mul3A_538, %mul3A_539 : vector<16xf32>
      %mul3A_541 = arith.mulf %get3A_480, %get3A_468 : vector<16xf32>
      %add3A_542 = arith.addf %add3A_540, %mul3A_541 : vector<16xf32>
      %mul3A_543 = arith.mulf %get3A_483, %get3A_471 : vector<16xf32>
      %add3A_544 = arith.addf %add3A_542, %mul3A_543 : vector<16xf32>
      %reduce_sum3A_545 = arith.constant true
      %reduce_sum3A_546 = vector.broadcast %reduce_sum3A_545 : i1 to vector<16xi1>
      %reduce_sum3A_547 = tpu.scan <sum>, %add3A_544 masked %reduce_sum3A_546 : vector<16xf32>, vector<16xi1> -> vector<16xf32>
      %reduce_sum3A_548 = vector.extract %reduce_sum3A_547[15] : f32 from vector<16xf32>
      %broadcast_in_dim3A_549 = vector.broadcast %reduce_sum3A_548 : f32 to vector<16xf32>
      %mul3A_550 = arith.mulf %get3A_486, %get3A_462 : vector<16xf32>
      %mul3A_551 = arith.mulf %get3A_489, %get3A_465 : vector<16xf32>
      %add3A_552 = arith.addf %mul3A_550, %mul3A_551 : vector<16xf32>
      %mul3A_553 = arith.mulf %get3A_492, %get3A_468 : vector<16xf32>
      %add3A_554 = arith.addf %add3A_552, %mul3A_553 : vector<16xf32>
      %mul3A_555 = arith.mulf %get3A_495, %get3A_471 : vector<16xf32>
      %add3A_556 = arith.addf %add3A_554, %mul3A_555 : vector<16xf32>
      %reduce_sum3A_557 = arith.constant true
      %reduce_sum3A_558 = vector.broadcast %reduce_sum3A_557 : i1 to vector<16xi1>
      %reduce_sum3A_559 = tpu.scan <sum>, %add3A_556 masked %reduce_sum3A_558 : vector<16xf32>, vector<16xi1> -> vector<16xf32>
      %reduce_sum3A_560 = vector.extract %reduce_sum3A_559[15] : f32 from vector<16xf32>
      %broadcast_in_dim3A_561 = vector.broadcast %reduce_sum3A_560 : f32 to vector<16xf32>
      %mul3A_562 = arith.mulf %get3A_498, %get3A_462 : vector<16xf32>
      %mul3A_563 = arith.mulf %get3A_501, %get3A_465 : vector<16xf32>
      %add3A_564 = arith.addf %mul3A_562, %mul3A_563 : vector<16xf32>
      %mul3A_565 = arith.mulf %get3A_504, %get3A_468 : vector<16xf32>
      %add3A_566 = arith.addf %add3A_564, %mul3A_565 : vector<16xf32>
      %mul3A_567 = arith.mulf %get3A_507, %get3A_471 : vector<16xf32>
      %add3A_568 = arith.addf %add3A_566, %mul3A_567 : vector<16xf32>
      %reduce_sum3A_569 = arith.constant true
      %reduce_sum3A_570 = vector.broadcast %reduce_sum3A_569 : i1 to vector<16xi1>
      %reduce_sum3A_571 = tpu.scan <sum>, %add3A_568 masked %reduce_sum3A_570 : vector<16xf32>, vector<16xi1> -> vector<16xf32>
      %reduce_sum3A_572 = vector.extract %reduce_sum3A_571[15] : f32 from vector<16xf32>
      %broadcast_in_dim3A_573 = vector.broadcast %reduce_sum3A_572 : f32 to vector<16xf32>
      %mul3A_574 = arith.mulf %broadcast_in_dim3A_549, %div3A_537 : vector<16xf32>
      %mul3A_575 = arith.mulf %broadcast_in_dim3A_561, %div3A_537 : vector<16xf32>
      %mul3A_576 = arith.mulf %broadcast_in_dim3A_573, %div3A_537 : vector<16xf32>
      %mul3A_577 = arith.mulf %mul3A_574, %get3A_462 : vector<16xf32>
      %sub3A_578 = arith.subf %get3A_474, %mul3A_577 : vector<16xf32>
      %mul3A_579 = arith.mulf %mul3A_574, %get3A_465 : vector<16xf32>
      %sub3A_580 = arith.subf %get3A_477, %mul3A_579 : vector<16xf32>
      %mul3A_581 = arith.mulf %mul3A_574, %get3A_468 : vector<16xf32>
      %sub3A_582 = arith.subf %get3A_480, %mul3A_581 : vector<16xf32>
      %mul3A_583 = arith.mulf %mul3A_574, %get3A_471 : vector<16xf32>
      %sub3A_584 = arith.subf %get3A_483, %mul3A_583 : vector<16xf32>
      %mul3A_585 = arith.mulf %mul3A_575, %get3A_462 : vector<16xf32>
      %sub3A_586 = arith.subf %get3A_486, %mul3A_585 : vector<16xf32>
      %mul3A_587 = arith.mulf %mul3A_575, %get3A_465 : vector<16xf32>
      %sub3A_588 = arith.subf %get3A_489, %mul3A_587 : vector<16xf32>
      %mul3A_589 = arith.mulf %mul3A_575, %get3A_468 : vector<16xf32>
      %sub3A_590 = arith.subf %get3A_492, %mul3A_589 : vector<16xf32>
      %mul3A_591 = arith.mulf %mul3A_575, %get3A_471 : vector<16xf32>
      %sub3A_592 = arith.subf %get3A_495, %mul3A_591 : vector<16xf32>
      %mul3A_593 = arith.mulf %mul3A_576, %get3A_462 : vector<16xf32>
      %sub3A_594 = arith.subf %get3A_498, %mul3A_593 : vector<16xf32>
      %mul3A_595 = arith.mulf %mul3A_576, %get3A_465 : vector<16xf32>
      %sub3A_596 = arith.subf %get3A_501, %mul3A_595 : vector<16xf32>
      %mul3A_597 = arith.mulf %mul3A_576, %get3A_468 : vector<16xf32>
      %sub3A_598 = arith.subf %get3A_504, %mul3A_597 : vector<16xf32>
      %mul3A_599 = arith.mulf %mul3A_576, %get3A_471 : vector<16xf32>
      %sub3A_600 = arith.subf %get3A_507, %mul3A_599 : vector<16xf32>
      %add3A_601 = arith.addf %sub3A_578, %get3A_510 : vector<16xf32>
      %add3A_602 = arith.addf %sub3A_580, %get3A_513 : vector<16xf32>
      %add3A_603 = arith.addf %sub3A_582, %get3A_516 : vector<16xf32>
      %add3A_604 = arith.addf %sub3A_584, %get3A_519 : vector<16xf32>
      %sub3A_605 = arith.subf %add3A_601, %sub3A_586 : vector<16xf32>
      %sub3A_606 = arith.subf %add3A_602, %sub3A_588 : vector<16xf32>
      %sub3A_607 = arith.subf %add3A_603, %sub3A_590 : vector<16xf32>
      %sub3A_608 = arith.subf %add3A_604, %sub3A_592 : vector<16xf32>
      %sub3A_609 = arith.subf %add3A_601, %sub3A_594 : vector<16xf32>
      %sub3A_610 = arith.subf %add3A_602, %sub3A_596 : vector<16xf32>
      %sub3A_611 = arith.subf %add3A_603, %sub3A_598 : vector<16xf32>
      %sub3A_612 = arith.subf %add3A_604, %sub3A_600 : vector<16xf32>
      %mul3A_613 = arith.mulf %sub3A_605, %sub3A_605 : vector<16xf32>
      %mul3A_614 = arith.mulf %sub3A_606, %sub3A_606 : vector<16xf32>
      %add3A_615 = arith.addf %mul3A_613, %mul3A_614 : vector<16xf32>
      %mul3A_616 = arith.mulf %sub3A_607, %sub3A_607 : vector<16xf32>
      %add3A_617 = arith.addf %add3A_615, %mul3A_616 : vector<16xf32>
      %mul3A_618 = arith.mulf %sub3A_608, %sub3A_608 : vector<16xf32>
      %add3A_619 = arith.addf %add3A_617, %mul3A_618 : vector<16xf32>
      %reduce_sum3A_620 = arith.constant true
      %reduce_sum3A_621 = vector.broadcast %reduce_sum3A_620 : i1 to vector<16xi1>
      %reduce_sum3A_622 = tpu.scan <sum>, %add3A_619 masked %reduce_sum3A_621 : vector<16xf32>, vector<16xi1> -> vector<16xf32>
      %reduce_sum3A_623 = vector.extract %reduce_sum3A_622[15] : f32 from vector<16xf32>
      %mul3A_624 = arith.mulf %sub3A_609, %sub3A_609 : vector<16xf32>
      %mul3A_625 = arith.mulf %sub3A_610, %sub3A_610 : vector<16xf32>
      %add3A_626 = arith.addf %mul3A_624, %mul3A_625 : vector<16xf32>
      %mul3A_627 = arith.mulf %sub3A_611, %sub3A_611 : vector<16xf32>
      %add3A_628 = arith.addf %add3A_626, %mul3A_627 : vector<16xf32>
      %mul3A_629 = arith.mulf %sub3A_612, %sub3A_612 : vector<16xf32>
      %add3A_630 = arith.addf %add3A_628, %mul3A_629 : vector<16xf32>
      %reduce_sum3A_631 = arith.constant true
      %reduce_sum3A_632 = vector.broadcast %reduce_sum3A_631 : i1 to vector<16xi1>
      %reduce_sum3A_633 = tpu.scan <sum>, %add3A_630 masked %reduce_sum3A_632 : vector<16xf32>, vector<16xi1> -> vector<16xf32>
      %reduce_sum3A_634 = vector.extract %reduce_sum3A_633[15] : f32 from vector<16xf32>
      %and3A_635 = arith.constant 15 : i32
      %and3A_636 = arith.andi %scan3A_459, %and3A_635 : i32
      %eq3A_637 = vector.broadcast %and3A_636 : i32 to vector<16xi32>
      %eq3A_638 = arith.cmpi eq, %iota3A, %eq3A_637 : vector<16xi32>
      %sub3A_639 = arith.subf %reduce_sum3A_634, %reduce_sum3A_623 : f32
      %broadcast_in_dim3A_640 = vector.broadcast %sub3A_639 : f32 to vector<16xf32>
      %select_n3A_641 = arith.select %eq3A_638, %broadcast_in_dim3A_640, %select_n3A : vector<16xi1>, vector<16xf32>
      %and3A_642 = arith.constant 15 : i32
      %and3A_643 = arith.andi %scan3A_459, %and3A_642 : i32
      %eq3A_644 = arith.constant 15 : i32
      %eq3A_645 = arith.cmpi eq, %and3A_643, %eq3A_644 : i32
      %convert_element_type3A_646 = arith.extui %eq3A_645 : i1 to i32
      %cond3A_647 = arith.constant 0 : i32
      %cond3A_648 = arith.cmpi ne, %convert_element_type3A_646, %cond3A_647 : i32
      scf.if %cond3A_648 {
        %add3A_1127 = arith.constant 384 : i32
        %add3A_1128 = arith.addi %add3A_1127, %scan3A_459 : i32
        %sub3A_1129 = arith.constant 15 : i32
        %sub3A_1130 = arith.subi %add3A_1128, %sub3A_1129 : i32
        %swap3A_1131 = arith.index_cast %sub3A_1130 : i32 to index
        %swap3A_1132 = tpu.vector_load %arg25[%swap3A_1131] {strides = array<i32>} : memref<512xf32, #tpu.memory_space<vmem>>, vector<16xf32>,
        tpu.vector_store %arg25[%swap3A_1131], %select_n3A_641 {strides = array<i32>} : memref<512xf32, #tpu.memory_space<vmem>>, vector<16xf32>,
      } else {
      }
      %mul3A_649 = arith.mulf %sub3A_578, %sub3A_578 : vector<16xf32>
      %mul3A_650 = arith.mulf %sub3A_580, %sub3A_580 : vector<16xf32>
      %add3A_651 = arith.addf %mul3A_649, %mul3A_650 : vector<16xf32>
      %mul3A_652 = arith.mulf %sub3A_582, %sub3A_582 : vector<16xf32>
      %add3A_653 = arith.addf %add3A_651, %mul3A_652 : vector<16xf32>
      %mul3A_654 = arith.mulf %sub3A_584, %sub3A_584 : vector<16xf32>
      %add3A_655 = arith.addf %add3A_653, %mul3A_654 : vector<16xf32>
      %add3A_656 = arith.addf %add3A_457, %add3A_655 : vector<16xf32>
      %mul3A_657 = arith.mulf %get3A_510, %get3A_510 : vector<16xf32>
      %mul3A_658 = arith.mulf %get3A_513, %get3A_513 : vector<16xf32>
      %add3A_659 = arith.addf %mul3A_657, %mul3A_658 : vector<16xf32>
      %mul3A_660 = arith.mulf %get3A_516, %get3A_516 : vector<16xf32>
      %add3A_661 = arith.addf %add3A_659, %mul3A_660 : vector<16xf32>
      %mul3A_662 = arith.mulf %get3A_519, %get3A_519 : vector<16xf32>
      %add3A_663 = arith.addf %add3A_661, %mul3A_662 : vector<16xf32>
      %add3A_664 = arith.addf %add3A_656, %add3A_663 : vector<16xf32>
      %mul3A_665 = arith.mulf %sub3A_586, %sub3A_586 : vector<16xf32>
      %mul3A_666 = arith.mulf %sub3A_588, %sub3A_588 : vector<16xf32>
      %add3A_667 = arith.addf %mul3A_665, %mul3A_666 : vector<16xf32>
      %mul3A_668 = arith.mulf %sub3A_590, %sub3A_590 : vector<16xf32>
      %add3A_669 = arith.addf %add3A_667, %mul3A_668 : vector<16xf32>
      %mul3A_670 = arith.mulf %sub3A_592, %sub3A_592 : vector<16xf32>
      %add3A_671 = arith.addf %add3A_669, %mul3A_670 : vector<16xf32>
      %add3A_672 = arith.addf %add3A_664, %add3A_671 : vector<16xf32>
      %mul3A_673 = arith.mulf %sub3A_594, %sub3A_594 : vector<16xf32>
      %mul3A_674 = arith.mulf %sub3A_596, %sub3A_596 : vector<16xf32>
      %add3A_675 = arith.addf %mul3A_673, %mul3A_674 : vector<16xf32>
      %mul3A_676 = arith.mulf %sub3A_598, %sub3A_598 : vector<16xf32>
      %add3A_677 = arith.addf %add3A_675, %mul3A_676 : vector<16xf32>
      %mul3A_678 = arith.mulf %sub3A_600, %sub3A_600 : vector<16xf32>
      %add3A_679 = arith.addf %add3A_677, %mul3A_678 : vector<16xf32>
      %add3A_680 = arith.addf %add3A_672, %add3A_679 : vector<16xf32>
      %scan3A_681 = arith.constant 2 : i32
      %scan3A_682 = arith.addi %scan3A_244, %scan3A_681 : i32
      %get3A_683 = arith.index_cast %scan3A_682 : i32 to index
      %get3A_684 = arith.constant 0 : index
      %get3A_685 = tpu.vector_load %arg22[%get3A_683, %get3A_684] {strides = array<i32>} : memref<128x64xf32, #tpu.memory_space<vmem>>, vector<16xf32>,
      %get3A_686 = arith.index_cast %scan3A_682 : i32 to index
      %get3A_687 = arith.constant 16 : index
      %get3A_688 = tpu.vector_load %arg22[%get3A_686, %get3A_687] {strides = array<i32>} : memref<128x64xf32, #tpu.memory_space<vmem>>, vector<16xf32>,
      %get3A_689 = arith.index_cast %scan3A_682 : i32 to index
      %get3A_690 = arith.constant 32 : index
      %get3A_691 = tpu.vector_load %arg22[%get3A_689, %get3A_690] {strides = array<i32>} : memref<128x64xf32, #tpu.memory_space<vmem>>, vector<16xf32>,
      %get3A_692 = arith.index_cast %scan3A_682 : i32 to index
      %get3A_693 = arith.constant 48 : index
      %get3A_694 = tpu.vector_load %arg22[%get3A_692, %get3A_693] {strides = array<i32>} : memref<128x64xf32, #tpu.memory_space<vmem>>, vector<16xf32>,
      %get3A_695 = arith.index_cast %scan3A_682 : i32 to index
      %get3A_696 = arith.constant 0 : index
      %get3A_697 = tpu.vector_load %arg20[%get3A_695, %get3A_696] {strides = array<i32>} : memref<128x64xf32, #tpu.memory_space<vmem>>, vector<16xf32>,
      %get3A_698 = arith.index_cast %scan3A_682 : i32 to index
      %get3A_699 = arith.constant 16 : index
      %get3A_700 = tpu.vector_load %arg20[%get3A_698, %get3A_699] {strides = array<i32>} : memref<128x64xf32, #tpu.memory_space<vmem>>, vector<16xf32>,
      %get3A_701 = arith.index_cast %scan3A_682 : i32 to index
      %get3A_702 = arith.constant 32 : index
      %get3A_703 = tpu.vector_load %arg20[%get3A_701, %get3A_702] {strides = array<i32>} : memref<128x64xf32, #tpu.memory_space<vmem>>, vector<16xf32>,
      %get3A_704 = arith.index_cast %scan3A_682 : i32 to index
      %get3A_705 = arith.constant 48 : index
      %get3A_706 = tpu.vector_load %arg20[%get3A_704, %get3A_705] {strides = array<i32>} : memref<128x64xf32, #tpu.memory_space<vmem>>, vector<16xf32>,
      %get3A_707 = arith.index_cast %scan3A_682 : i32 to index
      %get3A_708 = arith.constant 0 : index
      %get3A_709 = tpu.vector_load %arg23[%get3A_707, %get3A_708] {strides = array<i32>} : memref<128x64xf32, #tpu.memory_space<vmem>>, vector<16xf32>,
      %get3A_710 = arith.index_cast %scan3A_682 : i32 to index
      %get3A_711 = arith.constant 16 : index
      %get3A_712 = tpu.vector_load %arg23[%get3A_710, %get3A_711] {strides = array<i32>} : memref<128x64xf32, #tpu.memory_space<vmem>>, vector<16xf32>,
      %get3A_713 = arith.index_cast %scan3A_682 : i32 to index
      %get3A_714 = arith.constant 32 : index
      %get3A_715 = tpu.vector_load %arg23[%get3A_713, %get3A_714] {strides = array<i32>} : memref<128x64xf32, #tpu.memory_space<vmem>>, vector<16xf32>,
      %get3A_716 = arith.index_cast %scan3A_682 : i32 to index
      %get3A_717 = arith.constant 48 : index
      %get3A_718 = tpu.vector_load %arg23[%get3A_716, %get3A_717] {strides = array<i32>} : memref<128x64xf32, #tpu.memory_space<vmem>>, vector<16xf32>,
      %get3A_719 = arith.index_cast %scan3A_682 : i32 to index
      %get3A_720 = arith.constant 0 : index
      %get3A_721 = tpu.vector_load %arg24[%get3A_719, %get3A_720] {strides = array<i32>} : memref<128x64xf32, #tpu.memory_space<vmem>>, vector<16xf32>,
      %get3A_722 = arith.index_cast %scan3A_682 : i32 to index
      %get3A_723 = arith.constant 16 : index
      %get3A_724 = tpu.vector_load %arg24[%get3A_722, %get3A_723] {strides = array<i32>} : memref<128x64xf32, #tpu.memory_space<vmem>>, vector<16xf32>,
      %get3A_725 = arith.index_cast %scan3A_682 : i32 to index
      %get3A_726 = arith.constant 32 : index
      %get3A_727 = tpu.vector_load %arg24[%get3A_725, %get3A_726] {strides = array<i32>} : memref<128x64xf32, #tpu.memory_space<vmem>>, vector<16xf32>,
      %get3A_728 = arith.index_cast %scan3A_682 : i32 to index
      %get3A_729 = arith.constant 48 : index
      %get3A_730 = tpu.vector_load %arg24[%get3A_728, %get3A_729] {strides = array<i32>} : memref<128x64xf32, #tpu.memory_space<vmem>>, vector<16xf32>,
      %get3A_731 = arith.index_cast %scan3A_682 : i32 to index
      %get3A_732 = arith.constant 0 : index
      %get3A_733 = tpu.vector_load %arg21[%get3A_731, %get3A_732] {strides = array<i32>} : memref<128x64xf32, #tpu.memory_space<vmem>>, vector<16xf32>,
      %get3A_734 = arith.index_cast %scan3A_682 : i32 to index
      %get3A_735 = arith.constant 16 : index
      %get3A_736 = tpu.vector_load %arg21[%get3A_734, %get3A_735] {strides = array<i32>} : memref<128x64xf32, #tpu.memory_space<vmem>>, vector<16xf32>,
      %get3A_737 = arith.index_cast %scan3A_682 : i32 to index
      %get3A_738 = arith.constant 32 : index
      %get3A_739 = tpu.vector_load %arg21[%get3A_737, %get3A_738] {strides = array<i32>} : memref<128x64xf32, #tpu.memory_space<vmem>>, vector<16xf32>,
      %get3A_740 = arith.index_cast %scan3A_682 : i32 to index
      %get3A_741 = arith.constant 48 : index
      %get3A_742 = tpu.vector_load %arg21[%get3A_740, %get3A_741] {strides = array<i32>} : memref<128x64xf32, #tpu.memory_space<vmem>>, vector<16xf32>,
      %mul3A_743 = arith.mulf %get3A_685, %get3A_685 : vector<16xf32>
      %mul3A_744 = arith.mulf %get3A_688, %get3A_688 : vector<16xf32>
      %add3A_745 = arith.addf %mul3A_743, %mul3A_744 : vector<16xf32>
      %mul3A_746 = arith.mulf %get3A_691, %get3A_691 : vector<16xf32>
      %add3A_747 = arith.addf %add3A_745, %mul3A_746 : vector<16xf32>
      %mul3A_748 = arith.mulf %get3A_694, %get3A_694 : vector<16xf32>
      %add3A_749 = arith.addf %add3A_747, %mul3A_748 : vector<16xf32>
      %reduce_sum3A_750 = arith.constant true
      %reduce_sum3A_751 = vector.broadcast %reduce_sum3A_750 : i1 to vector<16xi1>
      %reduce_sum3A_752 = tpu.scan <sum>, %add3A_749 masked %reduce_sum3A_751 : vector<16xf32>, vector<16xi1> -> vector<16xf32>
      %reduce_sum3A_753 = vector.extract %reduce_sum3A_752[15] : f32 from vector<16xf32>
      %broadcast_in_dim3A_754 = vector.broadcast %reduce_sum3A_753 : f32 to vector<16xf32>
      %max3A_755 = arith.constant 1.000000e-24 : f32
      %max3A_756 = vector.broadcast %max3A_755 : f32 to vector<16xf32>
      %max3A_757 = arith.maximumf %broadcast_in_dim3A_754, %max3A_756 : vector<16xf32>
      %div3A_758 = arith.constant 1.000000e+00 : f32
      %div3A_759 = vector.broadcast %div3A_758 : f32 to vector<16xf32>
      %div3A_760 = arith.divf %div3A_759, %max3A_757 : vector<16xf32>
      %mul3A_761 = arith.mulf %get3A_697, %get3A_685 : vector<16xf32>
      %mul3A_762 = arith.mulf %get3A_700, %get3A_688 : vector<16xf32>
      %add3A_763 = arith.addf %mul3A_761, %mul3A_762 : vector<16xf32>
      %mul3A_764 = arith.mulf %get3A_703, %get3A_691 : vector<16xf32>
      %add3A_765 = arith.addf %add3A_763, %mul3A_764 : vector<16xf32>
      %mul3A_766 = arith.mulf %get3A_706, %get3A_694 : vector<16xf32>
      %add3A_767 = arith.addf %add3A_765, %mul3A_766 : vector<16xf32>
      %reduce_sum3A_768 = arith.constant true
      %reduce_sum3A_769 = vector.broadcast %reduce_sum3A_768 : i1 to vector<16xi1>
      %reduce_sum3A_770 = tpu.scan <sum>, %add3A_767 masked %reduce_sum3A_769 : vector<16xf32>, vector<16xi1> -> vector<16xf32>
      %reduce_sum3A_771 = vector.extract %reduce_sum3A_770[15] : f32 from vector<16xf32>
      %broadcast_in_dim3A_772 = vector.broadcast %reduce_sum3A_771 : f32 to vector<16xf32>
      %mul3A_773 = arith.mulf %get3A_709, %get3A_685 : vector<16xf32>
      %mul3A_774 = arith.mulf %get3A_712, %get3A_688 : vector<16xf32>
      %add3A_775 = arith.addf %mul3A_773, %mul3A_774 : vector<16xf32>
      %mul3A_776 = arith.mulf %get3A_715, %get3A_691 : vector<16xf32>
      %add3A_777 = arith.addf %add3A_775, %mul3A_776 : vector<16xf32>
      %mul3A_778 = arith.mulf %get3A_718, %get3A_694 : vector<16xf32>
      %add3A_779 = arith.addf %add3A_777, %mul3A_778 : vector<16xf32>
      %reduce_sum3A_780 = arith.constant true
      %reduce_sum3A_781 = vector.broadcast %reduce_sum3A_780 : i1 to vector<16xi1>
      %reduce_sum3A_782 = tpu.scan <sum>, %add3A_779 masked %reduce_sum3A_781 : vector<16xf32>, vector<16xi1> -> vector<16xf32>
      %reduce_sum3A_783 = vector.extract %reduce_sum3A_782[15] : f32 from vector<16xf32>
      %broadcast_in_dim3A_784 = vector.broadcast %reduce_sum3A_783 : f32 to vector<16xf32>
      %mul3A_785 = arith.mulf %get3A_721, %get3A_685 : vector<16xf32>
      %mul3A_786 = arith.mulf %get3A_724, %get3A_688 : vector<16xf32>
      %add3A_787 = arith.addf %mul3A_785, %mul3A_786 : vector<16xf32>
      %mul3A_788 = arith.mulf %get3A_727, %get3A_691 : vector<16xf32>
      %add3A_789 = arith.addf %add3A_787, %mul3A_788 : vector<16xf32>
      %mul3A_790 = arith.mulf %get3A_730, %get3A_694 : vector<16xf32>
      %add3A_791 = arith.addf %add3A_789, %mul3A_790 : vector<16xf32>
      %reduce_sum3A_792 = arith.constant true
      %reduce_sum3A_793 = vector.broadcast %reduce_sum3A_792 : i1 to vector<16xi1>
      %reduce_sum3A_794 = tpu.scan <sum>, %add3A_791 masked %reduce_sum3A_793 : vector<16xf32>, vector<16xi1> -> vector<16xf32>
      %reduce_sum3A_795 = vector.extract %reduce_sum3A_794[15] : f32 from vector<16xf32>
      %broadcast_in_dim3A_796 = vector.broadcast %reduce_sum3A_795 : f32 to vector<16xf32>
      %mul3A_797 = arith.mulf %broadcast_in_dim3A_772, %div3A_760 : vector<16xf32>
      %mul3A_798 = arith.mulf %broadcast_in_dim3A_784, %div3A_760 : vector<16xf32>
      %mul3A_799 = arith.mulf %broadcast_in_dim3A_796, %div3A_760 : vector<16xf32>
      %mul3A_800 = arith.mulf %mul3A_797, %get3A_685 : vector<16xf32>
      %sub3A_801 = arith.subf %get3A_697, %mul3A_800 : vector<16xf32>
      %mul3A_802 = arith.mulf %mul3A_797, %get3A_688 : vector<16xf32>
      %sub3A_803 = arith.subf %get3A_700, %mul3A_802 : vector<16xf32>
      %mul3A_804 = arith.mulf %mul3A_797, %get3A_691 : vector<16xf32>
      %sub3A_805 = arith.subf %get3A_703, %mul3A_804 : vector<16xf32>
      %mul3A_806 = arith.mulf %mul3A_797, %get3A_694 : vector<16xf32>
      %sub3A_807 = arith.subf %get3A_706, %mul3A_806 : vector<16xf32>
      %mul3A_808 = arith.mulf %mul3A_798, %get3A_685 : vector<16xf32>
      %sub3A_809 = arith.subf %get3A_709, %mul3A_808 : vector<16xf32>
      %mul3A_810 = arith.mulf %mul3A_798, %get3A_688 : vector<16xf32>
      %sub3A_811 = arith.subf %get3A_712, %mul3A_810 : vector<16xf32>
      %mul3A_812 = arith.mulf %mul3A_798, %get3A_691 : vector<16xf32>
      %sub3A_813 = arith.subf %get3A_715, %mul3A_812 : vector<16xf32>
      %mul3A_814 = arith.mulf %mul3A_798, %get3A_694 : vector<16xf32>
      %sub3A_815 = arith.subf %get3A_718, %mul3A_814 : vector<16xf32>
      %mul3A_816 = arith.mulf %mul3A_799, %get3A_685 : vector<16xf32>
      %sub3A_817 = arith.subf %get3A_721, %mul3A_816 : vector<16xf32>
      %mul3A_818 = arith.mulf %mul3A_799, %get3A_688 : vector<16xf32>
      %sub3A_819 = arith.subf %get3A_724, %mul3A_818 : vector<16xf32>
      %mul3A_820 = arith.mulf %mul3A_799, %get3A_691 : vector<16xf32>
      %sub3A_821 = arith.subf %get3A_727, %mul3A_820 : vector<16xf32>
      %mul3A_822 = arith.mulf %mul3A_799, %get3A_694 : vector<16xf32>
      %sub3A_823 = arith.subf %get3A_730, %mul3A_822 : vector<16xf32>
      %add3A_824 = arith.addf %sub3A_801, %get3A_733 : vector<16xf32>
      %add3A_825 = arith.addf %sub3A_803, %get3A_736 : vector<16xf32>
      %add3A_826 = arith.addf %sub3A_805, %get3A_739 : vector<16xf32>
      %add3A_827 = arith.addf %sub3A_807, %get3A_742 : vector<16xf32>
      %sub3A_828 = arith.subf %add3A_824, %sub3A_809 : vector<16xf32>
      %sub3A_829 = arith.subf %add3A_825, %sub3A_811 : vector<16xf32>
      %sub3A_830 = arith.subf %add3A_826, %sub3A_813 : vector<16xf32>
      %sub3A_831 = arith.subf %add3A_827, %sub3A_815 : vector<16xf32>
      %sub3A_832 = arith.subf %add3A_824, %sub3A_817 : vector<16xf32>
      %sub3A_833 = arith.subf %add3A_825, %sub3A_819 : vector<16xf32>
      %sub3A_834 = arith.subf %add3A_826, %sub3A_821 : vector<16xf32>
      %sub3A_835 = arith.subf %add3A_827, %sub3A_823 : vector<16xf32>
      %mul3A_836 = arith.mulf %sub3A_828, %sub3A_828 : vector<16xf32>
      %mul3A_837 = arith.mulf %sub3A_829, %sub3A_829 : vector<16xf32>
      %add3A_838 = arith.addf %mul3A_836, %mul3A_837 : vector<16xf32>
      %mul3A_839 = arith.mulf %sub3A_830, %sub3A_830 : vector<16xf32>
      %add3A_840 = arith.addf %add3A_838, %mul3A_839 : vector<16xf32>
      %mul3A_841 = arith.mulf %sub3A_831, %sub3A_831 : vector<16xf32>
      %add3A_842 = arith.addf %add3A_840, %mul3A_841 : vector<16xf32>
      %reduce_sum3A_843 = arith.constant true
      %reduce_sum3A_844 = vector.broadcast %reduce_sum3A_843 : i1 to vector<16xi1>
      %reduce_sum3A_845 = tpu.scan <sum>, %add3A_842 masked %reduce_sum3A_844 : vector<16xf32>, vector<16xi1> -> vector<16xf32>
      %reduce_sum3A_846 = vector.extract %reduce_sum3A_845[15] : f32 from vector<16xf32>
      %mul3A_847 = arith.mulf %sub3A_832, %sub3A_832 : vector<16xf32>
      %mul3A_848 = arith.mulf %sub3A_833, %sub3A_833 : vector<16xf32>
      %add3A_849 = arith.addf %mul3A_847, %mul3A_848 : vector<16xf32>
      %mul3A_850 = arith.mulf %sub3A_834, %sub3A_834 : vector<16xf32>
      %add3A_851 = arith.addf %add3A_849, %mul3A_850 : vector<16xf32>
      %mul3A_852 = arith.mulf %sub3A_835, %sub3A_835 : vector<16xf32>
      %add3A_853 = arith.addf %add3A_851, %mul3A_852 : vector<16xf32>
      %reduce_sum3A_854 = arith.constant true
      %reduce_sum3A_855 = vector.broadcast %reduce_sum3A_854 : i1 to vector<16xi1>
      %reduce_sum3A_856 = tpu.scan <sum>, %add3A_853 masked %reduce_sum3A_855 : vector<16xf32>, vector<16xi1> -> vector<16xf32>
      %reduce_sum3A_857 = vector.extract %reduce_sum3A_856[15] : f32 from vector<16xf32>
      %and3A_858 = arith.constant 15 : i32
      %and3A_859 = arith.andi %scan3A_682, %and3A_858 : i32
      %eq3A_860 = vector.broadcast %and3A_859 : i32 to vector<16xi32>
      %eq3A_861 = arith.cmpi eq, %iota3A, %eq3A_860 : vector<16xi32>
      %sub3A_862 = arith.subf %reduce_sum3A_857, %reduce_sum3A_846 : f32
      %broadcast_in_dim3A_863 = vector.broadcast %sub3A_862 : f32 to vector<16xf32>
      %select_n3A_864 = arith.select %eq3A_861, %broadcast_in_dim3A_863, %select_n3A_641 : vector<16xi1>, vector<16xf32>
      %and3A_865 = arith.constant 15 : i32
      %and3A_866 = arith.andi %scan3A_682, %and3A_865 : i32
      %eq3A_867 = arith.constant 15 : i32
      %eq3A_868 = arith.cmpi eq, %and3A_866, %eq3A_867 : i32
      %convert_element_type3A_869 = arith.extui %eq3A_868 : i1 to i32
      %cond3A_870 = arith.constant 0 : i32
      %cond3A_871 = arith.cmpi ne, %convert_element_type3A_869, %cond3A_870 : i32
      scf.if %cond3A_871 {
        %add3A_1127 = arith.constant 384 : i32
        %add3A_1128 = arith.addi %add3A_1127, %scan3A_682 : i32
        %sub3A_1129 = arith.constant 15 : i32
        %sub3A_1130 = arith.subi %add3A_1128, %sub3A_1129 : i32
        %swap3A_1131 = arith.index_cast %sub3A_1130 : i32 to index
        %swap3A_1132 = tpu.vector_load %arg25[%swap3A_1131] {strides = array<i32>} : memref<512xf32, #tpu.memory_space<vmem>>, vector<16xf32>,
        tpu.vector_store %arg25[%swap3A_1131], %select_n3A_864 {strides = array<i32>} : memref<512xf32, #tpu.memory_space<vmem>>, vector<16xf32>,
      } else {
      }
      %mul3A_872 = arith.mulf %sub3A_801, %sub3A_801 : vector<16xf32>
      %mul3A_873 = arith.mulf %sub3A_803, %sub3A_803 : vector<16xf32>
      %add3A_874 = arith.addf %mul3A_872, %mul3A_873 : vector<16xf32>
      %mul3A_875 = arith.mulf %sub3A_805, %sub3A_805 : vector<16xf32>
      %add3A_876 = arith.addf %add3A_874, %mul3A_875 : vector<16xf32>
      %mul3A_877 = arith.mulf %sub3A_807, %sub3A_807 : vector<16xf32>
      %add3A_878 = arith.addf %add3A_876, %mul3A_877 : vector<16xf32>
      %add3A_879 = arith.addf %add3A_680, %add3A_878 : vector<16xf32>
      %mul3A_880 = arith.mulf %get3A_733, %get3A_733 : vector<16xf32>
      %mul3A_881 = arith.mulf %get3A_736, %get3A_736 : vector<16xf32>
      %add3A_882 = arith.addf %mul3A_880, %mul3A_881 : vector<16xf32>
      %mul3A_883 = arith.mulf %get3A_739, %get3A_739 : vector<16xf32>
      %add3A_884 = arith.addf %add3A_882, %mul3A_883 : vector<16xf32>
      %mul3A_885 = arith.mulf %get3A_742, %get3A_742 : vector<16xf32>
      %add3A_886 = arith.addf %add3A_884, %mul3A_885 : vector<16xf32>
      %add3A_887 = arith.addf %add3A_879, %add3A_886 : vector<16xf32>
      %mul3A_888 = arith.mulf %sub3A_809, %sub3A_809 : vector<16xf32>
      %mul3A_889 = arith.mulf %sub3A_811, %sub3A_811 : vector<16xf32>
      %add3A_890 = arith.addf %mul3A_888, %mul3A_889 : vector<16xf32>
      %mul3A_891 = arith.mulf %sub3A_813, %sub3A_813 : vector<16xf32>
      %add3A_892 = arith.addf %add3A_890, %mul3A_891 : vector<16xf32>
      %mul3A_893 = arith.mulf %sub3A_815, %sub3A_815 : vector<16xf32>
      %add3A_894 = arith.addf %add3A_892, %mul3A_893 : vector<16xf32>
      %add3A_895 = arith.addf %add3A_887, %add3A_894 : vector<16xf32>
      %mul3A_896 = arith.mulf %sub3A_817, %sub3A_817 : vector<16xf32>
      %mul3A_897 = arith.mulf %sub3A_819, %sub3A_819 : vector<16xf32>
      %add3A_898 = arith.addf %mul3A_896, %mul3A_897 : vector<16xf32>
      %mul3A_899 = arith.mulf %sub3A_821, %sub3A_821 : vector<16xf32>
      %add3A_900 = arith.addf %add3A_898, %mul3A_899 : vector<16xf32>
      %mul3A_901 = arith.mulf %sub3A_823, %sub3A_823 : vector<16xf32>
      %add3A_902 = arith.addf %add3A_900, %mul3A_901 : vector<16xf32>
      %add3A_903 = arith.addf %add3A_895, %add3A_902 : vector<16xf32>
      %scan3A_904 = arith.constant 3 : i32
      %scan3A_905 = arith.addi %scan3A_244, %scan3A_904 : i32
      %get3A_906 = arith.index_cast %scan3A_905 : i32 to index
      %get3A_907 = arith.constant 0 : index
      %get3A_908 = tpu.vector_load %arg22[%get3A_906, %get3A_907] {strides = array<i32>} : memref<128x64xf32, #tpu.memory_space<vmem>>, vector<16xf32>,
      %get3A_909 = arith.index_cast %scan3A_905 : i32 to index
      %get3A_910 = arith.constant 16 : index
      %get3A_911 = tpu.vector_load %arg22[%get3A_909, %get3A_910] {strides = array<i32>} : memref<128x64xf32, #tpu.memory_space<vmem>>, vector<16xf32>,
      %get3A_912 = arith.index_cast %scan3A_905 : i32 to index
      %get3A_913 = arith.constant 32 : index
      %get3A_914 = tpu.vector_load %arg22[%get3A_912, %get3A_913] {strides = array<i32>} : memref<128x64xf32, #tpu.memory_space<vmem>>, vector<16xf32>,
      %get3A_915 = arith.index_cast %scan3A_905 : i32 to index
      %get3A_916 = arith.constant 48 : index
      %get3A_917 = tpu.vector_load %arg22[%get3A_915, %get3A_916] {strides = array<i32>} : memref<128x64xf32, #tpu.memory_space<vmem>>, vector<16xf32>,
      %get3A_918 = arith.index_cast %scan3A_905 : i32 to index
      %get3A_919 = arith.constant 0 : index
      %get3A_920 = tpu.vector_load %arg20[%get3A_918, %get3A_919] {strides = array<i32>} : memref<128x64xf32, #tpu.memory_space<vmem>>, vector<16xf32>,
      %get3A_921 = arith.index_cast %scan3A_905 : i32 to index
      %get3A_922 = arith.constant 16 : index
      %get3A_923 = tpu.vector_load %arg20[%get3A_921, %get3A_922] {strides = array<i32>} : memref<128x64xf32, #tpu.memory_space<vmem>>, vector<16xf32>,
      %get3A_924 = arith.index_cast %scan3A_905 : i32 to index
      %get3A_925 = arith.constant 32 : index
      %get3A_926 = tpu.vector_load %arg20[%get3A_924, %get3A_925] {strides = array<i32>} : memref<128x64xf32, #tpu.memory_space<vmem>>, vector<16xf32>,
      %get3A_927 = arith.index_cast %scan3A_905 : i32 to index
      %get3A_928 = arith.constant 48 : index
      %get3A_929 = tpu.vector_load %arg20[%get3A_927, %get3A_928] {strides = array<i32>} : memref<128x64xf32, #tpu.memory_space<vmem>>, vector<16xf32>,
      %get3A_930 = arith.index_cast %scan3A_905 : i32 to index
      %get3A_931 = arith.constant 0 : index
      %get3A_932 = tpu.vector_load %arg23[%get3A_930, %get3A_931] {strides = array<i32>} : memref<128x64xf32, #tpu.memory_space<vmem>>, vector<16xf32>,
      %get3A_933 = arith.index_cast %scan3A_905 : i32 to index
      %get3A_934 = arith.constant 16 : index
      %get3A_935 = tpu.vector_load %arg23[%get3A_933, %get3A_934] {strides = array<i32>} : memref<128x64xf32, #tpu.memory_space<vmem>>, vector<16xf32>,
      %get3A_936 = arith.index_cast %scan3A_905 : i32 to index
      %get3A_937 = arith.constant 32 : index
      %get3A_938 = tpu.vector_load %arg23[%get3A_936, %get3A_937] {strides = array<i32>} : memref<128x64xf32, #tpu.memory_space<vmem>>, vector<16xf32>,
      %get3A_939 = arith.index_cast %scan3A_905 : i32 to index
      %get3A_940 = arith.constant 48 : index
      %get3A_941 = tpu.vector_load %arg23[%get3A_939, %get3A_940] {strides = array<i32>} : memref<128x64xf32, #tpu.memory_space<vmem>>, vector<16xf32>,
      %get3A_942 = arith.index_cast %scan3A_905 : i32 to index
      %get3A_943 = arith.constant 0 : index
      %get3A_944 = tpu.vector_load %arg24[%get3A_942, %get3A_943] {strides = array<i32>} : memref<128x64xf32, #tpu.memory_space<vmem>>, vector<16xf32>,
      %get3A_945 = arith.index_cast %scan3A_905 : i32 to index
      %get3A_946 = arith.constant 16 : index
      %get3A_947 = tpu.vector_load %arg24[%get3A_945, %get3A_946] {strides = array<i32>} : memref<128x64xf32, #tpu.memory_space<vmem>>, vector<16xf32>,
      %get3A_948 = arith.index_cast %scan3A_905 : i32 to index
      %get3A_949 = arith.constant 32 : index
      %get3A_950 = tpu.vector_load %arg24[%get3A_948, %get3A_949] {strides = array<i32>} : memref<128x64xf32, #tpu.memory_space<vmem>>, vector<16xf32>,
      %get3A_951 = arith.index_cast %scan3A_905 : i32 to index
      %get3A_952 = arith.constant 48 : index
      %get3A_953 = tpu.vector_load %arg24[%get3A_951, %get3A_952] {strides = array<i32>} : memref<128x64xf32, #tpu.memory_space<vmem>>, vector<16xf32>,
      %get3A_954 = arith.index_cast %scan3A_905 : i32 to index
      %get3A_955 = arith.constant 0 : index
      %get3A_956 = tpu.vector_load %arg21[%get3A_954, %get3A_955] {strides = array<i32>} : memref<128x64xf32, #tpu.memory_space<vmem>>, vector<16xf32>,
      %get3A_957 = arith.index_cast %scan3A_905 : i32 to index
      %get3A_958 = arith.constant 16 : index
      %get3A_959 = tpu.vector_load %arg21[%get3A_957, %get3A_958] {strides = array<i32>} : memref<128x64xf32, #tpu.memory_space<vmem>>, vector<16xf32>,
      %get3A_960 = arith.index_cast %scan3A_905 : i32 to index
      %get3A_961 = arith.constant 32 : index
      %get3A_962 = tpu.vector_load %arg21[%get3A_960, %get3A_961] {strides = array<i32>} : memref<128x64xf32, #tpu.memory_space<vmem>>, vector<16xf32>,
      %get3A_963 = arith.index_cast %scan3A_905 : i32 to index
      %get3A_964 = arith.constant 48 : index
      %get3A_965 = tpu.vector_load %arg21[%get3A_963, %get3A_964] {strides = array<i32>} : memref<128x64xf32, #tpu.memory_space<vmem>>, vector<16xf32>,
      %mul3A_966 = arith.mulf %get3A_908, %get3A_908 : vector<16xf32>
      %mul3A_967 = arith.mulf %get3A_911, %get3A_911 : vector<16xf32>
      %add3A_968 = arith.addf %mul3A_966, %mul3A_967 : vector<16xf32>
      %mul3A_969 = arith.mulf %get3A_914, %get3A_914 : vector<16xf32>
      %add3A_970 = arith.addf %add3A_968, %mul3A_969 : vector<16xf32>
      %mul3A_971 = arith.mulf %get3A_917, %get3A_917 : vector<16xf32>
      %add3A_972 = arith.addf %add3A_970, %mul3A_971 : vector<16xf32>
      %reduce_sum3A_973 = arith.constant true
      %reduce_sum3A_974 = vector.broadcast %reduce_sum3A_973 : i1 to vector<16xi1>
      %reduce_sum3A_975 = tpu.scan <sum>, %add3A_972 masked %reduce_sum3A_974 : vector<16xf32>, vector<16xi1> -> vector<16xf32>
      %reduce_sum3A_976 = vector.extract %reduce_sum3A_975[15] : f32 from vector<16xf32>
      %broadcast_in_dim3A_977 = vector.broadcast %reduce_sum3A_976 : f32 to vector<16xf32>
      %max3A_978 = arith.constant 1.000000e-24 : f32
      %max3A_979 = vector.broadcast %max3A_978 : f32 to vector<16xf32>
      %max3A_980 = arith.maximumf %broadcast_in_dim3A_977, %max3A_979 : vector<16xf32>
      %div3A_981 = arith.constant 1.000000e+00 : f32
      %div3A_982 = vector.broadcast %div3A_981 : f32 to vector<16xf32>
      %div3A_983 = arith.divf %div3A_982, %max3A_980 : vector<16xf32>
      %mul3A_984 = arith.mulf %get3A_920, %get3A_908 : vector<16xf32>
      %mul3A_985 = arith.mulf %get3A_923, %get3A_911 : vector<16xf32>
      %add3A_986 = arith.addf %mul3A_984, %mul3A_985 : vector<16xf32>
      %mul3A_987 = arith.mulf %get3A_926, %get3A_914 : vector<16xf32>
      %add3A_988 = arith.addf %add3A_986, %mul3A_987 : vector<16xf32>
      %mul3A_989 = arith.mulf %get3A_929, %get3A_917 : vector<16xf32>
      %add3A_990 = arith.addf %add3A_988, %mul3A_989 : vector<16xf32>
      %reduce_sum3A_991 = arith.constant true
      %reduce_sum3A_992 = vector.broadcast %reduce_sum3A_991 : i1 to vector<16xi1>
      %reduce_sum3A_993 = tpu.scan <sum>, %add3A_990 masked %reduce_sum3A_992 : vector<16xf32>, vector<16xi1> -> vector<16xf32>
      %reduce_sum3A_994 = vector.extract %reduce_sum3A_993[15] : f32 from vector<16xf32>
      %broadcast_in_dim3A_995 = vector.broadcast %reduce_sum3A_994 : f32 to vector<16xf32>
      %mul3A_996 = arith.mulf %get3A_932, %get3A_908 : vector<16xf32>
      %mul3A_997 = arith.mulf %get3A_935, %get3A_911 : vector<16xf32>
      %add3A_998 = arith.addf %mul3A_996, %mul3A_997 : vector<16xf32>
      %mul3A_999 = arith.mulf %get3A_938, %get3A_914 : vector<16xf32>
      %add3A_1000 = arith.addf %add3A_998, %mul3A_999 : vector<16xf32>
      %mul3A_1001 = arith.mulf %get3A_941, %get3A_917 : vector<16xf32>
      %add3A_1002 = arith.addf %add3A_1000, %mul3A_1001 : vector<16xf32>
      %reduce_sum3A_1003 = arith.constant true
      %reduce_sum3A_1004 = vector.broadcast %reduce_sum3A_1003 : i1 to vector<16xi1>
      %reduce_sum3A_1005 = tpu.scan <sum>, %add3A_1002 masked %reduce_sum3A_1004 : vector<16xf32>, vector<16xi1> -> vector<16xf32>
      %reduce_sum3A_1006 = vector.extract %reduce_sum3A_1005[15] : f32 from vector<16xf32>
      %broadcast_in_dim3A_1007 = vector.broadcast %reduce_sum3A_1006 : f32 to vector<16xf32>
      %mul3A_1008 = arith.mulf %get3A_944, %get3A_908 : vector<16xf32>
      %mul3A_1009 = arith.mulf %get3A_947, %get3A_911 : vector<16xf32>
      %add3A_1010 = arith.addf %mul3A_1008, %mul3A_1009 : vector<16xf32>
      %mul3A_1011 = arith.mulf %get3A_950, %get3A_914 : vector<16xf32>
      %add3A_1012 = arith.addf %add3A_1010, %mul3A_1011 : vector<16xf32>
      %mul3A_1013 = arith.mulf %get3A_953, %get3A_917 : vector<16xf32>
      %add3A_1014 = arith.addf %add3A_1012, %mul3A_1013 : vector<16xf32>
      %reduce_sum3A_1015 = arith.constant true
      %reduce_sum3A_1016 = vector.broadcast %reduce_sum3A_1015 : i1 to vector<16xi1>
      %reduce_sum3A_1017 = tpu.scan <sum>, %add3A_1014 masked %reduce_sum3A_1016 : vector<16xf32>, vector<16xi1> -> vector<16xf32>
      %reduce_sum3A_1018 = vector.extract %reduce_sum3A_1017[15] : f32 from vector<16xf32>
      %broadcast_in_dim3A_1019 = vector.broadcast %reduce_sum3A_1018 : f32 to vector<16xf32>
      %mul3A_1020 = arith.mulf %broadcast_in_dim3A_995, %div3A_983 : vector<16xf32>
      %mul3A_1021 = arith.mulf %broadcast_in_dim3A_1007, %div3A_983 : vector<16xf32>
      %mul3A_1022 = arith.mulf %broadcast_in_dim3A_1019, %div3A_983 : vector<16xf32>
      %mul3A_1023 = arith.mulf %mul3A_1020, %get3A_908 : vector<16xf32>
      %sub3A_1024 = arith.subf %get3A_920, %mul3A_1023 : vector<16xf32>
      %mul3A_1025 = arith.mulf %mul3A_1020, %get3A_911 : vector<16xf32>
      %sub3A_1026 = arith.subf %get3A_923, %mul3A_1025 : vector<16xf32>
      %mul3A_1027 = arith.mulf %mul3A_1020, %get3A_914 : vector<16xf32>
      %sub3A_1028 = arith.subf %get3A_926, %mul3A_1027 : vector<16xf32>
      %mul3A_1029 = arith.mulf %mul3A_1020, %get3A_917 : vector<16xf32>
      %sub3A_1030 = arith.subf %get3A_929, %mul3A_1029 : vector<16xf32>
      %mul3A_1031 = arith.mulf %mul3A_1021, %get3A_908 : vector<16xf32>
      %sub3A_1032 = arith.subf %get3A_932, %mul3A_1031 : vector<16xf32>
      %mul3A_1033 = arith.mulf %mul3A_1021, %get3A_911 : vector<16xf32>
      %sub3A_1034 = arith.subf %get3A_935, %mul3A_1033 : vector<16xf32>
      %mul3A_1035 = arith.mulf %mul3A_1021, %get3A_914 : vector<16xf32>
      %sub3A_1036 = arith.subf %get3A_938, %mul3A_1035 : vector<16xf32>
      %mul3A_1037 = arith.mulf %mul3A_1021, %get3A_917 : vector<16xf32>
      %sub3A_1038 = arith.subf %get3A_941, %mul3A_1037 : vector<16xf32>
      %mul3A_1039 = arith.mulf %mul3A_1022, %get3A_908 : vector<16xf32>
      %sub3A_1040 = arith.subf %get3A_944, %mul3A_1039 : vector<16xf32>
      %mul3A_1041 = arith.mulf %mul3A_1022, %get3A_911 : vector<16xf32>
      %sub3A_1042 = arith.subf %get3A_947, %mul3A_1041 : vector<16xf32>
      %mul3A_1043 = arith.mulf %mul3A_1022, %get3A_914 : vector<16xf32>
      %sub3A_1044 = arith.subf %get3A_950, %mul3A_1043 : vector<16xf32>
      %mul3A_1045 = arith.mulf %mul3A_1022, %get3A_917 : vector<16xf32>
      %sub3A_1046 = arith.subf %get3A_953, %mul3A_1045 : vector<16xf32>
      %add3A_1047 = arith.addf %sub3A_1024, %get3A_956 : vector<16xf32>
      %add3A_1048 = arith.addf %sub3A_1026, %get3A_959 : vector<16xf32>
      %add3A_1049 = arith.addf %sub3A_1028, %get3A_962 : vector<16xf32>
      %add3A_1050 = arith.addf %sub3A_1030, %get3A_965 : vector<16xf32>
      %sub3A_1051 = arith.subf %add3A_1047, %sub3A_1032 : vector<16xf32>
      %sub3A_1052 = arith.subf %add3A_1048, %sub3A_1034 : vector<16xf32>
      %sub3A_1053 = arith.subf %add3A_1049, %sub3A_1036 : vector<16xf32>
      %sub3A_1054 = arith.subf %add3A_1050, %sub3A_1038 : vector<16xf32>
      %sub3A_1055 = arith.subf %add3A_1047, %sub3A_1040 : vector<16xf32>
      %sub3A_1056 = arith.subf %add3A_1048, %sub3A_1042 : vector<16xf32>
      %sub3A_1057 = arith.subf %add3A_1049, %sub3A_1044 : vector<16xf32>
      %sub3A_1058 = arith.subf %add3A_1050, %sub3A_1046 : vector<16xf32>
      %mul3A_1059 = arith.mulf %sub3A_1051, %sub3A_1051 : vector<16xf32>
      %mul3A_1060 = arith.mulf %sub3A_1052, %sub3A_1052 : vector<16xf32>
      %add3A_1061 = arith.addf %mul3A_1059, %mul3A_1060 : vector<16xf32>
      %mul3A_1062 = arith.mulf %sub3A_1053, %sub3A_1053 : vector<16xf32>
      %add3A_1063 = arith.addf %add3A_1061, %mul3A_1062 : vector<16xf32>
      %mul3A_1064 = arith.mulf %sub3A_1054, %sub3A_1054 : vector<16xf32>
      %add3A_1065 = arith.addf %add3A_1063, %mul3A_1064 : vector<16xf32>
      %reduce_sum3A_1066 = arith.constant true
      %reduce_sum3A_1067 = vector.broadcast %reduce_sum3A_1066 : i1 to vector<16xi1>
      %reduce_sum3A_1068 = tpu.scan <sum>, %add3A_1065 masked %reduce_sum3A_1067 : vector<16xf32>, vector<16xi1> -> vector<16xf32>
      %reduce_sum3A_1069 = vector.extract %reduce_sum3A_1068[15] : f32 from vector<16xf32>
      %mul3A_1070 = arith.mulf %sub3A_1055, %sub3A_1055 : vector<16xf32>
      %mul3A_1071 = arith.mulf %sub3A_1056, %sub3A_1056 : vector<16xf32>
      %add3A_1072 = arith.addf %mul3A_1070, %mul3A_1071 : vector<16xf32>
      %mul3A_1073 = arith.mulf %sub3A_1057, %sub3A_1057 : vector<16xf32>
      %add3A_1074 = arith.addf %add3A_1072, %mul3A_1073 : vector<16xf32>
      %mul3A_1075 = arith.mulf %sub3A_1058, %sub3A_1058 : vector<16xf32>
      %add3A_1076 = arith.addf %add3A_1074, %mul3A_1075 : vector<16xf32>
      %reduce_sum3A_1077 = arith.constant true
      %reduce_sum3A_1078 = vector.broadcast %reduce_sum3A_1077 : i1 to vector<16xi1>
      %reduce_sum3A_1079 = tpu.scan <sum>, %add3A_1076 masked %reduce_sum3A_1078 : vector<16xf32>, vector<16xi1> -> vector<16xf32>
      %reduce_sum3A_1080 = vector.extract %reduce_sum3A_1079[15] : f32 from vector<16xf32>
      %and3A_1081 = arith.constant 15 : i32
      %and3A_1082 = arith.andi %scan3A_905, %and3A_1081 : i32
      %eq3A_1083 = vector.broadcast %and3A_1082 : i32 to vector<16xi32>
      %eq3A_1084 = arith.cmpi eq, %iota3A, %eq3A_1083 : vector<16xi32>
      %sub3A_1085 = arith.subf %reduce_sum3A_1080, %reduce_sum3A_1069 : f32
      %broadcast_in_dim3A_1086 = vector.broadcast %sub3A_1085 : f32 to vector<16xf32>
      %select_n3A_1087 = arith.select %eq3A_1084, %broadcast_in_dim3A_1086, %select_n3A_864 : vector<16xi1>, vector<16xf32>
      %and3A_1088 = arith.constant 15 : i32
      %and3A_1089 = arith.andi %scan3A_905, %and3A_1088 : i32
      %eq3A_1090 = arith.constant 15 : i32
      %eq3A_1091 = arith.cmpi eq, %and3A_1089, %eq3A_1090 : i32
      %convert_element_type3A_1092 = arith.extui %eq3A_1091 : i1 to i32
      %cond3A_1093 = arith.constant 0 : i32
      %cond3A_1094 = arith.cmpi ne, %convert_element_type3A_1092, %cond3A_1093 : i32
      scf.if %cond3A_1094 {
        %add3A_1127 = arith.constant 384 : i32
        %add3A_1128 = arith.addi %add3A_1127, %scan3A_905 : i32
        %sub3A_1129 = arith.constant 15 : i32
        %sub3A_1130 = arith.subi %add3A_1128, %sub3A_1129 : i32
        %swap3A_1131 = arith.index_cast %sub3A_1130 : i32 to index
        %swap3A_1132 = tpu.vector_load %arg25[%swap3A_1131] {strides = array<i32>} : memref<512xf32, #tpu.memory_space<vmem>>, vector<16xf32>,
        tpu.vector_store %arg25[%swap3A_1131], %select_n3A_1087 {strides = array<i32>} : memref<512xf32, #tpu.memory_space<vmem>>, vector<16xf32>,
      } else {
      }
      %mul3A_1095 = arith.mulf %sub3A_1024, %sub3A_1024 : vector<16xf32>
      %mul3A_1096 = arith.mulf %sub3A_1026, %sub3A_1026 : vector<16xf32>
      %add3A_1097 = arith.addf %mul3A_1095, %mul3A_1096 : vector<16xf32>
      %mul3A_1098 = arith.mulf %sub3A_1028, %sub3A_1028 : vector<16xf32>
      %add3A_1099 = arith.addf %add3A_1097, %mul3A_1098 : vector<16xf32>
      %mul3A_1100 = arith.mulf %sub3A_1030, %sub3A_1030 : vector<16xf32>
      %add3A_1101 = arith.addf %add3A_1099, %mul3A_1100 : vector<16xf32>
      %add3A_1102 = arith.addf %add3A_903, %add3A_1101 : vector<16xf32>
      %mul3A_1103 = arith.mulf %get3A_956, %get3A_956 : vector<16xf32>
      %mul3A_1104 = arith.mulf %get3A_959, %get3A_959 : vector<16xf32>
      %add3A_1105 = arith.addf %mul3A_1103, %mul3A_1104 : vector<16xf32>
      %mul3A_1106 = arith.mulf %get3A_962, %get3A_962 : vector<16xf32>
      %add3A_1107 = arith.addf %add3A_1105, %mul3A_1106 : vector<16xf32>
      %mul3A_1108 = arith.mulf %get3A_965, %get3A_965 : vector<16xf32>
      %add3A_1109 = arith.addf %add3A_1107, %mul3A_1108 : vector<16xf32>
      %add3A_1110 = arith.addf %add3A_1102, %add3A_1109 : vector<16xf32>
      %mul3A_1111 = arith.mulf %sub3A_1032, %sub3A_1032 : vector<16xf32>
      %mul3A_1112 = arith.mulf %sub3A_1034, %sub3A_1034 : vector<16xf32>
      %add3A_1113 = arith.addf %mul3A_1111, %mul3A_1112 : vector<16xf32>
      %mul3A_1114 = arith.mulf %sub3A_1036, %sub3A_1036 : vector<16xf32>
      %add3A_1115 = arith.addf %add3A_1113, %mul3A_1114 : vector<16xf32>
      %mul3A_1116 = arith.mulf %sub3A_1038, %sub3A_1038 : vector<16xf32>
      %add3A_1117 = arith.addf %add3A_1115, %mul3A_1116 : vector<16xf32>
      %add3A_1118 = arith.addf %add3A_1110, %add3A_1117 : vector<16xf32>
      %mul3A_1119 = arith.mulf %sub3A_1040, %sub3A_1040 : vector<16xf32>
      %mul3A_1120 = arith.mulf %sub3A_1042, %sub3A_1042 : vector<16xf32>
      %add3A_1121 = arith.addf %mul3A_1119, %mul3A_1120 : vector<16xf32>
      %mul3A_1122 = arith.mulf %sub3A_1044, %sub3A_1044 : vector<16xf32>
      %add3A_1123 = arith.addf %add3A_1121, %mul3A_1122 : vector<16xf32>
      %mul3A_1124 = arith.mulf %sub3A_1046, %sub3A_1046 : vector<16xf32>
      %add3A_1125 = arith.addf %add3A_1123, %mul3A_1124 : vector<16xf32>
      %add3A_1126 = arith.addf %add3A_1118, %add3A_1125 : vector<16xf32>
      scf.yield %add3A_1126, %select_n3A_1087 : vector<16xf32>, vector<16xf32>
    }
    %scan3A_242 = arith.constant 128 : i32
    %swap3A = arith.constant 0 : index
    %swap3A_243 = tpu.vector_load %arg26[%swap3A] {strides = array<i32>} : memref<16xf32, #tpu.memory_space<vmem>>, vector<16xf32>,
    tpu.vector_store %arg26[%swap3A], %scan3A_241#0 {strides = array<i32>} : memref<16xf32, #tpu.memory_space<vmem>>, vector<16xf32>,
    "tpu.region"() ({
      %run_scoped3A = tpu.sem_alloc : memref<!tpu.dma_semaphore, #tpu.memory_space<semaphore_mem>>
      %dma_start3A_244 = tpu.memref_slice %arg9[%mul3A_2] : memref<16384xf32, #tpu.memory_space<hbm>> -> memref<512xf32, #tpu.memory_space<hbm>>
      %dma_start3A_245 = tpu.memref_slice %arg9[%mul3A_2] : memref<16384xf32, #tpu.memory_space<hbm>> -> memref<512xf32, #tpu.memory_space<hbm>>
      tpu.enqueue_dma source(%arg25 : memref<512xf32, #tpu.memory_space<vmem>>) target(%dma_start3A_245 : memref<512xf32, #tpu.memory_space<hbm>>) target_semaphore(%run_scoped3A : memref<!tpu.dma_semaphore, #tpu.memory_space<semaphore_mem>>)
      %dma_wait3A_246 = tpu.memref_slice %arg9[%mul3A_2] : memref<16384xf32, #tpu.memory_space<hbm>> -> memref<512xf32, #tpu.memory_space<hbm>>
      %dma_wait3A_247 = tpu.memref_slice %arg9[%mul3A_2] : memref<16384xf32, #tpu.memory_space<hbm>> -> memref<512xf32, #tpu.memory_space<hbm>>
      tpu.wait_dma2 semaphore(%run_scoped3A : memref<!tpu.dma_semaphore, #tpu.memory_space<semaphore_mem>>) src(%arg25 : memref<512xf32, #tpu.memory_space<vmem>>) dst(%dma_wait3A_247 : memref<512xf32, #tpu.memory_space<hbm>>)
      tpu.yield
    }) : () -> ()
    "tpu.region"() ({
      %run_scoped3A = tpu.sem_alloc : memref<!tpu.dma_semaphore, #tpu.memory_space<semaphore_mem>>
      %dma_start3A_244 = arith.constant 0 : i32
      %dma_start3A_245 = tpu.memref_slice %arg10[%add3A, %dma_start3A_244] : memref<32x16xf32, #tpu.memory_space<hbm>> -> memref<1x16xf32, #tpu.memory_space<hbm>>
      %dma_start3A_246 = tpu.memref_squeeze %dma_start3A_245 : memref<1x16xf32, #tpu.memory_space<hbm>> -> memref<16xf32, #tpu.memory_space<hbm>>
      %dma_start3A_247 = arith.constant 0 : i32
      %dma_start3A_248 = tpu.memref_slice %arg10[%add3A, %dma_start3A_247] : memref<32x16xf32, #tpu.memory_space<hbm>> -> memref<1x16xf32, #tpu.memory_space<hbm>>
      %dma_start3A_249 = tpu.memref_squeeze %dma_start3A_248 : memref<1x16xf32, #tpu.memory_space<hbm>> -> memref<16xf32, #tpu.memory_space<hbm>>
      tpu.enqueue_dma source(%arg26 : memref<16xf32, #tpu.memory_space<vmem>>) target(%dma_start3A_249 : memref<16xf32, #tpu.memory_space<hbm>>) target_semaphore(%run_scoped3A : memref<!tpu.dma_semaphore, #tpu.memory_space<semaphore_mem>>)
      %dma_wait3A_250 = arith.constant 0 : i32
      %dma_wait3A_251 = tpu.memref_slice %arg10[%add3A, %dma_wait3A_250] : memref<32x16xf32, #tpu.memory_space<hbm>> -> memref<1x16xf32, #tpu.memory_space<hbm>>
      %dma_wait3A_252 = tpu.memref_squeeze %dma_wait3A_251 : memref<1x16xf32, #tpu.memory_space<hbm>> -> memref<16xf32, #tpu.memory_space<hbm>>
      %dma_wait3A_253 = arith.constant 0 : i32
      %dma_wait3A_254 = tpu.memref_slice %arg10[%add3A, %dma_wait3A_253] : memref<32x16xf32, #tpu.memory_space<hbm>> -> memref<1x16xf32, #tpu.memory_space<hbm>>
      %dma_wait3A_255 = tpu.memref_squeeze %dma_wait3A_254 : memref<1x16xf32, #tpu.memory_space<hbm>> -> memref<16xf32, #tpu.memory_space<hbm>>
      tpu.wait_dma2 semaphore(%run_scoped3A : memref<!tpu.dma_semaphore, #tpu.memory_space<semaphore_mem>>) src(%arg26 : memref<16xf32, #tpu.memory_space<vmem>>) dst(%dma_wait3A_255 : memref<16xf32, #tpu.memory_space<hbm>>)
      tpu.yield
    }) : () -> ()
    return
  }
}

module attributes {stable_mosaic.version = 14 : i64} {
  func.func @_finish_body(%arg0: memref<128x128xf32, #tpu.memory_space<vmem>>, %arg1: memref<32x16xf32, #tpu.memory_space<vmem>>, %arg2: memref<1x1xf32, #tpu.memory_space<vmem>>) attributes {dimension_semantics = [], scalar_prefetch = 0 : i64, scratch_operands = 0 : i64, tpu.core_type = #tpu.core_type<tc>} {
    %get3A = arith.constant 0 : index
    %get3A_0 = arith.constant 0 : index
    %get3A_1 = vector.load %arg0[%get3A, %get3A_0] : memref<128x128xf32, #tpu.memory_space<vmem>>, vector<128x128xf32>
    %neg3A = arith.constant 0.000000e+00 : f32
    %neg3A_2 = vector.broadcast %neg3A : f32 to vector<128x128xf32>
    %neg3A_3 = arith.subf %neg3A_2, %get3A_1 : vector<128x128xf32>
    %max3A = arith.constant 0.000000e+00 : f32
    %max3A_4 = vector.broadcast %max3A : f32 to vector<128x128xf32>
    %max3A_5 = arith.maximumf %neg3A_3, %max3A_4 : vector<128x128xf32>
    %abs3A = math.absf %get3A_1 : vector<128x128xf32>
    %neg3A_6 = arith.constant 0.000000e+00 : f32
    %neg3A_7 = vector.broadcast %neg3A_6 : f32 to vector<128x128xf32>
    %neg3A_8 = arith.subf %neg3A_7, %abs3A : vector<128x128xf32>
    %exp3A = math.exp %neg3A_8 : vector<128x128xf32>
    %add3A = arith.constant 1.000000e+00 : f32
    %add3A_9 = vector.broadcast %add3A : f32 to vector<128x128xf32>
    %add3A_10 = arith.addf %add3A_9, %exp3A : vector<128x128xf32>
    %log3A = math.log %add3A_10 : vector<128x128xf32>
    %add3A_11 = arith.addf %max3A_5, %log3A : vector<128x128xf32>
    %reduce_sum3A = vector.shape_cast %add3A_11 : vector<128x128xf32> to vector<1x128x128xf32>
    %reduce_sum3A_12 = arith.constant dense<0.000000e+00> : vector<1xf32>
    %reduce_sum3A_13 = vector.multi_reduction <add>, %reduce_sum3A, %reduce_sum3A_12 [1, 2] : vector<1x128x128xf32> to vector<1xf32>
    %reduce_sum3A_14 = vector.shape_cast %reduce_sum3A_13 : vector<1xf32> to vector<1x1x1xf32>
    %reduce_sum3A_15 = vector.extract %reduce_sum3A_14[0, 0, 0] : f32 from vector<1x1x1xf32>
    %div3A = arith.constant 1.638400e+04 : f32
    %div3A_16 = arith.divf %reduce_sum3A_15, %div3A : f32
    %get3A_17 = arith.constant 0 : index
    %get3A_18 = arith.constant 0 : index
    %get3A_19 = vector.load %arg1[%get3A_17, %get3A_18] : memref<32x16xf32, #tpu.memory_space<vmem>>, vector<32x16xf32>
    %reduce_sum3A_20 = vector.shape_cast %get3A_19 : vector<32x16xf32> to vector<1x32x16xf32>
    %reduce_sum3A_21 = arith.constant dense<0.000000e+00> : vector<1xf32>
    %reduce_sum3A_22 = vector.multi_reduction <add>, %reduce_sum3A_20, %reduce_sum3A_21 [1, 2] : vector<1x32x16xf32> to vector<1xf32>
    %reduce_sum3A_23 = vector.shape_cast %reduce_sum3A_22 : vector<1xf32> to vector<1x1x1xf32>
    %reduce_sum3A_24 = vector.extract %reduce_sum3A_23[0, 0, 0] : f32 from vector<1x1x1xf32>
    %div3A_25 = arith.constant 3.276800e+04 : f32
    %div3A_26 = arith.divf %reduce_sum3A_24, %div3A_25 : f32
    %mul3A = arith.constant 9.99999974E-6 : f32
    %mul3A_27 = arith.mulf %mul3A, %div3A_26 : f32
    %add3A_28 = arith.addf %div3A_16, %mul3A_27 : f32
    %reshape3A = vector.broadcast %add3A_28 : f32 to vector<1x1xf32>
    %swap3A = arith.constant 0 : index
    %swap3A_29 = arith.constant 0 : index
    %swap3A_30 = vector.load %arg2[%swap3A, %swap3A_29] : memref<1x1xf32, #tpu.memory_space<vmem>>, vector<1x1xf32>
    tpu.vector_store %arg2[%swap3A, %swap3A_29], %reshape3A {strides = array<i32>} : memref<1x1xf32, #tpu.memory_space<vmem>>, vector<1x1xf32>,
    return
  }
}

</mosaic_0001>

<sc_bundles>
// kernel: kernel.4.cloned.1.call-start
scs
__scs_entry_jumppad:
0x0: {  	(pc) =	sbr.rel $0x88, $3  }
0x1: {  	(tag) =	ssettag $0x0;
	lr =	simm.s32 $0x1  }
0x2: {  	[smem:$0x3F9A] =	sst lr;
	_ =	strace $0xD0000000  }
0x3: {  	_ = 	snop  }
0x4: {  	_ = 	snop  }
0x5: {  	_ = 	snop  }
0x6: {  	_ = 	snop  }
0x7: {  	_ = 	snop  }
__scs_overlays_trampoline_lowered:
0x8: {  	[smem:$0x3FA9] =	sst s0  }
0x9: {  	[smem:$0x3FAA] =	sst s1  }
0xa: {  	[smem:$0x3FAB] =	sst s2  }
0xb: {  	[smem:$0x3FAC] =	sst s3  }
0xc: {  	[smem:$0x3FAD] =	sst s4  }
0xd: {  	[smem:$0x3FAE] =	sst s5  }
0xe: {  	[smem:$0x3FAF] =	sst s6  }
0xf: {  	[smem:$0x3FB0] =	sst s7  }
0x10: {  	[smem:$0x3FB1] =	sst s8  }
0x11: {  	[smem:$0x3FB2] =	sst s9;
	s0 =	simm.s32 @!p0 $0x0  }
0x12: {  	s1 =	sld [smem:$0x3F98];
	s0 =	simm.s32 @p0 $0x1  }
0x13: {  	[smem:$0x3FB3] =	sst s0;
	s0 =	simm.s32 @!p1 $0x0  }
0x14: {  	s2 =	sld [smem:$0x3F97];
	s0 =	simm.s32 @p1 $0x1  }
0x15: {  	[smem:$0x3FB4] =	sst s0;
	s0 =	simm.s32 @!p2 $0x0  }
0x16: {  	s3 =	sld [smem:$0x3FDB];
	s0 =	simm.s32 @p2 $0x1  }
0x17: {  	s4 =	simm.s32 $0x1BF5;
	[smem:$0x3FB6] =	sst s0  }
0x18: {  	s0 =	sld [smem:$0x3F99];
	_ =	swait.ge [sflag:s4], $0x0  }
0x19: {  	s7 =	sld [smem:$0x3F9A]  }
0x1a: {  	s8 =	sadd.s32 $0xFFFFE003, lr  }
0x1b: {  	s9 =	sadd.s32 $0xFFFFFEF7, lr;
	s5 =	simm.s32 $0xFFFFFFFF;
	p2 =	slt.u32 s8, $0xFFFFF086  }
0x1c: {  	p1 =	slt.u32 s9, $0xF7A;
	s5 =	simm.s32 @!p2 $0x0  }
0x1d: {  	s5 =	simm.s32 @p1 $0x1;
	p0 =	seq.s32 s7, s2  }
0x1e: {  	s7 =	smul.u32 @!p0 $0xF7A, s2;
	p2 =	seq.s32 @!p0 s5, $0x0  }
0x1f: {  	s9 =	smul.u32 $0xF7A, s1;
	s8 =	simm.s32 @!p0 $0x1BF5;
	p2 =	por !p2, p0  }
0x20: {  	[sflag:s8] =	ssyncset.s32 @!p0 $0xFFFFF086;
	s6 =	sadd.s32 @!p0 s3, s7;
	s7 =	simm.s32 @!p0 $0x108  }
0x21: {  	s3 =	sadd.s32 s3, s9;
	s6 =	sadd.s32 @!p0 $0x88, s6;
	s7 =	simm.s32 @p2 $0x1082  }
0x22: {  	[simem:s7], [sflag:s8] =	dma.local @!p0 [hbm:s6], $0xF7A  }
0x23: {  	s9 =	sor.u32 $0xD0000000, s2;
	s6 =	simm.s32 $0x108;
	_ =	swait.ge @!p0 [sflag:s8], $0x0  }
0x24: {  	s3 =	sadd.s32 $0x88, s3;
	s6 =	simm.s32 @!p1 $0x1082;
	[sflag:s4] =	ssyncset.s32 $0xFFFFF086  }
0x25: {  	[simem:s6], [sflag:s4] =	dma.local [hbm:s3], $0xF7A  }
0x26: {  	[smem:$0x3F9A] =	sst s1;
	(tag) =	ssettag s2;
	_ =	strace s9  }
0x27: {  	s1 =	sld [smem:$0x3FAA]  }
0x28: {  	s2 =	sld [smem:$0x3FAB]  }
0x29: {  	s4 =	sld [smem:$0x3FAD]  }
0x2a: {  	p0 =	seq.s32 s5, $0x0;
	s5 =	sld [smem:$0x3FAE]  }
0x2b: {  	s6 =	sld [smem:$0x3FAF]  }
0x2c: {  	s7 =	sld [smem:$0x3FB0]  }
0x2d: {  	s3 =	simm.s32 $0x108;
	s8 =	sld [smem:$0x3FB1]  }
0x2e: {  	s3 =	simm.s32 @!p0 $0x1082;
	s9 =	sld [smem:$0x3FB2]  }
0x2f: {  	lr =	sadd.s32 s0, s3;
	s0 =	sld [smem:$0x3FA9]  }
0x30: {  	s3 =	sld [smem:$0x3FAC]  }
0x31: {  	[smem:$0x3FB5] =	sst s10  }
0x32: {  	s10 =	sld [smem:$0x3FB3];
	_ =	sdelay $0x3  }
0x33: {  	p0 =	seq.s32 s10, $0x1;
	s10 =	sld [smem:$0x3FB5];
	_ =	sdelay $0x3  }
0x34: {  	[smem:$0x3FB5] =	sst s10  }
0x35: {  	s10 =	sld [smem:$0x3FB4];
	_ =	sdelay $0x3  }
0x36: {  	p1 =	seq.s32 s10, $0x1;
	s10 =	sld [smem:$0x3FB5];
	_ =	sdelay $0x3  }
0x37: {  	[smem:$0x3FB5] =	sst s10  }
0x38: {  	s10 =	sld [smem:$0x3FB6]  }
0x39: {  	_ = 	snop;
	(pc) =	sbr.ind lr, $3  }
0x3a: {  	_ = 	snop  }
0x3b: {  	_ = 	snop  }
0x3c: {  	p2 =	seq.s32 s10, $0x1;
	s10 =	sld [smem:$0x3FB5]  }
0x3d: {  	_ =	shalt  }
0x3e: {  	_ =	shalt  }
0x3f: {  	_ =	shalt  }
0x40: {  	_ =	shalt  }
0x41: {  	_ =	shalt  }
0x42: {  	_ =	shalt  }
0x43: {  	_ =	shalt  }
0x44: {  	_ =	shalt  }
0x45: {  	_ =	shalt  }
0x46: {  	_ =	shalt  }
0x47: {  	_ =	shalt  }
0x48: {  	_ =	shalt  }
0x49: {  	_ =	shalt  }
0x4a: {  	_ =	shalt  }
0x4b: {  	_ =	shalt  }
0x4c: {  	_ =	shalt  }
0x4d: {  	_ =	shalt  }
0x4e: {  	_ =	shalt  }
0x4f: {  	_ =	shalt  }
0x50: {  	_ =	shalt  }
0x51: {  	_ =	shalt  }
0x52: {  	_ =	shalt  }
0x53: {  	_ =	shalt  }
0x54: {  	_ =	shalt  }
0x55: {  	_ =	shalt  }
0x56: {  	_ =	shalt  }
0x57: {  	_ =	shalt  }
0x58: {  	_ =	shalt  }
0x59: {  	_ =	shalt  }
0x5a: {  	_ =	shalt  }
0x5b: {  	_ =	shalt  }
0x5c: {  	_ =	shalt  }
0x5d: {  	_ =	shalt  }
0x5e: {  	_ =	shalt  }
0x5f: {  	_ =	shalt  }
0x60: {  	_ =	shalt  }
0x61: {  	_ =	shalt  }
0x62: {  	_ =	shalt  }
0x63: {  	_ =	shalt  }
0x64: {  	_ =	shalt  }
0x65: {  	_ =	shalt  }
0x66: {  	_ =	shalt  }
0x67: {  	_ =	shalt  }
0x68: {  	_ =	shalt  }
0x69: {  	_ =	shalt  }
0x6a: {  	_ =	shalt  }
0x6b: {  	_ =	shalt  }
0x6c: {  	_ =	shalt  }
0x6d: {  	_ =	shalt  }
0x6e: {  	_ =	shalt  }
0x6f: {  	_ =	shalt  }
0x70: {  	_ =	shalt  }
0x71: {  	_ =	shalt  }
0x72: {  	_ =	shalt  }
0x73: {  	_ =	shalt  }
0x74: {  	_ =	shalt  }
0x75: {  	_ =	shalt  }
0x76: {  	_ =	shalt  }
0x77: {  	_ =	shalt  }
0x78: {  	_ =	shalt  }
0x79: {  	_ =	shalt  }
0x7a: {  	_ =	shalt  }
0x7b: {  	_ =	shalt  }
0x7c: {  	_ =	shalt  }
0x7d: {  	_ =	shalt  }
0x7e: {  	_ =	shalt  }
0x7f: {  	_ =	shalt  }
0x80: {  	_ =	shalt  }
0x81: {  	_ =	shalt  }
0x82: {  	_ =	shalt  }
0x83: {  	_ =	shalt  }
0x84: {  	_ =	shalt  }
0x85: {  	_ =	shalt  }
0x86: {  	_ =	shalt  }
0x87: {  	_ =	shalt  }
.Lfunc_end0:
.L_simem_size_0:
called_computation_lowered:
.L_overlay_start_0:
0x88: {  	s2 =	sld [smem:$0x3FD9]  }
0x89: {  	s3 =	sld [smem:$0x3FFE];
	_ =	sdelay $0x1  }
0x8a: {  	s1 =	srdreg.scid  }
0x8b: {  	s0 =	sand.u32 $0x1, s1  }
0x8c: {  	s17 =	sshll.u32 s0, $0xA;
	s2 =	sadd.s32 s3, s2  }
0x8d: {  	s2 =	sadd.s32 s2, s17  }
0x8e: {  	[smem:$0x3FC1] =	sst s2  }
0x8f: {  	_ = 	snop  }
0x90: {  	s2 =	sld [smem:$0x3FC9]  }
0x91: {  	s18 =	sld [smem:$0x3FC8]  }
0x92: {  	s4 =	sld [smem:$0x3FC7]  }
0x93: {  	s5 =	sld [smem:$0x3FC6];
	(tm) =	ssettm $0x1  }
0x94: {  	s6 =	sld [smem:$0x3FFB];
	_ =	sdelay $0x3  }
0x95: {  	_ =	strace s6  }
0x96: {  	s6 =	sld [smem:$0x3FFC];
	_ =	sdelay $0x3  }
0x97: {  	_ =	strace s6  }
0x98: {  	s6 =	sld [smem:$0x3FFD];
	_ =	sdelay $0x3  }
0x99: {  	_ =	strace s6  }
0x9a: {  	_ =	strace $0x8FFFFFFF  }
0x9b: {  	s19 =	sld [smem:$0x3FDB];
	_ =	sdelay $0x1  }
0x9c: {  	s7 =	simm.s32 $_scs_section_size  }
0x9d: {  	s8 =	simm.s32 $_size__tile_overlayer_lowered;
	s9 =	simm.s32 $_tile_overlayer_lowered  }
0x9e: {  	s22 =	simm.s32 $0x1BFF;
	s21 =	sshll.u32 s9, $0x1;
	s6 =	sadd.s32 s7, s19  }
0x9f: {  	s10 =	simm.s32 $0x0;
	s20 =	sshll.u32 s8, $0x1;
	s8 =	sadd.s32 s21, s6  }
0xa0: {  	[timem:s10], [sflag:s22] =	dma.local [hbm:s8], s20  }
0xa1: {  	_ =	swait.ge [sflag:s22], s20  }
0xa2: {  	s7 =	ssub.s32 $0x0, s20;
	[sflag:s22] =	ssyncset.done $0x0  }
0xa3: {  	[sflag:s22] =	ssyncadd.s32 s7;
	_ =	sdelay $0x1  }
0xa4: {  	s23 =	simm.s32 $0x1B8B  }
0xa5: {  	_ =	swait.ge [sflag:s23], $0x1  }
0xa6: {  	[sflag:s23] =	ssyncset.done $0x0  }
0xa7: {  	s25 =	simm.s32 $0x1B8E;
	s24 =	sld [smem:$0x3FFE];
	[sflag:s23] =	ssyncadd.s32 $0xFFFFFFFF  }
0xa8: {  	s26 =	simm.s32 $execute0_lowered;
	[smem:$0x3FD2] =	sst s25  }
0xa9: {  	s8 =	sshll.u32 s26, $0x1;
	_ =	strace $0x80000046;
	[dreg:$0x1] =	wrdreg $0xFFFFFFFF  }
0xaa: {  	s28 =	simm.s32 $_size_execute0_lowered;
	s6 =	sadd.s32 s6, s8;
	[dreg:$0x0] =	wrdreg $0x0  }
0xab: {  	s8 =	sshll.u32 s28, $0x1;
	[dreg:$0x2] =	wrdreg s6  }
0xac: {  	[dreg:$0x3] =	wrdreg s8  }
0xad: {  	[dreg:$0x4] =	wrdreg $0xC0  }
0xae: {  	_ =	task [dreg:s10], $0x5FFFF  }
0xaf: {  	[dreg:$0x1] =	wrdreg $0xFFFFFFFF  }
0xb0: {  	[dreg:$0x0] =	wrdreg $0x60  }
0xb1: {  	[dreg:$0x2] =	wrdreg s2  }
0xb2: {  	[dreg:$0x3] =	wrdreg s18  }
0xb3: {  	[dreg:$0x4] =	wrdreg s4  }
0xb4: {  	[dreg:$0x5] =	wrdreg s5  }
0xb5: {  	[dreg:$0x6] =	wrdreg s24  }
0xb6: {  	[dreg:$0x7] =	wrdreg $0x9  }
0xb7: {  	_ =	task.clear_ibuf [dreg:s10], $0x8FFFF;
	_ =	strace $0x90000046  }
0xb8: {  	s29 =	simm.s32 $0x9;
	_ =	strace $0x80000048  }
0xb9: {  	_ =	swait.ge [sflag:s29], $0x1  }
0xba: {  	[sflag:s29] =	ssyncadd.s32 $0xFFFFFFFF  }
0xbb: {  	_ =	strace $0x90000048  }
0xbc: {  	_ =	sfence  }
0xbd: {  	s30 =	sld [smem:$0x0];
	_ =	sdelay $0x2  }
0xbe: {  	s31 =	sshll.u32 s1, $0xD;
	s1 =	sshrl.u32 s1, $0x2  }
0xbf: {  	s3 =	sand.u32 $0x4000, s31;
	s1 =	sadd.s32 s1, s30  }
0xc0: {  	s0 =	sor.u32 s3, s0;
	s1 =	sshll.u32 s1, $0x11  }
0xc1: {  	s0 =	sor.u32 s1, s0  }
0xc2: {  	s0 =	sadd.s32 $0x8F2B, s0  }
0xc3: {  	[sflag:s0] =	ssyncadd.remote.s32 $0x1  }
0xc4: {  	_ =	sfence.sel $0xFFFF  }
0xc5: {  	[dreg:$0x0] =	wrdreg $0xFFFFFFFF;
	(pc) =	sbr.abs _section_cstart, $3  }
0xc6: {  	[dreg:$0x1] =	wrdreg $0xFFFFFFFF  }
0xc7: {  	_ =	task.clear_ibuf [dreg:s10], $0x2FFFF;
	_ =	strace $0x9FFFFFFF  }
0xc8: {  	(tm) =	ssettm $0x7FFFFFFF  }
0xc9: {  	_ =	shalt  }
tec
execute0_lowered:
.L_overlay_start_1:
0x0: {  	(tag) =	ssettag $0x1  }
0x1: {  	s0 =	rddreg [dreg:$0x0]  }
0x2: {  	s2 =	rddreg [dreg:$0x1]  }
0x3: {  	s8 =	rddreg [dreg:$0x2]  }
0x4: {  	s9 =	rddreg [dreg:$0x3]  }
0x5: {  	s6 =	rddreg [dreg:$0x4];
	s1 =	simm.s32 $0x0  }
0x6: {  	s5 =	srdreg.scid;
	s10 =	stileid.u32;
	s16 =	simm.s32 $0x1  }
0x7: {  	s17 =	simm.s32 $0x80;
	s30 =	simm.s32 $0x3;
	s15 =	simm.s32 $0x0  }
0x8: {  	[smem:$0x7FF] =	sst s1;
	s3 =	sadd.s32 $0xF43200, s6;
	s4 =	sadd.s32 $0x2E00, s6  }
0x9: {  	s7 =	sand.u32 $0x1, s5;
	s10 =	sshll.u32 s10, $0x1;
	s5 =	sadd.s32 $0xE00, s6  }
0xa: {  	_ =	strace $0x80000047;
	s10 =	sor.u32 s7, s10;
	s7 =	ssub.s32 $0x2, s7  }
0xb: {  	s11 =	sshll.u32 s10, $0x6;
	s10 =	sshll.u32 s10, $0x1;
	s12 =	sshrl.u32 s7, $0x1  }
0xc: {  	s13 =	sadd.s32 s11, s6;
	s14 =	sadd.s32 s10, s6;
	s0 =	sadd.s32 s0, s11  }
0xd: {  	s12 =	ssub.s32 s7, s12;
	s31 =	sadd.s32 s2, s11;
	[dreg:$0x6] =	wrdreg s0  }
0xe: {  	s8 =	sadd.s32 s8, s11;
	s9 =	sadd.s32 s9, s11;
	[dreg:$0x7] =	wrdreg s31  }
0xf: {  	s10 =	sadd.s32 $0x5000, s13;
	s11 =	sadd.s32 $0x4E00, s14;
	s12 =	smax.u32 s12, $0x1  }
0x10: {  	s13 =	simm.s32 $0x200;
	s0 =	simm.s32 $0x2;
	s14 =	simm.s32 $0x4  }
.LBB2_1:
0x11: {  	s2 =	rddreg [dreg:$0x6]  }
0x12: {  	[tilespmem:s1], [sflag:$0x1] =	stream.linear.gather [hbm4b:s2+s1], $0x200, $0x38;
	[tilespmem:$0x14A10] =	vst v63  }
0x13: {  	s29 =	rddreg [dreg:$0x7]  }
0x14: {  	[tilespmem:s13], [sflag:$0x1] =	stream.linear.gather [hbm4b:s29+s1], $0x200, $0x38;
	[tilespmem:$0x14A10] =	vst v63  }
0x15: {  	s31 =	simm.s32 $0x400  }
0x16: {  	[tilespmem:s31], [sflag:$0x1] =	stream.linear.gather [hbm4b:s8+s1], $0x200, $0x38;
	[tilespmem:$0x14A10] =	vst v63  }
0x17: {  	s6 =	simm.s32 $0x600  }
0x18: {  	[tilespmem:s6], [sflag:$0x1] =	stream.linear.gather [hbm4b:s9+s1], $0x200, $0x38;
	[tilespmem:$0x14A10] =	vst v63  }
0x19: {  	_ =	swait.ge [sflag:s16], $0x200  }
0x1a: {  	[sflag:s16] =	ssyncset.done $0x0  }
0x1b: {  	[sflag:s16] =	ssyncadd.s32 $0xFFFFFE00  }
0x1c: {  	_ =	swait.ge [sflag:s16], $0x200  }
0x1d: {  	[sflag:s16] =	ssyncset.done $0x0  }
0x1e: {  	[sflag:s16] =	ssyncadd.s32 $0xFFFFFE00  }
0x1f: {  	_ =	swait.ge [sflag:s16], $0x200  }
0x20: {  	[sflag:s16] =	ssyncset.done $0x0  }
0x21: {  	[sflag:s16] =	ssyncadd.s32 $0xFFFFFE00  }
0x22: {  	_ =	swait.ge [sflag:s16], $0x200  }
0x23: {  	[sflag:s16] =	ssyncset.done $0x0  }
0x24: {  	s7 =	simm.s32 $0x800;
	[sflag:s16] =	ssyncadd.s32 $0xFFFFFE00  }
0x25: {  	[tilespmem:s7], [sflag:$0x2] =	stream.indirect.gather [hbm4b:s3+s17], $0x40, s1, s17, $0xb8;
	[tilespmem:$0x14A10] =	vst v63  }
0x26: {  	s18 =	simm.s32 $0x2800  }
0x27: {  	[tilespmem:s18], [sflag:$0x2] =	stream.indirect.gather [hbm4b:s4+s17], $0x40, s13, s17, $0xb8;
	[tilespmem:$0x14A10] =	vst v63  }
0x28: {  	s19 =	simm.s32 $0x4800  }
0x29: {  	[tilespmem:s19], [sflag:$0x2] =	stream.indirect.gather [hbm4b:s5+s17], $0x40, s13, s17, $0xb8;
	[tilespmem:$0x14A10] =	vst v63  }
0x2a: {  	s20 =	simm.s32 $0x6800  }
0x2b: {  	[tilespmem:s20], [sflag:$0x2] =	stream.indirect.gather [hbm4b:s3+s17], $0x40, s31, s17, $0xb8;
	[tilespmem:$0x14A10] =	vst v63  }
0x2c: {  	s21 =	simm.s32 $0x8800  }
0x2d: {  	[tilespmem:s21], [sflag:$0x2] =	stream.indirect.gather [hbm4b:s3+s17], $0x40, s6, s17, $0xb8;
	[tilespmem:$0x14A10] =	vst v63  }
0x2e: {  	s22 =	simm.s32 $0xA800  }
0x2f: {  	[tilespmem:s22], [sflag:$0x3] =	stream.indirect.gather [hbm4b:s3+s17], $0x40, s17, s17, $0xb8;
	[tilespmem:$0x14A10] =	vst v63  }
0x30: {  	s23 =	simm.s32 $0x280;
	s24 =	simm.s32 $0xC800  }
0x31: {  	[tilespmem:s24], [sflag:$0x3] =	stream.indirect.gather [hbm4b:s4+s17], $0x40, s23, s17, $0xb8;
	[tilespmem:$0x14A10] =	vst v63  }
0x32: {  	s25 =	simm.s32 $0xE800  }
0x33: {  	[tilespmem:s25], [sflag:$0x3] =	stream.indirect.gather [hbm4b:s5+s17], $0x40, s23, s17, $0xb8;
	[tilespmem:$0x14A10] =	vst v63  }
0x34: {  	s26 =	simm.s32 $0x480;
	s28 =	simm.s32 $0x10800  }
0x35: {  	[tilespmem:s28], [sflag:$0x3] =	stream.indirect.gather [hbm4b:s3+s17], $0x40, s26, s17, $0xb8;
	[tilespmem:$0x14A10] =	vst v63  }
0x36: {  	s29 =	simm.s32 $0x680;
	s31 =	simm.s32 $0x12800  }
0x37: {  	[tilespmem:s31], [sflag:$0x3] =	stream.indirect.gather [hbm4b:s3+s17], $0x40, s29, s17, $0xb8;
	[tilespmem:$0x14A10] =	vst v63  }
0x38: {  	_ =	swait.ge [sflag:s0], $0x2000  }
0x39: {  	[sflag:s0] =	ssyncset.done $0x0  }
0x3a: {  	[sflag:s0] =	ssyncadd.s32 $0xFFFFE000  }
0x3b: {  	_ =	swait.ge [sflag:s0], $0x2000  }
0x3c: {  	[sflag:s0] =	ssyncset.done $0x0  }
0x3d: {  	[sflag:s0] =	ssyncadd.s32 $0xFFFFE000  }
0x3e: {  	_ =	swait.ge [sflag:s0], $0x2000  }
0x3f: {  	[sflag:s0] =	ssyncset.done $0x0  }
0x40: {  	[sflag:s0] =	ssyncadd.s32 $0xFFFFE000  }
0x41: {  	_ =	swait.ge [sflag:s0], $0x2000  }
0x42: {  	[sflag:s0] =	ssyncset.done $0x0  }
0x43: {  	s18 =	simm.s32 $0x147F4;
	[sflag:s0] =	ssyncadd.s32 $0xFFFFE000  }
0x44: {  	s19 =	simm.s32 $0x8880;
	s20 =	simm.s32 $0x2880;
	_ =	swait.ge [sflag:s0], $0x2000  }
0x45: {  	s21 =	simm.s32 $0x6880;
	s22 =	simm.s32 $0x880;
	[sflag:s0] =	ssyncset.done $0x0  }
0x46: {  	v7 =	vimm.f32 $0.0e+00;
	v0 =	vimm.f32 $0.0e+00;
	s25 =	simm.s32 $0xFFFFFFFC;
	s23 =	simm.s32 $0x4880;
	[sflag:s0] =	ssyncadd.s32 $0xFFFFE000  }
.LBB2_2:
0x47: {  	v3 =	vld [tilespmem:s22+$0x0]  }
0x48: {  	v15 =	vld [tilespmem:s23+$0x0]  }
0x49: {  	v4 =	vld [tilespmem:s22+$0x10]  }
0x4a: {  	v16 =	vld [tilespmem:s23+$0x10]  }
0x4b: {  	v5 =	vld [tilespmem:s22+$0x20]  }
0x4c: {  	v17 =	vld [tilespmem:s23+$0x20]  }
0x4d: {  	v14 =	vld [tilespmem:s22+$0x30]  }
0x4e: {  	v19 =	vld [tilespmem:s23+$0x30]  }
0x4f: {  	[tilespmem:$0x1FF70] =	vst v7;
	v6 =	vmul.f32 v15, v3;
	v7 =	vmul.f32 v16, v4  }
0x50: {  	v8 =	vmul.f32 v15, v15;
	v9 =	vmul.f32 v16, v16  }
0x51: {  	v6 =	vadd.f32 v7, v6;
	v7 =	vmul.f32 v17, v5  }
0x52: {  	v50 =	vmul.f32 v17, v17;
	v8 =	vadd.f32 v9, v8  }
0x53: {  	v6 =	vadd.f32 v7, v6;
	v7 =	vmul.f32 v19, v14  }
0x54: {  	v51 =	vmul.f32 v19, v19;
	v8 =	vadd.f32 v50, v8  }
0x55: {  	v6 =	vadd.f32 v7, v6  }
0x56: {  	v7 =	vadd.f32 v51, v8  }
0x57: {  	(xrf2) =	vadd.scan.msk.f32 $0xffff, v6  }
0x58: {  	v6 =	vld [tilespmem:s19+$0x0];
	(xrf2) =	vadd.scan.msk.f32 $0xffff, v7  }
0x59: {  	v7 =	vld [tilespmem:s19+$0x10];
	_ =	sdelay $0x1  }
0x5a: {  	v18 =	vld [tilespmem:s19+$0x20];
	_ =	sdelay $0x1  }
0x5b: {  	v20 =	vld [tilespmem:s19+$0x30]  }
0x5c: {  	v8 =	vmul.f32 v6, v15;
	v52 =	vmul.f32 v7, v16;
	_ =	sdelay $0x1  }
0x5d: {  	v53 =	vmul.f32 v18, v17;
	v8 =	vadd.f32 v52, v8  }
0x5e: {  	v10, _, _ =	vpop (xrf2)  }
0x5f: {  	v54 =	vmul.f32 v20, v19;
	v8 =	vadd.f32 v53, v8;
	v11, _, _ =	vpop (xrf2)  }
0x60: {  	v11 =	vmax.f32 v11, $1.000000020e-24  }
0x61: {  	v8 =	vadd.f32 v54, v8;
	v11 =	vbroadcast v11, $0xF;
	_ =	sdelay $0x1  }
0x62: {  	(xrf2) =	vadd.scan.msk.f32 $0xffff, v8;
	(erf) = vrcp.f32 v11;
	_ =	sdelay $0x7  }
0x63: {  	v8 =	vbroadcast v10, $0xF  }
0x64: {  	v21 =	vpop (erf)  }
0x65: {  	v55, _, _ =	vpop (xrf2);
	v22 =	vmul.f32 v21, v8  }
0x66: {  	v1 =	vld [tilespmem:s20+$0x0];
	v9 =	vbroadcast v55, $0xF  }
0x67: {  	v57 =	vld [tilespmem:s20+$0x10];
	v56 =	vmul.f32 v22, v15  }
0x68: {  	v8 =	vld [tilespmem:s20+$0x20];
	v23 =	vmul.f32 v9, v21;
	v12 =	vmul.f32 v22, v16  }
0x69: {  	v25 =	vmul.f32 v22, v17;
	v2 =	vsub.f32 v3, v56  }
0x6a: {  	v3 =	vmul.f32 v23, v15;
	v11 =	vsub.f32 v4, v12  }
0x6b: {  	v58 =	vld [tilespmem:s21+$0x0];
	[tilespmem:$0x1FF80] =	vst v1;
	v4 =	vmul.f32 v23, v16;
	v12 =	vsub.f32 v5, v25;
	v24 =	vadd.f32 v2, v1  }
0x6c: {  	v5 =	vmul.f32 v23, v17;
	[tilespmem:$0x1FF60] =	vst v2;
	v1 =	vsub.f32 v6, v3;
	v2 =	vld [tilespmem:s20+$0x30];
	v27 =	vadd.f32 v11, v57  }
0x6d: {  	v28 =	vld [tilespmem:s21+$0x10];
	v22 =	vmul.f32 v22, v19;
	v3 =	vsub.f32 v7, v4;
	v29 =	vadd.f32 v12, v8  }
0x6e: {  	[tilespmem:$0x1FFC0] =	vst v1;
	v26 =	vsub.f32 v24, v1;
	v1 =	vsub.f32 v18, v5  }
0x6f: {  	v60 =	vld [tilespmem:s21+$0x20];
	v14 =	vsub.f32 v14, v22;
	v59 =	vmul.f32 v23, v19;
	v5 =	vsub.f32 v27, v3  }
0x70: {  	v61 =	vmul.f32 v26, v26;
	v62 =	vsub.f32 v29, v1  }
0x71: {  	v63 =	vld [tilespmem:s21+$0x30];
	[tilespmem:$0x1FFE0] =	vst v1;
	v30 =	vmul.f32 v5, v5;
	v1 =	vsub.f32 v20, v59;
	v31 =	vadd.f32 v14, v2  }
0x72: {  	v32 =	vmul.f32 v28, v16;
	v9 =	vmul.f32 v58, v15  }
0x73: {  	v23 =	vadd.f32 v30, v61;
	v26 =	vmul.f32 v62, v62;
	v10 =	vsub.f32 v31, v1  }
0x74: {  	v13 =	vmul.f32 v60, v17;
	v18 =	vadd.f32 v32, v9  }
0x75: {  	v23 =	vadd.f32 v23, v26;
	v33 =	vmul.f32 v10, v10  }
0x76: {  	v34 =	vmul.f32 v63, v19;
	v18 =	vadd.f32 v13, v18  }
0x77: {  	v23 =	vadd.f32 v23, v33  }
0x78: {  	v18 =	vadd.f32 v34, v18  }
0x79: {  	(xrf2) =	vadd.scan.msk.f32 $0xffff, v23  }
0x7a: {  	(xrf2) =	vadd.scan.msk.f32 $0xffff, v18;
	_ =	sdelay $0x8  }
0x7b: {  	v32, _, _ =	vpop (xrf2)  }
0x7c: {  	v18, _, _ =	vpop (xrf2)  }
0x7d: {  	v18 =	vbroadcast v18, $0xF;
	_ =	sdelay $0x1  }
0x7e: {  	v21 =	vmul.f32 v18, v21  }
0x7f: {  	v35 =	vld [tilespmem:s22+$0xFFFFFFC0]  }
0x80: {  	v38 =	vld [tilespmem:s23+$0xFFFFFFD0];
	v16 =	vmul.f32 v21, v16  }
0x81: {  	v30 =	vld [tilespmem:s23+$0xFFFFFFC0];
	v15 =	vmul.f32 v21, v15;
	v45 =	vmul.f32 v21, v17  }
0x82: {  	v18 =	vsub.f32 v28, v16  }
0x83: {  	v17 =	vsub.f32 v58, v15;
	v28 =	vld [tilespmem:s22+$0xFFFFFFD0];
	v15 =	vsub.f32 v60, v45  }
0x84: {  	v47 =	vsub.f32 v27, v18;
	v27 =	vld [tilespmem:s22+$0xFFFFFFE0]  }
0x85: {  	v19 =	vmul.f32 v21, v19;
	v46 =	vsub.f32 v24, v17;
	v48 =	vsub.f32 v29, v15;
	v29 =	vld [tilespmem:s23+$0xFFFFFFE0]  }
0x86: {  	v37 =	vld [tilespmem:s22+$0xFFFFFFF0];
	v55 =	vmul.f32 v38, v38;
	v51 =	vmul.f32 v30, v35  }
0x87: {  	v39 =	vld [tilespmem:s23+$0xFFFFFFF0];
	v16 =	vsub.f32 v63, v19;
	v49 =	vmul.f32 v46, v46;
	v22 =	vmul.f32 v47, v47  }
0x88: {  	v54 =	vmul.f32 v30, v30;
	v52 =	vmul.f32 v38, v28  }
0x89: {  	v53 =	vsub.f32 v31, v16;
	v24 =	vmul.f32 v48, v48;
	v50 =	vadd.f32 v22, v49  }
0x8a: {  	[tilespmem:$0x1FF90] =	vst v57;
	v57 =	vadd.f32 v55, v54;
	v20 =	vadd.f32 v52, v51;
	v56 =	vmul.f32 v29, v27  }
0x8b: {  	v22 =	vmul.f32 v53, v53;
	v58 =	vmul.f32 v29, v29;
	v19 =	vadd.f32 v50, v24  }
0x8c: {  	v59 =	vmul.f32 v39, v37;
	v20 =	vadd.f32 v56, v20  }
0x8d: {  	v61 =	vmul.f32 v39, v39;
	v60 =	vadd.f32 v58, v57;
	v19 =	vadd.f32 v19, v22  }
0x8e: {  	v20 =	vadd.f32 v59, v20  }
0x8f: {  	v9 =	vld [tilespmem:s19+$0xFFFFFFD0];
	v62 =	vadd.f32 v61, v60;
	(xrf2) =	vadd.scan.msk.f32 $0xffff, v19  }
0x90: {  	v63 =	vld [tilespmem:s19+$0xFFFFFFC0];
	(xrf2) =	vadd.scan.msk.f32 $0xffff, v20  }
0x91: {  	(xrf2) =	vadd.scan.msk.f32 $0xffff, v62  }
0x92: {  	v10 =	vld [tilespmem:s19+$0xFFFFFFE0];
	_ =	sdelay $0x1  }
0x93: {  	v13 =	vld [tilespmem:s19+$0xFFFFFFF0]  }
0x94: {  	v45 =	vmul.f32 v9, v38;
	v44 =	vmul.f32 v63, v30;
	_ =	sdelay $0x1  }
0x95: {  	v46 =	vmul.f32 v10, v29;
	v22 =	vadd.f32 v45, v44;
	_ =	sdelay $0x1  }
0x96: {  	v49 =	vmul.f32 v13, v39;
	v22 =	vadd.f32 v46, v22;
	v4, _, _ =	vpop (xrf2)  }
0x97: {  	v47, _, _ =	vpop (xrf2)  }
0x98: {  	v22 =	vadd.f32 v49, v22;
	v48, _, _ =	vpop (xrf2)  }
0x99: {  	v26 =	vmax.f32 v48, $1.000000020e-24  }
0x9a: {  	(xrf2) =	vadd.scan.msk.f32 $0xffff, v22;
	v26 =	vbroadcast v26, $0xF;
	_ =	sdelay $0x1  }
0x9b: {  	(erf) = vrcp.f32 v26;
	_ =	sdelay $0x7  }
0x9c: {  	v50 =	vbroadcast v47, $0xF;
	v51, _, _ =	vpop (xrf2)  }
0x9d: {  	v52 =	vbroadcast v51, $0xF;
	v40 =	vpop (erf)  }
0x9e: {  	v41 =	vmul.f32 v40, v50  }
0x9f: {  	v42 =	vmul.f32 v52, v40  }
0xa0: {  	v25 =	vld [tilespmem:s20+$0xFFFFFFD0];
	v53 =	vmul.f32 v41, v30  }
0xa1: {  	v26 =	vld [tilespmem:s20+$0xFFFFFFC0];
	v22 =	vmul.f32 v42, v30;
	v54 =	vmul.f32 v41, v38  }
0xa2: {  	v24 =	vld [tilespmem:s20+$0xFFFFFFE0];
	v55 =	vmul.f32 v41, v29;
	v56 =	vmul.f32 v42, v38  }
0xa3: {  	v57 =	vmul.f32 v42, v29;
	v33 =	vsub.f32 v35, v53;
	v19 =	vsub.f32 v63, v22  }
0xa4: {  	v23 =	vld [tilespmem:s20+$0xFFFFFFF0];
	v35 =	vsub.f32 v28, v54;
	v34 =	vsub.f32 v27, v55  }
0xa5: {  	v45 =	vld [tilespmem:s21+$0xFFFFFFC0];
	v58 =	vmul.f32 v41, v39;
	v22 =	vsub.f32 v9, v56;
	v20 =	vsub.f32 v10, v57  }
0xa6: {  	v59 =	vld [tilespmem:s21+$0xFFFFFFD0];
	v43 =	vadd.f32 v33, v26;
	v46 =	vadd.f32 v35, v25  }
0xa7: {  	v61 =	vmul.f32 v42, v39;
	v27 =	vsub.f32 v37, v58;
	v47 =	vadd.f32 v34, v24  }
0xa8: {  	v62 =	vld [tilespmem:s21+$0xFFFFFFE0];
	v44 =	vsub.f32 v43, v19;
	v60 =	vsub.f32 v46, v22  }
0xa9: {  	v21 =	vsub.f32 v13, v61;
	v49 =	vadd.f32 v27, v23  }
0xaa: {  	v50 =	vld [tilespmem:s21+$0xFFFFFFF0];
	v9 =	vsub.f32 v47, v20;
	v63 =	vmul.f32 v44, v44;
	v48 =	vmul.f32 v60, v60  }
0xab: {  	v10 =	vmul.f32 v45, v30;
	v13 =	vmul.f32 v59, v38  }
0xac: {  	v52 =	vsub.f32 v49, v21;
	v44 =	vmul.f32 v9, v9;
	v37 =	vadd.f32 v48, v63  }
0xad: {  	v53 =	vmul.f32 v62, v29;
	v28 =	vadd.f32 v13, v10  }
0xae: {  	v54 =	vmul.f32 v52, v52;
	v37 =	vadd.f32 v37, v44  }
0xaf: {  	v55 =	vmul.f32 v50, v39;
	v28 =	vadd.f32 v53, v28  }
0xb0: {  	v37 =	vadd.f32 v37, v54  }
0xb1: {  	v28 =	vadd.f32 v55, v28  }
0xb2: {  	(xrf2) =	vadd.scan.msk.f32 $0xffff, v37  }
0xb3: {  	(xrf2) =	vadd.scan.msk.f32 $0xffff, v28;
	_ =	sdelay $0x8  }
0xb4: {  	v37, _, _ =	vpop (xrf2)  }
0xb5: {  	v28, _, _ =	vpop (xrf2)  }
0xb6: {  	v28 =	vbroadcast v28, $0xF;
	_ =	sdelay $0x1  }
0xb7: {  	v40 =	vmul.f32 v28, v40;
	_ =	sdelay $0x1  }
0xb8: {  	v51 =	vld [tilespmem:s23+$0xFFFFFF80];
	v28 =	vmul.f32 v40, v30  }
0xb9: {  	v41 =	vld [tilespmem:s22+$0xFFFFFF90];
	v56 =	vmul.f32 v40, v38;
	v29 =	vmul.f32 v40, v29  }
0xba: {  	v44 =	vld [tilespmem:s22+$0xFFFFFF80];
	v30 =	vsub.f32 v45, v28  }
0xbb: {  	v31 =	vsub.f32 v59, v56;
	v28 =	vsub.f32 v62, v29;
	v45 =	vld [tilespmem:s23+$0xFFFFFF90]  }
0xbc: {  	v39 =	vmul.f32 v40, v39;
	v57 =	vsub.f32 v43, v30;
	v43 =	vld [tilespmem:s22+$0xFFFFFFA0]  }
0xbd: {  	v58 =	vsub.f32 v46, v31;
	v42 =	vsub.f32 v47, v28;
	v47 =	vld [tilespmem:s23+$0xFFFFFFA0]  }
0xbe: {  	v63 =	vmul.f32 v51, v51;
	v29 =	vsub.f32 v50, v39;
	v50 =	vld [tilespmem:s23+$0xFFFFFFB0]  }
0xbf: {  	v46 =	vld [tilespmem:s22+$0xFFFFFFB0];
	v59 =	vmul.f32 v57, v57;
	v38 =	vmul.f32 v58, v58  }
0xc0: {  	v60 =	vmul.f32 v51, v44;
	v62 =	vsub.f32 v49, v29;
	v61 =	vmul.f32 v45, v41  }
0xc1: {  	v42 =	vmul.f32 v42, v42;
	v52 =	vmul.f32 v45, v45;
	v38 =	vadd.f32 v38, v59  }
0xc2: {  	v10 =	vmul.f32 v62, v62;
	v39 =	vadd.f32 v61, v60;
	v9 =	vmul.f32 v47, v43  }
0xc3: {  	v13 =	vadd.f32 v52, v63;
	v52 =	vmul.f32 v47, v47;
	v38 =	vadd.f32 v38, v42  }
0xc4: {  	v53 =	vmul.f32 v50, v46;
	v39 =	vadd.f32 v9, v39  }
0xc5: {  	v55 =	vmul.f32 v50, v50;
	v54 =	vadd.f32 v52, v13;
	v38 =	vadd.f32 v38, v10  }
0xc6: {  	v39 =	vadd.f32 v53, v39  }
0xc7: {  	v42 =	vld [tilespmem:s19+$0xFFFFFF90];
	v56 =	vadd.f32 v55, v54;
	(xrf2) =	vadd.scan.msk.f32 $0xffff, v38  }
0xc8: {  	(xrf2) =	vadd.scan.msk.f32 $0xffff, v39;
	v39 =	vld [tilespmem:s19+$0xFFFFFF80]  }
0xc9: {  	(xrf2) =	vadd.scan.msk.f32 $0xffff, v56  }
0xca: {  	v52 =	vld [tilespmem:s19+$0xFFFFFFA0];
	_ =	sdelay $0x1  }
0xcb: {  	v53 =	vld [tilespmem:s19+$0xFFFFFFB0]  }
0xcc: {  	v58 =	vmul.f32 v42, v45;
	v57 =	vmul.f32 v39, v51;
	_ =	sdelay $0x1  }
0xcd: {  	v59 =	vmul.f32 v52, v47;
	v40 =	vadd.f32 v58, v57;
	_ =	sdelay $0x1  }
0xce: {  	v61 =	vmul.f32 v53, v50;
	v38, _, _ =	vpop (xrf2);
	v40 =	vadd.f32 v59, v40  }
0xcf: {  	v60, _, _ =	vpop (xrf2)  }
0xd0: {  	v54, _, _ =	vpop (xrf2);
	v40 =	vadd.f32 v61, v40  }
0xd1: {  	v54 =	vmax.f32 v54, $1.000000020e-24  }
0xd2: {  	v54 =	vbroadcast v54, $0xF;
	(xrf2) =	vadd.scan.msk.f32 $0xffff, v40;
	_ =	sdelay $0x1  }
0xd3: {  	(erf) = vrcp.f32 v54;
	_ =	sdelay $0x7  }
0xd4: {  	v62 =	vbroadcast v60, $0xF;
	v63, _, _ =	vpop (xrf2)  }
0xd5: {  	v54 =	vpop (erf);
	v9 =	vbroadcast v63, $0xF  }
0xd6: {  	v48 =	vld [tilespmem:s20+$0xFFFFFF80];
	v55 =	vmul.f32 v54, v62  }
0xd7: {  	v57 =	vld [tilespmem:s20+$0xFFFFFF90];
	v56 =	vmul.f32 v9, v54  }
0xd8: {  	v10 =	vmul.f32 v55, v51;
	v13 =	vmul.f32 v55, v45  }
0xd9: {  	v36 =	vmul.f32 v56, v51;
	v9 =	vmul.f32 v56, v45  }
0xda: {  	v49 =	vld [tilespmem:s20+$0xFFFFFFA0];
	v58 =	vsub.f32 v44, v10;
	v59 =	vsub.f32 v41, v13;
	v10 =	vmul.f32 v55, v47  }
0xdb: {  	v44 =	vld [tilespmem:s20+$0xFFFFFFB0];
	v41 =	vmul.f32 v56, v47;
	v40 =	vsub.f32 v39, v36;
	v42 =	vsub.f32 v42, v9  }
0xdc: {  	v62 =	vld [tilespmem:s21+$0xFFFFFF80];
	v13 =	vmul.f32 v55, v50;
	v60 =	vadd.f32 v58, v48;
	v61 =	vadd.f32 v59, v57  }
0xdd: {  	[tilespmem:$0x1FFA0] =	vst v8;
	v55 =	vld [tilespmem:s21+$0xFFFFFF90];
	v8 =	vsub.f32 v43, v10;
	v43 =	vsub.f32 v52, v41  }
0xde: {  	v9 =	vmul.f32 v56, v50;
	v56 =	vsub.f32 v46, v13;
	v63 =	vsub.f32 v60, v40  }
0xdf: {  	[tilespmem:$0x1FFF0] =	vst v1;
	v13 =	vld [tilespmem:s21+$0xFFFFFFA0];
	v1 =	vsub.f32 v61, v42;
	v52 =	vadd.f32 v8, v49  }
0xe0: {  	v46 =	vsub.f32 v53, v9;
	v53 =	vadd.f32 v56, v44  }
0xe1: {  	v10 =	vmul.f32 v63, v63;
	v1 =	vmul.f32 v1, v1;
	v9 =	vsub.f32 v52, v43;
	v63 =	vld [tilespmem:s21+$0xFFFFFFB0]  }
0xe2: {  	[tilespmem:$0x1FFB0] =	vst v2;
	v2 =	vmul.f32 v62, v51;
	v36 =	vmul.f32 v55, v45  }
0xe3: {  	v1 =	vadd.f32 v1, v10;
	v39 =	vmul.f32 v9, v9;
	v10 =	vsub.f32 v53, v46  }
0xe4: {  	v2 =	vadd.f32 v36, v2;
	v9 =	vmul.f32 v13, v47  }
0xe5: {  	v1 =	vadd.f32 v1, v39;
	v10 =	vmul.f32 v10, v10  }
0xe6: {  	v2 =	vadd.f32 v9, v2;
	v41 =	vmul.f32 v63, v50  }
0xe7: {  	v1 =	vadd.f32 v1, v10  }
0xe8: {  	v2 =	vadd.f32 v41, v2  }
0xe9: {  	(xrf2) =	vadd.scan.msk.f32 $0xffff, v1  }
0xea: {  	(xrf2) =	vadd.scan.msk.f32 $0xffff, v2;
	_ =	sdelay $0x8  }
0xeb: {  	v10, _, _ =	vpop (xrf2)  }
0xec: {  	v2, _, _ =	vpop (xrf2)  }
0xed: {  	v2 =	vbroadcast v2, $0xF;
	_ =	sdelay $0x1  }
0xee: {  	v2 =	vmul.f32 v2, v54;
	_ =	sdelay $0x1  }
0xef: {  	v51 =	vmul.f32 v2, v51;
	v54 =	vmul.f32 v2, v45  }
0xf0: {  	v39 =	vld [tilespmem:s23+$0x40];
	v9 =	vmul.f32 v2, v47  }
0xf1: {  	v41 =	vld [tilespmem:s23+$0x50];
	v36 =	vsub.f32 v62, v51;
	v51 =	vsub.f32 v55, v54  }
0xf2: {  	v2 =	vmul.f32 v2, v50;
	v13 =	vsub.f32 v13, v9  }
0xf3: {  	v45 =	vld [tilespmem:s23+$0x60];
	v60 =	vsub.f32 v60, v36;
	v62 =	vsub.f32 v61, v51  }
0xf4: {  	v7 =	vsub.f32 v63, v2  }
0xf5: {  	v47 =	vld [tilespmem:s23+$0x70];
	v52 =	vsub.f32 v52, v13;
	v50 =	vmul.f32 v60, v60;
	v54 =	vmul.f32 v62, v62  }
0xf6: {  	v55 =	vmul.f32 v39, v39;
	v9 =	vmul.f32 v41, v41  }
0xf7: {  	v53 =	vsub.f32 v53, v7;
	v52 =	vmul.f32 v52, v52;
	v50 =	vadd.f32 v54, v50  }
0xf8: {  	(v2sf) =	vpush v32, $0xF;
	v32 =	vld [tilespmem:s21+$0x60];
	v63 =	vmul.f32 v45, v45;
	v62 =	vadd.f32 v9, v55  }
0xf9: {  	v61 =	vld [tilespmem:s21+$0x40];
	v50 =	vadd.f32 v50, v52;
	v52 =	vmul.f32 v53, v53  }
0xfa: {  	v55 =	vld [tilespmem:s22+$0x50];
	v9 =	vmul.f32 v47, v47;
	v54 =	vadd.f32 v63, v62  }
0xfb: {  	v53 =	vld [tilespmem:s22+$0x40];
	v50 =	vadd.f32 v50, v52  }
0xfc: {  	v62 =	vld [tilespmem:s19+$0x40];
	v54 =	vadd.f32 v9, v54  }
0xfd: {  	v52 =	vld [tilespmem:s22+$0x60];
	(xrf2) =	vadd.scan.msk.f32 $0xffff, v50  }
0xfe: {  	(xrf2) =	vadd.scan.msk.f32 $0xffff, v54;
	v54 =	vld [tilespmem:s21+$0x50]  }
0xff: {  	v63 =	vld [tilespmem:s19+$0x50]  }
0x100: {  	v60 =	vld [tilespmem:s22+$0x70];
	v9 =	vmov v0;
	v0 =	vmul.f32 v55, v41;
	v50 =	vmul.f32 v53, v39  }
0x101: {  	(v2sf) =	vpush v4, $0xF;
	v6 =	vmul.f32 v58, v58;
	v58 =	vld [tilespmem:s19+$0x60]  }
0x102: {  	[tilespmem:$0x1FFD0] =	vst v3;
	v3 =	vadd.f32 v0, v50;
	v50 =	vmul.f32 v59, v59;
	v59 =	vld [tilespmem:s21+$0x70];
	v2 =	vmul.f32 v52, v45  }
0x103: {  	(v2sf) =	vpush v37, $0xF;
	v1 =	vmul.f32 v61, v39;
	v0 =	vmul.f32 v54, v41  }
0x104: {  	v37 =	vld [tilespmem:s19+$0x70];
	v5 =	vadd.f32 v2, v3;
	v3 =	vmul.f32 v62, v39;
	v2 =	vmul.f32 v63, v41  }
0x105: {  	v4 =	vadd.f32 v0, v1;
	v1 =	vmul.f32 v60, v47;
	v0 =	vmul.f32 v32, v45  }
0x106: {  	v6 =	vadd.f32 v50, v6;
	v50 =	vmul.f32 v58, v45;
	v2 =	vadd.f32 v2, v3  }
0x107: {  	v1 =	vadd.f32 v1, v5;
	v0 =	vadd.f32 v0, v4;
	v5 =	vmul.f32 v59, v47  }
0x108: {  	v2 =	vadd.f32 v50, v2;
	v3, _, _ =	vpop (xrf2)  }
0x109: {  	v50 =	vmul.f32 v37, v47;
	v4, _, _ =	vpop (xrf2);
	(xrf2) =	vadd.scan.msk.f32 $0xffff, v1;
	v0 =	vadd.f32 v5, v0;
	v1 =	vmul.f32 v8, v8  }
0x10a: {  	v5 =	vmul.f32 v48, v48;
	v8 =	vmul.f32 v57, v57;
	v4 =	vmax.f32 v4, $1.000000020e-24  }
0x10b: {  	v2 =	vadd.f32 v50, v2;
	v4 =	vbroadcast v4, $0xF;
	v1 =	vadd.f32 v6, v1;
	(xrf2) =	vadd.scan.msk.f32 $0xffff, v0  }
0x10c: {  	v0 =	vadd.f32 v8, v5;
	v5 =	vmul.f32 v36, v36;
	v6 =	vmul.f32 v51, v51  }
0x10d: {  	(xrf2) =	vadd.scan.msk.f32 $0xffff, v2;
	v2 =	vmul.f32 v56, v56;
	(erf) = vrcp.f32 v4  }
0x10e: {  	(v2sf) =	vpush v38, $0xF;
	v4 =	vmul.f32 v49, v49  }
0x10f: {  	v1 =	vadd.f32 v1, v2;
	v2 =	vadd.f32 v6, v5;
	v5 =	vmul.f32 v13, v13  }
0x110: {  	v6 =	vmul.f32 v40, v40;
	v0 =	vadd.f32 v4, v0;
	v4 =	vmul.f32 v44, v44  }
0x111: {  	(v2sf) =	vpush v10, $0xF;
	v8 =	vmul.f32 v42, v42;
	v1 =	vadd.f32 v1, v9  }
0x112: {  	v2 =	vadd.f32 v2, v5;
	v0 =	vadd.f32 v4, v0;
	v4 =	vmul.f32 v7, v7  }
0x113: {  	(v2sf) =	vpush v3, $0xF;
	v3 =	vadd.f32 v8, v6;
	v5 =	vmul.f32 v43, v43  }
0x114: {  	v6, _, _ =	vpop (xrf2);
	v0 =	vadd.f32 v1, v0;
	v1 =	vadd.f32 v2, v4  }
0x115: {  	v2 =	vadd.f32 v3, v5;
	v3 =	vmul.f32 v46, v46;
	v5 =	vbroadcast v6, $0xF;
	v7, _, _ =	vpop (xrf2)  }
0x116: {  	v6 =	vmul.f32 v35, v35;
	v0 =	vadd.f32 v1, v0;
	v1 =	vmul.f32 v33, v33;
	v4 =	vpop (erf)  }
0x117: {  	v2 =	vadd.f32 v2, v3;
	v3 =	vbroadcast v7, $0xF;
	v7, _, _ =	vpop (xrf2);
	v5 =	vmul.f32 v5, v4  }
0x118: {  	v1 =	vadd.f32 v6, v1;
	v6 =	vmul.f32 v34, v34;
	v7 =	vbroadcast v7, $0xF  }
0x119: {  	v8 =	vadd.f32 v0, v2;
	v0 =	vmul.f32 v3, v4;
	v2 =	vmul.f32 v5, v39  }
0x11a: {  	v1 =	vadd.f32 v1, v6;
	v3 =	vmul.f32 v7, v4;
	v4 =	vmul.f32 v5, v41  }
0x11b: {  	v6 =	vmul.f32 v0, v41;
	v48 =	vsub.f32 v53, v2;
	v2 =	vmul.f32 v5, v45  }
0x11c: {  	v42 =	vld [tilespmem:s20+$0x40];
	v5 =	vmul.f32 v5, v47;
	v50 =	vsub.f32 v55, v4  }
0x11d: {  	v46 =	vld [tilespmem:s20+$0x50];
	v4 =	vmul.f32 v0, v39;
	v40 =	vsub.f32 v54, v6;
	v49 =	vsub.f32 v52, v2  }
0x11e: {  	v43 =	vld [tilespmem:s20+$0x60];
	v44 =	vsub.f32 v60, v5;
	v2 =	vmul.f32 v0, v45;
	v0 =	vmul.f32 v0, v47  }
0x11f: {  	v35 =	vld [tilespmem:s20+$0x70];
	v38 =	vsub.f32 v61, v4;
	v4 =	vmul.f32 v3, v41;
	v5 =	vmul.f32 v3, v45  }
0x120: {  	v34 =	vsub.f32 v32, v2;
	v2 =	vmul.f32 v3, v39;
	v32 =	vsub.f32 v59, v0  }
0x121: {  	v3 =	vmul.f32 v3, v47;
	v0 =	vsub.f32 v63, v4;
	v33 =	vsub.f32 v58, v5  }
0x122: {  	v4 =	vadd.f32 v46, v50;
	v36 =	vsub.f32 v62, v2  }
0x123: {  	v2 =	vsub.f32 v37, v3;
	v3 =	vadd.f32 v42, v48  }
0x124: {  	v61 =	vmul.f32 v26, v26;
	v5 =	vadd.f32 v43, v49;
	v6 =	vadd.f32 v35, v44  }
0x125: {  	v41 =	vmul.f32 v30, v30;
	v60 =	vsub.f32 v4, v40;
	v7 =	vsub.f32 v3, v38  }
0x126: {  	v45 =	vmul.f32 v31, v31;
	v4 =	vsub.f32 v4, v0;
	v3 =	vsub.f32 v3, v36  }
0x127: {  	v62 =	vsub.f32 v5, v34;
	v9 =	vmul.f32 v60, v60;
	v7 =	vmul.f32 v7, v7  }
0x128: {  	v5 =	vsub.f32 v5, v33;
	v4 =	vmul.f32 v4, v4;
	v3 =	vmul.f32 v3, v3  }
0x129: {  	v63 =	vsub.f32 v6, v32;
	v26 =	vmul.f32 v62, v62;
	v7 =	vadd.f32 v9, v7  }
0x12a: {  	v6 =	vsub.f32 v6, v2;
	v3 =	vadd.f32 v4, v3;
	v4 =	vmul.f32 v5, v5  }
0x12b: {  	v37 =	vmul.f32 v63, v63;
	v5 =	vmul.f32 v25, v25;
	v7 =	vadd.f32 v7, v26  }
0x12c: {  	v39 =	vmul.f32 v27, v27;
	v3 =	vadd.f32 v3, v4;
	v4 =	vmul.f32 v6, v6  }
0x12d: {  	v5 =	vadd.f32 v5, v61;
	v6 =	vmul.f32 v24, v24;
	v7 =	vadd.f32 v7, v37  }
0x12e: {  	v51 =	vmul.f32 v28, v28;
	v1 =	vadd.f32 v1, v39  }
0x12f: {  	v5 =	vadd.f32 v6, v5;
	v6 =	vmul.f32 v23, v23;
	(xrf2) =	vadd.scan.msk.f32 $0xffff, v7;
	v7 =	vadd.f32 v45, v41  }
0x130: {  	v1 =	vadd.f32 v8, v1  }
0x131: {  	v5 =	vadd.f32 v6, v5;
	v6 =	vadd.f32 v7, v51;
	v7 =	vmul.f32 v29, v29  }
0x132: {  	v3 =	vadd.f32 v3, v4  }
0x133: {  	v1 =	vadd.f32 v1, v5;
	v5 =	vadd.f32 v6, v7;
	v7 =	vld [tilespmem:$0x1FF60]  }
0x134: {  	v8 =	vmul.f32 v22, v22;
	(xrf2) =	vadd.scan.msk.f32 $0xffff, v3;
	v3 =	vmul.f32 v19, v19;
	_ =	sdelay $0x1  }
0x135: {  	v3 =	vadd.f32 v8, v3;
	v8 =	vmul.f32 v20, v20;
	_ =	sdelay $0x1  }
0x136: {  	v3 =	vadd.f32 v3, v8;
	v8 =	vmul.f32 v11, v11;
	v7 =	vmul.f32 v7, v7  }
0x137: {  	v54 =	vld [tilespmem:$0x1FF90]  }
0x138: {  	v1 =	vadd.f32 v1, v5;
	v5 =	vadd.f32 v8, v7;
	v8 =	vld [tilespmem:$0x1FF80];
	_ =	sdelay $0x1  }
0x139: {  	v6 =	vmul.f32 v21, v21;
	_ =	sdelay $0x1  }
0x13a: {  	v3 =	vadd.f32 v3, v6;
	v6 =	vmul.f32 v12, v12  }
0x13b: {  	v9 =	vmul.f32 v54, v54;
	v8 =	vmul.f32 v8, v8  }
0x13c: {  	v1 =	vadd.f32 v1, v3;
	v3 =	vadd.f32 v5, v6;
	v5 =	vmul.f32 v14, v14  }
0x13d: {  	v6 =	vadd.f32 v9, v8;
	v8 =	vld [tilespmem:$0x1FFA0]  }
0x13e: {  	v3 =	vadd.f32 v3, v5;
	v5 =	vld [tilespmem:$0x1FFB0];
	_ =	sdelay $0x1  }
0x13f: {  	s24 =	sadd.s32 $0x6, s25;
	s26 =	spop (v2sf);
	v57 =	vmul.f32 v17, v17;
	v55, _, _ =	vpop (xrf2)  }
0x140: {  	s24 =	sand.u32 $0xE, s24;
	s29 =	spop (v2sf);
	v47 =	vlaneseq.u32;
	v58 =	vmul.f32 v18, v18;
	(v2sf) =	vpush v55, $0xF;
	v56, _, _ =	vpop (xrf2)  }
0x141: {  	v4 =	vmov s24;
	(v2sf) =	vpush v56, $0xF;
	v8 =	vmul.f32 v8, v8  }
0x142: {  	v59 =	vld [tilespmem:$0x1FFD0];
	vm14 =	veq.s32 v4, v47;
	v1 =	vadd.f32 v1, v3;
	v5 =	vmul.f32 v5, v5  }
0x143: {  	s31 =	spop (v2sf);
	v3 =	vld [tilespmem:$0x1FFC0];
	v4 =	vadd.f32 v8, v6;
	v6 =	vadd.f32 v58, v57;
	v8 =	vmul.f32 v15, v15  }
0x144: {  	s2 =	spop (v2sf);
	v0 =	vmul.f32 v0, v0;
	s24 =	sadd.s32 $0x4, s25;
	v7 =	vld [tilespmem:$0x1FF70]  }
0x145: {  	s7 =	sadd.s32 $0x5, s25;
	s6 =	spop (v2sf);
	s28 =	sand.u32 $0xC, s24;
	v4 =	vadd.f32 v5, v4;
	v5 =	vadd.f32 v6, v8;
	v6 =	vmul.f32 v16, v16;
	v8 =	vld [tilespmem:$0x1FFE0]  }
0x146: {  	v60 =	vmul.f32 v50, v50;
	v62 =	vmul.f32 v40, v40;
	v52 =	vmov s28;
	s28 =	sand.u32 $0xD, s7;
	s7 =	spop (v2sf)  }
0x147: {  	v53 =	vmov s28;
	s6 =	ssub.f32 s6, s7;
	vm0 =	veq.s32 v52, v47;
	v5 =	vadd.f32 v5, v6;
	v6 =	vld [tilespmem:$0x1FFF0]  }
0x148: {  	s2 =	ssub.f32 s31, s2;
	vm1 =	veq.s32 v53, v47;
	v9 =	vmul.f32 v59, v59;
	v3 =	vmul.f32 v3, v3  }
0x149: {  	s26 =	ssub.f32 s26, s29;
	v7 =	vsel vm0, s6, v7;
	v1 =	vadd.f32 v1, v4;
	v4 =	vmul.f32 v48, v48  }
0x14a: {  	v7 =	vsel vm1, s2, v7;
	v3 =	vadd.f32 v9, v3;
	v8 =	vmul.f32 v8, v8  }
0x14b: {  	v61 =	vmul.f32 v46, v46;
	s28 =	sadd.s32 $0x7, s25;
	v7 =	vsel vm14, s26, v7;
	v4 =	vadd.f32 v60, v4  }
0x14c: {  	s2 =	sand.u32 $0xF, s28;
	v3 =	vadd.f32 v3, v8;
	v6 =	vmul.f32 v6, v6;
	v8 =	vmul.f32 v49, v49  }
0x14d: {  	v63 =	vmov s2;
	v1 =	vadd.f32 v1, v5;
	v5 =	vmul.f32 v42, v42  }
0x14e: {  	v3 =	vadd.f32 v3, v6;
	v4 =	vadd.f32 v4, v8;
	v6 =	vmul.f32 v44, v44  }
0x14f: {  	vm15 =	veq.s32 v63, v47;
	s29 =	spop (v2sf);
	v5 =	vadd.f32 v61, v5;
	v8 =	vmul.f32 v43, v43  }
0x150: {  	s31 =	spop (v2sf);
	v1 =	vadd.f32 v1, v3;
	v3 =	vmul.f32 v38, v38;
	v4 =	vadd.f32 v4, v6  }
0x151: {  	s6 =	ssub.f32 s31, s29;
	v5 =	vadd.f32 v8, v5;
	v6 =	vmul.f32 v35, v35;
	v8 =	vmul.f32 v34, v34  }
0x152: {  	v3 =	vadd.f32 v62, v3;
	v1 =	vadd.f32 v1, v4;
	v4 =	vmul.f32 v36, v36  }
0x153: {  	v7 =	vsel vm15, s6, v7;
	v5 =	vadd.f32 v6, v5;
	v6 =	vmul.f32 v32, v32  }
0x154: {  	p0 =	sne.s32 s2, $0xF;
	v3 =	vadd.f32 v3, v8;
	v0 =	vadd.f32 v0, v4;
	v4 =	vmul.f32 v33, v33  }
0x155: {  	[tilespmem:s18+$0x0] =	vst @!p0 v7;
	p0 =	slt.u32 s24, $0x7C;
	v1 =	vadd.f32 v1, v5  }
.Ltmp0:
0x156: {  	v2 =	vmul.f32 v2, v2;
	v3 =	vadd.f32 v3, v6;
	v0 =	vadd.f32 v0, v4;
	(pc) =	sbr.rel @p0 .LBB2_2-.Ltmp0, $4  }
0x157: {  	_ = 	snop  }
0x158: {  	s23 =	sadd.s32 $0x100, s23;
	v1 =	vadd.f32 v3, v1;
	v0 =	vadd.f32 v0, v2  }
0x159: {  	s19 =	sadd.s32 $0x100, s19;
	s22 =	sadd.s32 $0x100, s22;
	s21 =	sadd.s32 $0x100, s21  }
0x15a: {  	s20 =	sadd.s32 $0x100, s20;
	s25 =	smov.u32 s24;
	s18 =	sadd.s32 $0x4, s18;
	v0 =	vadd.f32 v0, v1  }
0x15b: {  	s2 =	simm.s32 $0x800;
	s6 =	simm.s32 $0x100  }
0x15c: {  	[tilespmem:s2], [sflag:$0x2] =	stream.indirect.gather [hbm4b:s3+s17], $0x40, s6, s17, $0xb8;
	[tilespmem:$0x14A10] =	vst v63  }
0x15d: {  	s23 =	simm.s32 $0x2800;
	s24 =	simm.s32 $0x300  }
0x15e: {  	[tilespmem:s23], [sflag:$0x2] =	stream.indirect.gather [hbm4b:s4+s17], $0x40, s24, s17, $0xb8;
	[tilespmem:$0x14A10] =	vst v63  }
0x15f: {  	s25 =	simm.s32 $0x4800  }
0x160: {  	[tilespmem:s25], [sflag:$0x2] =	stream.indirect.gather [hbm4b:s5+s17], $0x40, s24, s17, $0xb8;
	[tilespmem:$0x14A10] =	vst v63  }
0x161: {  	s26 =	simm.s32 $0x6800;
	s28 =	simm.s32 $0x500  }
0x162: {  	[tilespmem:s26], [sflag:$0x2] =	stream.indirect.gather [hbm4b:s3+s17], $0x40, s28, s17, $0xb8;
	[tilespmem:$0x14A10] =	vst v63  }
0x163: {  	s29 =	simm.s32 $0x8800;
	s31 =	simm.s32 $0x700  }
0x164: {  	[tilespmem:s29], [sflag:$0x2] =	stream.indirect.gather [hbm4b:s3+s17], $0x40, s31, s17, $0xb8;
	[tilespmem:$0x14A10] =	vst v63  }
0x165: {  	_ =	swait.ge [sflag:s30], $0x2000  }
0x166: {  	[sflag:s30] =	ssyncset.done $0x0  }
0x167: {  	[sflag:s30] =	ssyncadd.s32 $0xFFFFE000  }
0x168: {  	_ =	swait.ge [sflag:s30], $0x2000  }
0x169: {  	[sflag:s30] =	ssyncset.done $0x0  }
0x16a: {  	[sflag:s30] =	ssyncadd.s32 $0xFFFFE000  }
0x16b: {  	_ =	swait.ge [sflag:s30], $0x2000  }
0x16c: {  	[sflag:s30] =	ssyncset.done $0x0  }
0x16d: {  	[sflag:s30] =	ssyncadd.s32 $0xFFFFE000  }
0x16e: {  	_ =	swait.ge [sflag:s30], $0x2000  }
0x16f: {  	[sflag:s30] =	ssyncset.done $0x0  }
0x170: {  	s18 =	simm.s32 $0x14874;
	[sflag:s30] =	ssyncadd.s32 $0xFFFFE000  }
0x171: {  	s19 =	simm.s32 $0x12880;
	s20 =	simm.s32 $0xC880;
	_ =	swait.ge [sflag:s30], $0x2000  }
0x172: {  	s21 =	simm.s32 $0x10880;
	s22 =	simm.s32 $0xA880;
	[sflag:s30] =	ssyncset.done $0x0  }
0x173: {  	s23 =	simm.s32 $0xE880;
	s24 =	simm.s32 $0xFFFFFFFC;
	[sflag:s30] =	ssyncadd.s32 $0xFFFFE000  }
.LBB2_4:
0x174: {  	v1 =	vld [tilespmem:s23+$0x0]  }
0x175: {  	v2 =	vld [tilespmem:s22+$0x10]  }
0x176: {  	v13 =	vld [tilespmem:s23+$0x10]  }
0x177: {  	[tilespmem:$0x1FED0] =	vst v0;
	v0 =	vld [tilespmem:s22+$0x0]  }
0x178: {  	v4 =	vld [tilespmem:s22+$0x20]  }
0x179: {  	v15 =	vld [tilespmem:s23+$0x20]  }
0x17a: {  	v5 =	vld [tilespmem:s22+$0x30]  }
0x17b: {  	v16 =	vld [tilespmem:s23+$0x30]  }
0x17c: {  	v6 =	vmul.f32 v13, v2;
	v3 =	vmul.f32 v1, v0  }
0x17d: {  	[tilespmem:$0x1FF70] =	vst v7;
	v7 =	vmul.f32 v1, v1;
	v8 =	vmul.f32 v13, v13  }
0x17e: {  	v3 =	vadd.f32 v6, v3;
	v6 =	vmul.f32 v15, v4  }
0x17f: {  	v7 =	vadd.f32 v8, v7;
	v8 =	vmul.f32 v15, v15  }
0x180: {  	v3 =	vadd.f32 v6, v3;
	v6 =	vmul.f32 v16, v5  }
0x181: {  	v7 =	vadd.f32 v8, v7;
	v8 =	vmul.f32 v16, v16  }
0x182: {  	v3 =	vadd.f32 v6, v3  }
0x183: {  	v6 =	vadd.f32 v8, v7  }
0x184: {  	(xrf2) =	vadd.scan.msk.f32 $0xffff, v3  }
0x185: {  	v7 =	vld [tilespmem:s19+$0x10];
	(xrf2) =	vadd.scan.msk.f32 $0xffff, v6  }
0x186: {  	v3 =	vld [tilespmem:s19+$0x0];
	_ =	sdelay $0x1  }
0x187: {  	v14 =	vld [tilespmem:s19+$0x20];
	_ =	sdelay $0x1  }
0x188: {  	v17 =	vld [tilespmem:s19+$0x30]  }
0x189: {  	v8 =	vmul.f32 v7, v13;
	v6 =	vmul.f32 v3, v1;
	_ =	sdelay $0x1  }
0x18a: {  	v6 =	vadd.f32 v8, v6;
	v8 =	vmul.f32 v14, v15  }
0x18b: {  	v9, _, _ =	vpop (xrf2)  }
0x18c: {  	v6 =	vadd.f32 v8, v6;
	v8 =	vmul.f32 v17, v16;
	v10, _, _ =	vpop (xrf2)  }
0x18d: {  	v10 =	vmax.f32 v10, $1.000000020e-24  }
0x18e: {  	v6 =	vadd.f32 v8, v6;
	v10 =	vbroadcast v10, $0xF;
	_ =	sdelay $0x1  }
0x18f: {  	(xrf2) =	vadd.scan.msk.f32 $0xffff, v6;
	(erf) = vrcp.f32 v10;
	_ =	sdelay $0x7  }
0x190: {  	v6 =	vbroadcast v9, $0xF  }
0x191: {  	v18 =	vpop (erf)  }
0x192: {  	v8, _, _ =	vpop (xrf2);
	v19 =	vmul.f32 v18, v6  }
0x193: {  	v6 =	vbroadcast v8, $0xF;
	v8 =	vld [tilespmem:s20+$0x0]  }
0x194: {  	v24 =	vld [tilespmem:s20+$0x10];
	v52 =	vmul.f32 v19, v1  }
0x195: {  	v53 =	vld [tilespmem:s20+$0x20];
	v20 =	vmul.f32 v6, v18;
	v6 =	vmul.f32 v19, v13  }
0x196: {  	v12 =	vmul.f32 v19, v15;
	v11 =	vsub.f32 v0, v52  }
0x197: {  	v0 =	vmul.f32 v20, v1;
	v10 =	vsub.f32 v2, v6  }
0x198: {  	v23 =	vld [tilespmem:s21+$0x0];
	v2 =	vmul.f32 v20, v13;
	v12 =	vsub.f32 v4, v12;
	v21 =	vadd.f32 v11, v8  }
0x199: {  	[tilespmem:$0x1FEF0] =	vst v24;
	v4 =	vmul.f32 v20, v15;
	v0 =	vsub.f32 v3, v0;
	v3 =	vld [tilespmem:s20+$0x30];
	v24 =	vadd.f32 v10, v24  }
0x19a: {  	v54 =	vld [tilespmem:s21+$0x10];
	v6 =	vsub.f32 v7, v2;
	v2 =	vmul.f32 v19, v16;
	v25 =	vadd.f32 v12, v53  }
0x19b: {  	[tilespmem:$0x1FF20] =	vst v0;
	v22 =	vsub.f32 v21, v0;
	v0 =	vsub.f32 v14, v4  }
0x19c: {  	v55 =	vld [tilespmem:s21+$0x20];
	v26 =	vsub.f32 v24, v6;
	v14 =	vsub.f32 v5, v2;
	v2 =	vmul.f32 v20, v16  }
0x19d: {  	v22 =	vmul.f32 v22, v22;
	v27 =	vsub.f32 v25, v0  }
0x19e: {  	[tilespmem:$0x1FF40] =	vst v0;
	v26 =	vmul.f32 v26, v26;
	v0 =	vsub.f32 v17, v2;
	v2 =	vld [tilespmem:s21+$0x30];
	v28 =	vadd.f32 v14, v3  }
0x19f: {  	v56 =	vmul.f32 v23, v1;
	v29 =	vmul.f32 v54, v13  }
0x1a0: {  	v22 =	vadd.f32 v26, v22;
	v57 =	vmul.f32 v27, v27;
	v58 =	vsub.f32 v28, v0  }
0x1a1: {  	v59 =	vmul.f32 v55, v15;
	v17 =	vadd.f32 v29, v56  }
0x1a2: {  	v22 =	vadd.f32 v22, v57;
	v60 =	vmul.f32 v58, v58  }
0x1a3: {  	v17 =	vadd.f32 v59, v17;
	v61 =	vmul.f32 v2, v16  }
0x1a4: {  	v22 =	vadd.f32 v22, v60  }
0x1a5: {  	v17 =	vadd.f32 v61, v17  }
0x1a6: {  	(xrf2) =	vadd.scan.msk.f32 $0xffff, v22  }
0x1a7: {  	(xrf2) =	vadd.scan.msk.f32 $0xffff, v17;
	_ =	sdelay $0x8  }
0x1a8: {  	v32, _, _ =	vpop (xrf2)  }
0x1a9: {  	v17, _, _ =	vpop (xrf2)  }
0x1aa: {  	v17 =	vbroadcast v17, $0xF;
	_ =	sdelay $0x1  }
0x1ab: {  	v62 =	vmul.f32 v17, v18  }
0x1ac: {  	v30 =	vld [tilespmem:s23+$0xFFFFFFD0]  }
0x1ad: {  	v9 =	vld [tilespmem:s22+$0xFFFFFFD0];
	v1 =	vmul.f32 v62, v1;
	v13 =	vmul.f32 v62, v13  }
0x1ae: {  	v63 =	vld [tilespmem:s22+$0xFFFFFFC0];
	v15 =	vmul.f32 v62, v15  }
0x1af: {  	v29 =	vld [tilespmem:s23+$0xFFFFFFC0];
	v17 =	vsub.f32 v23, v1;
	v18 =	vsub.f32 v54, v13  }
0x1b0: {  	v31 =	vld [tilespmem:s23+$0xFFFFFFE0];
	v16 =	vmul.f32 v62, v16;
	v15 =	vsub.f32 v55, v15  }
0x1b1: {  	v20 =	vld [tilespmem:s22+$0xFFFFFFE0];
	v1 =	vsub.f32 v21, v17;
	v19 =	vsub.f32 v24, v18  }
0x1b2: {  	v36 =	vld [tilespmem:s22+$0xFFFFFFF0];
	v41 =	vmul.f32 v30, v30;
	v38 =	vmul.f32 v30, v9;
	v16 =	vsub.f32 v2, v16  }
0x1b3: {  	v2 =	vld [tilespmem:s23+$0xFFFFFFF0];
	v35 =	vsub.f32 v25, v15;
	v1 =	vmul.f32 v1, v1;
	v19 =	vmul.f32 v19, v19  }
0x1b4: {  	v37 =	vmul.f32 v29, v63;
	v40 =	vmul.f32 v29, v29  }
0x1b5: {  	v39 =	vsub.f32 v28, v16;
	v21 =	vmul.f32 v35, v35;
	v1 =	vadd.f32 v19, v1  }
0x1b6: {  	v45 =	vmul.f32 v31, v31;
	v42 =	vmul.f32 v31, v20;
	v19 =	vadd.f32 v38, v37  }
0x1b7: {  	v44 =	vadd.f32 v41, v40;
	v43 =	vmul.f32 v39, v39;
	v1 =	vadd.f32 v1, v21  }
0x1b8: {  	v46 =	vmul.f32 v2, v36;
	v19 =	vadd.f32 v42, v19  }
0x1b9: {  	v47 =	vadd.f32 v45, v44;
	v48 =	vmul.f32 v2, v2;
	v1 =	vadd.f32 v1, v43  }
0x1ba: {  	v19 =	vadd.f32 v46, v19  }
0x1bb: {  	v49 =	vld [tilespmem:s19+$0xFFFFFFC0];
	(xrf2) =	vadd.scan.msk.f32 $0xffff, v1;
	v1 =	vadd.f32 v48, v47  }
0x1bc: {  	v50 =	vld [tilespmem:s19+$0xFFFFFFD0];
	(xrf2) =	vadd.scan.msk.f32 $0xffff, v19  }
0x1bd: {  	(xrf2) =	vadd.scan.msk.f32 $0xffff, v1  }
0x1be: {  	v51 =	vld [tilespmem:s19+$0xFFFFFFE0];
	_ =	sdelay $0x1  }
0x1bf: {  	v37 =	vld [tilespmem:s19+$0xFFFFFFF0]  }
0x1c0: {  	[tilespmem:$0x1FF00] =	vst v53;
	v53 =	vmul.f32 v50, v30;
	v52 =	vmul.f32 v49, v29;
	_ =	sdelay $0x1  }
0x1c1: {  	v22 =	vadd.f32 v53, v52;
	v54 =	vmul.f32 v51, v31;
	_ =	sdelay $0x1  }
0x1c2: {  	v22 =	vadd.f32 v54, v22;
	v57 =	vmul.f32 v37, v2;
	v4, _, _ =	vpop (xrf2)  }
0x1c3: {  	v55, _, _ =	vpop (xrf2)  }
0x1c4: {  	v22 =	vadd.f32 v57, v22;
	v56, _, _ =	vpop (xrf2)  }
0x1c5: {  	v25 =	vmax.f32 v56, $1.000000020e-24  }
0x1c6: {  	(xrf2) =	vadd.scan.msk.f32 $0xffff, v22;
	v25 =	vbroadcast v25, $0xF;
	_ =	sdelay $0x1  }
0x1c7: {  	(erf) = vrcp.f32 v25;
	_ =	sdelay $0x7  }
0x1c8: {  	v58 =	vbroadcast v55, $0xF;
	v59, _, _ =	vpop (xrf2)  }
0x1c9: {  	v38 =	vpop (erf)  }
0x1ca: {  	v60 =	vbroadcast v59, $0xF;
	v39 =	vmul.f32 v38, v58  }
0x1cb: {  	v26 =	vld [tilespmem:s20+$0xFFFFFFC0]  }
0x1cc: {  	v25 =	vld [tilespmem:s20+$0xFFFFFFD0];
	v40 =	vmul.f32 v60, v38;
	v61 =	vmul.f32 v39, v29  }
0x1cd: {  	v62 =	vmul.f32 v39, v30  }
0x1ce: {  	v22 =	vmul.f32 v40, v29;
	v33 =	vsub.f32 v63, v61  }
0x1cf: {  	v24 =	vld [tilespmem:s20+$0xFFFFFFE0];
	v27 =	vmul.f32 v40, v31;
	v63 =	vmul.f32 v39, v31;
	v35 =	vsub.f32 v9, v62  }
0x1d0: {  	v23 =	vld [tilespmem:s20+$0xFFFFFFF0];
	v19 =	vsub.f32 v49, v22;
	v9 =	vmul.f32 v40, v30;
	v41 =	vadd.f32 v33, v26  }
0x1d1: {  	v43 =	vld [tilespmem:s21+$0xFFFFFFC0];
	v48 =	vmul.f32 v39, v2;
	v34 =	vsub.f32 v20, v63;
	v44 =	vadd.f32 v35, v25  }
0x1d2: {  	v49 =	vld [tilespmem:s21+$0xFFFFFFD0];
	v22 =	vsub.f32 v50, v9;
	v20 =	vsub.f32 v51, v27  }
0x1d3: {  	v27 =	vsub.f32 v36, v48;
	v42 =	vsub.f32 v41, v19  }
0x1d4: {  	v50 =	vmul.f32 v40, v2;
	v51 =	vld [tilespmem:s21+$0xFFFFFFE0];
	v45 =	vadd.f32 v34, v24;
	v21 =	vsub.f32 v44, v22  }
0x1d5: {  	v46 =	vadd.f32 v27, v23;
	v52 =	vmul.f32 v42, v42  }
0x1d6: {  	v55 =	vld [tilespmem:s21+$0xFFFFFFF0];
	v53 =	vsub.f32 v45, v20;
	v54 =	vmul.f32 v21, v21;
	v21 =	vsub.f32 v37, v50  }
0x1d7: {  	v56 =	vmul.f32 v43, v29;
	v47 =	vmul.f32 v49, v30  }
0x1d8: {  	v36 =	vadd.f32 v54, v52;
	v40 =	vmul.f32 v53, v53;
	v57 =	vsub.f32 v46, v21  }
0x1d9: {  	v37 =	vadd.f32 v47, v56;
	v58 =	vmul.f32 v51, v31  }
0x1da: {  	v36 =	vadd.f32 v36, v40;
	v59 =	vmul.f32 v57, v57  }
0x1db: {  	v60 =	vmul.f32 v55, v2;
	v37 =	vadd.f32 v58, v37  }
0x1dc: {  	v36 =	vadd.f32 v36, v59  }
0x1dd: {  	v37 =	vadd.f32 v60, v37  }
0x1de: {  	(xrf2) =	vadd.scan.msk.f32 $0xffff, v36  }
0x1df: {  	(xrf2) =	vadd.scan.msk.f32 $0xffff, v37;
	_ =	sdelay $0x8  }
0x1e0: {  	v37, _, _ =	vpop (xrf2)  }
0x1e1: {  	v61, _, _ =	vpop (xrf2)  }
0x1e2: {  	v36 =	vbroadcast v61, $0xF;
	_ =	sdelay $0x1  }
0x1e3: {  	v36 =	vmul.f32 v36, v38  }
0x1e4: {  	v39 =	vld [tilespmem:s22+$0xFFFFFF90]  }
0x1e5: {  	v50 =	vld [tilespmem:s23+$0xFFFFFF90];
	v29 =	vmul.f32 v36, v29;
	v38 =	vmul.f32 v36, v30  }
0x1e6: {  	v47 =	vld [tilespmem:s23+$0xFFFFFF80];
	v62 =	vmul.f32 v36, v31  }
0x1e7: {  	v40 =	vld [tilespmem:s22+$0xFFFFFF80];
	v30 =	vsub.f32 v43, v29;
	v31 =	vsub.f32 v49, v38  }
0x1e8: {  	v2 =	vmul.f32 v36, v2;
	v36 =	vld [tilespmem:s23+$0xFFFFFFA0];
	v28 =	vsub.f32 v51, v62  }
0x1e9: {  	v29 =	vsub.f32 v41, v30;
	v38 =	vsub.f32 v44, v31;
	v41 =	vld [tilespmem:s22+$0xFFFFFFA0]  }
0x1ea: {  	v53 =	vmul.f32 v50, v39;
	v48 =	vmul.f32 v50, v50;
	v42 =	vsub.f32 v45, v28;
	v45 =	vld [tilespmem:s22+$0xFFFFFFB0]  }
0x1eb: {  	v63 =	vmul.f32 v29, v29;
	v38 =	vmul.f32 v38, v38;
	v29 =	vsub.f32 v55, v2;
	v2 =	vld [tilespmem:s23+$0xFFFFFFB0]  }
0x1ec: {  	v52 =	vmul.f32 v47, v40;
	v42 =	vmul.f32 v42, v42  }
0x1ed: {  	v55 =	vmul.f32 v47, v47;
	v9 =	vadd.f32 v38, v63;
	v54 =	vsub.f32 v46, v29  }
0x1ee: {  	v59 =	vmul.f32 v36, v36;
	v38 =	vadd.f32 v53, v52;
	v56 =	vmul.f32 v36, v41  }
0x1ef: {  	v58 =	vadd.f32 v48, v55;
	v13 =	vadd.f32 v9, v42;
	v57 =	vmul.f32 v54, v54  }
0x1f0: {  	v38 =	vadd.f32 v56, v38;
	v60 =	vmul.f32 v2, v45  }
0x1f1: {  	v61 =	vadd.f32 v59, v58;
	v62 =	vmul.f32 v2, v2;
	v13 =	vadd.f32 v13, v57  }
0x1f2: {  	v38 =	vadd.f32 v60, v38  }
0x1f3: {  	v9 =	vld [tilespmem:s19+$0xFFFFFF90];
	v63 =	vadd.f32 v62, v61;
	(xrf2) =	vadd.scan.msk.f32 $0xffff, v13  }
0x1f4: {  	v13 =	vld [tilespmem:s19+$0xFFFFFF80];
	(xrf2) =	vadd.scan.msk.f32 $0xffff, v38  }
0x1f5: {  	(xrf2) =	vadd.scan.msk.f32 $0xffff, v63  }
0x1f6: {  	v43 =	vld [tilespmem:s19+$0xFFFFFFA0];
	_ =	sdelay $0x1  }
0x1f7: {  	v46 =	vld [tilespmem:s19+$0xFFFFFFB0]  }
0x1f8: {  	v54 =	vmul.f32 v9, v50;
	v53 =	vmul.f32 v13, v47;
	_ =	sdelay $0x1  }
0x1f9: {  	v55 =	vmul.f32 v43, v36;
	v44 =	vadd.f32 v54, v53;
	_ =	sdelay $0x1  }
0x1fa: {  	v56 =	vmul.f32 v46, v2;
	v44 =	vadd.f32 v55, v44;
	v38, _, _ =	vpop (xrf2)  }
0x1fb: {  	v49, _, _ =	vpop (xrf2)  }
0x1fc: {  	v44 =	vadd.f32 v56, v44;
	v51, _, _ =	vpop (xrf2)  }
0x1fd: {  	v51 =	vmax.f32 v51, $1.000000020e-24  }
0x1fe: {  	(xrf2) =	vadd.scan.msk.f32 $0xffff, v44;
	v51 =	vbroadcast v51, $0xF;
	_ =	sdelay $0x1  }
0x1ff: {  	(erf) = vrcp.f32 v51;
	_ =	sdelay $0x7  }
0x200: {  	v57 =	vbroadcast v49, $0xF;
	v58, _, _ =	vpop (xrf2)  }
0x201: {  	v59 =	vbroadcast v58, $0xF;
	v51 =	vpop (erf)  }
0x202: {  	v52 =	vmul.f32 v51, v57  }
0x203: {  	v48 =	vld [tilespmem:s20+$0xFFFFFF80];
	v53 =	vmul.f32 v59, v51  }
0x204: {  	v54 =	vld [tilespmem:s20+$0xFFFFFF90];
	v60 =	vmul.f32 v52, v47  }
0x205: {  	v61 =	vmul.f32 v52, v50;
	v62 =	vmul.f32 v53, v47  }
0x206: {  	v63 =	vmul.f32 v53, v50;
	v55 =	vsub.f32 v40, v60  }
0x207: {  	v49 =	vld [tilespmem:s20+$0xFFFFFFA0];
	v56 =	vsub.f32 v39, v61;
	v40 =	vsub.f32 v13, v62  }
0x208: {  	v44 =	vld [tilespmem:s20+$0xFFFFFFB0];
	v13 =	vmul.f32 v52, v36;
	v42 =	vsub.f32 v9, v63;
	v9 =	vmul.f32 v53, v36  }
0x209: {  	v59 =	vld [tilespmem:s21+$0xFFFFFF80];
	v57 =	vadd.f32 v55, v48;
	v58 =	vadd.f32 v56, v54  }
0x20a: {  	v13 =	vsub.f32 v41, v13;
	v41 =	vmul.f32 v52, v2;
	v52 =	vld [tilespmem:s21+$0xFFFFFF90];
	v43 =	vsub.f32 v43, v9  }
0x20b: {  	v9 =	vmul.f32 v53, v2;
	v60 =	vsub.f32 v57, v40;
	v61 =	vsub.f32 v58, v42  }
0x20c: {  	v53 =	vadd.f32 v13, v49;
	v62 =	vsub.f32 v45, v41;
	v45 =	vld [tilespmem:s21+$0xFFFFFFA0]  }
0x20d: {  	v46 =	vsub.f32 v46, v9;
	v41 =	vmul.f32 v60, v60  }
0x20e: {  	v63 =	vld [tilespmem:s21+$0xFFFFFFB0];
	v39 =	vmul.f32 v61, v61;
	v9 =	vsub.f32 v53, v43;
	v61 =	vadd.f32 v62, v44  }
0x20f: {  	[tilespmem:$0x1FF50] =	vst v0;
	v1 =	vmul.f32 v59, v47;
	v0 =	vmul.f32 v52, v50  }
0x210: {  	v39 =	vadd.f32 v39, v41;
	v41 =	vmul.f32 v9, v9;
	v9 =	vsub.f32 v61, v46  }
0x211: {  	v0 =	vadd.f32 v0, v1;
	v1 =	vmul.f32 v45, v36  }
0x212: {  	v39 =	vadd.f32 v39, v41;
	v9 =	vmul.f32 v9, v9  }
0x213: {  	v0 =	vadd.f32 v1, v0;
	v1 =	vmul.f32 v63, v2  }
0x214: {  	v39 =	vadd.f32 v39, v9  }
0x215: {  	v0 =	vadd.f32 v1, v0  }
0x216: {  	(xrf2) =	vadd.scan.msk.f32 $0xffff, v39  }
0x217: {  	(xrf2) =	vadd.scan.msk.f32 $0xffff, v0;
	_ =	sdelay $0x8  }
0x218: {  	v9, _, _ =	vpop (xrf2)  }
0x219: {  	v1, _, _ =	vpop (xrf2)  }
0x21a: {  	v1 =	vbroadcast v1, $0xF;
	_ =	sdelay $0x1  }
0x21b: {  	v1 =	vmul.f32 v1, v51;
	_ =	sdelay $0x1  }
0x21c: {  	v60 =	vmul.f32 v1, v47;
	v47 =	vmul.f32 v1, v50  }
0x21d: {  	v41 =	vld [tilespmem:s23+$0x50];
	v36 =	vmul.f32 v1, v36  }
0x21e: {  	v39 =	vld [tilespmem:s23+$0x40];
	v50 =	vsub.f32 v59, v60;
	v51 =	vsub.f32 v52, v47  }
0x21f: {  	v1 =	vmul.f32 v1, v2;
	v36 =	vsub.f32 v45, v36  }
0x220: {  	v45 =	vld [tilespmem:s23+$0x60];
	v59 =	vsub.f32 v57, v50;
	v52 =	vsub.f32 v58, v51  }
0x221: {  	v7 =	vsub.f32 v63, v1  }
0x222: {  	v47 =	vld [tilespmem:s23+$0x70];
	v53 =	vsub.f32 v53, v36;
	v2 =	vmul.f32 v59, v59;
	v52 =	vmul.f32 v52, v52  }
0x223: {  	v60 =	vmul.f32 v41, v41;
	v57 =	vmul.f32 v39, v39  }
0x224: {  	v63 =	vsub.f32 v61, v7;
	v2 =	vadd.f32 v52, v2;
	v52 =	vmul.f32 v53, v53  }
0x225: {  	[tilespmem:$0x1FEE0] =	vst v8;
	v8 =	vld [tilespmem:s21+$0x40];
	v57 =	vadd.f32 v60, v57;
	v60 =	vmul.f32 v45, v45  }
0x226: {  	(v2sf) =	vpush v32, $0xF;
	v32 =	vld [tilespmem:s21+$0x60];
	v61 =	vmul.f32 v63, v63;
	v2 =	vadd.f32 v2, v52  }
0x227: {  	v58 =	vld [tilespmem:s22+$0x50];
	v63 =	vmul.f32 v47, v47;
	v57 =	vadd.f32 v60, v57  }
0x228: {  	v53 =	vld [tilespmem:s22+$0x40];
	v2 =	vadd.f32 v2, v61  }
0x229: {  	v60 =	vld [tilespmem:s19+$0x40];
	v57 =	vadd.f32 v63, v57  }
0x22a: {  	v52 =	vld [tilespmem:s22+$0x60];
	(xrf2) =	vadd.scan.msk.f32 $0xffff, v2  }
0x22b: {  	(xrf2) =	vadd.scan.msk.f32 $0xffff, v57;
	v57 =	vld [tilespmem:s21+$0x50]  }
0x22c: {  	v61 =	vld [tilespmem:s19+$0x50]  }
0x22d: {  	v59 =	vld [tilespmem:s22+$0x70];
	v0 =	vmul.f32 v58, v41;
	v63 =	vmul.f32 v53, v39  }
0x22e: {  	[tilespmem:$0x1FF30] =	vst v6;
	(v2sf) =	vpush v4, $0xF;
	v6 =	vmul.f32 v55, v55;
	v55 =	vld [tilespmem:s19+$0x60]  }
0x22f: {  	[tilespmem:$0x1FF10] =	vst v3;
	v56 =	vmul.f32 v56, v56;
	v3 =	vadd.f32 v0, v63;
	v63 =	vld [tilespmem:s21+$0x70];
	v2 =	vmul.f32 v52, v45  }
0x230: {  	(v2sf) =	vpush v37, $0xF;
	v37 =	vld [tilespmem:s19+$0x70];
	v1 =	vmul.f32 v8, v39;
	v0 =	vmul.f32 v57, v41  }
0x231: {  	v5 =	vadd.f32 v2, v3;
	v3 =	vmul.f32 v60, v39;
	v2 =	vmul.f32 v61, v41  }
0x232: {  	v4 =	vadd.f32 v0, v1;
	v1 =	vmul.f32 v59, v47;
	v0 =	vmul.f32 v32, v45  }
0x233: {  	v6 =	vadd.f32 v56, v6;
	v56 =	vmul.f32 v55, v45;
	v2 =	vadd.f32 v2, v3  }
0x234: {  	v1 =	vadd.f32 v1, v5;
	v0 =	vadd.f32 v0, v4;
	v5 =	vmul.f32 v63, v47  }
0x235: {  	v2 =	vadd.f32 v56, v2;
	v56 =	vmul.f32 v37, v47  }
0x236: {  	v3, _, _ =	vpop (xrf2);
	v0 =	vadd.f32 v5, v0;
	v5 =	vmul.f32 v48, v48;
	v48 =	vmul.f32 v54, v54  }
0x237: {  	v2 =	vadd.f32 v56, v2;
	v4, _, _ =	vpop (xrf2);
	(xrf2) =	vadd.scan.msk.f32 $0xffff, v1;
	v1 =	vmul.f32 v13, v13  }
0x238: {  	v4 =	vmax.f32 v4, $1.000000020e-24;
	(xrf2) =	vadd.scan.msk.f32 $0xffff, v0;
	v0 =	vadd.f32 v48, v5;
	v5 =	vmul.f32 v50, v50  }
0x239: {  	v1 =	vadd.f32 v6, v1;
	v6 =	vmul.f32 v51, v51;
	(xrf2) =	vadd.scan.msk.f32 $0xffff, v2;
	v2 =	vmul.f32 v62, v62  }
0x23a: {  	v4 =	vbroadcast v4, $0xF  }
0x23b: {  	v1 =	vadd.f32 v1, v2;
	v2 =	vadd.f32 v6, v5;
	v6 =	vld [tilespmem:$0x1FED0]  }
0x23c: {  	(erf) = vrcp.f32 v4  }
0x23d: {  	v4 =	vmul.f32 v49, v49;
	_ =	sdelay $0x1  }
0x23e: {  	(v2sf) =	vpush v38, $0xF;
	v0 =	vadd.f32 v4, v0;
	v4 =	vmul.f32 v44, v44  }
0x23f: {  	v5 =	vmul.f32 v36, v36;
	v1 =	vadd.f32 v1, v6;
	v6 =	vmul.f32 v40, v40  }
0x240: {  	v54 =	vmul.f32 v42, v42;
	v0 =	vadd.f32 v4, v0;
	v4 =	vmul.f32 v7, v7  }
0x241: {  	(v2sf) =	vpush v9, $0xF;
	v2 =	vadd.f32 v2, v5  }
0x242: {  	(v2sf) =	vpush v3, $0xF;
	v5 =	vmul.f32 v43, v43;
	v3 =	vadd.f32 v54, v6  }
0x243: {  	v0 =	vadd.f32 v1, v0;
	v1 =	vadd.f32 v2, v4;
	v6, _, _ =	vpop (xrf2)  }
0x244: {  	v4 =	vpop (erf);
	v2 =	vadd.f32 v3, v5;
	v3 =	vmul.f32 v46, v46;
	v5 =	vbroadcast v6, $0xF  }
0x245: {  	v0 =	vadd.f32 v1, v0;
	v1 =	vmul.f32 v33, v33;
	v6 =	vmul.f32 v35, v35;
	v7, _, _ =	vpop (xrf2)  }
0x246: {  	v2 =	vadd.f32 v2, v3;
	v3 =	vbroadcast v7, $0xF;
	v7, _, _ =	vpop (xrf2);
	v5 =	vmul.f32 v5, v4  }
0x247: {  	v1 =	vadd.f32 v6, v1;
	v6 =	vmul.f32 v34, v34;
	v7 =	vbroadcast v7, $0xF  }
0x248: {  	v56 =	vadd.f32 v0, v2;
	v0 =	vmul.f32 v3, v4;
	v2 =	vmul.f32 v5, v39  }
0x249: {  	v1 =	vadd.f32 v1, v6;
	v3 =	vmul.f32 v7, v4;
	v4 =	vmul.f32 v5, v41  }
0x24a: {  	v6 =	vmul.f32 v0, v41;
	v48 =	vsub.f32 v53, v2;
	v2 =	vmul.f32 v5, v45  }
0x24b: {  	v42 =	vld [tilespmem:s20+$0x40];
	v5 =	vmul.f32 v5, v47;
	v50 =	vsub.f32 v58, v4  }
0x24c: {  	v46 =	vld [tilespmem:s20+$0x50];
	v4 =	vmul.f32 v0, v39;
	v40 =	vsub.f32 v57, v6;
	v49 =	vsub.f32 v52, v2  }
0x24d: {  	v43 =	vld [tilespmem:s20+$0x60];
	v44 =	vsub.f32 v59, v5;
	v2 =	vmul.f32 v0, v45;
	v0 =	vmul.f32 v0, v47  }
0x24e: {  	v35 =	vld [tilespmem:s20+$0x70];
	v38 =	vsub.f32 v8, v4;
	v4 =	vmul.f32 v3, v41;
	v5 =	vmul.f32 v3, v45  }
0x24f: {  	v34 =	vsub.f32 v32, v2;
	v2 =	vmul.f32 v3, v39;
	v32 =	vsub.f32 v63, v0  }
0x250: {  	v3 =	vmul.f32 v3, v47;
	v0 =	vsub.f32 v61, v4;
	v33 =	vsub.f32 v55, v5  }
0x251: {  	v4 =	vadd.f32 v46, v50;
	v36 =	vsub.f32 v60, v2  }
0x252: {  	v2 =	vsub.f32 v37, v3;
	v3 =	vadd.f32 v42, v48  }
0x253: {  	v5 =	vadd.f32 v43, v49;
	v6 =	vadd.f32 v35, v44  }
0x254: {  	v41 =	vmul.f32 v31, v31;
	v8 =	vsub.f32 v4, v40;
	v7 =	vsub.f32 v3, v38  }
0x255: {  	v45 =	vlaneseq.u32;
	v4 =	vsub.f32 v4, v0;
	v3 =	vsub.f32 v3, v36  }
0x256: {  	v62 =	vsub.f32 v5, v34;
	v8 =	vmul.f32 v8, v8;
	v7 =	vmul.f32 v7, v7  }
0x257: {  	v5 =	vsub.f32 v5, v33;
	v4 =	vmul.f32 v4, v4;
	v3 =	vmul.f32 v3, v3  }
0x258: {  	v61 =	vmul.f32 v26, v26;
	v63 =	vsub.f32 v6, v32;
	v7 =	vadd.f32 v8, v7  }
0x259: {  	v8 =	vmul.f32 v62, v62;
	v3 =	vadd.f32 v4, v3;
	v4 =	vmul.f32 v5, v5  }
0x25a: {  	v39 =	vmul.f32 v27, v27;
	v6 =	vsub.f32 v6, v2;
	v5 =	vmul.f32 v25, v25  }
0x25b: {  	v7 =	vadd.f32 v7, v8;
	v8 =	vmul.f32 v63, v63;
	v3 =	vadd.f32 v3, v4  }
0x25c: {  	v4 =	vmul.f32 v6, v6;
	v5 =	vadd.f32 v5, v61;
	v6 =	vmul.f32 v24, v24  }
0x25d: {  	v1 =	vadd.f32 v1, v39;
	v7 =	vadd.f32 v7, v8;
	v8 =	vmul.f32 v30, v30  }
0x25e: {  	v3 =	vadd.f32 v3, v4;
	v5 =	vadd.f32 v6, v5;
	v6 =	vmul.f32 v23, v23  }
0x25f: {  	s25 =	sadd.s32 $0x4, s24;
	v47 =	vmul.f32 v22, v22;
	(xrf2) =	vadd.scan.msk.f32 $0xffff, v7;
	v7 =	vadd.f32 v41, v8;
	v8 =	vmul.f32 v28, v28  }
0x260: {  	s6 =	sand.u32 $0xC, s25;
	v1 =	vadd.f32 v56, v1;
	v5 =	vadd.f32 v6, v5;
	(xrf2) =	vadd.scan.msk.f32 $0xffff, v3;
	v3 =	vmul.f32 v19, v19  }
0x261: {  	v54 =	vld [tilespmem:$0x1FEF0];
	v6 =	vadd.f32 v7, v8;
	v7 =	vmul.f32 v29, v29;
	v8 =	vmov s6  }
0x262: {  	v51 =	vmul.f32 v20, v20;
	v3 =	vadd.f32 v47, v3;
	vm0 =	veq.s32 v8, v45;
	v8 =	vld [tilespmem:$0x1FEE0]  }
0x263: {  	v52 =	vmul.f32 v10, v10;
	v1 =	vadd.f32 v1, v5;
	v5 =	vadd.f32 v6, v7  }
0x264: {  	v6 =	vmul.f32 v21, v21;
	v7 =	vmul.f32 v11, v11;
	v3 =	vadd.f32 v3, v51  }
0x265: {  	v1 =	vadd.f32 v1, v5  }
0x266: {  	v5 =	vadd.f32 v52, v7;
	v3 =	vadd.f32 v3, v6;
	v6 =	vmul.f32 v12, v12  }
0x267: {  	v9 =	vmul.f32 v54, v54;
	v8 =	vmul.f32 v8, v8  }
0x268: {  	v1 =	vadd.f32 v1, v3;
	v3 =	vadd.f32 v5, v6;
	v5 =	vmul.f32 v14, v14  }
0x269: {  	v6 =	vadd.f32 v9, v8;
	v8 =	vld [tilespmem:$0x1FF00]  }
0x26a: {  	v3 =	vadd.f32 v3, v5;
	v5 =	vld [tilespmem:$0x1FF10];
	_ =	sdelay $0x1  }
0x26b: {  	s2 =	sadd.s32 $0x6, s24;
	s26 =	spop (v2sf);
	v55, _, _ =	vpop (xrf2)  }
0x26c: {  	s2 =	sand.u32 $0xE, s2;
	s29 =	spop (v2sf);
	v58 =	vmul.f32 v18, v18;
	v57 =	vmul.f32 v17, v17;
	(v2sf) =	vpush v55, $0xF;
	v56, _, _ =	vpop (xrf2)  }
0x26d: {  	v4 =	vmov s2;
	(v2sf) =	vpush v56, $0xF;
	v8 =	vmul.f32 v8, v8  }
0x26e: {  	v59 =	vld [tilespmem:$0x1FF30];
	vm14 =	veq.s32 v4, v45;
	v1 =	vadd.f32 v1, v3;
	v5 =	vmul.f32 v5, v5  }
0x26f: {  	s2 =	spop (v2sf);
	v3 =	vld [tilespmem:$0x1FF20];
	v4 =	vadd.f32 v8, v6;
	v6 =	vadd.f32 v58, v57;
	v8 =	vmul.f32 v15, v15  }
0x270: {  	s7 =	spop (v2sf);
	v7 =	vld [tilespmem:$0x1FF70]  }
0x271: {  	s31 =	sadd.s32 $0x5, s24;
	s28 =	spop (v2sf);
	v4 =	vadd.f32 v5, v4;
	v5 =	vadd.f32 v6, v8;
	v6 =	vmul.f32 v16, v16;
	v8 =	vld [tilespmem:$0x1FF40]  }
0x272: {  	v60 =	vmul.f32 v50, v50;
	v0 =	vmul.f32 v0, v0;
	s6 =	sand.u32 $0xD, s31;
	s31 =	spop (v2sf)  }
0x273: {  	v62 =	vmul.f32 v40, v40;
	v53 =	vmov s6;
	s31 =	ssub.f32 s28, s31;
	v5 =	vadd.f32 v5, v6;
	v6 =	vld [tilespmem:$0x1FF50]  }
0x274: {  	s2 =	ssub.f32 s2, s7;
	vm1 =	veq.s32 v53, v45;
	v9 =	vmul.f32 v59, v59;
	v3 =	vmul.f32 v3, v3  }
0x275: {  	s26 =	ssub.f32 s26, s29;
	v7 =	vsel vm0, s31, v7;
	v1 =	vadd.f32 v1, v4;
	v4 =	vmul.f32 v48, v48  }
0x276: {  	v7 =	vsel vm1, s2, v7;
	v3 =	vadd.f32 v9, v3;
	v8 =	vmul.f32 v8, v8  }
0x277: {  	v61 =	vmul.f32 v46, v46;
	s28 =	sadd.s32 $0x7, s24;
	v7 =	vsel vm14, s26, v7;
	v4 =	vadd.f32 v60, v4  }
0x278: {  	s2 =	sand.u32 $0xF, s28;
	v3 =	vadd.f32 v3, v8;
	v6 =	vmul.f32 v6, v6;
	v8 =	vmul.f32 v49, v49  }
0x279: {  	v63 =	vmov s2;
	v1 =	vadd.f32 v1, v5;
	v5 =	vmul.f32 v42, v42  }
0x27a: {  	v3 =	vadd.f32 v3, v6;
	v4 =	vadd.f32 v4, v8;
	v6 =	vmul.f32 v44, v44  }
0x27b: {  	vm15 =	veq.s32 v63, v45;
	v5 =	vadd.f32 v61, v5;
	s29 =	spop (v2sf);
	v8 =	vmul.f32 v43, v43  }
0x27c: {  	s31 =	spop (v2sf);
	v1 =	vadd.f32 v1, v3;
	v3 =	vmul.f32 v38, v38;
	v4 =	vadd.f32 v4, v6  }
0x27d: {  	s6 =	ssub.f32 s31, s29;
	v5 =	vadd.f32 v8, v5;
	v6 =	vmul.f32 v35, v35;
	v8 =	vmul.f32 v34, v34  }
0x27e: {  	v3 =	vadd.f32 v62, v3;
	v1 =	vadd.f32 v1, v4;
	v4 =	vmul.f32 v36, v36  }
0x27f: {  	v7 =	vsel vm15, s6, v7;
	v5 =	vadd.f32 v6, v5;
	v6 =	vmul.f32 v32, v32  }
0x280: {  	p0 =	sne.s32 s2, $0xF;
	v3 =	vadd.f32 v3, v8;
	v0 =	vadd.f32 v0, v4;
	v4 =	vmul.f32 v33, v33  }
0x281: {  	[tilespmem:s18+$0x0] =	vst @!p0 v7;
	p0 =	slt.u32 s25, $0x7C;
	v1 =	vadd.f32 v1, v5  }
.Ltmp1:
0x282: {  	v2 =	vmul.f32 v2, v2;
	v3 =	vadd.f32 v3, v6;
	v0 =	vadd.f32 v0, v4;
	(pc) =	sbr.rel @p0 .LBB2_4-.Ltmp1, $4  }
0x283: {  	_ = 	snop  }
0x284: {  	s23 =	sadd.s32 $0x100, s23;
	v1 =	vadd.f32 v3, v1;
	v0 =	vadd.f32 v0, v2  }
0x285: {  	s22 =	sadd.s32 $0x100, s22;
	s19 =	sadd.s32 $0x100, s19;
	s21 =	sadd.s32 $0x100, s21  }
0x286: {  	s20 =	sadd.s32 $0x100, s20;
	s24 =	smov.u32 s25;
	s18 =	sadd.s32 $0x4, s18;
	v0 =	vadd.f32 v0, v1  }
0x287: {  	s2 =	simm.s32 $0xA800;
	s6 =	simm.s32 $0x180  }
0x288: {  	[tilespmem:s2], [sflag:$0x3] =	stream.indirect.gather [hbm4b:s3+s17], $0x40, s6, s17, $0xb8;
	[tilespmem:$0x14A10] =	vst v63  }
0x289: {  	s23 =	simm.s32 $0xC800;
	s24 =	simm.s32 $0x380  }
0x28a: {  	[tilespmem:s23], [sflag:$0x3] =	stream.indirect.gather [hbm4b:s4+s17], $0x40, s24, s17, $0xb8;
	[tilespmem:$0x14A10] =	vst v63  }
0x28b: {  	s25 =	simm.s32 $0xE800  }
0x28c: {  	[tilespmem:s25], [sflag:$0x3] =	stream.indirect.gather [hbm4b:s5+s17], $0x40, s24, s17, $0xb8;
	[tilespmem:$0x14A10] =	vst v63  }
0x28d: {  	s26 =	simm.s32 $0x10800;
	s28 =	simm.s32 $0x580  }
0x28e: {  	[tilespmem:s26], [sflag:$0x3] =	stream.indirect.gather [hbm4b:s3+s17], $0x40, s28, s17, $0xb8;
	[tilespmem:$0x14A10] =	vst v63  }
0x28f: {  	s29 =	simm.s32 $0x12800;
	s31 =	simm.s32 $0x780  }
0x290: {  	[tilespmem:s29], [sflag:$0x3] =	stream.indirect.gather [hbm4b:s3+s17], $0x40, s31, s17, $0xb8;
	[tilespmem:$0x14A10] =	vst v63  }
0x291: {  	_ =	swait.ge [sflag:s0], $0x2000  }
0x292: {  	[sflag:s0] =	ssyncset.done $0x0  }
0x293: {  	[sflag:s0] =	ssyncadd.s32 $0xFFFFE000  }
0x294: {  	_ =	swait.ge [sflag:s0], $0x2000  }
0x295: {  	[sflag:s0] =	ssyncset.done $0x0  }
0x296: {  	[sflag:s0] =	ssyncadd.s32 $0xFFFFE000  }
0x297: {  	_ =	swait.ge [sflag:s0], $0x2000  }
0x298: {  	[sflag:s0] =	ssyncset.done $0x0  }
0x299: {  	[sflag:s0] =	ssyncadd.s32 $0xFFFFE000  }
0x29a: {  	_ =	swait.ge [sflag:s0], $0x2000  }
0x29b: {  	[sflag:s0] =	ssyncset.done $0x0  }
0x29c: {  	s18 =	simm.s32 $0x148F4;
	[sflag:s0] =	ssyncadd.s32 $0xFFFFE000  }
0x29d: {  	s19 =	simm.s32 $0x8880;
	s20 =	simm.s32 $0x2880;
	_ =	swait.ge [sflag:s0], $0x2000  }
0x29e: {  	s21 =	simm.s32 $0x6880;
	s22 =	simm.s32 $0x880;
	[sflag:s0] =	ssyncset.done $0x0  }
0x29f: {  	s23 =	simm.s32 $0x4880;
	s24 =	simm.s32 $0xFFFFFFFC;
	[sflag:s0] =	ssyncadd.s32 $0xFFFFE000  }
.LBB2_6:
0x2a0: {  	v1 =	vld [tilespmem:s23+$0x0]  }
0x2a1: {  	v2 =	vld [tilespmem:s22+$0x10]  }
0x2a2: {  	v13 =	vld [tilespmem:s23+$0x10]  }
0x2a3: {  	[tilespmem:$0x1FED0] =	vst v0;
	v0 =	vld [tilespmem:s22+$0x0]  }
0x2a4: {  	v4 =	vld [tilespmem:s22+$0x20]  }
0x2a5: {  	v15 =	vld [tilespmem:s23+$0x20]  }
0x2a6: {  	v5 =	vld [tilespmem:s22+$0x30]  }
0x2a7: {  	v16 =	vld [tilespmem:s23+$0x30]  }
0x2a8: {  	v6 =	vmul.f32 v13, v2;
	v3 =	vmul.f32 v1, v0  }
0x2a9: {  	[tilespmem:$0x1FF70] =	vst v7;
	v7 =	vmul.f32 v1, v1;
	v8 =	vmul.f32 v13, v13  }
0x2aa: {  	v3 =	vadd.f32 v6, v3;
	v6 =	vmul.f32 v15, v4  }
0x2ab: {  	v7 =	vadd.f32 v8, v7;
	v8 =	vmul.f32 v15, v15  }
0x2ac: {  	v3 =	vadd.f32 v6, v3;
	v6 =	vmul.f32 v16, v5  }
0x2ad: {  	v7 =	vadd.f32 v8, v7;
	v8 =	vmul.f32 v16, v16  }
0x2ae: {  	v3 =	vadd.f32 v6, v3  }
0x2af: {  	v6 =	vadd.f32 v8, v7  }
0x2b0: {  	(xrf2) =	vadd.scan.msk.f32 $0xffff, v3  }
0x2b1: {  	v7 =	vld [tilespmem:s19+$0x10];
	(xrf2) =	vadd.scan.msk.f32 $0xffff, v6  }
0x2b2: {  	v3 =	vld [tilespmem:s19+$0x0];
	_ =	sdelay $0x1  }
0x2b3: {  	v14 =	vld [tilespmem:s19+$0x20];
	_ =	sdelay $0x1  }
0x2b4: {  	v17 =	vld [tilespmem:s19+$0x30]  }
0x2b5: {  	v8 =	vmul.f32 v7, v13;
	v6 =	vmul.f32 v3, v1;
	_ =	sdelay $0x1  }
0x2b6: {  	v6 =	vadd.f32 v8, v6;
	v8 =	vmul.f32 v14, v15  }
0x2b7: {  	v9, _, _ =	vpop (xrf2)  }
0x2b8: {  	v6 =	vadd.f32 v8, v6;
	v8 =	vmul.f32 v17, v16;
	v10, _, _ =	vpop (xrf2)  }
0x2b9: {  	v10 =	vmax.f32 v10, $1.000000020e-24  }
0x2ba: {  	v6 =	vadd.f32 v8, v6;
	v10 =	vbroadcast v10, $0xF;
	_ =	sdelay $0x1  }
0x2bb: {  	(xrf2) =	vadd.scan.msk.f32 $0xffff, v6;
	(erf) = vrcp.f32 v10;
	_ =	sdelay $0x7  }
0x2bc: {  	v6 =	vbroadcast v9, $0xF  }
0x2bd: {  	v18 =	vpop (erf)  }
0x2be: {  	v8, _, _ =	vpop (xrf2);
	v19 =	vmul.f32 v18, v6  }
0x2bf: {  	v6 =	vbroadcast v8, $0xF;
	v8 =	vld [tilespmem:s20+$0x0]  }
0x2c0: {  	v24 =	vld [tilespmem:s20+$0x10];
	v52 =	vmul.f32 v19, v1  }
0x2c1: {  	v53 =	vld [tilespmem:s20+$0x20];
	v20 =	vmul.f32 v6, v18;
	v6 =	vmul.f32 v19, v13  }
0x2c2: {  	v12 =	vmul.f32 v19, v15;
	v11 =	vsub.f32 v0, v52  }
0x2c3: {  	v0 =	vmul.f32 v20, v1;
	v10 =	vsub.f32 v2, v6  }
0x2c4: {  	v23 =	vld [tilespmem:s21+$0x0];
	v2 =	vmul.f32 v20, v13;
	v12 =	vsub.f32 v4, v12;
	v21 =	vadd.f32 v11, v8  }
0x2c5: {  	[tilespmem:$0x1FE60] =	vst v24;
	v4 =	vmul.f32 v20, v15;
	v0 =	vsub.f32 v3, v0;
	v3 =	vld [tilespmem:s20+$0x30];
	v24 =	vadd.f32 v10, v24  }
0x2c6: {  	v54 =	vld [tilespmem:s21+$0x10];
	v6 =	vsub.f32 v7, v2;
	v2 =	vmul.f32 v19, v16;
	v25 =	vadd.f32 v12, v53  }
0x2c7: {  	[tilespmem:$0x1FE90] =	vst v0;
	v22 =	vsub.f32 v21, v0;
	v0 =	vsub.f32 v14, v4  }
0x2c8: {  	v55 =	vld [tilespmem:s21+$0x20];
	v26 =	vsub.f32 v24, v6;
	v14 =	vsub.f32 v5, v2;
	v2 =	vmul.f32 v20, v16  }
0x2c9: {  	v22 =	vmul.f32 v22, v22;
	v27 =	vsub.f32 v25, v0  }
0x2ca: {  	[tilespmem:$0x1FEB0] =	vst v0;
	v26 =	vmul.f32 v26, v26;
	v0 =	vsub.f32 v17, v2;
	v2 =	vld [tilespmem:s21+$0x30];
	v28 =	vadd.f32 v14, v3  }
0x2cb: {  	v56 =	vmul.f32 v23, v1;
	v29 =	vmul.f32 v54, v13  }
0x2cc: {  	v22 =	vadd.f32 v26, v22;
	v57 =	vmul.f32 v27, v27;
	v58 =	vsub.f32 v28, v0  }
0x2cd: {  	v59 =	vmul.f32 v55, v15;
	v17 =	vadd.f32 v29, v56  }
0x2ce: {  	v22 =	vadd.f32 v22, v57;
	v60 =	vmul.f32 v58, v58  }
0x2cf: {  	v17 =	vadd.f32 v59, v17;
	v61 =	vmul.f32 v2, v16  }
0x2d0: {  	v22 =	vadd.f32 v22, v60  }
0x2d1: {  	v17 =	vadd.f32 v61, v17  }
0x2d2: {  	(xrf2) =	vadd.scan.msk.f32 $0xffff, v22  }
0x2d3: {  	(xrf2) =	vadd.scan.msk.f32 $0xffff, v17;
	_ =	sdelay $0x8  }
0x2d4: {  	v32, _, _ =	vpop (xrf2)  }
0x2d5: {  	v17, _, _ =	vpop (xrf2)  }
0x2d6: {  	v17 =	vbroadcast v17, $0xF;
	_ =	sdelay $0x1  }
0x2d7: {  	v62 =	vmul.f32 v17, v18  }
0x2d8: {  	v30 =	vld [tilespmem:s23+$0xFFFFFFD0]  }
0x2d9: {  	v9 =	vld [tilespmem:s22+$0xFFFFFFD0];
	v1 =	vmul.f32 v62, v1;
	v13 =	vmul.f32 v62, v13  }
0x2da: {  	v63 =	vld [tilespmem:s22+$0xFFFFFFC0];
	v15 =	vmul.f32 v62, v15  }
0x2db: {  	v29 =	vld [tilespmem:s23+$0xFFFFFFC0];
	v17 =	vsub.f32 v23, v1;
	v18 =	vsub.f32 v54, v13  }
0x2dc: {  	v31 =	vld [tilespmem:s23+$0xFFFFFFE0];
	v16 =	vmul.f32 v62, v16;
	v15 =	vsub.f32 v55, v15  }
0x2dd: {  	v20 =	vld [tilespmem:s22+$0xFFFFFFE0];
	v1 =	vsub.f32 v21, v17;
	v19 =	vsub.f32 v24, v18  }
0x2de: {  	v36 =	vld [tilespmem:s22+$0xFFFFFFF0];
	v41 =	vmul.f32 v30, v30;
	v38 =	vmul.f32 v30, v9;
	v16 =	vsub.f32 v2, v16  }
0x2df: {  	v2 =	vld [tilespmem:s23+$0xFFFFFFF0];
	v35 =	vsub.f32 v25, v15;
	v1 =	vmul.f32 v1, v1;
	v19 =	vmul.f32 v19, v19  }
0x2e0: {  	v37 =	vmul.f32 v29, v63;
	v40 =	vmul.f32 v29, v29  }
0x2e1: {  	v39 =	vsub.f32 v28, v16;
	v21 =	vmul.f32 v35, v35;
	v1 =	vadd.f32 v19, v1  }
0x2e2: {  	v45 =	vmul.f32 v31, v31;
	v42 =	vmul.f32 v31, v20;
	v19 =	vadd.f32 v38, v37  }
0x2e3: {  	v44 =	vadd.f32 v41, v40;
	v43 =	vmul.f32 v39, v39;
	v1 =	vadd.f32 v1, v21  }
0x2e4: {  	v46 =	vmul.f32 v2, v36;
	v19 =	vadd.f32 v42, v19  }
0x2e5: {  	v47 =	vadd.f32 v45, v44;
	v48 =	vmul.f32 v2, v2;
	v1 =	vadd.f32 v1, v43  }
0x2e6: {  	v19 =	vadd.f32 v46, v19  }
0x2e7: {  	v49 =	vld [tilespmem:s19+$0xFFFFFFC0];
	(xrf2) =	vadd.scan.msk.f32 $0xffff, v1;
	v1 =	vadd.f32 v48, v47  }
0x2e8: {  	v50 =	vld [tilespmem:s19+$0xFFFFFFD0];
	(xrf2) =	vadd.scan.msk.f32 $0xffff, v19  }
0x2e9: {  	(xrf2) =	vadd.scan.msk.f32 $0xffff, v1  }
0x2ea: {  	v51 =	vld [tilespmem:s19+$0xFFFFFFE0];
	_ =	sdelay $0x1  }
0x2eb: {  	v37 =	vld [tilespmem:s19+$0xFFFFFFF0]  }
0x2ec: {  	[tilespmem:$0x1FE70] =	vst v53;
	v53 =	vmul.f32 v50, v30;
	v52 =	vmul.f32 v49, v29;
	_ =	sdelay $0x1  }
0x2ed: {  	v22 =	vadd.f32 v53, v52;
	v54 =	vmul.f32 v51, v31;
	_ =	sdelay $0x1  }
0x2ee: {  	v22 =	vadd.f32 v54, v22;
	v57 =	vmul.f32 v37, v2;
	v4, _, _ =	vpop (xrf2)  }
0x2ef: {  	v55, _, _ =	vpop (xrf2)  }
0x2f0: {  	v22 =	vadd.f32 v57, v22;
	v56, _, _ =	vpop (xrf2)  }
0x2f1: {  	v25 =	vmax.f32 v56, $1.000000020e-24  }
0x2f2: {  	(xrf2) =	vadd.scan.msk.f32 $0xffff, v22;
	v25 =	vbroadcast v25, $0xF;
	_ =	sdelay $0x1  }
0x2f3: {  	(erf) = vrcp.f32 v25;
	_ =	sdelay $0x7  }
0x2f4: {  	v58 =	vbroadcast v55, $0xF;
	v59, _, _ =	vpop (xrf2)  }
0x2f5: {  	v38 =	vpop (erf)  }
0x2f6: {  	v60 =	vbroadcast v59, $0xF;
	v39 =	vmul.f32 v38, v58  }
0x2f7: {  	v26 =	vld [tilespmem:s20+$0xFFFFFFC0]  }
0x2f8: {  	v25 =	vld [tilespmem:s20+$0xFFFFFFD0];
	v40 =	vmul.f32 v60, v38;
	v61 =	vmul.f32 v39, v29  }
0x2f9: {  	v62 =	vmul.f32 v39, v30  }
0x2fa: {  	v22 =	vmul.f32 v40, v29;
	v33 =	vsub.f32 v63, v61  }
0x2fb: {  	v24 =	vld [tilespmem:s20+$0xFFFFFFE0];
	v27 =	vmul.f32 v40, v31;
	v63 =	vmul.f32 v39, v31;
	v35 =	vsub.f32 v9, v62  }
0x2fc: {  	v23 =	vld [tilespmem:s20+$0xFFFFFFF0];
	v19 =	vsub.f32 v49, v22;
	v9 =	vmul.f32 v40, v30;
	v41 =	vadd.f32 v33, v26  }
0x2fd: {  	v43 =	vld [tilespmem:s21+$0xFFFFFFC0];
	v48 =	vmul.f32 v39, v2;
	v34 =	vsub.f32 v20, v63;
	v44 =	vadd.f32 v35, v25  }
0x2fe: {  	v49 =	vld [tilespmem:s21+$0xFFFFFFD0];
	v22 =	vsub.f32 v50, v9;
	v20 =	vsub.f32 v51, v27  }
0x2ff: {  	v27 =	vsub.f32 v36, v48;
	v42 =	vsub.f32 v41, v19  }
0x300: {  	v50 =	vmul.f32 v40, v2;
	v51 =	vld [tilespmem:s21+$0xFFFFFFE0];
	v45 =	vadd.f32 v34, v24;
	v21 =	vsub.f32 v44, v22  }
0x301: {  	v46 =	vadd.f32 v27, v23;
	v52 =	vmul.f32 v42, v42  }
0x302: {  	v55 =	vld [tilespmem:s21+$0xFFFFFFF0];
	v53 =	vsub.f32 v45, v20;
	v54 =	vmul.f32 v21, v21;
	v21 =	vsub.f32 v37, v50  }
0x303: {  	v56 =	vmul.f32 v43, v29;
	v47 =	vmul.f32 v49, v30  }
0x304: {  	v36 =	vadd.f32 v54, v52;
	v40 =	vmul.f32 v53, v53;
	v57 =	vsub.f32 v46, v21  }
0x305: {  	v37 =	vadd.f32 v47, v56;
	v58 =	vmul.f32 v51, v31  }
0x306: {  	v36 =	vadd.f32 v36, v40;
	v59 =	vmul.f32 v57, v57  }
0x307: {  	v60 =	vmul.f32 v55, v2;
	v37 =	vadd.f32 v58, v37  }
0x308: {  	v36 =	vadd.f32 v36, v59  }
0x309: {  	v37 =	vadd.f32 v60, v37  }
0x30a: {  	(xrf2) =	vadd.scan.msk.f32 $0xffff, v36  }
0x30b: {  	(xrf2) =	vadd.scan.msk.f32 $0xffff, v37;
	_ =	sdelay $0x8  }
0x30c: {  	v37, _, _ =	vpop (xrf2)  }
0x30d: {  	v61, _, _ =	vpop (xrf2)  }
0x30e: {  	v36 =	vbroadcast v61, $0xF;
	_ =	sdelay $0x1  }
0x30f: {  	v36 =	vmul.f32 v36, v38  }
0x310: {  	v39 =	vld [tilespmem:s22+$0xFFFFFF90]  }
0x311: {  	v50 =	vld [tilespmem:s23+$0xFFFFFF90];
	v29 =	vmul.f32 v36, v29;
	v38 =	vmul.f32 v36, v30  }
0x312: {  	v47 =	vld [tilespmem:s23+$0xFFFFFF80];
	v62 =	vmul.f32 v36, v31  }
0x313: {  	v40 =	vld [tilespmem:s22+$0xFFFFFF80];
	v30 =	vsub.f32 v43, v29;
	v31 =	vsub.f32 v49, v38  }
0x314: {  	v2 =	vmul.f32 v36, v2;
	v36 =	vld [tilespmem:s23+$0xFFFFFFA0];
	v28 =	vsub.f32 v51, v62  }
0x315: {  	v29 =	vsub.f32 v41, v30;
	v38 =	vsub.f32 v44, v31;
	v41 =	vld [tilespmem:s22+$0xFFFFFFA0]  }
0x316: {  	v53 =	vmul.f32 v50, v39;
	v48 =	vmul.f32 v50, v50;
	v42 =	vsub.f32 v45, v28;
	v45 =	vld [tilespmem:s22+$0xFFFFFFB0]  }
0x317: {  	v63 =	vmul.f32 v29, v29;
	v38 =	vmul.f32 v38, v38;
	v29 =	vsub.f32 v55, v2;
	v2 =	vld [tilespmem:s23+$0xFFFFFFB0]  }
0x318: {  	v52 =	vmul.f32 v47, v40;
	v42 =	vmul.f32 v42, v42  }
0x319: {  	v55 =	vmul.f32 v47, v47;
	v9 =	vadd.f32 v38, v63;
	v54 =	vsub.f32 v46, v29  }
0x31a: {  	v59 =	vmul.f32 v36, v36;
	v38 =	vadd.f32 v53, v52;
	v56 =	vmul.f32 v36, v41  }
0x31b: {  	v58 =	vadd.f32 v48, v55;
	v13 =	vadd.f32 v9, v42;
	v57 =	vmul.f32 v54, v54  }
0x31c: {  	v38 =	vadd.f32 v56, v38;
	v60 =	vmul.f32 v2, v45  }
0x31d: {  	v61 =	vadd.f32 v59, v58;
	v62 =	vmul.f32 v2, v2;
	v13 =	vadd.f32 v13, v57  }
0x31e: {  	v38 =	vadd.f32 v60, v38  }
0x31f: {  	v9 =	vld [tilespmem:s19+$0xFFFFFF90];
	v63 =	vadd.f32 v62, v61;
	(xrf2) =	vadd.scan.msk.f32 $0xffff, v13  }
0x320: {  	v13 =	vld [tilespmem:s19+$0xFFFFFF80];
	(xrf2) =	vadd.scan.msk.f32 $0xffff, v38  }
0x321: {  	(xrf2) =	vadd.scan.msk.f32 $0xffff, v63  }
0x322: {  	v43 =	vld [tilespmem:s19+$0xFFFFFFA0];
	_ =	sdelay $0x1  }
0x323: {  	v46 =	vld [tilespmem:s19+$0xFFFFFFB0]  }
0x324: {  	v54 =	vmul.f32 v9, v50;
	v53 =	vmul.f32 v13, v47;
	_ =	sdelay $0x1  }
0x325: {  	v55 =	vmul.f32 v43, v36;
	v44 =	vadd.f32 v54, v53;
	_ =	sdelay $0x1  }
0x326: {  	v56 =	vmul.f32 v46, v2;
	v44 =	vadd.f32 v55, v44;
	v38, _, _ =	vpop (xrf2)  }
0x327: {  	v49, _, _ =	vpop (xrf2)  }
0x328: {  	v44 =	vadd.f32 v56, v44;
	v51, _, _ =	vpop (xrf2)  }
0x329: {  	v51 =	vmax.f32 v51, $1.000000020e-24  }
0x32a: {  	(xrf2) =	vadd.scan.msk.f32 $0xffff, v44;
	v51 =	vbroadcast v51, $0xF;
	_ =	sdelay $0x1  }
0x32b: {  	(erf) = vrcp.f32 v51;
	_ =	sdelay $0x7  }
0x32c: {  	v57 =	vbroadcast v49, $0xF;
	v58, _, _ =	vpop (xrf2)  }
0x32d: {  	v59 =	vbroadcast v58, $0xF;
	v51 =	vpop (erf)  }
0x32e: {  	v52 =	vmul.f32 v51, v57  }
0x32f: {  	v48 =	vld [tilespmem:s20+$0xFFFFFF80];
	v53 =	vmul.f32 v59, v51  }
0x330: {  	v54 =	vld [tilespmem:s20+$0xFFFFFF90];
	v60 =	vmul.f32 v52, v47  }
0x331: {  	v61 =	vmul.f32 v52, v50;
	v62 =	vmul.f32 v53, v47  }
0x332: {  	v63 =	vmul.f32 v53, v50;
	v55 =	vsub.f32 v40, v60  }
0x333: {  	v49 =	vld [tilespmem:s20+$0xFFFFFFA0];
	v56 =	vsub.f32 v39, v61;
	v40 =	vsub.f32 v13, v62  }
0x334: {  	v44 =	vld [tilespmem:s20+$0xFFFFFFB0];
	v13 =	vmul.f32 v52, v36;
	v42 =	vsub.f32 v9, v63;
	v9 =	vmul.f32 v53, v36  }
0x335: {  	v59 =	vld [tilespmem:s21+$0xFFFFFF80];
	v57 =	vadd.f32 v55, v48;
	v58 =	vadd.f32 v56, v54  }
0x336: {  	v13 =	vsub.f32 v41, v13;
	v41 =	vmul.f32 v52, v2;
	v52 =	vld [tilespmem:s21+$0xFFFFFF90];
	v43 =	vsub.f32 v43, v9  }
0x337: {  	v9 =	vmul.f32 v53, v2;
	v60 =	vsub.f32 v57, v40;
	v61 =	vsub.f32 v58, v42  }
0x338: {  	v53 =	vadd.f32 v13, v49;
	v62 =	vsub.f32 v45, v41;
	v45 =	vld [tilespmem:s21+$0xFFFFFFA0]  }
0x339: {  	v46 =	vsub.f32 v46, v9;
	v41 =	vmul.f32 v60, v60  }
0x33a: {  	v63 =	vld [tilespmem:s21+$0xFFFFFFB0];
	v39 =	vmul.f32 v61, v61;
	v9 =	vsub.f32 v53, v43;
	v61 =	vadd.f32 v62, v44  }
0x33b: {  	[tilespmem:$0x1FEC0] =	vst v0;
	v1 =	vmul.f32 v59, v47;
	v0 =	vmul.f32 v52, v50  }
0x33c: {  	v39 =	vadd.f32 v39, v41;
	v41 =	vmul.f32 v9, v9;
	v9 =	vsub.f32 v61, v46  }
0x33d: {  	v0 =	vadd.f32 v0, v1;
	v1 =	vmul.f32 v45, v36  }
0x33e: {  	v39 =	vadd.f32 v39, v41;
	v9 =	vmul.f32 v9, v9  }
0x33f: {  	v0 =	vadd.f32 v1, v0;
	v1 =	vmul.f32 v63, v2  }
0x340: {  	v39 =	vadd.f32 v39, v9  }
0x341: {  	v0 =	vadd.f32 v1, v0  }
0x342: {  	(xrf2) =	vadd.scan.msk.f32 $0xffff, v39  }
0x343: {  	(xrf2) =	vadd.scan.msk.f32 $0xffff, v0;
	_ =	sdelay $0x8  }
0x344: {  	v9, _, _ =	vpop (xrf2)  }
0x345: {  	v1, _, _ =	vpop (xrf2)  }
0x346: {  	v1 =	vbroadcast v1, $0xF;
	_ =	sdelay $0x1  }
0x347: {  	v1 =	vmul.f32 v1, v51;
	_ =	sdelay $0x1  }
0x348: {  	v60 =	vmul.f32 v1, v47;
	v47 =	vmul.f32 v1, v50  }
0x349: {  	v41 =	vld [tilespmem:s23+$0x50];
	v36 =	vmul.f32 v1, v36  }
0x34a: {  	v39 =	vld [tilespmem:s23+$0x40];
	v50 =	vsub.f32 v59, v60;
	v51 =	vsub.f32 v52, v47  }
0x34b: {  	v1 =	vmul.f32 v1, v2;
	v36 =	vsub.f32 v45, v36  }
0x34c: {  	v45 =	vld [tilespmem:s23+$0x60];
	v59 =	vsub.f32 v57, v50;
	v52 =	vsub.f32 v58, v51  }
0x34d: {  	v7 =	vsub.f32 v63, v1  }
0x34e: {  	v47 =	vld [tilespmem:s23+$0x70];
	v53 =	vsub.f32 v53, v36;
	v2 =	vmul.f32 v59, v59;
	v52 =	vmul.f32 v52, v52  }
0x34f: {  	v60 =	vmul.f32 v41, v41;
	v57 =	vmul.f32 v39, v39  }
0x350: {  	v63 =	vsub.f32 v61, v7;
	v2 =	vadd.f32 v52, v2;
	v52 =	vmul.f32 v53, v53  }
0x351: {  	[tilespmem:$0x1FE50] =	vst v8;
	v8 =	vld [tilespmem:s21+$0x40];
	v57 =	vadd.f32 v60, v57;
	v60 =	vmul.f32 v45, v45  }
0x352: {  	(v2sf) =	vpush v32, $0xF;
	v32 =	vld [tilespmem:s21+$0x60];
	v61 =	vmul.f32 v63, v63;
	v2 =	vadd.f32 v2, v52  }
0x353: {  	v58 =	vld [tilespmem:s22+$0x50];
	v63 =	vmul.f32 v47, v47;
	v57 =	vadd.f32 v60, v57  }
0x354: {  	v53 =	vld [tilespmem:s22+$0x40];
	v2 =	vadd.f32 v2, v61  }
0x355: {  	v60 =	vld [tilespmem:s19+$0x40];
	v57 =	vadd.f32 v63, v57  }
0x356: {  	v52 =	vld [tilespmem:s22+$0x60];
	(xrf2) =	vadd.scan.msk.f32 $0xffff, v2  }
0x357: {  	(xrf2) =	vadd.scan.msk.f32 $0xffff, v57;
	v57 =	vld [tilespmem:s21+$0x50]  }
0x358: {  	v61 =	vld [tilespmem:s19+$0x50]  }
0x359: {  	v59 =	vld [tilespmem:s22+$0x70];
	v0 =	vmul.f32 v58, v41;
	v63 =	vmul.f32 v53, v39  }
0x35a: {  	[tilespmem:$0x1FEA0] =	vst v6;
	(v2sf) =	vpush v4, $0xF;
	v6 =	vmul.f32 v55, v55;
	v55 =	vld [tilespmem:s19+$0x60]  }
0x35b: {  	[tilespmem:$0x1FE80] =	vst v3;
	v56 =	vmul.f32 v56, v56;
	v3 =	vadd.f32 v0, v63;
	v63 =	vld [tilespmem:s21+$0x70];
	v2 =	vmul.f32 v52, v45  }
0x35c: {  	(v2sf) =	vpush v37, $0xF;
	v37 =	vld [tilespmem:s19+$0x70];
	v1 =	vmul.f32 v8, v39;
	v0 =	vmul.f32 v57, v41  }
0x35d: {  	v5 =	vadd.f32 v2, v3;
	v3 =	vmul.f32 v60, v39;
	v2 =	vmul.f32 v61, v41  }
0x35e: {  	v4 =	vadd.f32 v0, v1;
	v1 =	vmul.f32 v59, v47;
	v0 =	vmul.f32 v32, v45  }
0x35f: {  	v6 =	vadd.f32 v56, v6;
	v56 =	vmul.f32 v55, v45;
	v2 =	vadd.f32 v2, v3  }
0x360: {  	v1 =	vadd.f32 v1, v5;
	v0 =	vadd.f32 v0, v4;
	v5 =	vmul.f32 v63, v47  }
0x361: {  	v2 =	vadd.f32 v56, v2;
	v56 =	vmul.f32 v37, v47  }
0x362: {  	v3, _, _ =	vpop (xrf2);
	v0 =	vadd.f32 v5, v0;
	v5 =	vmul.f32 v48, v48;
	v48 =	vmul.f32 v54, v54  }
0x363: {  	v2 =	vadd.f32 v56, v2;
	v4, _, _ =	vpop (xrf2);
	(xrf2) =	vadd.scan.msk.f32 $0xffff, v1;
	v1 =	vmul.f32 v13, v13  }
0x364: {  	v4 =	vmax.f32 v4, $1.000000020e-24;
	(xrf2) =	vadd.scan.msk.f32 $0xffff, v0;
	v0 =	vadd.f32 v48, v5;
	v5 =	vmul.f32 v50, v50  }
0x365: {  	v1 =	vadd.f32 v6, v1;
	v6 =	vmul.f32 v51, v51;
	(xrf2) =	vadd.scan.msk.f32 $0xffff, v2;
	v2 =	vmul.f32 v62, v62  }
0x366: {  	v4 =	vbroadcast v4, $0xF  }
0x367: {  	v1 =	vadd.f32 v1, v2;
	v2 =	vadd.f32 v6, v5;
	v6 =	vld [tilespmem:$0x1FED0]  }
0x368: {  	(erf) = vrcp.f32 v4  }
0x369: {  	v4 =	vmul.f32 v49, v49;
	_ =	sdelay $0x1  }
0x36a: {  	(v2sf) =	vpush v38, $0xF;
	v0 =	vadd.f32 v4, v0;
	v4 =	vmul.f32 v44, v44  }
0x36b: {  	v5 =	vmul.f32 v36, v36;
	v1 =	vadd.f32 v1, v6;
	v6 =	vmul.f32 v40, v40  }
0x36c: {  	v54 =	vmul.f32 v42, v42;
	v0 =	vadd.f32 v4, v0;
	v4 =	vmul.f32 v7, v7  }
0x36d: {  	(v2sf) =	vpush v9, $0xF;
	v2 =	vadd.f32 v2, v5  }
0x36e: {  	(v2sf) =	vpush v3, $0xF;
	v5 =	vmul.f32 v43, v43;
	v3 =	vadd.f32 v54, v6  }
0x36f: {  	v0 =	vadd.f32 v1, v0;
	v1 =	vadd.f32 v2, v4;
	v6, _, _ =	vpop (xrf2)  }
0x370: {  	v4 =	vpop (erf);
	v2 =	vadd.f32 v3, v5;
	v3 =	vmul.f32 v46, v46;
	v5 =	vbroadcast v6, $0xF  }
0x371: {  	v0 =	vadd.f32 v1, v0;
	v1 =	vmul.f32 v33, v33;
	v6 =	vmul.f32 v35, v35;
	v7, _, _ =	vpop (xrf2)  }
0x372: {  	v2 =	vadd.f32 v2, v3;
	v3 =	vbroadcast v7, $0xF;
	v7, _, _ =	vpop (xrf2);
	v5 =	vmul.f32 v5, v4  }
0x373: {  	v1 =	vadd.f32 v6, v1;
	v6 =	vmul.f32 v34, v34;
	v7 =	vbroadcast v7, $0xF  }
0x374: {  	v56 =	vadd.f32 v0, v2;
	v0 =	vmul.f32 v3, v4;
	v2 =	vmul.f32 v5, v39  }
0x375: {  	v1 =	vadd.f32 v1, v6;
	v3 =	vmul.f32 v7, v4;
	v4 =	vmul.f32 v5, v41  }
0x376: {  	v6 =	vmul.f32 v0, v41;
	v48 =	vsub.f32 v53, v2;
	v2 =	vmul.f32 v5, v45  }
0x377: {  	v42 =	vld [tilespmem:s20+$0x40];
	v5 =	vmul.f32 v5, v47;
	v50 =	vsub.f32 v58, v4  }
0x378: {  	v46 =	vld [tilespmem:s20+$0x50];
	v4 =	vmul.f32 v0, v39;
	v40 =	vsub.f32 v57, v6;
	v49 =	vsub.f32 v52, v2  }
0x379: {  	v43 =	vld [tilespmem:s20+$0x60];
	v44 =	vsub.f32 v59, v5;
	v2 =	vmul.f32 v0, v45;
	v0 =	vmul.f32 v0, v47  }
0x37a: {  	v35 =	vld [tilespmem:s20+$0x70];
	v38 =	vsub.f32 v8, v4;
	v4 =	vmul.f32 v3, v41;
	v5 =	vmul.f32 v3, v45  }
0x37b: {  	v34 =	vsub.f32 v32, v2;
	v2 =	vmul.f32 v3, v39;
	v32 =	vsub.f32 v63, v0  }
0x37c: {  	v3 =	vmul.f32 v3, v47;
	v0 =	vsub.f32 v61, v4;
	v33 =	vsub.f32 v55, v5  }
0x37d: {  	v4 =	vadd.f32 v46, v50;
	v36 =	vsub.f32 v60, v2  }
0x37e: {  	v2 =	vsub.f32 v37, v3;
	v3 =	vadd.f32 v42, v48  }
0x37f: {  	v5 =	vadd.f32 v43, v49;
	v6 =	vadd.f32 v35, v44  }
0x380: {  	v41 =	vmul.f32 v31, v31;
	v8 =	vsub.f32 v4, v40;
	v7 =	vsub.f32 v3, v38  }
0x381: {  	v45 =	vlaneseq.u32;
	v4 =	vsub.f32 v4, v0;
	v3 =	vsub.f32 v3, v36  }
0x382: {  	v62 =	vsub.f32 v5, v34;
	v8 =	vmul.f32 v8, v8;
	v7 =	vmul.f32 v7, v7  }
0x383: {  	v5 =	vsub.f32 v5, v33;
	v4 =	vmul.f32 v4, v4;
	v3 =	vmul.f32 v3, v3  }
0x384: {  	v61 =	vmul.f32 v26, v26;
	v63 =	vsub.f32 v6, v32;
	v7 =	vadd.f32 v8, v7  }
0x385: {  	v8 =	vmul.f32 v62, v62;
	v3 =	vadd.f32 v4, v3;
	v4 =	vmul.f32 v5, v5  }
0x386: {  	v39 =	vmul.f32 v27, v27;
	v6 =	vsub.f32 v6, v2;
	v5 =	vmul.f32 v25, v25  }
0x387: {  	v7 =	vadd.f32 v7, v8;
	v8 =	vmul.f32 v63, v63;
	v3 =	vadd.f32 v3, v4  }
0x388: {  	v4 =	vmul.f32 v6, v6;
	v5 =	vadd.f32 v5, v61;
	v6 =	vmul.f32 v24, v24  }
0x389: {  	v1 =	vadd.f32 v1, v39;
	v7 =	vadd.f32 v7, v8;
	v8 =	vmul.f32 v30, v30  }
0x38a: {  	v3 =	vadd.f32 v3, v4;
	v5 =	vadd.f32 v6, v5;
	v6 =	vmul.f32 v23, v23  }
0x38b: {  	s25 =	sadd.s32 $0x4, s24;
	v47 =	vmul.f32 v22, v22;
	(xrf2) =	vadd.scan.msk.f32 $0xffff, v7;
	v7 =	vadd.f32 v41, v8;
	v8 =	vmul.f32 v28, v28  }
0x38c: {  	s6 =	sand.u32 $0xC, s25;
	v1 =	vadd.f32 v56, v1;
	v5 =	vadd.f32 v6, v5;
	(xrf2) =	vadd.scan.msk.f32 $0xffff, v3;
	v3 =	vmul.f32 v19, v19  }
0x38d: {  	v54 =	vld [tilespmem:$0x1FE60];
	v6 =	vadd.f32 v7, v8;
	v7 =	vmul.f32 v29, v29;
	v8 =	vmov s6  }
0x38e: {  	v51 =	vmul.f32 v20, v20;
	v3 =	vadd.f32 v47, v3;
	vm0 =	veq.s32 v8, v45;
	v8 =	vld [tilespmem:$0x1FE50]  }
0x38f: {  	v52 =	vmul.f32 v10, v10;
	v1 =	vadd.f32 v1, v5;
	v5 =	vadd.f32 v6, v7  }
0x390: {  	v6 =	vmul.f32 v21, v21;
	v7 =	vmul.f32 v11, v11;
	v3 =	vadd.f32 v3, v51  }
0x391: {  	v1 =	vadd.f32 v1, v5  }
0x392: {  	v5 =	vadd.f32 v52, v7;
	v3 =	vadd.f32 v3, v6;
	v6 =	vmul.f32 v12, v12  }
0x393: {  	v9 =	vmul.f32 v54, v54;
	v8 =	vmul.f32 v8, v8  }
0x394: {  	v1 =	vadd.f32 v1, v3;
	v3 =	vadd.f32 v5, v6;
	v5 =	vmul.f32 v14, v14  }
0x395: {  	v6 =	vadd.f32 v9, v8;
	v8 =	vld [tilespmem:$0x1FE70]  }
0x396: {  	v3 =	vadd.f32 v3, v5;
	v5 =	vld [tilespmem:$0x1FE80];
	_ =	sdelay $0x1  }
0x397: {  	s2 =	sadd.s32 $0x6, s24;
	s26 =	spop (v2sf);
	v55, _, _ =	vpop (xrf2)  }
0x398: {  	s2 =	sand.u32 $0xE, s2;
	s29 =	spop (v2sf);
	v58 =	vmul.f32 v18, v18;
	v57 =	vmul.f32 v17, v17;
	(v2sf) =	vpush v55, $0xF;
	v56, _, _ =	vpop (xrf2)  }
0x399: {  	v4 =	vmov s2;
	(v2sf) =	vpush v56, $0xF;
	v8 =	vmul.f32 v8, v8  }
0x39a: {  	v59 =	vld [tilespmem:$0x1FEA0];
	vm14 =	veq.s32 v4, v45;
	v1 =	vadd.f32 v1, v3;
	v5 =	vmul.f32 v5, v5  }
0x39b: {  	s2 =	spop (v2sf);
	v3 =	vld [tilespmem:$0x1FE90];
	v4 =	vadd.f32 v8, v6;
	v6 =	vadd.f32 v58, v57;
	v8 =	vmul.f32 v15, v15  }
0x39c: {  	s7 =	spop (v2sf);
	v7 =	vld [tilespmem:$0x1FF70]  }
0x39d: {  	s31 =	sadd.s32 $0x5, s24;
	s28 =	spop (v2sf);
	v4 =	vadd.f32 v5, v4;
	v5 =	vadd.f32 v6, v8;
	v6 =	vmul.f32 v16, v16;
	v8 =	vld [tilespmem:$0x1FEB0]  }
0x39e: {  	v60 =	vmul.f32 v50, v50;
	v0 =	vmul.f32 v0, v0;
	s6 =	sand.u32 $0xD, s31;
	s31 =	spop (v2sf)  }
0x39f: {  	v62 =	vmul.f32 v40, v40;
	v53 =	vmov s6;
	s31 =	ssub.f32 s28, s31;
	v5 =	vadd.f32 v5, v6;
	v6 =	vld [tilespmem:$0x1FEC0]  }
0x3a0: {  	s2 =	ssub.f32 s2, s7;
	vm1 =	veq.s32 v53, v45;
	v9 =	vmul.f32 v59, v59;
	v3 =	vmul.f32 v3, v3  }
0x3a1: {  	s26 =	ssub.f32 s26, s29;
	v7 =	vsel vm0, s31, v7;
	v1 =	vadd.f32 v1, v4;
	v4 =	vmul.f32 v48, v48  }
0x3a2: {  	v7 =	vsel vm1, s2, v7;
	v3 =	vadd.f32 v9, v3;
	v8 =	vmul.f32 v8, v8  }
0x3a3: {  	v61 =	vmul.f32 v46, v46;
	s28 =	sadd.s32 $0x7, s24;
	v7 =	vsel vm14, s26, v7;
	v4 =	vadd.f32 v60, v4  }
0x3a4: {  	s2 =	sand.u32 $0xF, s28;
	v3 =	vadd.f32 v3, v8;
	v6 =	vmul.f32 v6, v6;
	v8 =	vmul.f32 v49, v49  }
0x3a5: {  	v63 =	vmov s2;
	v1 =	vadd.f32 v1, v5;
	v5 =	vmul.f32 v42, v42  }
0x3a6: {  	v3 =	vadd.f32 v3, v6;
	v4 =	vadd.f32 v4, v8;
	v6 =	vmul.f32 v44, v44  }
0x3a7: {  	vm15 =	veq.s32 v63, v45;
	v5 =	vadd.f32 v61, v5;
	s29 =	spop (v2sf);
	v8 =	vmul.f32 v43, v43  }
0x3a8: {  	s31 =	spop (v2sf);
	v1 =	vadd.f32 v1, v3;
	v3 =	vmul.f32 v38, v38;
	v4 =	vadd.f32 v4, v6  }
0x3a9: {  	s6 =	ssub.f32 s31, s29;
	v5 =	vadd.f32 v8, v5;
	v6 =	vmul.f32 v35, v35;
	v8 =	vmul.f32 v34, v34  }
0x3aa: {  	v3 =	vadd.f32 v62, v3;
	v1 =	vadd.f32 v1, v4;
	v4 =	vmul.f32 v36, v36  }
0x3ab: {  	v7 =	vsel vm15, s6, v7;
	v5 =	vadd.f32 v6, v5;
	v6 =	vmul.f32 v32, v32  }
0x3ac: {  	p0 =	sne.s32 s2, $0xF;
	v3 =	vadd.f32 v3, v8;
	v0 =	vadd.f32 v0, v4;
	v4 =	vmul.f32 v33, v33  }
0x3ad: {  	[tilespmem:s18+$0x0] =	vst @!p0 v7;
	p0 =	slt.u32 s25, $0x7C;
	v1 =	vadd.f32 v1, v5  }
.Ltmp2:
0x3ae: {  	v2 =	vmul.f32 v2, v2;
	v3 =	vadd.f32 v3, v6;
	v0 =	vadd.f32 v0, v4;
	(pc) =	sbr.rel @p0 .LBB2_6-.Ltmp2, $4  }
0x3af: {  	_ = 	snop  }
0x3b0: {  	s23 =	sadd.s32 $0x100, s23;
	v1 =	vadd.f32 v3, v1;
	v0 =	vadd.f32 v0, v2  }
0x3b1: {  	s22 =	sadd.s32 $0x100, s22;
	s19 =	sadd.s32 $0x100, s19;
	s21 =	sadd.s32 $0x100, s21  }
0x3b2: {  	s20 =	sadd.s32 $0x100, s20;
	s24 =	smov.u32 s25;
	s18 =	sadd.s32 $0x4, s18;
	v0 =	vadd.f32 v0, v1  }
0x3b3: {  	_ =	swait.ge [sflag:s30], $0x2000  }
0x3b4: {  	[sflag:s30] =	ssyncset.done $0x0  }
0x3b5: {  	[sflag:s30] =	ssyncadd.s32 $0xFFFFE000  }
0x3b6: {  	_ =	swait.ge [sflag:s30], $0x2000  }
0x3b7: {  	[sflag:s30] =	ssyncset.done $0x0  }
0x3b8: {  	[sflag:s30] =	ssyncadd.s32 $0xFFFFE000  }
0x3b9: {  	_ =	swait.ge [sflag:s30], $0x2000  }
0x3ba: {  	[sflag:s30] =	ssyncset.done $0x0  }
0x3bb: {  	[sflag:s30] =	ssyncadd.s32 $0xFFFFE000  }
0x3bc: {  	_ =	swait.ge [sflag:s30], $0x2000  }
0x3bd: {  	[sflag:s30] =	ssyncset.done $0x0  }
0x3be: {  	s24 =	simm.s32 $0xFFFFFFFC;
	[sflag:s30] =	ssyncadd.s32 $0xFFFFE000  }
0x3bf: {  	s18 =	simm.s32 $0x14974;
	s19 =	simm.s32 $0x12880;
	_ =	swait.ge [sflag:s30], $0x2000  }
0x3c0: {  	s20 =	simm.s32 $0xC880;
	s21 =	simm.s32 $0x10880;
	[sflag:s30] =	ssyncset.done $0x0  }
0x3c1: {  	s22 =	simm.s32 $0xA880;
	s23 =	simm.s32 $0xE880;
	[sflag:s30] =	ssyncadd.s32 $0xFFFFE000  }
.LBB2_8:
0x3c2: {  	v1 =	vld [tilespmem:s23+$0x0]  }
0x3c3: {  	v2 =	vld [tilespmem:s22+$0x10]  }
0x3c4: {  	v13 =	vld [tilespmem:s23+$0x10]  }
0x3c5: {  	[tilespmem:$0x1FED0] =	vst v0;
	v0 =	vld [tilespmem:s22+$0x0]  }
0x3c6: {  	v4 =	vld [tilespmem:s22+$0x20]  }
0x3c7: {  	v15 =	vld [tilespmem:s23+$0x20]  }
0x3c8: {  	v5 =	vld [tilespmem:s22+$0x30]  }
0x3c9: {  	v16 =	vld [tilespmem:s23+$0x30]  }
0x3ca: {  	v6 =	vmul.f32 v13, v2;
	v3 =	vmul.f32 v1, v0  }
0x3cb: {  	[tilespmem:$0x1FF70] =	vst v7;
	v7 =	vmul.f32 v1, v1;
	v8 =	vmul.f32 v13, v13  }
0x3cc: {  	v3 =	vadd.f32 v6, v3;
	v6 =	vmul.f32 v15, v4  }
0x3cd: {  	v7 =	vadd.f32 v8, v7;
	v8 =	vmul.f32 v15, v15  }
0x3ce: {  	v3 =	vadd.f32 v6, v3;
	v6 =	vmul.f32 v16, v5  }
0x3cf: {  	v7 =	vadd.f32 v8, v7;
	v8 =	vmul.f32 v16, v16  }
0x3d0: {  	v3 =	vadd.f32 v6, v3  }
0x3d1: {  	v6 =	vadd.f32 v8, v7  }
0x3d2: {  	(xrf2) =	vadd.scan.msk.f32 $0xffff, v3  }
0x3d3: {  	v7 =	vld [tilespmem:s19+$0x10];
	(xrf2) =	vadd.scan.msk.f32 $0xffff, v6  }
0x3d4: {  	v3 =	vld [tilespmem:s19+$0x0];
	_ =	sdelay $0x1  }
0x3d5: {  	v14 =	vld [tilespmem:s19+$0x20];
	_ =	sdelay $0x1  }
0x3d6: {  	v17 =	vld [tilespmem:s19+$0x30]  }
0x3d7: {  	v8 =	vmul.f32 v7, v13;
	v6 =	vmul.f32 v3, v1;
	_ =	sdelay $0x1  }
0x3d8: {  	v6 =	vadd.f32 v8, v6;
	v8 =	vmul.f32 v14, v15  }
0x3d9: {  	v9, _, _ =	vpop (xrf2)  }
0x3da: {  	v6 =	vadd.f32 v8, v6;
	v8 =	vmul.f32 v17, v16;
	v10, _, _ =	vpop (xrf2)  }
0x3db: {  	v10 =	vmax.f32 v10, $1.000000020e-24  }
0x3dc: {  	v6 =	vadd.f32 v8, v6;
	v10 =	vbroadcast v10, $0xF;
	_ =	sdelay $0x1  }
0x3dd: {  	(xrf2) =	vadd.scan.msk.f32 $0xffff, v6;
	(erf) = vrcp.f32 v10;
	_ =	sdelay $0x7  }
0x3de: {  	v6 =	vbroadcast v9, $0xF  }
0x3df: {  	v18 =	vpop (erf)  }
0x3e0: {  	v8, _, _ =	vpop (xrf2);
	v19 =	vmul.f32 v18, v6  }
0x3e1: {  	v6 =	vbroadcast v8, $0xF;
	v8 =	vld [tilespmem:s20+$0x0]  }
0x3e2: {  	v24 =	vld [tilespmem:s20+$0x10];
	v52 =	vmul.f32 v19, v1  }
0x3e3: {  	v53 =	vld [tilespmem:s20+$0x20];
	v20 =	vmul.f32 v6, v18;
	v6 =	vmul.f32 v19, v13  }
0x3e4: {  	v12 =	vmul.f32 v19, v15;
	v11 =	vsub.f32 v0, v52  }
0x3e5: {  	v0 =	vmul.f32 v20, v1;
	v10 =	vsub.f32 v2, v6  }
0x3e6: {  	v23 =	vld [tilespmem:s21+$0x0];
	v2 =	vmul.f32 v20, v13;
	v12 =	vsub.f32 v4, v12;
	v21 =	vadd.f32 v11, v8  }
0x3e7: {  	[tilespmem:$0x1FDE0] =	vst v24;
	v4 =	vmul.f32 v20, v15;
	v0 =	vsub.f32 v3, v0;
	v3 =	vld [tilespmem:s20+$0x30];
	v24 =	vadd.f32 v10, v24  }
0x3e8: {  	v54 =	vld [tilespmem:s21+$0x10];
	v6 =	vsub.f32 v7, v2;
	v2 =	vmul.f32 v19, v16;
	v25 =	vadd.f32 v12, v53  }
0x3e9: {  	[tilespmem:$0x1FE10] =	vst v0;
	v22 =	vsub.f32 v21, v0;
	v0 =	vsub.f32 v14, v4  }
0x3ea: {  	v55 =	vld [tilespmem:s21+$0x20];
	v26 =	vsub.f32 v24, v6;
	v14 =	vsub.f32 v5, v2;
	v2 =	vmul.f32 v20, v16  }
0x3eb: {  	v22 =	vmul.f32 v22, v22;
	v27 =	vsub.f32 v25, v0  }
0x3ec: {  	[tilespmem:$0x1FE30] =	vst v0;
	v26 =	vmul.f32 v26, v26;
	v0 =	vsub.f32 v17, v2;
	v2 =	vld [tilespmem:s21+$0x30];
	v28 =	vadd.f32 v14, v3  }
0x3ed: {  	v56 =	vmul.f32 v23, v1;
	v29 =	vmul.f32 v54, v13  }
0x3ee: {  	v22 =	vadd.f32 v26, v22;
	v57 =	vmul.f32 v27, v27;
	v58 =	vsub.f32 v28, v0  }
0x3ef: {  	v59 =	vmul.f32 v55, v15;
	v17 =	vadd.f32 v29, v56  }
0x3f0: {  	v22 =	vadd.f32 v22, v57;
	v60 =	vmul.f32 v58, v58  }
0x3f1: {  	v17 =	vadd.f32 v59, v17;
	v61 =	vmul.f32 v2, v16  }
0x3f2: {  	v22 =	vadd.f32 v22, v60  }
0x3f3: {  	v17 =	vadd.f32 v61, v17  }
0x3f4: {  	(xrf2) =	vadd.scan.msk.f32 $0xffff, v22  }
0x3f5: {  	(xrf2) =	vadd.scan.msk.f32 $0xffff, v17;
	_ =	sdelay $0x8  }
0x3f6: {  	v32, _, _ =	vpop (xrf2)  }
0x3f7: {  	v17, _, _ =	vpop (xrf2)  }
0x3f8: {  	v17 =	vbroadcast v17, $0xF;
	_ =	sdelay $0x1  }
0x3f9: {  	v62 =	vmul.f32 v17, v18  }
0x3fa: {  	v30 =	vld [tilespmem:s23+$0xFFFFFFD0]  }
0x3fb: {  	v9 =	vld [tilespmem:s22+$0xFFFFFFD0];
	v1 =	vmul.f32 v62, v1;
	v13 =	vmul.f32 v62, v13  }
0x3fc: {  	v63 =	vld [tilespmem:s22+$0xFFFFFFC0];
	v15 =	vmul.f32 v62, v15  }
0x3fd: {  	v29 =	vld [tilespmem:s23+$0xFFFFFFC0];
	v17 =	vsub.f32 v23, v1;
	v18 =	vsub.f32 v54, v13  }
0x3fe: {  	v31 =	vld [tilespmem:s23+$0xFFFFFFE0];
	v16 =	vmul.f32 v62, v16;
	v15 =	vsub.f32 v55, v15  }
0x3ff: {  	v20 =	vld [tilespmem:s22+$0xFFFFFFE0];
	v1 =	vsub.f32 v21, v17;
	v19 =	vsub.f32 v24, v18  }
0x400: {  	v36 =	vld [tilespmem:s22+$0xFFFFFFF0];
	v41 =	vmul.f32 v30, v30;
	v38 =	vmul.f32 v30, v9;
	v16 =	vsub.f32 v2, v16  }
0x401: {  	v2 =	vld [tilespmem:s23+$0xFFFFFFF0];
	v35 =	vsub.f32 v25, v15;
	v1 =	vmul.f32 v1, v1;
	v19 =	vmul.f32 v19, v19  }
0x402: {  	v37 =	vmul.f32 v29, v63;
	v40 =	vmul.f32 v29, v29  }
0x403: {  	v39 =	vsub.f32 v28, v16;
	v21 =	vmul.f32 v35, v35;
	v1 =	vadd.f32 v19, v1  }
0x404: {  	v45 =	vmul.f32 v31, v31;
	v42 =	vmul.f32 v31, v20;
	v19 =	vadd.f32 v38, v37  }
0x405: {  	v44 =	vadd.f32 v41, v40;
	v43 =	vmul.f32 v39, v39;
	v1 =	vadd.f32 v1, v21  }
0x406: {  	v46 =	vmul.f32 v2, v36;
	v19 =	vadd.f32 v42, v19  }
0x407: {  	v47 =	vadd.f32 v45, v44;
	v48 =	vmul.f32 v2, v2;
	v1 =	vadd.f32 v1, v43  }
0x408: {  	v19 =	vadd.f32 v46, v19  }
0x409: {  	v49 =	vld [tilespmem:s19+$0xFFFFFFC0];
	(xrf2) =	vadd.scan.msk.f32 $0xffff, v1;
	v1 =	vadd.f32 v48, v47  }
0x40a: {  	v50 =	vld [tilespmem:s19+$0xFFFFFFD0];
	(xrf2) =	vadd.scan.msk.f32 $0xffff, v19  }
0x40b: {  	(xrf2) =	vadd.scan.msk.f32 $0xffff, v1  }
0x40c: {  	v51 =	vld [tilespmem:s19+$0xFFFFFFE0];
	_ =	sdelay $0x1  }
0x40d: {  	v37 =	vld [tilespmem:s19+$0xFFFFFFF0]  }
0x40e: {  	[tilespmem:$0x1FDF0] =	vst v53;
	v53 =	vmul.f32 v50, v30;
	v52 =	vmul.f32 v49, v29;
	_ =	sdelay $0x1  }
0x40f: {  	v22 =	vadd.f32 v53, v52;
	v54 =	vmul.f32 v51, v31;
	_ =	sdelay $0x1  }
0x410: {  	v22 =	vadd.f32 v54, v22;
	v57 =	vmul.f32 v37, v2;
	v4, _, _ =	vpop (xrf2)  }
0x411: {  	v55, _, _ =	vpop (xrf2)  }
0x412: {  	v22 =	vadd.f32 v57, v22;
	v56, _, _ =	vpop (xrf2)  }
0x413: {  	v25 =	vmax.f32 v56, $1.000000020e-24  }
0x414: {  	(xrf2) =	vadd.scan.msk.f32 $0xffff, v22;
	v25 =	vbroadcast v25, $0xF;
	_ =	sdelay $0x1  }
0x415: {  	(erf) = vrcp.f32 v25;
	_ =	sdelay $0x7  }
0x416: {  	v58 =	vbroadcast v55, $0xF;
	v59, _, _ =	vpop (xrf2)  }
0x417: {  	v38 =	vpop (erf)  }
0x418: {  	v60 =	vbroadcast v59, $0xF;
	v39 =	vmul.f32 v38, v58  }
0x419: {  	v26 =	vld [tilespmem:s20+$0xFFFFFFC0]  }
0x41a: {  	v25 =	vld [tilespmem:s20+$0xFFFFFFD0];
	v40 =	vmul.f32 v60, v38;
	v61 =	vmul.f32 v39, v29  }
0x41b: {  	v62 =	vmul.f32 v39, v30  }
0x41c: {  	v22 =	vmul.f32 v40, v29;
	v33 =	vsub.f32 v63, v61  }
0x41d: {  	v24 =	vld [tilespmem:s20+$0xFFFFFFE0];
	v27 =	vmul.f32 v40, v31;
	v63 =	vmul.f32 v39, v31;
	v35 =	vsub.f32 v9, v62  }
0x41e: {  	v23 =	vld [tilespmem:s20+$0xFFFFFFF0];
	v19 =	vsub.f32 v49, v22;
	v9 =	vmul.f32 v40, v30;
	v41 =	vadd.f32 v33, v26  }
0x41f: {  	v43 =	vld [tilespmem:s21+$0xFFFFFFC0];
	v48 =	vmul.f32 v39, v2;
	v34 =	vsub.f32 v20, v63;
	v44 =	vadd.f32 v35, v25  }
0x420: {  	v49 =	vld [tilespmem:s21+$0xFFFFFFD0];
	v22 =	vsub.f32 v50, v9;
	v20 =	vsub.f32 v51, v27  }
0x421: {  	v27 =	vsub.f32 v36, v48;
	v42 =	vsub.f32 v41, v19  }
0x422: {  	v50 =	vmul.f32 v40, v2;
	v51 =	vld [tilespmem:s21+$0xFFFFFFE0];
	v45 =	vadd.f32 v34, v24;
	v21 =	vsub.f32 v44, v22  }
0x423: {  	v46 =	vadd.f32 v27, v23;
	v52 =	vmul.f32 v42, v42  }
0x424: {  	v55 =	vld [tilespmem:s21+$0xFFFFFFF0];
	v53 =	vsub.f32 v45, v20;
	v54 =	vmul.f32 v21, v21;
	v21 =	vsub.f32 v37, v50  }
0x425: {  	v56 =	vmul.f32 v43, v29;
	v47 =	vmul.f32 v49, v30  }
0x426: {  	v36 =	vadd.f32 v54, v52;
	v40 =	vmul.f32 v53, v53;
	v57 =	vsub.f32 v46, v21  }
0x427: {  	v37 =	vadd.f32 v47, v56;
	v58 =	vmul.f32 v51, v31  }
0x428: {  	v36 =	vadd.f32 v36, v40;
	v59 =	vmul.f32 v57, v57  }
0x429: {  	v60 =	vmul.f32 v55, v2;
	v37 =	vadd.f32 v58, v37  }
0x42a: {  	v36 =	vadd.f32 v36, v59  }
0x42b: {  	v37 =	vadd.f32 v60, v37  }
0x42c: {  	(xrf2) =	vadd.scan.msk.f32 $0xffff, v36  }
0x42d: {  	(xrf2) =	vadd.scan.msk.f32 $0xffff, v37;
	_ =	sdelay $0x8  }
0x42e: {  	v37, _, _ =	vpop (xrf2)  }
0x42f: {  	v61, _, _ =	vpop (xrf2)  }
0x430: {  	v36 =	vbroadcast v61, $0xF;
	_ =	sdelay $0x1  }
0x431: {  	v36 =	vmul.f32 v36, v38  }
0x432: {  	v39 =	vld [tilespmem:s22+$0xFFFFFF90]  }
0x433: {  	v50 =	vld [tilespmem:s23+$0xFFFFFF90];
	v29 =	vmul.f32 v36, v29;
	v38 =	vmul.f32 v36, v30  }
0x434: {  	v47 =	vld [tilespmem:s23+$0xFFFFFF80];
	v62 =	vmul.f32 v36, v31  }
0x435: {  	v40 =	vld [tilespmem:s22+$0xFFFFFF80];
	v30 =	vsub.f32 v43, v29;
	v31 =	vsub.f32 v49, v38  }
0x436: {  	v2 =	vmul.f32 v36, v2;
	v36 =	vld [tilespmem:s23+$0xFFFFFFA0];
	v28 =	vsub.f32 v51, v62  }
0x437: {  	v29 =	vsub.f32 v41, v30;
	v38 =	vsub.f32 v44, v31;
	v41 =	vld [tilespmem:s22+$0xFFFFFFA0]  }
0x438: {  	v53 =	vmul.f32 v50, v39;
	v48 =	vmul.f32 v50, v50;
	v42 =	vsub.f32 v45, v28;
	v45 =	vld [tilespmem:s22+$0xFFFFFFB0]  }
0x439: {  	v63 =	vmul.f32 v29, v29;
	v38 =	vmul.f32 v38, v38;
	v29 =	vsub.f32 v55, v2;
	v2 =	vld [tilespmem:s23+$0xFFFFFFB0]  }
0x43a: {  	v52 =	vmul.f32 v47, v40;
	v42 =	vmul.f32 v42, v42  }
0x43b: {  	v55 =	vmul.f32 v47, v47;
	v9 =	vadd.f32 v38, v63;
	v54 =	vsub.f32 v46, v29  }
0x43c: {  	v59 =	vmul.f32 v36, v36;
	v38 =	vadd.f32 v53, v52;
	v56 =	vmul.f32 v36, v41  }
0x43d: {  	v58 =	vadd.f32 v48, v55;
	v13 =	vadd.f32 v9, v42;
	v57 =	vmul.f32 v54, v54  }
0x43e: {  	v38 =	vadd.f32 v56, v38;
	v60 =	vmul.f32 v2, v45  }
0x43f: {  	v61 =	vadd.f32 v59, v58;
	v62 =	vmul.f32 v2, v2;
	v13 =	vadd.f32 v13, v57  }
0x440: {  	v38 =	vadd.f32 v60, v38  }
0x441: {  	v9 =	vld [tilespmem:s19+$0xFFFFFF90];
	v63 =	vadd.f32 v62, v61;
	(xrf2) =	vadd.scan.msk.f32 $0xffff, v13  }
0x442: {  	v13 =	vld [tilespmem:s19+$0xFFFFFF80];
	(xrf2) =	vadd.scan.msk.f32 $0xffff, v38  }
0x443: {  	(xrf2) =	vadd.scan.msk.f32 $0xffff, v63  }
0x444: {  	v43 =	vld [tilespmem:s19+$0xFFFFFFA0];
	_ =	sdelay $0x1  }
0x445: {  	v46 =	vld [tilespmem:s19+$0xFFFFFFB0]  }
0x446: {  	v54 =	vmul.f32 v9, v50;
	v53 =	vmul.f32 v13, v47;
	_ =	sdelay $0x1  }
0x447: {  	v55 =	vmul.f32 v43, v36;
	v44 =	vadd.f32 v54, v53;
	_ =	sdelay $0x1  }
0x448: {  	v56 =	vmul.f32 v46, v2;
	v44 =	vadd.f32 v55, v44;
	v38, _, _ =	vpop (xrf2)  }
0x449: {  	v49, _, _ =	vpop (xrf2)  }
0x44a: {  	v44 =	vadd.f32 v56, v44;
	v51, _, _ =	vpop (xrf2)  }
0x44b: {  	v51 =	vmax.f32 v51, $1.000000020e-24  }
0x44c: {  	(xrf2) =	vadd.scan.msk.f32 $0xffff, v44;
	v51 =	vbroadcast v51, $0xF;
	_ =	sdelay $0x1  }
0x44d: {  	(erf) = vrcp.f32 v51;
	_ =	sdelay $0x7  }
0x44e: {  	v57 =	vbroadcast v49, $0xF;
	v58, _, _ =	vpop (xrf2)  }
0x44f: {  	v59 =	vbroadcast v58, $0xF;
	v51 =	vpop (erf)  }
0x450: {  	v52 =	vmul.f32 v51, v57  }
0x451: {  	v48 =	vld [tilespmem:s20+$0xFFFFFF80];
	v53 =	vmul.f32 v59, v51  }
0x452: {  	v54 =	vld [tilespmem:s20+$0xFFFFFF90];
	v60 =	vmul.f32 v52, v47  }
0x453: {  	v61 =	vmul.f32 v52, v50;
	v62 =	vmul.f32 v53, v47  }
0x454: {  	v63 =	vmul.f32 v53, v50;
	v55 =	vsub.f32 v40, v60  }
0x455: {  	v49 =	vld [tilespmem:s20+$0xFFFFFFA0];
	v56 =	vsub.f32 v39, v61;
	v40 =	vsub.f32 v13, v62  }
0x456: {  	v44 =	vld [tilespmem:s20+$0xFFFFFFB0];
	v13 =	vmul.f32 v52, v36;
	v42 =	vsub.f32 v9, v63;
	v9 =	vmul.f32 v53, v36  }
0x457: {  	v59 =	vld [tilespmem:s21+$0xFFFFFF80];
	v57 =	vadd.f32 v55, v48;
	v58 =	vadd.f32 v56, v54  }
0x458: {  	v13 =	vsub.f32 v41, v13;
	v41 =	vmul.f32 v52, v2;
	v52 =	vld [tilespmem:s21+$0xFFFFFF90];
	v43 =	vsub.f32 v43, v9  }
0x459: {  	v9 =	vmul.f32 v53, v2;
	v60 =	vsub.f32 v57, v40;
	v61 =	vsub.f32 v58, v42  }
0x45a: {  	v53 =	vadd.f32 v13, v49;
	v62 =	vsub.f32 v45, v41;
	v45 =	vld [tilespmem:s21+$0xFFFFFFA0]  }
0x45b: {  	v46 =	vsub.f32 v46, v9;
	v41 =	vmul.f32 v60, v60  }
0x45c: {  	v63 =	vld [tilespmem:s21+$0xFFFFFFB0];
	v39 =	vmul.f32 v61, v61;
	v9 =	vsub.f32 v53, v43;
	v61 =	vadd.f32 v62, v44  }
0x45d: {  	[tilespmem:$0x1FE40] =	vst v0;
	v1 =	vmul.f32 v59, v47;
	v0 =	vmul.f32 v52, v50  }
0x45e: {  	v39 =	vadd.f32 v39, v41;
	v41 =	vmul.f32 v9, v9;
	v9 =	vsub.f32 v61, v46  }
0x45f: {  	v0 =	vadd.f32 v0, v1;
	v1 =	vmul.f32 v45, v36  }
0x460: {  	v39 =	vadd.f32 v39, v41;
	v9 =	vmul.f32 v9, v9  }
0x461: {  	v0 =	vadd.f32 v1, v0;
	v1 =	vmul.f32 v63, v2  }
0x462: {  	v39 =	vadd.f32 v39, v9  }
0x463: {  	v0 =	vadd.f32 v1, v0  }
0x464: {  	(xrf2) =	vadd.scan.msk.f32 $0xffff, v39  }
0x465: {  	(xrf2) =	vadd.scan.msk.f32 $0xffff, v0;
	_ =	sdelay $0x8  }
0x466: {  	v9, _, _ =	vpop (xrf2)  }
0x467: {  	v1, _, _ =	vpop (xrf2)  }
0x468: {  	v1 =	vbroadcast v1, $0xF;
	_ =	sdelay $0x1  }
0x469: {  	v1 =	vmul.f32 v1, v51;
	_ =	sdelay $0x1  }
0x46a: {  	v60 =	vmul.f32 v1, v47;
	v47 =	vmul.f32 v1, v50  }
0x46b: {  	v41 =	vld [tilespmem:s23+$0x50];
	v36 =	vmul.f32 v1, v36  }
0x46c: {  	v39 =	vld [tilespmem:s23+$0x40];
	v50 =	vsub.f32 v59, v60;
	v51 =	vsub.f32 v52, v47  }
0x46d: {  	v1 =	vmul.f32 v1, v2;
	v36 =	vsub.f32 v45, v36  }
0x46e: {  	v45 =	vld [tilespmem:s23+$0x60];
	v59 =	vsub.f32 v57, v50;
	v52 =	vsub.f32 v58, v51  }
0x46f: {  	v7 =	vsub.f32 v63, v1  }
0x470: {  	v47 =	vld [tilespmem:s23+$0x70];
	v53 =	vsub.f32 v53, v36;
	v2 =	vmul.f32 v59, v59;
	v52 =	vmul.f32 v52, v52  }
0x471: {  	v60 =	vmul.f32 v41, v41;
	v57 =	vmul.f32 v39, v39  }
0x472: {  	v63 =	vsub.f32 v61, v7;
	v2 =	vadd.f32 v52, v2;
	v52 =	vmul.f32 v53, v53  }
0x473: {  	[tilespmem:$0x1FDD0] =	vst v8;
	v8 =	vld [tilespmem:s21+$0x40];
	v57 =	vadd.f32 v60, v57;
	v60 =	vmul.f32 v45, v45  }
0x474: {  	(v2sf) =	vpush v32, $0xF;
	v32 =	vld [tilespmem:s21+$0x60];
	v61 =	vmul.f32 v63, v63;
	v2 =	vadd.f32 v2, v52  }
0x475: {  	v58 =	vld [tilespmem:s22+$0x50];
	v63 =	vmul.f32 v47, v47;
	v57 =	vadd.f32 v60, v57  }
0x476: {  	v53 =	vld [tilespmem:s22+$0x40];
	v2 =	vadd.f32 v2, v61  }
0x477: {  	v60 =	vld [tilespmem:s19+$0x40];
	v57 =	vadd.f32 v63, v57  }
0x478: {  	v52 =	vld [tilespmem:s22+$0x60];
	(xrf2) =	vadd.scan.msk.f32 $0xffff, v2  }
0x479: {  	(xrf2) =	vadd.scan.msk.f32 $0xffff, v57;
	v57 =	vld [tilespmem:s21+$0x50]  }
0x47a: {  	v61 =	vld [tilespmem:s19+$0x50]  }
0x47b: {  	v59 =	vld [tilespmem:s22+$0x70];
	v0 =	vmul.f32 v58, v41;
	v63 =	vmul.f32 v53, v39  }
0x47c: {  	[tilespmem:$0x1FE20] =	vst v6;
	(v2sf) =	vpush v4, $0xF;
	v6 =	vmul.f32 v55, v55;
	v55 =	vld [tilespmem:s19+$0x60]  }
0x47d: {  	[tilespmem:$0x1FE00] =	vst v3;
	v56 =	vmul.f32 v56, v56;
	v3 =	vadd.f32 v0, v63;
	v63 =	vld [tilespmem:s21+$0x70];
	v2 =	vmul.f32 v52, v45  }
0x47e: {  	(v2sf) =	vpush v37, $0xF;
	v37 =	vld [tilespmem:s19+$0x70];
	v1 =	vmul.f32 v8, v39;
	v0 =	vmul.f32 v57, v41  }
0x47f: {  	v5 =	vadd.f32 v2, v3;
	v3 =	vmul.f32 v60, v39;
	v2 =	vmul.f32 v61, v41  }
0x480: {  	v4 =	vadd.f32 v0, v1;
	v1 =	vmul.f32 v59, v47;
	v0 =	vmul.f32 v32, v45  }
0x481: {  	v6 =	vadd.f32 v56, v6;
	v56 =	vmul.f32 v55, v45;
	v2 =	vadd.f32 v2, v3  }
0x482: {  	v1 =	vadd.f32 v1, v5;
	v0 =	vadd.f32 v0, v4;
	v5 =	vmul.f32 v63, v47  }
0x483: {  	v2 =	vadd.f32 v56, v2;
	v56 =	vmul.f32 v37, v47  }
0x484: {  	v3, _, _ =	vpop (xrf2);
	v0 =	vadd.f32 v5, v0;
	v5 =	vmul.f32 v48, v48;
	v48 =	vmul.f32 v54, v54  }
0x485: {  	v2 =	vadd.f32 v56, v2;
	v4, _, _ =	vpop (xrf2);
	(xrf2) =	vadd.scan.msk.f32 $0xffff, v1;
	v1 =	vmul.f32 v13, v13  }
0x486: {  	v4 =	vmax.f32 v4, $1.000000020e-24;
	(xrf2) =	vadd.scan.msk.f32 $0xffff, v0;
	v0 =	vadd.f32 v48, v5;
	v5 =	vmul.f32 v50, v50  }
0x487: {  	v1 =	vadd.f32 v6, v1;
	v6 =	vmul.f32 v51, v51;
	(xrf2) =	vadd.scan.msk.f32 $0xffff, v2;
	v2 =	vmul.f32 v62, v62  }
0x488: {  	v4 =	vbroadcast v4, $0xF  }
0x489: {  	v1 =	vadd.f32 v1, v2;
	v2 =	vadd.f32 v6, v5;
	v6 =	vld [tilespmem:$0x1FED0]  }
0x48a: {  	(erf) = vrcp.f32 v4  }
0x48b: {  	v4 =	vmul.f32 v49, v49;
	_ =	sdelay $0x1  }
0x48c: {  	(v2sf) =	vpush v38, $0xF;
	v0 =	vadd.f32 v4, v0;
	v4 =	vmul.f32 v44, v44  }
0x48d: {  	v5 =	vmul.f32 v36, v36;
	v1 =	vadd.f32 v1, v6;
	v6 =	vmul.f32 v40, v40  }
0x48e: {  	v54 =	vmul.f32 v42, v42;
	v0 =	vadd.f32 v4, v0;
	v4 =	vmul.f32 v7, v7  }
0x48f: {  	(v2sf) =	vpush v9, $0xF;
	v2 =	vadd.f32 v2, v5  }
0x490: {  	(v2sf) =	vpush v3, $0xF;
	v5 =	vmul.f32 v43, v43;
	v3 =	vadd.f32 v54, v6  }
0x491: {  	v0 =	vadd.f32 v1, v0;
	v1 =	vadd.f32 v2, v4;
	v6, _, _ =	vpop (xrf2)  }
0x492: {  	v4 =	vpop (erf);
	v2 =	vadd.f32 v3, v5;
	v3 =	vmul.f32 v46, v46;
	v5 =	vbroadcast v6, $0xF  }
0x493: {  	v0 =	vadd.f32 v1, v0;
	v1 =	vmul.f32 v33, v33;
	v6 =	vmul.f32 v35, v35;
	v7, _, _ =	vpop (xrf2)  }
0x494: {  	v2 =	vadd.f32 v2, v3;
	v3 =	vbroadcast v7, $0xF;
	v7, _, _ =	vpop (xrf2);
	v5 =	vmul.f32 v5, v4  }
0x495: {  	v1 =	vadd.f32 v6, v1;
	v6 =	vmul.f32 v34, v34;
	v7 =	vbroadcast v7, $0xF  }
0x496: {  	v56 =	vadd.f32 v0, v2;
	v0 =	vmul.f32 v3, v4;
	v2 =	vmul.f32 v5, v39  }
0x497: {  	v1 =	vadd.f32 v1, v6;
	v3 =	vmul.f32 v7, v4;
	v4 =	vmul.f32 v5, v41  }
0x498: {  	v6 =	vmul.f32 v0, v41;
	v48 =	vsub.f32 v53, v2;
	v2 =	vmul.f32 v5, v45  }
0x499: {  	v42 =	vld [tilespmem:s20+$0x40];
	v5 =	vmul.f32 v5, v47;
	v50 =	vsub.f32 v58, v4  }
0x49a: {  	v46 =	vld [tilespmem:s20+$0x50];
	v4 =	vmul.f32 v0, v39;
	v40 =	vsub.f32 v57, v6;
	v49 =	vsub.f32 v52, v2  }
0x49b: {  	v43 =	vld [tilespmem:s20+$0x60];
	v44 =	vsub.f32 v59, v5;
	v2 =	vmul.f32 v0, v45;
	v0 =	vmul.f32 v0, v47  }
0x49c: {  	v35 =	vld [tilespmem:s20+$0x70];
	v38 =	vsub.f32 v8, v4;
	v4 =	vmul.f32 v3, v41;
	v5 =	vmul.f32 v3, v45  }
0x49d: {  	v34 =	vsub.f32 v32, v2;
	v2 =	vmul.f32 v3, v39;
	v32 =	vsub.f32 v63, v0  }
0x49e: {  	v3 =	vmul.f32 v3, v47;
	v0 =	vsub.f32 v61, v4;
	v33 =	vsub.f32 v55, v5  }
0x49f: {  	v4 =	vadd.f32 v46, v50;
	v36 =	vsub.f32 v60, v2  }
0x4a0: {  	v2 =	vsub.f32 v37, v3;
	v3 =	vadd.f32 v42, v48  }
0x4a1: {  	v5 =	vadd.f32 v43, v49;
	v6 =	vadd.f32 v35, v44  }
0x4a2: {  	v41 =	vmul.f32 v31, v31;
	v8 =	vsub.f32 v4, v40;
	v7 =	vsub.f32 v3, v38  }
0x4a3: {  	v45 =	vlaneseq.u32;
	v4 =	vsub.f32 v4, v0;
	v3 =	vsub.f32 v3, v36  }
0x4a4: {  	v62 =	vsub.f32 v5, v34;
	v8 =	vmul.f32 v8, v8;
	v7 =	vmul.f32 v7, v7  }
0x4a5: {  	v5 =	vsub.f32 v5, v33;
	v4 =	vmul.f32 v4, v4;
	v3 =	vmul.f32 v3, v3  }
0x4a6: {  	v61 =	vmul.f32 v26, v26;
	v63 =	vsub.f32 v6, v32;
	v7 =	vadd.f32 v8, v7  }
0x4a7: {  	v8 =	vmul.f32 v62, v62;
	v3 =	vadd.f32 v4, v3;
	v4 =	vmul.f32 v5, v5  }
0x4a8: {  	v39 =	vmul.f32 v27, v27;
	v6 =	vsub.f32 v6, v2;
	v5 =	vmul.f32 v25, v25  }
0x4a9: {  	v7 =	vadd.f32 v7, v8;
	v8 =	vmul.f32 v63, v63;
	v3 =	vadd.f32 v3, v4  }
0x4aa: {  	v4 =	vmul.f32 v6, v6;
	v5 =	vadd.f32 v5, v61;
	v6 =	vmul.f32 v24, v24  }
0x4ab: {  	v1 =	vadd.f32 v1, v39;
	v7 =	vadd.f32 v7, v8;
	v8 =	vmul.f32 v30, v30  }
0x4ac: {  	v3 =	vadd.f32 v3, v4;
	v5 =	vadd.f32 v6, v5;
	v6 =	vmul.f32 v23, v23  }
0x4ad: {  	s25 =	sadd.s32 $0x4, s24;
	v47 =	vmul.f32 v22, v22;
	(xrf2) =	vadd.scan.msk.f32 $0xffff, v7;
	v7 =	vadd.f32 v41, v8;
	v8 =	vmul.f32 v28, v28  }
0x4ae: {  	s6 =	sand.u32 $0xC, s25;
	v1 =	vadd.f32 v56, v1;
	v5 =	vadd.f32 v6, v5;
	(xrf2) =	vadd.scan.msk.f32 $0xffff, v3;
	v3 =	vmul.f32 v19, v19  }
0x4af: {  	v54 =	vld [tilespmem:$0x1FDE0];
	v6 =	vadd.f32 v7, v8;
	v7 =	vmul.f32 v29, v29;
	v8 =	vmov s6  }
0x4b0: {  	v51 =	vmul.f32 v20, v20;
	v3 =	vadd.f32 v47, v3;
	vm0 =	veq.s32 v8, v45;
	v8 =	vld [tilespmem:$0x1FDD0]  }
0x4b1: {  	v52 =	vmul.f32 v10, v10;
	v1 =	vadd.f32 v1, v5;
	v5 =	vadd.f32 v6, v7  }
0x4b2: {  	v6 =	vmul.f32 v21, v21;
	v7 =	vmul.f32 v11, v11;
	v3 =	vadd.f32 v3, v51  }
0x4b3: {  	v1 =	vadd.f32 v1, v5  }
0x4b4: {  	v5 =	vadd.f32 v52, v7;
	v3 =	vadd.f32 v3, v6;
	v6 =	vmul.f32 v12, v12  }
0x4b5: {  	v9 =	vmul.f32 v54, v54;
	v8 =	vmul.f32 v8, v8  }
0x4b6: {  	v1 =	vadd.f32 v1, v3;
	v3 =	vadd.f32 v5, v6;
	v5 =	vmul.f32 v14, v14  }
0x4b7: {  	v6 =	vadd.f32 v9, v8;
	v8 =	vld [tilespmem:$0x1FDF0]  }
0x4b8: {  	v3 =	vadd.f32 v3, v5;
	v5 =	vld [tilespmem:$0x1FE00];
	_ =	sdelay $0x1  }
0x4b9: {  	s2 =	sadd.s32 $0x6, s24;
	s26 =	spop (v2sf);
	v55, _, _ =	vpop (xrf2)  }
0x4ba: {  	s2 =	sand.u32 $0xE, s2;
	s29 =	spop (v2sf);
	v58 =	vmul.f32 v18, v18;
	v57 =	vmul.f32 v17, v17;
	(v2sf) =	vpush v55, $0xF;
	v56, _, _ =	vpop (xrf2)  }
0x4bb: {  	v4 =	vmov s2;
	(v2sf) =	vpush v56, $0xF;
	v8 =	vmul.f32 v8, v8  }
0x4bc: {  	v59 =	vld [tilespmem:$0x1FE20];
	vm14 =	veq.s32 v4, v45;
	v1 =	vadd.f32 v1, v3;
	v5 =	vmul.f32 v5, v5  }
0x4bd: {  	s2 =	spop (v2sf);
	v3 =	vld [tilespmem:$0x1FE10];
	v4 =	vadd.f32 v8, v6;
	v6 =	vadd.f32 v58, v57;
	v8 =	vmul.f32 v15, v15  }
0x4be: {  	s7 =	spop (v2sf);
	v7 =	vld [tilespmem:$0x1FF70]  }
0x4bf: {  	s31 =	sadd.s32 $0x5, s24;
	s28 =	spop (v2sf);
	v4 =	vadd.f32 v5, v4;
	v5 =	vadd.f32 v6, v8;
	v6 =	vmul.f32 v16, v16;
	v8 =	vld [tilespmem:$0x1FE30]  }
0x4c0: {  	v60 =	vmul.f32 v50, v50;
	v0 =	vmul.f32 v0, v0;
	s6 =	sand.u32 $0xD, s31;
	s31 =	spop (v2sf)  }
0x4c1: {  	v62 =	vmul.f32 v40, v40;
	v53 =	vmov s6;
	s31 =	ssub.f32 s28, s31;
	v5 =	vadd.f32 v5, v6;
	v6 =	vld [tilespmem:$0x1FE40]  }
0x4c2: {  	s2 =	ssub.f32 s2, s7;
	vm1 =	veq.s32 v53, v45;
	v9 =	vmul.f32 v59, v59;
	v3 =	vmul.f32 v3, v3  }
0x4c3: {  	s26 =	ssub.f32 s26, s29;
	v7 =	vsel vm0, s31, v7;
	v1 =	vadd.f32 v1, v4;
	v4 =	vmul.f32 v48, v48  }
0x4c4: {  	v7 =	vsel vm1, s2, v7;
	v3 =	vadd.f32 v9, v3;
	v8 =	vmul.f32 v8, v8  }
0x4c5: {  	v61 =	vmul.f32 v46, v46;
	s28 =	sadd.s32 $0x7, s24;
	v7 =	vsel vm14, s26, v7;
	v4 =	vadd.f32 v60, v4  }
0x4c6: {  	s2 =	sand.u32 $0xF, s28;
	v3 =	vadd.f32 v3, v8;
	v6 =	vmul.f32 v6, v6;
	v8 =	vmul.f32 v49, v49  }
0x4c7: {  	v63 =	vmov s2;
	v1 =	vadd.f32 v1, v5;
	v5 =	vmul.f32 v42, v42  }
0x4c8: {  	v3 =	vadd.f32 v3, v6;
	v4 =	vadd.f32 v4, v8;
	v6 =	vmul.f32 v44, v44  }
0x4c9: {  	vm15 =	veq.s32 v63, v45;
	v5 =	vadd.f32 v61, v5;
	s29 =	spop (v2sf);
	v8 =	vmul.f32 v43, v43  }
0x4ca: {  	s31 =	spop (v2sf);
	v1 =	vadd.f32 v1, v3;
	v3 =	vmul.f32 v38, v38;
	v4 =	vadd.f32 v4, v6  }
0x4cb: {  	s6 =	ssub.f32 s31, s29;
	v5 =	vadd.f32 v8, v5;
	v6 =	vmul.f32 v35, v35;
	v8 =	vmul.f32 v34, v34  }
0x4cc: {  	v3 =	vadd.f32 v62, v3;
	v1 =	vadd.f32 v1, v4;
	v4 =	vmul.f32 v36, v36  }
0x4cd: {  	v7 =	vsel vm15, s6, v7;
	v5 =	vadd.f32 v6, v5;
	v6 =	vmul.f32 v32, v32  }
0x4ce: {  	p0 =	sne.s32 s2, $0xF;
	v3 =	vadd.f32 v3, v8;
	v0 =	vadd.f32 v0, v4;
	v4 =	vmul.f32 v33, v33  }
0x4cf: {  	[tilespmem:s18+$0x0] =	vst @!p0 v7;
	p0 =	slt.u32 s25, $0x7C;
	v1 =	vadd.f32 v1, v5  }
.Ltmp3:
0x4d0: {  	v2 =	vmul.f32 v2, v2;
	v3 =	vadd.f32 v3, v6;
	v0 =	vadd.f32 v0, v4;
	(pc) =	sbr.rel @p0 .LBB2_8-.Ltmp3, $4  }
0x4d1: {  	_ = 	snop  }
0x4d2: {  	s23 =	sadd.s32 $0x100, s23;
	v1 =	vadd.f32 v3, v1;
	v0 =	vadd.f32 v0, v2  }
0x4d3: {  	s22 =	sadd.s32 $0x100, s22;
	s19 =	sadd.s32 $0x100, s19;
	s21 =	sadd.s32 $0x100, s21  }
0x4d4: {  	s20 =	sadd.s32 $0x100, s20;
	s24 =	smov.u32 s25;
	s18 =	sadd.s32 $0x4, s18;
	v0 =	vadd.f32 v0, v1  }
0x4d5: {  	_ = 	snop  }
0x4d6: {  	s2 =	simm.s32 $0x14800;
	[tilespmem:$0x14A00] =	vst v0  }
0x4d7: {  	[hbm4b:s10+s1] =	stream.linear.scatter [tilespmem:s2], [sflag:$0x4], $0x200, $0x38;
	[tilespmem:$0x14A10] =	vst v63  }
0x4d8: {  	s15 =	sadd.s32 $0x1, s15;
	_ =	swait.ge [sflag:s14], $0x200  }
0x4d9: {  	p0 =	sne.s32 s15, s12;
	[sflag:s14] =	ssyncset.done $0x0  }
.Ltmp4:
0x4da: {  	s31 =	simm.s32 $0x14A00;
	[sflag:s14] =	ssyncadd.s32 $0xFFFFFE00;
	(pc) =	sbr.rel @p0 .LBB2_1-.Ltmp4, $4  }
0x4db: {  	[hbm4b:s11+s1] =	stream.linear.scatter [tilespmem:s31], [sflag:$0x4], $0x10, $0x38;
	[tilespmem:$0x14A10] =	vst v63  }
0x4dc: {  	_ =	swait.ge [sflag:s14], $0x10  }
0x4dd: {  	[sflag:s14] =	ssyncset.done $0x0  }
0x4de: {  	[sflag:s14] =	ssyncadd.s32 $0xFFFFFFF0  }
0x4df: {  	_ =	sfence.sel $0x180000  }
0x4e0: {  	[bflag:$0x0] =	sbarrier.arrive $0xFFFF  }
0x4e1: {  	_ =	strace $0x90000047  }
0x4e2: {  	s0 =	stileid.u32;
	[bflag:$0x2] =	sbarrier.arrive $0xFFFF  }
0x4e3: {  	p0 =	sne.s32 s0, $0x0;
	s0 =	rddreg [dreg:$0x5]  }
0x4e4: {  	s0 =	sadd.s32 @!p0 $0x100000, s0  }
0x4e5: {  	[sflag:s0] =	ssyncadd.tile.s32 @!p0 $0x1;
	_ =	shalt  }
.Lfunc_end2:
_tile_overlayer_lowered:
.L_overlay_start_2:
0x4e6: {  	(tag) =	ssettag $0x2  }
0x4e7: {  	s0 =	rddreg [dreg:$0x0];
	s2 =	stileid.u32  }
0x4e8: {  	s1 =	rddreg [dreg:$0x1];
	p0 =	sne.s32 s2, $0x0  }
0x4e9: {  	s3 =	rddreg [dreg:$0x2];
	[bflag:$0x3] =	sbarrier.arrive $0xFFFF;
	s2 =	simm.s32 @!p0 $0x1C04  }
0x4ea: {  	[timem:s3], [sflag:s2] =	dma.local @!p0 [hbm:s0], s1  }
0x4eb: {  	s0 =	simm.s32 @!p0 $0x4  }
0x4ec: {  	_ =	swait.ge @!p0 [sflag:s0], s1  }
0x4ed: {  	s1 =	ssub.s32 @!p0 $0x0, s1;
	[sflag:s0] =	ssyncset.done @!p0 $0x0  }
0x4ee: {  	[sflag:s0] =	ssyncadd.s32 @!p0 s1  }
0x4ef: {  	[bflag:$0x3] =	sbarrier.arrive $0xFFFF  }
0x4f0: {  	_ =	shalt  }

</sc_bundles>
